<compile_context>
chip_gen: v7x
topology: tpu7x:2x2x1
jax: 0.10.2.dev20260603
libtpu: 0.0.44.dev20260713+nightly
codegen_flags: <defaults>
</compile_context>

<pallas_src>
import functools

import jax
import jax.numpy as jnp
from jax import lax
from jax.experimental import pallas as pl
from jax.experimental.pallas import tpu as pltpu
from jax.experimental.pallas import tpu_sc as plsc

N_NODES = 10000
N_EDGES = 320000
D = 128

NC = 2
NS = 16
CHUNK = 16
G = 4
K = 1256
NGRP = K // G
NBUF = 2
E_PAD = NS * K * CHUNK

X_ROWS = 10000
XSLAB = 632
HALF = 5120
SLAB = HALF // NS
BM = 1000


def _self_body(x_ref, ws_ref, b_ref, h_ref):
    h_ref[...] = lax.dot_general(
        x_ref[...], ws_ref[...], (((1,), (1,)), ((), ())),
        preferred_element_type=jnp.float32) + b_ref[...]


def _self(x, W_self, b_row):
    return pl.pallas_call(
        _self_body,
        grid=(N_NODES // BM,),
        in_specs=[pl.BlockSpec((BM, D), lambda i: (i, 0)),
                  pl.BlockSpec((D, D), lambda i: (0, 0)),
                  pl.BlockSpec((1, D), lambda i: (0, 0))],
        out_specs=pl.BlockSpec((BM, D), lambda i: (i, 0)),
        out_shape=jax.ShapeDtypeStruct((N_NODES, D), jnp.float32),
    )(x, W_self, b_row)


def _final_body(h_ref, wn_ref, agg_ref, o_ref):
    nei = lax.dot_general(
        agg_ref[...], wn_ref[...], (((1,), (1,)), ((), ())),
        preferred_element_type=jnp.float32)
    o_ref[...] = h_ref[...] + nei


def _final(h, W_nei, agg):
    return pl.pallas_call(
        _final_body,
        grid=(N_NODES // BM,),
        in_specs=[pl.BlockSpec((BM, D), lambda i: (i, 0)),
                  pl.BlockSpec((D, D), lambda i: (0, 0)),
                  pl.BlockSpec((BM, D), lambda i: (i, 0))],
        out_specs=pl.BlockSpec((BM, D), lambda i: (i, 0)),
        out_shape=jax.ShapeDtypeStruct((N_NODES, D), jnp.float32),
    )(h, W_nei, agg)


def _sc_edges(src3, dst3, w3, x_pad, zblk):
    mesh = plsc.VectorSubcoreMesh(core_axis_name="c", subcore_axis_name="s")

    @functools.partial(
        pl.kernel,
        mesh=mesh,
        out_type=jax.ShapeDtypeStruct((NC, HALF, D), jnp.float32),
        scratch_types=[
            pltpu.VMEM((2, G, CHUNK), jnp.int32),
            pltpu.VMEM((2, G, CHUNK), jnp.int32),
            pltpu.VMEM((2, G, CHUNK), jnp.float32),
            pltpu.VMEM((NBUF, CHUNK, D), jnp.float32),
            pltpu.VMEM_SHARED((X_ROWS, D), jnp.float32),
            pltpu.VMEM_SHARED((HALF, D), jnp.float32),
            pltpu.SemaphoreType.DMA,
            pltpu.SemaphoreType.DMA,
        ],
    )
    def k(src_hbm, dst_hbm, w_hbm, x_hbm, z_hbm, part_hbm,
          src_v, dst_v, w_v, rows_v, x_sp, acc, gsem, stgsem):
        c = lax.axis_index("c")
        s = lax.axis_index("s")
        sbase = s * SLAB
        xbase = s * XSLAB
        lo = c * HALF

        nfull = jnp.where(s == NS - 1, 32, 39)

        def xst(i, carry):
            @pl.when(i < nfull)
            def _():
                r0 = xbase + i * CHUNK
                pltpu.sync_copy(x_hbm.at[pl.ds(r0, CHUNK)], rows_v.at[0])
                pltpu.sync_copy(rows_v.at[0], x_sp.at[pl.ds(r0, CHUNK)])
            return carry
        lax.fori_loop(0, 39, xst, 0)
        r0t = xbase + nfull * CHUNK
        pltpu.sync_copy(x_hbm.at[pl.ds(r0t, 8)], rows_v.at[0].at[pl.ds(0, 8)])
        pltpu.sync_copy(rows_v.at[0].at[pl.ds(0, 8)], x_sp.at[pl.ds(r0t, 8)])

        pltpu.sync_copy(z_hbm, rows_v.at[1])

        def zb(i, carry):
            pltpu.sync_copy(rows_v.at[1], acc.at[pl.ds(sbase + i * CHUNK, CHUNK)])
            return carry
        lax.fori_loop(0, SLAB // CHUNK, zb, 0)
        plsc.subcore_barrier()

        def stage_start(gi, side):
            off = gi * G
            pltpu.async_copy(src_hbm.at[s].at[pl.ds(off, G)], src_v.at[side], stgsem)
            pltpu.async_copy(dst_hbm.at[s].at[pl.ds(off, G)], dst_v.at[side], stgsem)
            pltpu.async_copy(w_hbm.at[s].at[pl.ds(off, G)], w_v.at[side], stgsem)

        def stage_drain():
            pltpu.make_async_copy(src_hbm.at[s].at[pl.ds(0, G)], src_v.at[0], stgsem).wait()
            pltpu.make_async_copy(dst_hbm.at[s].at[pl.ds(0, G)], dst_v.at[0], stgsem).wait()
            pltpu.make_async_copy(w_hbm.at[s].at[pl.ds(0, G)], w_v.at[0], stgsem).wait()

        def transform(side):
            for j in range(G):
                for h in range(CHUNK // 16):
                    sl = pl.ds(h * 16, 16)
                    d16 = dst_v[side, j, sl]
                    m = jnp.logical_and(d16 >= lo, d16 < lo + HALF)
                    dst_v[side, j, sl] = jnp.where(m, d16 - lo, 0)
                    w16 = w_v[side, j, sl]
                    w_v[side, j, sl] = jnp.where(m, w16, 0.0)

        def gather_start(cg):
            side = lax.rem(cg // G, 2)
            j = lax.rem(cg, G)
            b = lax.rem(cg, NBUF)
            pltpu.async_copy(x_sp.at[src_v.at[side].at[j]], rows_v.at[b], gsem)

        stage_start(0, 0)
        stage_drain()
        transform(0)
        for p in range(NBUF - 1):
            gather_start(p)

        def chunk_body(ci, carry):
            b = lax.rem(ci, NBUF)
            gi = ci // G
            j = lax.rem(ci, G)
            side = lax.rem(gi, 2)

            @pl.when(jnp.logical_and(j == 0, gi + 1 < NGRP))
            def _():
                stage_start(gi + 1, lax.rem(gi + 1, 2))

            cg = ci + NBUF - 1
            @pl.when(cg < K)
            def _():
                @pl.when(lax.rem(cg, G) == 0)
                def _():
                    stage_drain()
                    transform(lax.rem(cg // G, 2))
                gather_start(cg)

            pltpu.make_async_copy(z_hbm, rows_v.at[b], gsem).wait()

            for g16 in range(CHUNK // 16):
                w16 = w_v[side, j, pl.ds(g16 * 16, 16)]
                for kk in range(16):
                    w = w16[kk]
                    e = g16 * 16 + kk
                    for g in range(D // 16):
                        fsl = pl.ds(g * 16, 16)
                        rows_v[b, e, fsl] = rows_v[b, e, fsl] * w

            pltpu.sync_copy(rows_v.at[b], acc.at[dst_v.at[side].at[j]], add=True)
            return carry
        lax.fori_loop(0, K, chunk_body, 0)
        plsc.subcore_barrier()

        def wb(i, carry):
            r0 = sbase + i * CHUNK
            pltpu.sync_copy(acc.at[pl.ds(r0, CHUNK)], rows_v.at[0])
            pltpu.sync_copy(rows_v.at[0], part_hbm.at[c].at[pl.ds(r0, CHUNK)])
            return carry
        lax.fori_loop(0, SLAB // CHUNK, wb, 0)

    return k(src3, dst3, w3, x_pad, zblk)


def kernel(x, edge_index, edge_weight, W_self, b_self, W_nei):
    ei = edge_index.astype(jnp.int32)
    pad = E_PAD - N_EDGES
    src3 = jnp.pad(ei[0], (0, pad)).reshape(NS, K, CHUNK)
    dst3 = jnp.pad(ei[1], (0, pad)).reshape(NS, K, CHUNK)
    w3 = jnp.pad(edge_weight, (0, pad)).reshape(NS, K, CHUNK)
    x_pad = x
    zblk = jnp.zeros((CHUNK, D), jnp.float32)

    h_self = _self(x, W_self, b_self.reshape(1, D))
    part = _sc_edges(src3, dst3, w3, x_pad, zblk)
    agg = part.reshape(NC * HALF, D)[:N_NODES]
    return _final(h_self, W_nei, agg)

# --- scband reference (transcript-rebuilt; emitter-appended) ---
"""Pipeline reference for scband-simple-graph-conv-56736517980586 (READ-ONLY COPY).

The authoritative reference and input builder live on the scoring server;
editing this copy changes nothing except your own understanding.
"""

import jax, jax.numpy as jnp
import numpy as np

N_NODES = 10000
N_EDGES = 320000
D_IN = 128
D_OUT = 128


def setup_inputs(seed: int = 0) -> dict:
    key = jax.random.key(seed)
    k_x, k_ei, k_ew, k_ws, k_bs, k_wn = jax.random.split(key, 6)
    x = jax.random.normal(k_x, (N_NODES, D_IN), dtype=jnp.float32)
    edge_index = jax.random.randint(k_ei, (2, N_EDGES), 0, N_NODES, dtype=jnp.int64)
    edge_weight = jax.random.uniform(k_ew, (N_EDGES,), dtype=jnp.float32)
    # Learned parameters (torch nn.Linear: y = x @ W.T + b)
    bound = 1.0 / np.sqrt(D_IN)
    W_self = jax.random.uniform(k_ws, (D_OUT, D_IN), dtype=jnp.float32, minval=-bound, maxval=bound)
    b_self = jax.random.uniform(k_bs, (D_OUT,), dtype=jnp.float32, minval=-bound, maxval=bound)
    W_nei = jax.random.uniform(k_wn, (D_OUT, D_IN), dtype=jnp.float32, minval=-bound, maxval=bound)
    return {"x": x, "edge_index": edge_index, "edge_weight": edge_weight,
            "W_self": W_self, "b_self": b_self, "W_nei": W_nei}


def reference(x, edge_index, edge_weight, W_self, b_self, W_nei):
    src = edge_index[0]
    dst = edge_index[1]
    h_self = x @ W_self.T + b_self
    msg = (x @ W_nei.T)[src]  # gather over source nodes
    msg = msg * edge_weight[:, None]
    out = jnp.zeros_like(h_self).at[dst].add(msg)  # scatter-add over dst nodes
    return out + h_self

if __name__ == "__main__":
    import jax
    _d = setup_inputs()
    print(jax.jit(kernel)(*tuple(_d.values())))

</pallas_src>

<mosaic_0001>
#map = affine_map<(d0, d1) -> (0, 0, 0)>
#map1 = affine_map<(d0, d1) -> (0, 0)>
module attributes {stable_mosaic.version = 14 : i64} {
  func.func @k(%arg0: i32, %arg1: i32, %arg2: memref<16x1256x16xi32, #tpu.memory_space<hbm>>, %arg3: memref<16x1256x16xi32, #tpu.memory_space<hbm>>, %arg4: memref<16x1256x16xf32, #tpu.memory_space<hbm>>, %arg5: memref<10000x128xf32, #tpu.memory_space<hbm>>, %arg6: memref<16x128xf32, #tpu.memory_space<hbm>>, %arg7: memref<2x5120x128xf32, #tpu.memory_space<hbm>>, %arg8: memref<2x4x16xi32, #tpu.memory_space<vmem>>, %arg9: memref<2x4x16xi32, #tpu.memory_space<vmem>>, %arg10: memref<2x4x16xf32, #tpu.memory_space<vmem>>, %arg11: memref<2x16x128xf32, #tpu.memory_space<vmem>>, %arg12: memref<10000x128xf32, #tpu.memory_space<vmem_shared>>, %arg13: memref<5120x128xf32, #tpu.memory_space<vmem_shared>>, %arg14: memref<!tpu.dma_semaphore, #tpu.memory_space<semaphore_mem>>, %arg15: memref<!tpu.dma_semaphore, #tpu.memory_space<semaphore_mem>>) attributes {dimension_semantics = [#tpu.dimension_semantics<core_parallel>, #tpu.dimension_semantics<subcore_parallel>], iteration_bounds = array<i64: 2, 16>, scalar_prefetch = 0 : i64, scratch_operands = 8 : i64, tpu.core_type = #tpu.core_type<sc_vector_subcore>, window_params = [{transform_indices = #map}, {transform_indices = #map}, {transform_indices = #map}, {transform_indices = #map1}, {transform_indices = #map1}, {transform_indices = #map}]} {
    %mul3A = arith.constant 320 : i32
    %mul3A_0 = arith.muli %arg1, %mul3A : i32
    %mul3A_1 = arith.constant 632 : i32
    %mul3A_2 = arith.muli %arg1, %mul3A_1 : i32
    %mul3A_3 = arith.constant 5120 : i32
    %mul3A_4 = arith.muli %arg0, %mul3A_3 : i32
    %eq3A = arith.constant 15 : i32
    %eq3A_5 = arith.cmpi eq, %arg1, %eq3A : i32
    %jit3A = arith.constant 32 : i32
    %jit3A_6 = arith.constant 39 : i32
    %select_n3A = arith.select %eq3A_5, %jit3A, %jit3A_6 : i32
    %scan3A = arith.constant 0 : i32
    %scan3A_7 = arith.constant 0 : i32
    %scan3A_8 = arith.constant 39 : i32
    %scan3A_9 = arith.addi %scan3A_7, %scan3A_8 : i32
    %scan3A_10 = arith.constant 1 : i32
    scf.for %scan3A_366 = %scan3A_7 to %scan3A_9 step %scan3A_10  : i32 {
      %lt3A_367 = arith.cmpi slt, %scan3A_366, %select_n3A : i32
      %convert_element_type3A = arith.extui %lt3A_367 : i1 to i32
      %cond3A = arith.constant 0 : i32
      %cond3A_368 = arith.cmpi ne, %convert_element_type3A, %cond3A : i32
      scf.if %cond3A_368 {
        %mul3A_369 = arith.constant 16 : i32
        %mul3A_370 = arith.muli %scan3A_366, %mul3A_369 : i32
        %add3A_371 = arith.addi %mul3A_2, %mul3A_370 : i32
        %run_scoped3A_372 = arith.constant 0 : i32
        "tpu.region"() ({
          %run_scoped3A_374 = tpu.sem_alloc : memref<!tpu.dma_semaphore, #tpu.memory_space<semaphore_mem>>
          %dma_start3A_375 = arith.constant 0 : i32
          %dma_start3A_376 = arith.constant 0 : i32
          %dma_start3A_377 = tpu.memref_slice %arg11[%run_scoped3A_372, %dma_start3A_375, %dma_start3A_376] : memref<2x16x128xf32, #tpu.memory_space<vmem>> -> memref<1x16x128xf32, #tpu.memory_space<vmem>>
          %dma_start3A_378 = tpu.memref_squeeze %dma_start3A_377 : memref<1x16x128xf32, #tpu.memory_space<vmem>> -> memref<16x128xf32, #tpu.memory_space<vmem>>
          %dma_start3A_379 = arith.constant 0 : i32
          %dma_start3A_380 = tpu.memref_slice %arg5[%add3A_371, %dma_start3A_379] : memref<10000x128xf32, #tpu.memory_space<hbm>> -> memref<16x128xf32, #tpu.memory_space<hbm>>
          %dma_start3A_381 = arith.constant 0 : i32
          %dma_start3A_382 = arith.constant 0 : i32
          %dma_start3A_383 = tpu.memref_slice %arg11[%run_scoped3A_372, %dma_start3A_381, %dma_start3A_382] : memref<2x16x128xf32, #tpu.memory_space<vmem>> -> memref<1x16x128xf32, #tpu.memory_space<vmem>>
          %dma_start3A_384 = tpu.memref_squeeze %dma_start3A_383 : memref<1x16x128xf32, #tpu.memory_space<vmem>> -> memref<16x128xf32, #tpu.memory_space<vmem>>
          %dma_start3A_385 = arith.constant 0 : i32
          %dma_start3A_386 = tpu.memref_slice %arg5[%add3A_371, %dma_start3A_385] : memref<10000x128xf32, #tpu.memory_space<hbm>> -> memref<16x128xf32, #tpu.memory_space<hbm>>
          tpu.enqueue_dma source(%dma_start3A_386 : memref<16x128xf32, #tpu.memory_space<hbm>>) target(%dma_start3A_384 : memref<16x128xf32, #tpu.memory_space<vmem>>) target_semaphore(%run_scoped3A_374 : memref<!tpu.dma_semaphore, #tpu.memory_space<semaphore_mem>>)
          %dma_wait3A_387 = arith.constant 0 : i32
          %dma_wait3A_388 = arith.constant 0 : i32
          %dma_wait3A_389 = tpu.memref_slice %arg11[%run_scoped3A_372, %dma_wait3A_387, %dma_wait3A_388] : memref<2x16x128xf32, #tpu.memory_space<vmem>> -> memref<1x16x128xf32, #tpu.memory_space<vmem>>
          %dma_wait3A_390 = tpu.memref_squeeze %dma_wait3A_389 : memref<1x16x128xf32, #tpu.memory_space<vmem>> -> memref<16x128xf32, #tpu.memory_space<vmem>>
          %dma_wait3A_391 = arith.constant 0 : i32
          %dma_wait3A_392 = tpu.memref_slice %arg5[%add3A_371, %dma_wait3A_391] : memref<10000x128xf32, #tpu.memory_space<hbm>> -> memref<16x128xf32, #tpu.memory_space<hbm>>
          %dma_wait3A_393 = arith.constant 0 : i32
          %dma_wait3A_394 = arith.constant 0 : i32
          %dma_wait3A_395 = tpu.memref_slice %arg11[%run_scoped3A_372, %dma_wait3A_393, %dma_wait3A_394] : memref<2x16x128xf32, #tpu.memory_space<vmem>> -> memref<1x16x128xf32, #tpu.memory_space<vmem>>
          %dma_wait3A_396 = tpu.memref_squeeze %dma_wait3A_395 : memref<1x16x128xf32, #tpu.memory_space<vmem>> -> memref<16x128xf32, #tpu.memory_space<vmem>>
          %dma_wait3A_397 = arith.constant 0 : i32
          %dma_wait3A_398 = tpu.memref_slice %arg5[%add3A_371, %dma_wait3A_397] : memref<10000x128xf32, #tpu.memory_space<hbm>> -> memref<16x128xf32, #tpu.memory_space<hbm>>
          tpu.wait_dma2 semaphore(%run_scoped3A_374 : memref<!tpu.dma_semaphore, #tpu.memory_space<semaphore_mem>>) src(%dma_wait3A_398 : memref<16x128xf32, #tpu.memory_space<hbm>>) dst(%dma_wait3A_396 : memref<16x128xf32, #tpu.memory_space<vmem>>)
          tpu.yield
        }) : () -> ()
        %run_scoped3A_373 = arith.constant 0 : i32
        "tpu.region"() ({
          %run_scoped3A_374 = tpu.sem_alloc : memref<!tpu.dma_semaphore, #tpu.memory_space<semaphore_mem>>
          %dma_start3A_375 = arith.constant 0 : i32
          %dma_start3A_376 = arith.constant 0 : i32
          %dma_start3A_377 = tpu.memref_slice %arg11[%run_scoped3A_373, %dma_start3A_375, %dma_start3A_376] : memref<2x16x128xf32, #tpu.memory_space<vmem>> -> memref<1x16x128xf32, #tpu.memory_space<vmem>>
          %dma_start3A_378 = tpu.memref_squeeze %dma_start3A_377 : memref<1x16x128xf32, #tpu.memory_space<vmem>> -> memref<16x128xf32, #tpu.memory_space<vmem>>
          %dma_start3A_379 = arith.constant 0 : i32
          %dma_start3A_380 = tpu.memref_slice %arg12[%add3A_371, %dma_start3A_379] : memref<10000x128xf32, #tpu.memory_space<vmem_shared>> -> memref<16x128xf32, #tpu.memory_space<vmem_shared>>
          %dma_start3A_381 = arith.constant 0 : i32
          %dma_start3A_382 = tpu.memref_slice %arg12[%add3A_371, %dma_start3A_381] : memref<10000x128xf32, #tpu.memory_space<vmem_shared>> -> memref<16x128xf32, #tpu.memory_space<vmem_shared>>
          %dma_start3A_383 = arith.constant 0 : i32
          %dma_start3A_384 = arith.constant 0 : i32
          %dma_start3A_385 = tpu.memref_slice %arg11[%run_scoped3A_373, %dma_start3A_383, %dma_start3A_384] : memref<2x16x128xf32, #tpu.memory_space<vmem>> -> memref<1x16x128xf32, #tpu.memory_space<vmem>>
          %dma_start3A_386 = tpu.memref_squeeze %dma_start3A_385 : memref<1x16x128xf32, #tpu.memory_space<vmem>> -> memref<16x128xf32, #tpu.memory_space<vmem>>
          tpu.enqueue_dma source(%dma_start3A_386 : memref<16x128xf32, #tpu.memory_space<vmem>>) target(%dma_start3A_382 : memref<16x128xf32, #tpu.memory_space<vmem_shared>>) target_semaphore(%run_scoped3A_374 : memref<!tpu.dma_semaphore, #tpu.memory_space<semaphore_mem>>)
          %dma_wait3A_387 = arith.constant 0 : i32
          %dma_wait3A_388 = arith.constant 0 : i32
          %dma_wait3A_389 = tpu.memref_slice %arg11[%run_scoped3A_373, %dma_wait3A_387, %dma_wait3A_388] : memref<2x16x128xf32, #tpu.memory_space<vmem>> -> memref<1x16x128xf32, #tpu.memory_space<vmem>>
          %dma_wait3A_390 = tpu.memref_squeeze %dma_wait3A_389 : memref<1x16x128xf32, #tpu.memory_space<vmem>> -> memref<16x128xf32, #tpu.memory_space<vmem>>
          %dma_wait3A_391 = arith.constant 0 : i32
          %dma_wait3A_392 = tpu.memref_slice %arg12[%add3A_371, %dma_wait3A_391] : memref<10000x128xf32, #tpu.memory_space<vmem_shared>> -> memref<16x128xf32, #tpu.memory_space<vmem_shared>>
          %dma_wait3A_393 = arith.constant 0 : i32
          %dma_wait3A_394 = tpu.memref_slice %arg12[%add3A_371, %dma_wait3A_393] : memref<10000x128xf32, #tpu.memory_space<vmem_shared>> -> memref<16x128xf32, #tpu.memory_space<vmem_shared>>
          %dma_wait3A_395 = arith.constant 0 : i32
          %dma_wait3A_396 = arith.constant 0 : i32
          %dma_wait3A_397 = tpu.memref_slice %arg11[%run_scoped3A_373, %dma_wait3A_395, %dma_wait3A_396] : memref<2x16x128xf32, #tpu.memory_space<vmem>> -> memref<1x16x128xf32, #tpu.memory_space<vmem>>
          %dma_wait3A_398 = tpu.memref_squeeze %dma_wait3A_397 : memref<1x16x128xf32, #tpu.memory_space<vmem>> -> memref<16x128xf32, #tpu.memory_space<vmem>>
          tpu.wait_dma2 semaphore(%run_scoped3A_374 : memref<!tpu.dma_semaphore, #tpu.memory_space<semaphore_mem>>) src(%dma_wait3A_398 : memref<16x128xf32, #tpu.memory_space<vmem>>) dst(%dma_wait3A_394 : memref<16x128xf32, #tpu.memory_space<vmem_shared>>)
          tpu.yield
        }) : () -> ()
      } else {
      }
    }
    %scan3A_11 = arith.constant 39 : i32
    %mul3A_12 = arith.constant 16 : i32
    %mul3A_13 = arith.muli %select_n3A, %mul3A_12 : i32
    %add3A = arith.addi %mul3A_2, %mul3A_13 : i32
    %run_scoped3A = arith.constant 0 : i32
    "tpu.region"() ({
      %run_scoped3A_366 = tpu.sem_alloc : memref<!tpu.dma_semaphore, #tpu.memory_space<semaphore_mem>>
      %dma_start3A_367 = arith.constant 0 : i32
      %dma_start3A_368 = arith.constant 0 : i32
      %dma_start3A_369 = tpu.memref_slice %arg11[%run_scoped3A, %dma_start3A_367, %dma_start3A_368] : memref<2x16x128xf32, #tpu.memory_space<vmem>> -> memref<1x16x128xf32, #tpu.memory_space<vmem>>
      %dma_start3A_370 = tpu.memref_squeeze %dma_start3A_369 : memref<1x16x128xf32, #tpu.memory_space<vmem>> -> memref<16x128xf32, #tpu.memory_space<vmem>>
      %dma_start3A_371 = arith.constant 0 : i32
      %dma_start3A_372 = arith.constant 0 : i32
      %dma_start3A_373 = tpu.memref_slice %dma_start3A_370[%dma_start3A_371, %dma_start3A_372] : memref<16x128xf32, #tpu.memory_space<vmem>> -> memref<8x128xf32, #tpu.memory_space<vmem>>
      %dma_start3A_374 = arith.constant 0 : i32
      %dma_start3A_375 = tpu.memref_slice %arg5[%add3A, %dma_start3A_374] : memref<10000x128xf32, #tpu.memory_space<hbm>> -> memref<8x128xf32, #tpu.memory_space<hbm>>
      %dma_start3A_376 = arith.constant 0 : i32
      %dma_start3A_377 = arith.constant 0 : i32
      %dma_start3A_378 = tpu.memref_slice %arg11[%run_scoped3A, %dma_start3A_376, %dma_start3A_377] : memref<2x16x128xf32, #tpu.memory_space<vmem>> -> memref<1x16x128xf32, #tpu.memory_space<vmem>>
      %dma_start3A_379 = tpu.memref_squeeze %dma_start3A_378 : memref<1x16x128xf32, #tpu.memory_space<vmem>> -> memref<16x128xf32, #tpu.memory_space<vmem>>
      %dma_start3A_380 = arith.constant 0 : i32
      %dma_start3A_381 = arith.constant 0 : i32
      %dma_start3A_382 = tpu.memref_slice %dma_start3A_379[%dma_start3A_380, %dma_start3A_381] : memref<16x128xf32, #tpu.memory_space<vmem>> -> memref<8x128xf32, #tpu.memory_space<vmem>>
      %dma_start3A_383 = arith.constant 0 : i32
      %dma_start3A_384 = tpu.memref_slice %arg5[%add3A, %dma_start3A_383] : memref<10000x128xf32, #tpu.memory_space<hbm>> -> memref<8x128xf32, #tpu.memory_space<hbm>>
      tpu.enqueue_dma source(%dma_start3A_384 : memref<8x128xf32, #tpu.memory_space<hbm>>) target(%dma_start3A_382 : memref<8x128xf32, #tpu.memory_space<vmem>>) target_semaphore(%run_scoped3A_366 : memref<!tpu.dma_semaphore, #tpu.memory_space<semaphore_mem>>)
      %dma_wait3A_385 = arith.constant 0 : i32
      %dma_wait3A_386 = arith.constant 0 : i32
      %dma_wait3A_387 = tpu.memref_slice %arg11[%run_scoped3A, %dma_wait3A_385, %dma_wait3A_386] : memref<2x16x128xf32, #tpu.memory_space<vmem>> -> memref<1x16x128xf32, #tpu.memory_space<vmem>>
      %dma_wait3A_388 = tpu.memref_squeeze %dma_wait3A_387 : memref<1x16x128xf32, #tpu.memory_space<vmem>> -> memref<16x128xf32, #tpu.memory_space<vmem>>
      %dma_wait3A_389 = arith.constant 0 : i32
      %dma_wait3A_390 = arith.constant 0 : i32
      %dma_wait3A_391 = tpu.memref_slice %dma_wait3A_388[%dma_wait3A_389, %dma_wait3A_390] : memref<16x128xf32, #tpu.memory_space<vmem>> -> memref<8x128xf32, #tpu.memory_space<vmem>>
      %dma_wait3A_392 = arith.constant 0 : i32
      %dma_wait3A_393 = tpu.memref_slice %arg5[%add3A, %dma_wait3A_392] : memref<10000x128xf32, #tpu.memory_space<hbm>> -> memref<8x128xf32, #tpu.memory_space<hbm>>
      %dma_wait3A_394 = arith.constant 0 : i32
      %dma_wait3A_395 = arith.constant 0 : i32
      %dma_wait3A_396 = tpu.memref_slice %arg11[%run_scoped3A, %dma_wait3A_394, %dma_wait3A_395] : memref<2x16x128xf32, #tpu.memory_space<vmem>> -> memref<1x16x128xf32, #tpu.memory_space<vmem>>
      %dma_wait3A_397 = tpu.memref_squeeze %dma_wait3A_396 : memref<1x16x128xf32, #tpu.memory_space<vmem>> -> memref<16x128xf32, #tpu.memory_space<vmem>>
      %dma_wait3A_398 = arith.constant 0 : i32
      %dma_wait3A_399 = arith.constant 0 : i32
      %dma_wait3A_400 = tpu.memref_slice %dma_wait3A_397[%dma_wait3A_398, %dma_wait3A_399] : memref<16x128xf32, #tpu.memory_space<vmem>> -> memref<8x128xf32, #tpu.memory_space<vmem>>
      %dma_wait3A_401 = arith.constant 0 : i32
      %dma_wait3A_402 = tpu.memref_slice %arg5[%add3A, %dma_wait3A_401] : memref<10000x128xf32, #tpu.memory_space<hbm>> -> memref<8x128xf32, #tpu.memory_space<hbm>>
      tpu.wait_dma2 semaphore(%run_scoped3A_366 : memref<!tpu.dma_semaphore, #tpu.memory_space<semaphore_mem>>) src(%dma_wait3A_402 : memref<8x128xf32, #tpu.memory_space<hbm>>) dst(%dma_wait3A_400 : memref<8x128xf32, #tpu.memory_space<vmem>>)
      tpu.yield
    }) : () -> ()
    %run_scoped3A_14 = arith.constant 0 : i32
    "tpu.region"() ({
      %run_scoped3A_366 = tpu.sem_alloc : memref<!tpu.dma_semaphore, #tpu.memory_space<semaphore_mem>>
      %dma_start3A_367 = arith.constant 0 : i32
      %dma_start3A_368 = arith.constant 0 : i32
      %dma_start3A_369 = tpu.memref_slice %arg11[%run_scoped3A_14, %dma_start3A_367, %dma_start3A_368] : memref<2x16x128xf32, #tpu.memory_space<vmem>> -> memref<1x16x128xf32, #tpu.memory_space<vmem>>
      %dma_start3A_370 = tpu.memref_squeeze %dma_start3A_369 : memref<1x16x128xf32, #tpu.memory_space<vmem>> -> memref<16x128xf32, #tpu.memory_space<vmem>>
      %dma_start3A_371 = arith.constant 0 : i32
      %dma_start3A_372 = arith.constant 0 : i32
      %dma_start3A_373 = tpu.memref_slice %dma_start3A_370[%dma_start3A_371, %dma_start3A_372] : memref<16x128xf32, #tpu.memory_space<vmem>> -> memref<8x128xf32, #tpu.memory_space<vmem>>
      %dma_start3A_374 = arith.constant 0 : i32
      %dma_start3A_375 = tpu.memref_slice %arg12[%add3A, %dma_start3A_374] : memref<10000x128xf32, #tpu.memory_space<vmem_shared>> -> memref<8x128xf32, #tpu.memory_space<vmem_shared>>
      %dma_start3A_376 = arith.constant 0 : i32
      %dma_start3A_377 = tpu.memref_slice %arg12[%add3A, %dma_start3A_376] : memref<10000x128xf32, #tpu.memory_space<vmem_shared>> -> memref<8x128xf32, #tpu.memory_space<vmem_shared>>
      %dma_start3A_378 = arith.constant 0 : i32
      %dma_start3A_379 = arith.constant 0 : i32
      %dma_start3A_380 = tpu.memref_slice %arg11[%run_scoped3A_14, %dma_start3A_378, %dma_start3A_379] : memref<2x16x128xf32, #tpu.memory_space<vmem>> -> memref<1x16x128xf32, #tpu.memory_space<vmem>>
      %dma_start3A_381 = tpu.memref_squeeze %dma_start3A_380 : memref<1x16x128xf32, #tpu.memory_space<vmem>> -> memref<16x128xf32, #tpu.memory_space<vmem>>
      %dma_start3A_382 = arith.constant 0 : i32
      %dma_start3A_383 = arith.constant 0 : i32
      %dma_start3A_384 = tpu.memref_slice %dma_start3A_381[%dma_start3A_382, %dma_start3A_383] : memref<16x128xf32, #tpu.memory_space<vmem>> -> memref<8x128xf32, #tpu.memory_space<vmem>>
      tpu.enqueue_dma source(%dma_start3A_384 : memref<8x128xf32, #tpu.memory_space<vmem>>) target(%dma_start3A_377 : memref<8x128xf32, #tpu.memory_space<vmem_shared>>) target_semaphore(%run_scoped3A_366 : memref<!tpu.dma_semaphore, #tpu.memory_space<semaphore_mem>>)
      %dma_wait3A_385 = arith.constant 0 : i32
      %dma_wait3A_386 = arith.constant 0 : i32
      %dma_wait3A_387 = tpu.memref_slice %arg11[%run_scoped3A_14, %dma_wait3A_385, %dma_wait3A_386] : memref<2x16x128xf32, #tpu.memory_space<vmem>> -> memref<1x16x128xf32, #tpu.memory_space<vmem>>
      %dma_wait3A_388 = tpu.memref_squeeze %dma_wait3A_387 : memref<1x16x128xf32, #tpu.memory_space<vmem>> -> memref<16x128xf32, #tpu.memory_space<vmem>>
      %dma_wait3A_389 = arith.constant 0 : i32
      %dma_wait3A_390 = arith.constant 0 : i32
      %dma_wait3A_391 = tpu.memref_slice %dma_wait3A_388[%dma_wait3A_389, %dma_wait3A_390] : memref<16x128xf32, #tpu.memory_space<vmem>> -> memref<8x128xf32, #tpu.memory_space<vmem>>
      %dma_wait3A_392 = arith.constant 0 : i32
      %dma_wait3A_393 = tpu.memref_slice %arg12[%add3A, %dma_wait3A_392] : memref<10000x128xf32, #tpu.memory_space<vmem_shared>> -> memref<8x128xf32, #tpu.memory_space<vmem_shared>>
      %dma_wait3A_394 = arith.constant 0 : i32
      %dma_wait3A_395 = tpu.memref_slice %arg12[%add3A, %dma_wait3A_394] : memref<10000x128xf32, #tpu.memory_space<vmem_shared>> -> memref<8x128xf32, #tpu.memory_space<vmem_shared>>
      %dma_wait3A_396 = arith.constant 0 : i32
      %dma_wait3A_397 = arith.constant 0 : i32
      %dma_wait3A_398 = tpu.memref_slice %arg11[%run_scoped3A_14, %dma_wait3A_396, %dma_wait3A_397] : memref<2x16x128xf32, #tpu.memory_space<vmem>> -> memref<1x16x128xf32, #tpu.memory_space<vmem>>
      %dma_wait3A_399 = tpu.memref_squeeze %dma_wait3A_398 : memref<1x16x128xf32, #tpu.memory_space<vmem>> -> memref<16x128xf32, #tpu.memory_space<vmem>>
      %dma_wait3A_400 = arith.constant 0 : i32
      %dma_wait3A_401 = arith.constant 0 : i32
      %dma_wait3A_402 = tpu.memref_slice %dma_wait3A_399[%dma_wait3A_400, %dma_wait3A_401] : memref<16x128xf32, #tpu.memory_space<vmem>> -> memref<8x128xf32, #tpu.memory_space<vmem>>
      tpu.wait_dma2 semaphore(%run_scoped3A_366 : memref<!tpu.dma_semaphore, #tpu.memory_space<semaphore_mem>>) src(%dma_wait3A_402 : memref<8x128xf32, #tpu.memory_space<vmem>>) dst(%dma_wait3A_395 : memref<8x128xf32, #tpu.memory_space<vmem_shared>>)
      tpu.yield
    }) : () -> ()
    %run_scoped3A_15 = arith.constant 1 : i32
    "tpu.region"() ({
      %run_scoped3A_366 = tpu.sem_alloc : memref<!tpu.dma_semaphore, #tpu.memory_space<semaphore_mem>>
      %dma_start3A_367 = arith.constant 0 : i32
      %dma_start3A_368 = arith.constant 0 : i32
      %dma_start3A_369 = tpu.memref_slice %arg11[%run_scoped3A_15, %dma_start3A_367, %dma_start3A_368] : memref<2x16x128xf32, #tpu.memory_space<vmem>> -> memref<1x16x128xf32, #tpu.memory_space<vmem>>
      %dma_start3A_370 = tpu.memref_squeeze %dma_start3A_369 : memref<1x16x128xf32, #tpu.memory_space<vmem>> -> memref<16x128xf32, #tpu.memory_space<vmem>>
      %dma_start3A_371 = arith.constant 0 : i32
      %dma_start3A_372 = arith.constant 0 : i32
      %dma_start3A_373 = tpu.memref_slice %arg11[%run_scoped3A_15, %dma_start3A_371, %dma_start3A_372] : memref<2x16x128xf32, #tpu.memory_space<vmem>> -> memref<1x16x128xf32, #tpu.memory_space<vmem>>
      %dma_start3A_374 = tpu.memref_squeeze %dma_start3A_373 : memref<1x16x128xf32, #tpu.memory_space<vmem>> -> memref<16x128xf32, #tpu.memory_space<vmem>>
      tpu.enqueue_dma source(%arg6 : memref<16x128xf32, #tpu.memory_space<hbm>>) target(%dma_start3A_374 : memref<16x128xf32, #tpu.memory_space<vmem>>) target_semaphore(%run_scoped3A_366 : memref<!tpu.dma_semaphore, #tpu.memory_space<semaphore_mem>>)
      %dma_wait3A_375 = arith.constant 0 : i32
      %dma_wait3A_376 = arith.constant 0 : i32
      %dma_wait3A_377 = tpu.memref_slice %arg11[%run_scoped3A_15, %dma_wait3A_375, %dma_wait3A_376] : memref<2x16x128xf32, #tpu.memory_space<vmem>> -> memref<1x16x128xf32, #tpu.memory_space<vmem>>
      %dma_wait3A_378 = tpu.memref_squeeze %dma_wait3A_377 : memref<1x16x128xf32, #tpu.memory_space<vmem>> -> memref<16x128xf32, #tpu.memory_space<vmem>>
      %dma_wait3A_379 = arith.constant 0 : i32
      %dma_wait3A_380 = arith.constant 0 : i32
      %dma_wait3A_381 = tpu.memref_slice %arg11[%run_scoped3A_15, %dma_wait3A_379, %dma_wait3A_380] : memref<2x16x128xf32, #tpu.memory_space<vmem>> -> memref<1x16x128xf32, #tpu.memory_space<vmem>>
      %dma_wait3A_382 = tpu.memref_squeeze %dma_wait3A_381 : memref<1x16x128xf32, #tpu.memory_space<vmem>> -> memref<16x128xf32, #tpu.memory_space<vmem>>
      tpu.wait_dma2 semaphore(%run_scoped3A_366 : memref<!tpu.dma_semaphore, #tpu.memory_space<semaphore_mem>>) src(%arg6 : memref<16x128xf32, #tpu.memory_space<hbm>>) dst(%dma_wait3A_382 : memref<16x128xf32, #tpu.memory_space<vmem>>)
      tpu.yield
    }) : () -> ()
    %scan3A_16 = arith.constant 0 : i32
    %scan3A_17 = arith.constant 0 : i32
    %scan3A_18 = arith.constant 20 : i32
    %scan3A_19 = arith.addi %scan3A_17, %scan3A_18 : i32
    %scan3A_20 = arith.constant 1 : i32
    scf.for %scan3A_366 = %scan3A_17 to %scan3A_19 step %scan3A_20  : i32 {
      %mul3A_367 = arith.constant 16 : i32
      %mul3A_368 = arith.muli %scan3A_366, %mul3A_367 : i32
      %add3A_369 = arith.addi %mul3A_0, %mul3A_368 : i32
      %run_scoped3A_370 = arith.constant 1 : i32
      "tpu.region"() ({
        %run_scoped3A_371 = tpu.sem_alloc : memref<!tpu.dma_semaphore, #tpu.memory_space<semaphore_mem>>
        %dma_start3A_372 = arith.constant 0 : i32
        %dma_start3A_373 = arith.constant 0 : i32
        %dma_start3A_374 = tpu.memref_slice %arg11[%run_scoped3A_370, %dma_start3A_372, %dma_start3A_373] : memref<2x16x128xf32, #tpu.memory_space<vmem>> -> memref<1x16x128xf32, #tpu.memory_space<vmem>>
        %dma_start3A_375 = tpu.memref_squeeze %dma_start3A_374 : memref<1x16x128xf32, #tpu.memory_space<vmem>> -> memref<16x128xf32, #tpu.memory_space<vmem>>
        %dma_start3A_376 = arith.constant 0 : i32
        %dma_start3A_377 = tpu.memref_slice %arg13[%add3A_369, %dma_start3A_376] : memref<5120x128xf32, #tpu.memory_space<vmem_shared>> -> memref<16x128xf32, #tpu.memory_space<vmem_shared>>
        %dma_start3A_378 = arith.constant 0 : i32
        %dma_start3A_379 = tpu.memref_slice %arg13[%add3A_369, %dma_start3A_378] : memref<5120x128xf32, #tpu.memory_space<vmem_shared>> -> memref<16x128xf32, #tpu.memory_space<vmem_shared>>
        %dma_start3A_380 = arith.constant 0 : i32
        %dma_start3A_381 = arith.constant 0 : i32
        %dma_start3A_382 = tpu.memref_slice %arg11[%run_scoped3A_370, %dma_start3A_380, %dma_start3A_381] : memref<2x16x128xf32, #tpu.memory_space<vmem>> -> memref<1x16x128xf32, #tpu.memory_space<vmem>>
        %dma_start3A_383 = tpu.memref_squeeze %dma_start3A_382 : memref<1x16x128xf32, #tpu.memory_space<vmem>> -> memref<16x128xf32, #tpu.memory_space<vmem>>
        tpu.enqueue_dma source(%dma_start3A_383 : memref<16x128xf32, #tpu.memory_space<vmem>>) target(%dma_start3A_379 : memref<16x128xf32, #tpu.memory_space<vmem_shared>>) target_semaphore(%run_scoped3A_371 : memref<!tpu.dma_semaphore, #tpu.memory_space<semaphore_mem>>)
        %dma_wait3A_384 = arith.constant 0 : i32
        %dma_wait3A_385 = arith.constant 0 : i32
        %dma_wait3A_386 = tpu.memref_slice %arg11[%run_scoped3A_370, %dma_wait3A_384, %dma_wait3A_385] : memref<2x16x128xf32, #tpu.memory_space<vmem>> -> memref<1x16x128xf32, #tpu.memory_space<vmem>>
        %dma_wait3A_387 = tpu.memref_squeeze %dma_wait3A_386 : memref<1x16x128xf32, #tpu.memory_space<vmem>> -> memref<16x128xf32, #tpu.memory_space<vmem>>
        %dma_wait3A_388 = arith.constant 0 : i32
        %dma_wait3A_389 = tpu.memref_slice %arg13[%add3A_369, %dma_wait3A_388] : memref<5120x128xf32, #tpu.memory_space<vmem_shared>> -> memref<16x128xf32, #tpu.memory_space<vmem_shared>>
        %dma_wait3A_390 = arith.constant 0 : i32
        %dma_wait3A_391 = tpu.memref_slice %arg13[%add3A_369, %dma_wait3A_390] : memref<5120x128xf32, #tpu.memory_space<vmem_shared>> -> memref<16x128xf32, #tpu.memory_space<vmem_shared>>
        %dma_wait3A_392 = arith.constant 0 : i32
        %dma_wait3A_393 = arith.constant 0 : i32
        %dma_wait3A_394 = tpu.memref_slice %arg11[%run_scoped3A_370, %dma_wait3A_392, %dma_wait3A_393] : memref<2x16x128xf32, #tpu.memory_space<vmem>> -> memref<1x16x128xf32, #tpu.memory_space<vmem>>
        %dma_wait3A_395 = tpu.memref_squeeze %dma_wait3A_394 : memref<1x16x128xf32, #tpu.memory_space<vmem>> -> memref<16x128xf32, #tpu.memory_space<vmem>>
        tpu.wait_dma2 semaphore(%run_scoped3A_371 : memref<!tpu.dma_semaphore, #tpu.memory_space<semaphore_mem>>) src(%dma_wait3A_395 : memref<16x128xf32, #tpu.memory_space<vmem>>) dst(%dma_wait3A_391 : memref<16x128xf32, #tpu.memory_space<vmem_shared>>)
        tpu.yield
      }) : () -> ()
    }
    %scan3A_21 = arith.constant 20 : i32
    %barrier3A = arith.constant 0 : index
    tpu.barrier barrier_id(%barrier3A)
    %dma_start3A = arith.constant 0 : i32
    %dma_start3A_22 = arith.constant 0 : i32
    %dma_start3A_23 = arith.constant 0 : i32
    %dma_start3A_24 = tpu.memref_slice %arg8[%dma_start3A, %dma_start3A_22, %dma_start3A_23] : memref<2x4x16xi32, #tpu.memory_space<vmem>> -> memref<1x4x16xi32, #tpu.memory_space<vmem>>
    %dma_start3A_25 = tpu.memref_squeeze %dma_start3A_24 : memref<1x4x16xi32, #tpu.memory_space<vmem>> -> memref<4x16xi32, #tpu.memory_space<vmem>>
    %dma_start3A_26 = arith.constant 0 : i32
    %dma_start3A_27 = arith.constant 0 : i32
    %dma_start3A_28 = tpu.memref_slice %arg2[%arg1, %dma_start3A_26, %dma_start3A_27] : memref<16x1256x16xi32, #tpu.memory_space<hbm>> -> memref<1x1256x16xi32, #tpu.memory_space<hbm>>
    %dma_start3A_29 = tpu.memref_squeeze %dma_start3A_28 : memref<1x1256x16xi32, #tpu.memory_space<hbm>> -> memref<1256x16xi32, #tpu.memory_space<hbm>>
    %dma_start3A_30 = arith.constant 0 : i32
    %dma_start3A_31 = arith.constant 0 : i32
    %dma_start3A_32 = tpu.memref_slice %dma_start3A_29[%dma_start3A_30, %dma_start3A_31] : memref<1256x16xi32, #tpu.memory_space<hbm>> -> memref<4x16xi32, #tpu.memory_space<hbm>>
    %dma_start3A_33 = arith.constant 0 : i32
    %dma_start3A_34 = arith.constant 0 : i32
    %dma_start3A_35 = tpu.memref_slice %arg8[%dma_start3A, %dma_start3A_33, %dma_start3A_34] : memref<2x4x16xi32, #tpu.memory_space<vmem>> -> memref<1x4x16xi32, #tpu.memory_space<vmem>>
    %dma_start3A_36 = tpu.memref_squeeze %dma_start3A_35 : memref<1x4x16xi32, #tpu.memory_space<vmem>> -> memref<4x16xi32, #tpu.memory_space<vmem>>
    %dma_start3A_37 = arith.constant 0 : i32
    %dma_start3A_38 = arith.constant 0 : i32
    %dma_start3A_39 = tpu.memref_slice %arg2[%arg1, %dma_start3A_37, %dma_start3A_38] : memref<16x1256x16xi32, #tpu.memory_space<hbm>> -> memref<1x1256x16xi32, #tpu.memory_space<hbm>>
    %dma_start3A_40 = tpu.memref_squeeze %dma_start3A_39 : memref<1x1256x16xi32, #tpu.memory_space<hbm>> -> memref<1256x16xi32, #tpu.memory_space<hbm>>
    %dma_start3A_41 = arith.constant 0 : i32
    %dma_start3A_42 = arith.constant 0 : i32
    %dma_start3A_43 = tpu.memref_slice %dma_start3A_40[%dma_start3A_41, %dma_start3A_42] : memref<1256x16xi32, #tpu.memory_space<hbm>> -> memref<4x16xi32, #tpu.memory_space<hbm>>
    tpu.enqueue_dma source(%dma_start3A_43 : memref<4x16xi32, #tpu.memory_space<hbm>>) target(%dma_start3A_36 : memref<4x16xi32, #tpu.memory_space<vmem>>) target_semaphore(%arg15 : memref<!tpu.dma_semaphore, #tpu.memory_space<semaphore_mem>>)
    %dma_start3A_44 = arith.constant 0 : i32
    %dma_start3A_45 = arith.constant 0 : i32
    %dma_start3A_46 = arith.constant 0 : i32
    %dma_start3A_47 = tpu.memref_slice %arg9[%dma_start3A_44, %dma_start3A_45, %dma_start3A_46] : memref<2x4x16xi32, #tpu.memory_space<vmem>> -> memref<1x4x16xi32, #tpu.memory_space<vmem>>
    %dma_start3A_48 = tpu.memref_squeeze %dma_start3A_47 : memref<1x4x16xi32, #tpu.memory_space<vmem>> -> memref<4x16xi32, #tpu.memory_space<vmem>>
    %dma_start3A_49 = arith.constant 0 : i32
    %dma_start3A_50 = arith.constant 0 : i32
    %dma_start3A_51 = tpu.memref_slice %arg3[%arg1, %dma_start3A_49, %dma_start3A_50] : memref<16x1256x16xi32, #tpu.memory_space<hbm>> -> memref<1x1256x16xi32, #tpu.memory_space<hbm>>
    %dma_start3A_52 = tpu.memref_squeeze %dma_start3A_51 : memref<1x1256x16xi32, #tpu.memory_space<hbm>> -> memref<1256x16xi32, #tpu.memory_space<hbm>>
    %dma_start3A_53 = arith.constant 0 : i32
    %dma_start3A_54 = arith.constant 0 : i32
    %dma_start3A_55 = tpu.memref_slice %dma_start3A_52[%dma_start3A_53, %dma_start3A_54] : memref<1256x16xi32, #tpu.memory_space<hbm>> -> memref<4x16xi32, #tpu.memory_space<hbm>>
    %dma_start3A_56 = arith.constant 0 : i32
    %dma_start3A_57 = arith.constant 0 : i32
    %dma_start3A_58 = tpu.memref_slice %arg9[%dma_start3A_44, %dma_start3A_56, %dma_start3A_57] : memref<2x4x16xi32, #tpu.memory_space<vmem>> -> memref<1x4x16xi32, #tpu.memory_space<vmem>>
    %dma_start3A_59 = tpu.memref_squeeze %dma_start3A_58 : memref<1x4x16xi32, #tpu.memory_space<vmem>> -> memref<4x16xi32, #tpu.memory_space<vmem>>
    %dma_start3A_60 = arith.constant 0 : i32
    %dma_start3A_61 = arith.constant 0 : i32
    %dma_start3A_62 = tpu.memref_slice %arg3[%arg1, %dma_start3A_60, %dma_start3A_61] : memref<16x1256x16xi32, #tpu.memory_space<hbm>> -> memref<1x1256x16xi32, #tpu.memory_space<hbm>>
    %dma_start3A_63 = tpu.memref_squeeze %dma_start3A_62 : memref<1x1256x16xi32, #tpu.memory_space<hbm>> -> memref<1256x16xi32, #tpu.memory_space<hbm>>
    %dma_start3A_64 = arith.constant 0 : i32
    %dma_start3A_65 = arith.constant 0 : i32
    %dma_start3A_66 = tpu.memref_slice %dma_start3A_63[%dma_start3A_64, %dma_start3A_65] : memref<1256x16xi32, #tpu.memory_space<hbm>> -> memref<4x16xi32, #tpu.memory_space<hbm>>
    tpu.enqueue_dma source(%dma_start3A_66 : memref<4x16xi32, #tpu.memory_space<hbm>>) target(%dma_start3A_59 : memref<4x16xi32, #tpu.memory_space<vmem>>) target_semaphore(%arg15 : memref<!tpu.dma_semaphore, #tpu.memory_space<semaphore_mem>>)
    %dma_start3A_67 = arith.constant 0 : i32
    %dma_start3A_68 = arith.constant 0 : i32
    %dma_start3A_69 = arith.constant 0 : i32
    %dma_start3A_70 = tpu.memref_slice %arg10[%dma_start3A_67, %dma_start3A_68, %dma_start3A_69] : memref<2x4x16xf32, #tpu.memory_space<vmem>> -> memref<1x4x16xf32, #tpu.memory_space<vmem>>
    %dma_start3A_71 = tpu.memref_squeeze %dma_start3A_70 : memref<1x4x16xf32, #tpu.memory_space<vmem>> -> memref<4x16xf32, #tpu.memory_space<vmem>>
    %dma_start3A_72 = arith.constant 0 : i32
    %dma_start3A_73 = arith.constant 0 : i32
    %dma_start3A_74 = tpu.memref_slice %arg4[%arg1, %dma_start3A_72, %dma_start3A_73] : memref<16x1256x16xf32, #tpu.memory_space<hbm>> -> memref<1x1256x16xf32, #tpu.memory_space<hbm>>
    %dma_start3A_75 = tpu.memref_squeeze %dma_start3A_74 : memref<1x1256x16xf32, #tpu.memory_space<hbm>> -> memref<1256x16xf32, #tpu.memory_space<hbm>>
    %dma_start3A_76 = arith.constant 0 : i32
    %dma_start3A_77 = arith.constant 0 : i32
    %dma_start3A_78 = tpu.memref_slice %dma_start3A_75[%dma_start3A_76, %dma_start3A_77] : memref<1256x16xf32, #tpu.memory_space<hbm>> -> memref<4x16xf32, #tpu.memory_space<hbm>>
    %dma_start3A_79 = arith.constant 0 : i32
    %dma_start3A_80 = arith.constant 0 : i32
    %dma_start3A_81 = tpu.memref_slice %arg10[%dma_start3A_67, %dma_start3A_79, %dma_start3A_80] : memref<2x4x16xf32, #tpu.memory_space<vmem>> -> memref<1x4x16xf32, #tpu.memory_space<vmem>>
    %dma_start3A_82 = tpu.memref_squeeze %dma_start3A_81 : memref<1x4x16xf32, #tpu.memory_space<vmem>> -> memref<4x16xf32, #tpu.memory_space<vmem>>
    %dma_start3A_83 = arith.constant 0 : i32
    %dma_start3A_84 = arith.constant 0 : i32
    %dma_start3A_85 = tpu.memref_slice %arg4[%arg1, %dma_start3A_83, %dma_start3A_84] : memref<16x1256x16xf32, #tpu.memory_space<hbm>> -> memref<1x1256x16xf32, #tpu.memory_space<hbm>>
    %dma_start3A_86 = tpu.memref_squeeze %dma_start3A_85 : memref<1x1256x16xf32, #tpu.memory_space<hbm>> -> memref<1256x16xf32, #tpu.memory_space<hbm>>
    %dma_start3A_87 = arith.constant 0 : i32
    %dma_start3A_88 = arith.constant 0 : i32
    %dma_start3A_89 = tpu.memref_slice %dma_start3A_86[%dma_start3A_87, %dma_start3A_88] : memref<1256x16xf32, #tpu.memory_space<hbm>> -> memref<4x16xf32, #tpu.memory_space<hbm>>
    tpu.enqueue_dma source(%dma_start3A_89 : memref<4x16xf32, #tpu.memory_space<hbm>>) target(%dma_start3A_82 : memref<4x16xf32, #tpu.memory_space<vmem>>) target_semaphore(%arg15 : memref<!tpu.dma_semaphore, #tpu.memory_space<semaphore_mem>>)
    %dma_wait3A = arith.constant 0 : i32
    %dma_wait3A_90 = arith.constant 0 : i32
    %dma_wait3A_91 = arith.constant 0 : i32
    %dma_wait3A_92 = tpu.memref_slice %arg8[%dma_wait3A, %dma_wait3A_90, %dma_wait3A_91] : memref<2x4x16xi32, #tpu.memory_space<vmem>> -> memref<1x4x16xi32, #tpu.memory_space<vmem>>
    %dma_wait3A_93 = tpu.memref_squeeze %dma_wait3A_92 : memref<1x4x16xi32, #tpu.memory_space<vmem>> -> memref<4x16xi32, #tpu.memory_space<vmem>>
    %dma_wait3A_94 = arith.constant 0 : i32
    %dma_wait3A_95 = arith.constant 0 : i32
    %dma_wait3A_96 = tpu.memref_slice %arg2[%arg1, %dma_wait3A_94, %dma_wait3A_95] : memref<16x1256x16xi32, #tpu.memory_space<hbm>> -> memref<1x1256x16xi32, #tpu.memory_space<hbm>>
    %dma_wait3A_97 = tpu.memref_squeeze %dma_wait3A_96 : memref<1x1256x16xi32, #tpu.memory_space<hbm>> -> memref<1256x16xi32, #tpu.memory_space<hbm>>
    %dma_wait3A_98 = arith.constant 0 : i32
    %dma_wait3A_99 = arith.constant 0 : i32
    %dma_wait3A_100 = tpu.memref_slice %dma_wait3A_97[%dma_wait3A_98, %dma_wait3A_99] : memref<1256x16xi32, #tpu.memory_space<hbm>> -> memref<4x16xi32, #tpu.memory_space<hbm>>
    %dma_wait3A_101 = arith.constant 0 : i32
    %dma_wait3A_102 = arith.constant 0 : i32
    %dma_wait3A_103 = tpu.memref_slice %arg8[%dma_wait3A, %dma_wait3A_101, %dma_wait3A_102] : memref<2x4x16xi32, #tpu.memory_space<vmem>> -> memref<1x4x16xi32, #tpu.memory_space<vmem>>
    %dma_wait3A_104 = tpu.memref_squeeze %dma_wait3A_103 : memref<1x4x16xi32, #tpu.memory_space<vmem>> -> memref<4x16xi32, #tpu.memory_space<vmem>>
    %dma_wait3A_105 = arith.constant 0 : i32
    %dma_wait3A_106 = arith.constant 0 : i32
    %dma_wait3A_107 = tpu.memref_slice %arg2[%arg1, %dma_wait3A_105, %dma_wait3A_106] : memref<16x1256x16xi32, #tpu.memory_space<hbm>> -> memref<1x1256x16xi32, #tpu.memory_space<hbm>>
    %dma_wait3A_108 = tpu.memref_squeeze %dma_wait3A_107 : memref<1x1256x16xi32, #tpu.memory_space<hbm>> -> memref<1256x16xi32, #tpu.memory_space<hbm>>
    %dma_wait3A_109 = arith.constant 0 : i32
    %dma_wait3A_110 = arith.constant 0 : i32
    %dma_wait3A_111 = tpu.memref_slice %dma_wait3A_108[%dma_wait3A_109, %dma_wait3A_110] : memref<1256x16xi32, #tpu.memory_space<hbm>> -> memref<4x16xi32, #tpu.memory_space<hbm>>
    tpu.wait_dma2 semaphore(%arg15 : memref<!tpu.dma_semaphore, #tpu.memory_space<semaphore_mem>>) src(%dma_wait3A_111 : memref<4x16xi32, #tpu.memory_space<hbm>>) dst(%dma_wait3A_104 : memref<4x16xi32, #tpu.memory_space<vmem>>)
    %dma_wait3A_112 = arith.constant 0 : i32
    %dma_wait3A_113 = arith.constant 0 : i32
    %dma_wait3A_114 = arith.constant 0 : i32
    %dma_wait3A_115 = tpu.memref_slice %arg9[%dma_wait3A_112, %dma_wait3A_113, %dma_wait3A_114] : memref<2x4x16xi32, #tpu.memory_space<vmem>> -> memref<1x4x16xi32, #tpu.memory_space<vmem>>
    %dma_wait3A_116 = tpu.memref_squeeze %dma_wait3A_115 : memref<1x4x16xi32, #tpu.memory_space<vmem>> -> memref<4x16xi32, #tpu.memory_space<vmem>>
    %dma_wait3A_117 = arith.constant 0 : i32
    %dma_wait3A_118 = arith.constant 0 : i32
    %dma_wait3A_119 = tpu.memref_slice %arg3[%arg1, %dma_wait3A_117, %dma_wait3A_118] : memref<16x1256x16xi32, #tpu.memory_space<hbm>> -> memref<1x1256x16xi32, #tpu.memory_space<hbm>>
    %dma_wait3A_120 = tpu.memref_squeeze %dma_wait3A_119 : memref<1x1256x16xi32, #tpu.memory_space<hbm>> -> memref<1256x16xi32, #tpu.memory_space<hbm>>
    %dma_wait3A_121 = arith.constant 0 : i32
    %dma_wait3A_122 = arith.constant 0 : i32
    %dma_wait3A_123 = tpu.memref_slice %dma_wait3A_120[%dma_wait3A_121, %dma_wait3A_122] : memref<1256x16xi32, #tpu.memory_space<hbm>> -> memref<4x16xi32, #tpu.memory_space<hbm>>
    %dma_wait3A_124 = arith.constant 0 : i32
    %dma_wait3A_125 = arith.constant 0 : i32
    %dma_wait3A_126 = tpu.memref_slice %arg9[%dma_wait3A_112, %dma_wait3A_124, %dma_wait3A_125] : memref<2x4x16xi32, #tpu.memory_space<vmem>> -> memref<1x4x16xi32, #tpu.memory_space<vmem>>
    %dma_wait3A_127 = tpu.memref_squeeze %dma_wait3A_126 : memref<1x4x16xi32, #tpu.memory_space<vmem>> -> memref<4x16xi32, #tpu.memory_space<vmem>>
    %dma_wait3A_128 = arith.constant 0 : i32
    %dma_wait3A_129 = arith.constant 0 : i32
    %dma_wait3A_130 = tpu.memref_slice %arg3[%arg1, %dma_wait3A_128, %dma_wait3A_129] : memref<16x1256x16xi32, #tpu.memory_space<hbm>> -> memref<1x1256x16xi32, #tpu.memory_space<hbm>>
    %dma_wait3A_131 = tpu.memref_squeeze %dma_wait3A_130 : memref<1x1256x16xi32, #tpu.memory_space<hbm>> -> memref<1256x16xi32, #tpu.memory_space<hbm>>
    %dma_wait3A_132 = arith.constant 0 : i32
    %dma_wait3A_133 = arith.constant 0 : i32
    %dma_wait3A_134 = tpu.memref_slice %dma_wait3A_131[%dma_wait3A_132, %dma_wait3A_133] : memref<1256x16xi32, #tpu.memory_space<hbm>> -> memref<4x16xi32, #tpu.memory_space<hbm>>
    tpu.wait_dma2 semaphore(%arg15 : memref<!tpu.dma_semaphore, #tpu.memory_space<semaphore_mem>>) src(%dma_wait3A_134 : memref<4x16xi32, #tpu.memory_space<hbm>>) dst(%dma_wait3A_127 : memref<4x16xi32, #tpu.memory_space<vmem>>)
    %dma_wait3A_135 = arith.constant 0 : i32
    %dma_wait3A_136 = arith.constant 0 : i32
    %dma_wait3A_137 = arith.constant 0 : i32
    %dma_wait3A_138 = tpu.memref_slice %arg10[%dma_wait3A_135, %dma_wait3A_136, %dma_wait3A_137] : memref<2x4x16xf32, #tpu.memory_space<vmem>> -> memref<1x4x16xf32, #tpu.memory_space<vmem>>
    %dma_wait3A_139 = tpu.memref_squeeze %dma_wait3A_138 : memref<1x4x16xf32, #tpu.memory_space<vmem>> -> memref<4x16xf32, #tpu.memory_space<vmem>>
    %dma_wait3A_140 = arith.constant 0 : i32
    %dma_wait3A_141 = arith.constant 0 : i32
    %dma_wait3A_142 = tpu.memref_slice %arg4[%arg1, %dma_wait3A_140, %dma_wait3A_141] : memref<16x1256x16xf32, #tpu.memory_space<hbm>> -> memref<1x1256x16xf32, #tpu.memory_space<hbm>>
    %dma_wait3A_143 = tpu.memref_squeeze %dma_wait3A_142 : memref<1x1256x16xf32, #tpu.memory_space<hbm>> -> memref<1256x16xf32, #tpu.memory_space<hbm>>
    %dma_wait3A_144 = arith.constant 0 : i32
    %dma_wait3A_145 = arith.constant 0 : i32
    %dma_wait3A_146 = tpu.memref_slice %dma_wait3A_143[%dma_wait3A_144, %dma_wait3A_145] : memref<1256x16xf32, #tpu.memory_space<hbm>> -> memref<4x16xf32, #tpu.memory_space<hbm>>
    %dma_wait3A_147 = arith.constant 0 : i32
    %dma_wait3A_148 = arith.constant 0 : i32
    %dma_wait3A_149 = tpu.memref_slice %arg10[%dma_wait3A_135, %dma_wait3A_147, %dma_wait3A_148] : memref<2x4x16xf32, #tpu.memory_space<vmem>> -> memref<1x4x16xf32, #tpu.memory_space<vmem>>
    %dma_wait3A_150 = tpu.memref_squeeze %dma_wait3A_149 : memref<1x4x16xf32, #tpu.memory_space<vmem>> -> memref<4x16xf32, #tpu.memory_space<vmem>>
    %dma_wait3A_151 = arith.constant 0 : i32
    %dma_wait3A_152 = arith.constant 0 : i32
    %dma_wait3A_153 = tpu.memref_slice %arg4[%arg1, %dma_wait3A_151, %dma_wait3A_152] : memref<16x1256x16xf32, #tpu.memory_space<hbm>> -> memref<1x1256x16xf32, #tpu.memory_space<hbm>>
    %dma_wait3A_154 = tpu.memref_squeeze %dma_wait3A_153 : memref<1x1256x16xf32, #tpu.memory_space<hbm>> -> memref<1256x16xf32, #tpu.memory_space<hbm>>
    %dma_wait3A_155 = arith.constant 0 : i32
    %dma_wait3A_156 = arith.constant 0 : i32
    %dma_wait3A_157 = tpu.memref_slice %dma_wait3A_154[%dma_wait3A_155, %dma_wait3A_156] : memref<1256x16xf32, #tpu.memory_space<hbm>> -> memref<4x16xf32, #tpu.memory_space<hbm>>
    tpu.wait_dma2 semaphore(%arg15 : memref<!tpu.dma_semaphore, #tpu.memory_space<semaphore_mem>>) src(%dma_wait3A_157 : memref<4x16xf32, #tpu.memory_space<hbm>>) dst(%dma_wait3A_150 : memref<4x16xf32, #tpu.memory_space<vmem>>)
    %get3A = arith.constant 0 : i32
    %get3A_158 = arith.constant 0 : i32
    %get3A_159 = arith.index_cast %get3A : i32 to index
    %get3A_160 = arith.index_cast %get3A_158 : i32 to index
    %get3A_161 = arith.constant 0 : index
    %get3A_162 = tpu.vector_load %arg9[%get3A_159, %get3A_160, %get3A_161] {strides = array<i32>} : memref<2x4x16xi32, #tpu.memory_space<vmem>>, vector<1x1x16xi32>,
    %get3A_163 = vector.shape_cast %get3A_162 : vector<1x1x16xi32> to vector<16xi32>
    %ge3A = vector.broadcast %mul3A_4 : i32 to vector<16xi32>
    %ge3A_164 = arith.cmpi sge, %get3A_163, %ge3A : vector<16xi32>
    %add3A_165 = arith.constant 5120 : i32
    %add3A_166 = arith.addi %mul3A_4, %add3A_165 : i32
    %lt3A = vector.broadcast %add3A_166 : i32 to vector<16xi32>
    %lt3A_167 = arith.cmpi slt, %get3A_163, %lt3A : vector<16xi32>
    %and3A = arith.andi %ge3A_164, %lt3A_167 : vector<16xi1>
    %sub3A = vector.broadcast %mul3A_4 : i32 to vector<16xi32>
    %sub3A_168 = arith.subi %get3A_163, %sub3A : vector<16xi32>
    %jit3A_169 = arith.constant 0 : i32
    %broadcast_in_dim3A = vector.broadcast %jit3A_169 : i32 to vector<16xi32>
    %select_n3A_170 = arith.select %and3A, %sub3A_168, %broadcast_in_dim3A : vector<16xi1>, vector<16xi32>
    %swap3A = arith.constant 0 : i32
    %swap3A_171 = arith.constant 0 : i32
    %swap3A_172 = arith.index_cast %swap3A : i32 to index
    %swap3A_173 = arith.index_cast %swap3A_171 : i32 to index
    %swap3A_174 = arith.constant 0 : index
    %swap3A_175 = tpu.vector_load %arg9[%swap3A_172, %swap3A_173, %swap3A_174] {strides = array<i32>} : memref<2x4x16xi32, #tpu.memory_space<vmem>>, vector<1x1x16xi32>,
    %swap3A_176 = vector.shape_cast %swap3A_175 : vector<1x1x16xi32> to vector<16xi32>
    %swap3A_177 = vector.shape_cast %select_n3A_170 : vector<16xi32> to vector<1x1x16xi32>
    tpu.vector_store %arg9[%swap3A_172, %swap3A_173, %swap3A_174], %swap3A_177 {strides = array<i32>} : memref<2x4x16xi32, #tpu.memory_space<vmem>>, vector<1x1x16xi32>,
    %get3A_178 = arith.constant 0 : i32
    %get3A_179 = arith.constant 0 : i32
    %get3A_180 = arith.index_cast %get3A_178 : i32 to index
    %get3A_181 = arith.index_cast %get3A_179 : i32 to index
    %get3A_182 = arith.constant 0 : index
    %get3A_183 = tpu.vector_load %arg10[%get3A_180, %get3A_181, %get3A_182] {strides = array<i32>} : memref<2x4x16xf32, #tpu.memory_space<vmem>>, vector<1x1x16xf32>,
    %get3A_184 = vector.shape_cast %get3A_183 : vector<1x1x16xf32> to vector<16xf32>
    %jit3A_185 = arith.constant 0.000000e+00 : f32
    %broadcast_in_dim3A_186 = vector.broadcast %jit3A_185 : f32 to vector<16xf32>
    %select_n3A_187 = arith.select %and3A, %get3A_184, %broadcast_in_dim3A_186 : vector<16xi1>, vector<16xf32>
    %swap3A_188 = arith.constant 0 : i32
    %swap3A_189 = arith.constant 0 : i32
    %swap3A_190 = arith.index_cast %swap3A_188 : i32 to index
    %swap3A_191 = arith.index_cast %swap3A_189 : i32 to index
    %swap3A_192 = arith.constant 0 : index
    %swap3A_193 = tpu.vector_load %arg10[%swap3A_190, %swap3A_191, %swap3A_192] {strides = array<i32>} : memref<2x4x16xf32, #tpu.memory_space<vmem>>, vector<1x1x16xf32>,
    %swap3A_194 = vector.shape_cast %swap3A_193 : vector<1x1x16xf32> to vector<16xf32>
    %swap3A_195 = vector.shape_cast %select_n3A_187 : vector<16xf32> to vector<1x1x16xf32>
    tpu.vector_store %arg10[%swap3A_190, %swap3A_191, %swap3A_192], %swap3A_195 {strides = array<i32>} : memref<2x4x16xf32, #tpu.memory_space<vmem>>, vector<1x1x16xf32>,
    %get3A_196 = arith.constant 0 : i32
    %get3A_197 = arith.constant 1 : i32
    %get3A_198 = arith.index_cast %get3A_196 : i32 to index
    %get3A_199 = arith.index_cast %get3A_197 : i32 to index
    %get3A_200 = arith.constant 0 : index
    %get3A_201 = tpu.vector_load %arg9[%get3A_198, %get3A_199, %get3A_200] {strides = array<i32>} : memref<2x4x16xi32, #tpu.memory_space<vmem>>, vector<1x1x16xi32>,
    %get3A_202 = vector.shape_cast %get3A_201 : vector<1x1x16xi32> to vector<16xi32>
    %ge3A_203 = vector.broadcast %mul3A_4 : i32 to vector<16xi32>
    %ge3A_204 = arith.cmpi sge, %get3A_202, %ge3A_203 : vector<16xi32>
    %add3A_205 = arith.constant 5120 : i32
    %add3A_206 = arith.addi %mul3A_4, %add3A_205 : i32
    %lt3A_207 = vector.broadcast %add3A_206 : i32 to vector<16xi32>
    %lt3A_208 = arith.cmpi slt, %get3A_202, %lt3A_207 : vector<16xi32>
    %and3A_209 = arith.andi %ge3A_204, %lt3A_208 : vector<16xi1>
    %sub3A_210 = vector.broadcast %mul3A_4 : i32 to vector<16xi32>
    %sub3A_211 = arith.subi %get3A_202, %sub3A_210 : vector<16xi32>
    %jit3A_212 = arith.constant 0 : i32
    %broadcast_in_dim3A_213 = vector.broadcast %jit3A_212 : i32 to vector<16xi32>
    %select_n3A_214 = arith.select %and3A_209, %sub3A_211, %broadcast_in_dim3A_213 : vector<16xi1>, vector<16xi32>
    %swap3A_215 = arith.constant 0 : i32
    %swap3A_216 = arith.constant 1 : i32
    %swap3A_217 = arith.index_cast %swap3A_215 : i32 to index
    %swap3A_218 = arith.index_cast %swap3A_216 : i32 to index
    %swap3A_219 = arith.constant 0 : index
    %swap3A_220 = tpu.vector_load %arg9[%swap3A_217, %swap3A_218, %swap3A_219] {strides = array<i32>} : memref<2x4x16xi32, #tpu.memory_space<vmem>>, vector<1x1x16xi32>,
    %swap3A_221 = vector.shape_cast %swap3A_220 : vector<1x1x16xi32> to vector<16xi32>
    %swap3A_222 = vector.shape_cast %select_n3A_214 : vector<16xi32> to vector<1x1x16xi32>
    tpu.vector_store %arg9[%swap3A_217, %swap3A_218, %swap3A_219], %swap3A_222 {strides = array<i32>} : memref<2x4x16xi32, #tpu.memory_space<vmem>>, vector<1x1x16xi32>,
    %get3A_223 = arith.constant 0 : i32
    %get3A_224 = arith.constant 1 : i32
    %get3A_225 = arith.index_cast %get3A_223 : i32 to index
    %get3A_226 = arith.index_cast %get3A_224 : i32 to index
    %get3A_227 = arith.constant 0 : index
    %get3A_228 = tpu.vector_load %arg10[%get3A_225, %get3A_226, %get3A_227] {strides = array<i32>} : memref<2x4x16xf32, #tpu.memory_space<vmem>>, vector<1x1x16xf32>,
    %get3A_229 = vector.shape_cast %get3A_228 : vector<1x1x16xf32> to vector<16xf32>
    %jit3A_230 = arith.constant 0.000000e+00 : f32
    %broadcast_in_dim3A_231 = vector.broadcast %jit3A_230 : f32 to vector<16xf32>
    %select_n3A_232 = arith.select %and3A_209, %get3A_229, %broadcast_in_dim3A_231 : vector<16xi1>, vector<16xf32>
    %swap3A_233 = arith.constant 0 : i32
    %swap3A_234 = arith.constant 1 : i32
    %swap3A_235 = arith.index_cast %swap3A_233 : i32 to index
    %swap3A_236 = arith.index_cast %swap3A_234 : i32 to index
    %swap3A_237 = arith.constant 0 : index
    %swap3A_238 = tpu.vector_load %arg10[%swap3A_235, %swap3A_236, %swap3A_237] {strides = array<i32>} : memref<2x4x16xf32, #tpu.memory_space<vmem>>, vector<1x1x16xf32>,
    %swap3A_239 = vector.shape_cast %swap3A_238 : vector<1x1x16xf32> to vector<16xf32>
    %swap3A_240 = vector.shape_cast %select_n3A_232 : vector<16xf32> to vector<1x1x16xf32>
    tpu.vector_store %arg10[%swap3A_235, %swap3A_236, %swap3A_237], %swap3A_240 {strides = array<i32>} : memref<2x4x16xf32, #tpu.memory_space<vmem>>, vector<1x1x16xf32>,
    %get3A_241 = arith.constant 0 : i32
    %get3A_242 = arith.constant 2 : i32
    %get3A_243 = arith.index_cast %get3A_241 : i32 to index
    %get3A_244 = arith.index_cast %get3A_242 : i32 to index
    %get3A_245 = arith.constant 0 : index
    %get3A_246 = tpu.vector_load %arg9[%get3A_243, %get3A_244, %get3A_245] {strides = array<i32>} : memref<2x4x16xi32, #tpu.memory_space<vmem>>, vector<1x1x16xi32>,
    %get3A_247 = vector.shape_cast %get3A_246 : vector<1x1x16xi32> to vector<16xi32>
    %ge3A_248 = vector.broadcast %mul3A_4 : i32 to vector<16xi32>
    %ge3A_249 = arith.cmpi sge, %get3A_247, %ge3A_248 : vector<16xi32>
    %add3A_250 = arith.constant 5120 : i32
    %add3A_251 = arith.addi %mul3A_4, %add3A_250 : i32
    %lt3A_252 = vector.broadcast %add3A_251 : i32 to vector<16xi32>
    %lt3A_253 = arith.cmpi slt, %get3A_247, %lt3A_252 : vector<16xi32>
    %and3A_254 = arith.andi %ge3A_249, %lt3A_253 : vector<16xi1>
    %sub3A_255 = vector.broadcast %mul3A_4 : i32 to vector<16xi32>
    %sub3A_256 = arith.subi %get3A_247, %sub3A_255 : vector<16xi32>
    %jit3A_257 = arith.constant 0 : i32
    %broadcast_in_dim3A_258 = vector.broadcast %jit3A_257 : i32 to vector<16xi32>
    %select_n3A_259 = arith.select %and3A_254, %sub3A_256, %broadcast_in_dim3A_258 : vector<16xi1>, vector<16xi32>
    %swap3A_260 = arith.constant 0 : i32
    %swap3A_261 = arith.constant 2 : i32
    %swap3A_262 = arith.index_cast %swap3A_260 : i32 to index
    %swap3A_263 = arith.index_cast %swap3A_261 : i32 to index
    %swap3A_264 = arith.constant 0 : index
    %swap3A_265 = tpu.vector_load %arg9[%swap3A_262, %swap3A_263, %swap3A_264] {strides = array<i32>} : memref<2x4x16xi32, #tpu.memory_space<vmem>>, vector<1x1x16xi32>,
    %swap3A_266 = vector.shape_cast %swap3A_265 : vector<1x1x16xi32> to vector<16xi32>
    %swap3A_267 = vector.shape_cast %select_n3A_259 : vector<16xi32> to vector<1x1x16xi32>
    tpu.vector_store %arg9[%swap3A_262, %swap3A_263, %swap3A_264], %swap3A_267 {strides = array<i32>} : memref<2x4x16xi32, #tpu.memory_space<vmem>>, vector<1x1x16xi32>,
    %get3A_268 = arith.constant 0 : i32
    %get3A_269 = arith.constant 2 : i32
    %get3A_270 = arith.index_cast %get3A_268 : i32 to index
    %get3A_271 = arith.index_cast %get3A_269 : i32 to index
    %get3A_272 = arith.constant 0 : index
    %get3A_273 = tpu.vector_load %arg10[%get3A_270, %get3A_271, %get3A_272] {strides = array<i32>} : memref<2x4x16xf32, #tpu.memory_space<vmem>>, vector<1x1x16xf32>,
    %get3A_274 = vector.shape_cast %get3A_273 : vector<1x1x16xf32> to vector<16xf32>
    %jit3A_275 = arith.constant 0.000000e+00 : f32
    %broadcast_in_dim3A_276 = vector.broadcast %jit3A_275 : f32 to vector<16xf32>
    %select_n3A_277 = arith.select %and3A_254, %get3A_274, %broadcast_in_dim3A_276 : vector<16xi1>, vector<16xf32>
    %swap3A_278 = arith.constant 0 : i32
    %swap3A_279 = arith.constant 2 : i32
    %swap3A_280 = arith.index_cast %swap3A_278 : i32 to index
    %swap3A_281 = arith.index_cast %swap3A_279 : i32 to index
    %swap3A_282 = arith.constant 0 : index
    %swap3A_283 = tpu.vector_load %arg10[%swap3A_280, %swap3A_281, %swap3A_282] {strides = array<i32>} : memref<2x4x16xf32, #tpu.memory_space<vmem>>, vector<1x1x16xf32>,
    %swap3A_284 = vector.shape_cast %swap3A_283 : vector<1x1x16xf32> to vector<16xf32>
    %swap3A_285 = vector.shape_cast %select_n3A_277 : vector<16xf32> to vector<1x1x16xf32>
    tpu.vector_store %arg10[%swap3A_280, %swap3A_281, %swap3A_282], %swap3A_285 {strides = array<i32>} : memref<2x4x16xf32, #tpu.memory_space<vmem>>, vector<1x1x16xf32>,
    %get3A_286 = arith.constant 0 : i32
    %get3A_287 = arith.constant 3 : i32
    %get3A_288 = arith.index_cast %get3A_286 : i32 to index
    %get3A_289 = arith.index_cast %get3A_287 : i32 to index
    %get3A_290 = arith.constant 0 : index
    %get3A_291 = tpu.vector_load %arg9[%get3A_288, %get3A_289, %get3A_290] {strides = array<i32>} : memref<2x4x16xi32, #tpu.memory_space<vmem>>, vector<1x1x16xi32>,
    %get3A_292 = vector.shape_cast %get3A_291 : vector<1x1x16xi32> to vector<16xi32>
    %ge3A_293 = vector.broadcast %mul3A_4 : i32 to vector<16xi32>
    %ge3A_294 = arith.cmpi sge, %get3A_292, %ge3A_293 : vector<16xi32>
    %add3A_295 = arith.constant 5120 : i32
    %add3A_296 = arith.addi %mul3A_4, %add3A_295 : i32
    %lt3A_297 = vector.broadcast %add3A_296 : i32 to vector<16xi32>
    %lt3A_298 = arith.cmpi slt, %get3A_292, %lt3A_297 : vector<16xi32>
    %and3A_299 = arith.andi %ge3A_294, %lt3A_298 : vector<16xi1>
    %sub3A_300 = vector.broadcast %mul3A_4 : i32 to vector<16xi32>
    %sub3A_301 = arith.subi %get3A_292, %sub3A_300 : vector<16xi32>
    %jit3A_302 = arith.constant 0 : i32
    %broadcast_in_dim3A_303 = vector.broadcast %jit3A_302 : i32 to vector<16xi32>
    %select_n3A_304 = arith.select %and3A_299, %sub3A_301, %broadcast_in_dim3A_303 : vector<16xi1>, vector<16xi32>
    %swap3A_305 = arith.constant 0 : i32
    %swap3A_306 = arith.constant 3 : i32
    %swap3A_307 = arith.index_cast %swap3A_305 : i32 to index
    %swap3A_308 = arith.index_cast %swap3A_306 : i32 to index
    %swap3A_309 = arith.constant 0 : index
    %swap3A_310 = tpu.vector_load %arg9[%swap3A_307, %swap3A_308, %swap3A_309] {strides = array<i32>} : memref<2x4x16xi32, #tpu.memory_space<vmem>>, vector<1x1x16xi32>,
    %swap3A_311 = vector.shape_cast %swap3A_310 : vector<1x1x16xi32> to vector<16xi32>
    %swap3A_312 = vector.shape_cast %select_n3A_304 : vector<16xi32> to vector<1x1x16xi32>
    tpu.vector_store %arg9[%swap3A_307, %swap3A_308, %swap3A_309], %swap3A_312 {strides = array<i32>} : memref<2x4x16xi32, #tpu.memory_space<vmem>>, vector<1x1x16xi32>,
    %get3A_313 = arith.constant 0 : i32
    %get3A_314 = arith.constant 3 : i32
    %get3A_315 = arith.index_cast %get3A_313 : i32 to index
    %get3A_316 = arith.index_cast %get3A_314 : i32 to index
    %get3A_317 = arith.constant 0 : index
    %get3A_318 = tpu.vector_load %arg10[%get3A_315, %get3A_316, %get3A_317] {strides = array<i32>} : memref<2x4x16xf32, #tpu.memory_space<vmem>>, vector<1x1x16xf32>,
    %get3A_319 = vector.shape_cast %get3A_318 : vector<1x1x16xf32> to vector<16xf32>
    %jit3A_320 = arith.constant 0.000000e+00 : f32
    %broadcast_in_dim3A_321 = vector.broadcast %jit3A_320 : f32 to vector<16xf32>
    %select_n3A_322 = arith.select %and3A_299, %get3A_319, %broadcast_in_dim3A_321 : vector<16xi1>, vector<16xf32>
    %swap3A_323 = arith.constant 0 : i32
    %swap3A_324 = arith.constant 3 : i32
    %swap3A_325 = arith.index_cast %swap3A_323 : i32 to index
    %swap3A_326 = arith.index_cast %swap3A_324 : i32 to index
    %swap3A_327 = arith.constant 0 : index
    %swap3A_328 = tpu.vector_load %arg10[%swap3A_325, %swap3A_326, %swap3A_327] {strides = array<i32>} : memref<2x4x16xf32, #tpu.memory_space<vmem>>, vector<1x1x16xf32>,
    %swap3A_329 = vector.shape_cast %swap3A_328 : vector<1x1x16xf32> to vector<16xf32>
    %swap3A_330 = vector.shape_cast %select_n3A_322 : vector<16xf32> to vector<1x1x16xf32>
    tpu.vector_store %arg10[%swap3A_325, %swap3A_326, %swap3A_327], %swap3A_330 {strides = array<i32>} : memref<2x4x16xf32, #tpu.memory_space<vmem>>, vector<1x1x16xf32>,
    %rem3A = arith.constant 0 : i32
    %rem3A_331 = arith.constant 2 : i32
    %rem3A_332 = arith.remsi %rem3A, %rem3A_331 : i32
    %rem3A_333 = arith.constant 0 : i32
    %rem3A_334 = arith.constant 4 : i32
    %rem3A_335 = arith.remsi %rem3A_333, %rem3A_334 : i32
    %rem3A_336 = arith.constant 0 : i32
    %rem3A_337 = arith.constant 2 : i32
    %rem3A_338 = arith.remsi %rem3A_336, %rem3A_337 : i32
    %dma_start3A_339 = arith.constant 0 : i32
    %dma_start3A_340 = arith.constant 0 : i32
    %dma_start3A_341 = tpu.memref_slice %arg11[%rem3A_338, %dma_start3A_339, %dma_start3A_340] : memref<2x16x128xf32, #tpu.memory_space<vmem>> -> memref<1x16x128xf32, #tpu.memory_space<vmem>>
    %dma_start3A_342 = tpu.memref_squeeze %dma_start3A_341 : memref<1x16x128xf32, #tpu.memory_space<vmem>> -> memref<16x128xf32, #tpu.memory_space<vmem>>
    %dma_start3A_343 = arith.constant 0 : i32
    %dma_start3A_344 = arith.constant 0 : i32
    %dma_start3A_345 = tpu.memref_slice %arg8[%rem3A_332, %dma_start3A_343, %dma_start3A_344] : memref<2x4x16xi32, #tpu.memory_space<vmem>> -> memref<1x4x16xi32, #tpu.memory_space<vmem>>
    %dma_start3A_346 = tpu.memref_squeeze %dma_start3A_345 : memref<1x4x16xi32, #tpu.memory_space<vmem>> -> memref<4x16xi32, #tpu.memory_space<vmem>>
    %dma_start3A_347 = arith.constant 0 : i32
    %dma_start3A_348 = tpu.memref_slice %dma_start3A_346[%rem3A_335, %dma_start3A_347] : memref<4x16xi32, #tpu.memory_space<vmem>> -> memref<1x16xi32, #tpu.memory_space<vmem>>
    %dma_start3A_349 = tpu.memref_squeeze %dma_start3A_348 : memref<1x16xi32, #tpu.memory_space<vmem>> -> memref<16xi32, #tpu.memory_space<vmem>>
    %dma_start3A_350 = arith.constant 0 : i32
    %dma_start3A_351 = arith.constant 0 : i32
    %dma_start3A_352 = tpu.memref_slice %arg12[%dma_start3A_350, %dma_start3A_351] : memref<10000x128xf32, #tpu.memory_space<vmem_shared>> -> memref<10000x128xf32, #tpu.memory_space<vmem_shared>>
    tpu.enqueue_indirect_dma source(%dma_start3A_352 : memref<10000x128xf32, #tpu.memory_space<vmem_shared>>) target(%dma_start3A_342 : memref<16x128xf32, #tpu.memory_space<vmem>>) offsets(%dma_start3A_349 : memref<16xi32, #tpu.memory_space<vmem>>) semaphore(%arg14 : memref<!tpu.dma_semaphore, #tpu.memory_space<semaphore_mem>>)
    %scan3A_353 = arith.constant 0 : i32
    %scan3A_354 = arith.constant 0 : i32
    %scan3A_355 = arith.constant 1256 : i32
    %scan3A_356 = arith.addi %scan3A_354, %scan3A_355 : i32
    %scan3A_357 = arith.constant 1 : i32
    scf.for %scan3A_366 = %scan3A_354 to %scan3A_356 step %scan3A_357  : i32 {
      %rem3A_367 = arith.constant 2 : i32
      %rem3A_368 = arith.remsi %scan3A_366, %rem3A_367 : i32
      %jit3A_369 = arith.constant 4 : i32
      %div3A = arith.divsi %scan3A_366, %jit3A_369 : i32
      %sign3A = arith.constant 0 : i32
      %sign3A_370 = arith.cmpi sgt, %scan3A_366, %sign3A : i32
      %sign3A_371 = arith.extui %sign3A_370 : i1 to i32
      %sign3A_372 = arith.constant 0 : i32
      %sign3A_373 = arith.cmpi slt, %scan3A_366, %sign3A_372 : i32
      %sign3A_374 = arith.extui %sign3A_373 : i1 to i32
      %sign3A_375 = arith.subi %sign3A_371, %sign3A_374 : i32
      %sign3A_376 = arith.constant 0 : i32
      %sign3A_377 = arith.cmpi sgt, %jit3A_369, %sign3A_376 : i32
      %sign3A_378 = arith.extui %sign3A_377 : i1 to i32
      %sign3A_379 = arith.constant 0 : i32
      %sign3A_380 = arith.cmpi slt, %jit3A_369, %sign3A_379 : i32
      %sign3A_381 = arith.extui %sign3A_380 : i1 to i32
      %sign3A_382 = arith.subi %sign3A_378, %sign3A_381 : i32
      %ne3A = arith.cmpi ne, %sign3A_375, %sign3A_382 : i32
      %rem3A_383 = arith.remsi %scan3A_366, %jit3A_369 : i32
      %ne3A_384 = arith.constant 0 : i32
      %ne3A_385 = arith.cmpi ne, %rem3A_383, %ne3A_384 : i32
      %and3A_386 = arith.andi %ne3A, %ne3A_385 : i1
      %sub3A_387 = arith.constant 1 : i32
      %sub3A_388 = arith.subi %div3A, %sub3A_387 : i32
      %select_n3A_389 = arith.select %and3A_386, %sub3A_388, %div3A : i32
      %rem3A_390 = arith.constant 4 : i32
      %rem3A_391 = arith.remsi %scan3A_366, %rem3A_390 : i32
      %rem3A_392 = arith.constant 2 : i32
      %rem3A_393 = arith.remsi %select_n3A_389, %rem3A_392 : i32
      %eq3A_394 = arith.constant 0 : i32
      %eq3A_395 = arith.cmpi eq, %rem3A_391, %eq3A_394 : i32
      %add3A_396 = arith.constant 1 : i32
      %add3A_397 = arith.addi %select_n3A_389, %add3A_396 : i32
      %lt3A_398 = arith.constant 314 : i32
      %lt3A_399 = arith.cmpi slt, %add3A_397, %lt3A_398 : i32
      %and3A_400 = arith.andi %eq3A_395, %lt3A_399 : i1
      %convert_element_type3A = arith.extui %and3A_400 : i1 to i32
      %cond3A = arith.constant 0 : i32
      %cond3A_401 = arith.cmpi ne, %convert_element_type3A, %cond3A : i32
      scf.if %cond3A_401 {
        %add3A_2374 = arith.constant 1 : i32
        %add3A_2375 = arith.addi %select_n3A_389, %add3A_2374 : i32
        %add3A_2376 = arith.constant 1 : i32
        %add3A_2377 = arith.addi %select_n3A_389, %add3A_2376 : i32
        %rem3A_2378 = arith.constant 2 : i32
        %rem3A_2379 = arith.remsi %add3A_2377, %rem3A_2378 : i32
        %mul3A_2380 = arith.constant 4 : i32
        %mul3A_2381 = arith.muli %add3A_2375, %mul3A_2380 : i32
        %dma_start3A_2382 = arith.constant 0 : i32
        %dma_start3A_2383 = arith.constant 0 : i32
        %dma_start3A_2384 = tpu.memref_slice %arg8[%rem3A_2379, %dma_start3A_2382, %dma_start3A_2383] : memref<2x4x16xi32, #tpu.memory_space<vmem>> -> memref<1x4x16xi32, #tpu.memory_space<vmem>>
        %dma_start3A_2385 = tpu.memref_squeeze %dma_start3A_2384 : memref<1x4x16xi32, #tpu.memory_space<vmem>> -> memref<4x16xi32, #tpu.memory_space<vmem>>
        %dma_start3A_2386 = arith.constant 0 : i32
        %dma_start3A_2387 = arith.constant 0 : i32
        %dma_start3A_2388 = tpu.memref_slice %arg2[%arg1, %dma_start3A_2386, %dma_start3A_2387] : memref<16x1256x16xi32, #tpu.memory_space<hbm>> -> memref<1x1256x16xi32, #tpu.memory_space<hbm>>
        %dma_start3A_2389 = tpu.memref_squeeze %dma_start3A_2388 : memref<1x1256x16xi32, #tpu.memory_space<hbm>> -> memref<1256x16xi32, #tpu.memory_space<hbm>>
        %dma_start3A_2390 = arith.constant 0 : i32
        %dma_start3A_2391 = tpu.memref_slice %dma_start3A_2389[%mul3A_2381, %dma_start3A_2390] : memref<1256x16xi32, #tpu.memory_space<hbm>> -> memref<4x16xi32, #tpu.memory_space<hbm>>
        %dma_start3A_2392 = arith.constant 0 : i32
        %dma_start3A_2393 = arith.constant 0 : i32
        %dma_start3A_2394 = tpu.memref_slice %arg8[%rem3A_2379, %dma_start3A_2392, %dma_start3A_2393] : memref<2x4x16xi32, #tpu.memory_space<vmem>> -> memref<1x4x16xi32, #tpu.memory_space<vmem>>
        %dma_start3A_2395 = tpu.memref_squeeze %dma_start3A_2394 : memref<1x4x16xi32, #tpu.memory_space<vmem>> -> memref<4x16xi32, #tpu.memory_space<vmem>>
        %dma_start3A_2396 = arith.constant 0 : i32
        %dma_start3A_2397 = arith.constant 0 : i32
        %dma_start3A_2398 = tpu.memref_slice %arg2[%arg1, %dma_start3A_2396, %dma_start3A_2397] : memref<16x1256x16xi32, #tpu.memory_space<hbm>> -> memref<1x1256x16xi32, #tpu.memory_space<hbm>>
        %dma_start3A_2399 = tpu.memref_squeeze %dma_start3A_2398 : memref<1x1256x16xi32, #tpu.memory_space<hbm>> -> memref<1256x16xi32, #tpu.memory_space<hbm>>
        %dma_start3A_2400 = arith.constant 0 : i32
        %dma_start3A_2401 = tpu.memref_slice %dma_start3A_2399[%mul3A_2381, %dma_start3A_2400] : memref<1256x16xi32, #tpu.memory_space<hbm>> -> memref<4x16xi32, #tpu.memory_space<hbm>>
        tpu.enqueue_dma source(%dma_start3A_2401 : memref<4x16xi32, #tpu.memory_space<hbm>>) target(%dma_start3A_2395 : memref<4x16xi32, #tpu.memory_space<vmem>>) target_semaphore(%arg15 : memref<!tpu.dma_semaphore, #tpu.memory_space<semaphore_mem>>)
        %dma_start3A_2402 = arith.constant 0 : i32
        %dma_start3A_2403 = arith.constant 0 : i32
        %dma_start3A_2404 = tpu.memref_slice %arg9[%rem3A_2379, %dma_start3A_2402, %dma_start3A_2403] : memref<2x4x16xi32, #tpu.memory_space<vmem>> -> memref<1x4x16xi32, #tpu.memory_space<vmem>>
        %dma_start3A_2405 = tpu.memref_squeeze %dma_start3A_2404 : memref<1x4x16xi32, #tpu.memory_space<vmem>> -> memref<4x16xi32, #tpu.memory_space<vmem>>
        %dma_start3A_2406 = arith.constant 0 : i32
        %dma_start3A_2407 = arith.constant 0 : i32
        %dma_start3A_2408 = tpu.memref_slice %arg3[%arg1, %dma_start3A_2406, %dma_start3A_2407] : memref<16x1256x16xi32, #tpu.memory_space<hbm>> -> memref<1x1256x16xi32, #tpu.memory_space<hbm>>
        %dma_start3A_2409 = tpu.memref_squeeze %dma_start3A_2408 : memref<1x1256x16xi32, #tpu.memory_space<hbm>> -> memref<1256x16xi32, #tpu.memory_space<hbm>>
        %dma_start3A_2410 = arith.constant 0 : i32
        %dma_start3A_2411 = tpu.memref_slice %dma_start3A_2409[%mul3A_2381, %dma_start3A_2410] : memref<1256x16xi32, #tpu.memory_space<hbm>> -> memref<4x16xi32, #tpu.memory_space<hbm>>
        %dma_start3A_2412 = arith.constant 0 : i32
        %dma_start3A_2413 = arith.constant 0 : i32
        %dma_start3A_2414 = tpu.memref_slice %arg9[%rem3A_2379, %dma_start3A_2412, %dma_start3A_2413] : memref<2x4x16xi32, #tpu.memory_space<vmem>> -> memref<1x4x16xi32, #tpu.memory_space<vmem>>
        %dma_start3A_2415 = tpu.memref_squeeze %dma_start3A_2414 : memref<1x4x16xi32, #tpu.memory_space<vmem>> -> memref<4x16xi32, #tpu.memory_space<vmem>>
        %dma_start3A_2416 = arith.constant 0 : i32
        %dma_start3A_2417 = arith.constant 0 : i32
        %dma_start3A_2418 = tpu.memref_slice %arg3[%arg1, %dma_start3A_2416, %dma_start3A_2417] : memref<16x1256x16xi32, #tpu.memory_space<hbm>> -> memref<1x1256x16xi32, #tpu.memory_space<hbm>>
        %dma_start3A_2419 = tpu.memref_squeeze %dma_start3A_2418 : memref<1x1256x16xi32, #tpu.memory_space<hbm>> -> memref<1256x16xi32, #tpu.memory_space<hbm>>
        %dma_start3A_2420 = arith.constant 0 : i32
        %dma_start3A_2421 = tpu.memref_slice %dma_start3A_2419[%mul3A_2381, %dma_start3A_2420] : memref<1256x16xi32, #tpu.memory_space<hbm>> -> memref<4x16xi32, #tpu.memory_space<hbm>>
        tpu.enqueue_dma source(%dma_start3A_2421 : memref<4x16xi32, #tpu.memory_space<hbm>>) target(%dma_start3A_2415 : memref<4x16xi32, #tpu.memory_space<vmem>>) target_semaphore(%arg15 : memref<!tpu.dma_semaphore, #tpu.memory_space<semaphore_mem>>)
        %dma_start3A_2422 = arith.constant 0 : i32
        %dma_start3A_2423 = arith.constant 0 : i32
        %dma_start3A_2424 = tpu.memref_slice %arg10[%rem3A_2379, %dma_start3A_2422, %dma_start3A_2423] : memref<2x4x16xf32, #tpu.memory_space<vmem>> -> memref<1x4x16xf32, #tpu.memory_space<vmem>>
        %dma_start3A_2425 = tpu.memref_squeeze %dma_start3A_2424 : memref<1x4x16xf32, #tpu.memory_space<vmem>> -> memref<4x16xf32, #tpu.memory_space<vmem>>
        %dma_start3A_2426 = arith.constant 0 : i32
        %dma_start3A_2427 = arith.constant 0 : i32
        %dma_start3A_2428 = tpu.memref_slice %arg4[%arg1, %dma_start3A_2426, %dma_start3A_2427] : memref<16x1256x16xf32, #tpu.memory_space<hbm>> -> memref<1x1256x16xf32, #tpu.memory_space<hbm>>
        %dma_start3A_2429 = tpu.memref_squeeze %dma_start3A_2428 : memref<1x1256x16xf32, #tpu.memory_space<hbm>> -> memref<1256x16xf32, #tpu.memory_space<hbm>>
        %dma_start3A_2430 = arith.constant 0 : i32
        %dma_start3A_2431 = tpu.memref_slice %dma_start3A_2429[%mul3A_2381, %dma_start3A_2430] : memref<1256x16xf32, #tpu.memory_space<hbm>> -> memref<4x16xf32, #tpu.memory_space<hbm>>
        %dma_start3A_2432 = arith.constant 0 : i32
        %dma_start3A_2433 = arith.constant 0 : i32
        %dma_start3A_2434 = tpu.memref_slice %arg10[%rem3A_2379, %dma_start3A_2432, %dma_start3A_2433] : memref<2x4x16xf32, #tpu.memory_space<vmem>> -> memref<1x4x16xf32, #tpu.memory_space<vmem>>
        %dma_start3A_2435 = tpu.memref_squeeze %dma_start3A_2434 : memref<1x4x16xf32, #tpu.memory_space<vmem>> -> memref<4x16xf32, #tpu.memory_space<vmem>>
        %dma_start3A_2436 = arith.constant 0 : i32
        %dma_start3A_2437 = arith.constant 0 : i32
        %dma_start3A_2438 = tpu.memref_slice %arg4[%arg1, %dma_start3A_2436, %dma_start3A_2437] : memref<16x1256x16xf32, #tpu.memory_space<hbm>> -> memref<1x1256x16xf32, #tpu.memory_space<hbm>>
        %dma_start3A_2439 = tpu.memref_squeeze %dma_start3A_2438 : memref<1x1256x16xf32, #tpu.memory_space<hbm>> -> memref<1256x16xf32, #tpu.memory_space<hbm>>
        %dma_start3A_2440 = arith.constant 0 : i32
        %dma_start3A_2441 = tpu.memref_slice %dma_start3A_2439[%mul3A_2381, %dma_start3A_2440] : memref<1256x16xf32, #tpu.memory_space<hbm>> -> memref<4x16xf32, #tpu.memory_space<hbm>>
        tpu.enqueue_dma source(%dma_start3A_2441 : memref<4x16xf32, #tpu.memory_space<hbm>>) target(%dma_start3A_2435 : memref<4x16xf32, #tpu.memory_space<vmem>>) target_semaphore(%arg15 : memref<!tpu.dma_semaphore, #tpu.memory_space<semaphore_mem>>)
      } else {
      }
      %add3A_402 = arith.constant 2 : i32
      %add3A_403 = arith.addi %scan3A_366, %add3A_402 : i32
      %sub3A_404 = arith.constant 1 : i32
      %sub3A_405 = arith.subi %add3A_403, %sub3A_404 : i32
      %lt3A_406 = arith.constant 1256 : i32
      %lt3A_407 = arith.cmpi slt, %sub3A_405, %lt3A_406 : i32
      %convert_element_type3A_408 = arith.extui %lt3A_407 : i1 to i32
      %cond3A_409 = arith.constant 0 : i32
      %cond3A_410 = arith.cmpi ne, %convert_element_type3A_408, %cond3A_409 : i32
      scf.if %cond3A_410 {
        %rem3A_2374 = arith.constant 4 : i32
        %rem3A_2375 = arith.remsi %sub3A_405, %rem3A_2374 : i32
        %eq3A_2376 = arith.constant 0 : i32
        %eq3A_2377 = arith.cmpi eq, %rem3A_2375, %eq3A_2376 : i32
        %convert_element_type3A_2378 = arith.extui %eq3A_2377 : i1 to i32
        %cond3A_2379 = arith.constant 0 : i32
        %cond3A_2380 = arith.cmpi ne, %convert_element_type3A_2378, %cond3A_2379 : i32
        scf.if %cond3A_2380 {
          %dma_wait3A_2425 = arith.constant 0 : i32
          %dma_wait3A_2426 = arith.constant 0 : i32
          %dma_wait3A_2427 = arith.constant 0 : i32
          %dma_wait3A_2428 = tpu.memref_slice %arg8[%dma_wait3A_2425, %dma_wait3A_2426, %dma_wait3A_2427] : memref<2x4x16xi32, #tpu.memory_space<vmem>> -> memref<1x4x16xi32, #tpu.memory_space<vmem>>
          %dma_wait3A_2429 = tpu.memref_squeeze %dma_wait3A_2428 : memref<1x4x16xi32, #tpu.memory_space<vmem>> -> memref<4x16xi32, #tpu.memory_space<vmem>>
          %dma_wait3A_2430 = arith.constant 0 : i32
          %dma_wait3A_2431 = arith.constant 0 : i32
          %dma_wait3A_2432 = tpu.memref_slice %arg2[%arg1, %dma_wait3A_2430, %dma_wait3A_2431] : memref<16x1256x16xi32, #tpu.memory_space<hbm>> -> memref<1x1256x16xi32, #tpu.memory_space<hbm>>
          %dma_wait3A_2433 = tpu.memref_squeeze %dma_wait3A_2432 : memref<1x1256x16xi32, #tpu.memory_space<hbm>> -> memref<1256x16xi32, #tpu.memory_space<hbm>>
          %dma_wait3A_2434 = arith.constant 0 : i32
          %dma_wait3A_2435 = arith.constant 0 : i32
          %dma_wait3A_2436 = tpu.memref_slice %dma_wait3A_2433[%dma_wait3A_2434, %dma_wait3A_2435] : memref<1256x16xi32, #tpu.memory_space<hbm>> -> memref<4x16xi32, #tpu.memory_space<hbm>>
          %dma_wait3A_2437 = arith.constant 0 : i32
          %dma_wait3A_2438 = arith.constant 0 : i32
          %dma_wait3A_2439 = tpu.memref_slice %arg8[%dma_wait3A_2425, %dma_wait3A_2437, %dma_wait3A_2438] : memref<2x4x16xi32, #tpu.memory_space<vmem>> -> memref<1x4x16xi32, #tpu.memory_space<vmem>>
          %dma_wait3A_2440 = tpu.memref_squeeze %dma_wait3A_2439 : memref<1x4x16xi32, #tpu.memory_space<vmem>> -> memref<4x16xi32, #tpu.memory_space<vmem>>
          %dma_wait3A_2441 = arith.constant 0 : i32
          %dma_wait3A_2442 = arith.constant 0 : i32
          %dma_wait3A_2443 = tpu.memref_slice %arg2[%arg1, %dma_wait3A_2441, %dma_wait3A_2442] : memref<16x1256x16xi32, #tpu.memory_space<hbm>> -> memref<1x1256x16xi32, #tpu.memory_space<hbm>>
          %dma_wait3A_2444 = tpu.memref_squeeze %dma_wait3A_2443 : memref<1x1256x16xi32, #tpu.memory_space<hbm>> -> memref<1256x16xi32, #tpu.memory_space<hbm>>
          %dma_wait3A_2445 = arith.constant 0 : i32
          %dma_wait3A_2446 = arith.constant 0 : i32
          %dma_wait3A_2447 = tpu.memref_slice %dma_wait3A_2444[%dma_wait3A_2445, %dma_wait3A_2446] : memref<1256x16xi32, #tpu.memory_space<hbm>> -> memref<4x16xi32, #tpu.memory_space<hbm>>
          tpu.wait_dma2 semaphore(%arg15 : memref<!tpu.dma_semaphore, #tpu.memory_space<semaphore_mem>>) src(%dma_wait3A_2447 : memref<4x16xi32, #tpu.memory_space<hbm>>) dst(%dma_wait3A_2440 : memref<4x16xi32, #tpu.memory_space<vmem>>)
          %dma_wait3A_2448 = arith.constant 0 : i32
          %dma_wait3A_2449 = arith.constant 0 : i32
          %dma_wait3A_2450 = arith.constant 0 : i32
          %dma_wait3A_2451 = tpu.memref_slice %arg9[%dma_wait3A_2448, %dma_wait3A_2449, %dma_wait3A_2450] : memref<2x4x16xi32, #tpu.memory_space<vmem>> -> memref<1x4x16xi32, #tpu.memory_space<vmem>>
          %dma_wait3A_2452 = tpu.memref_squeeze %dma_wait3A_2451 : memref<1x4x16xi32, #tpu.memory_space<vmem>> -> memref<4x16xi32, #tpu.memory_space<vmem>>
          %dma_wait3A_2453 = arith.constant 0 : i32
          %dma_wait3A_2454 = arith.constant 0 : i32
          %dma_wait3A_2455 = tpu.memref_slice %arg3[%arg1, %dma_wait3A_2453, %dma_wait3A_2454] : memref<16x1256x16xi32, #tpu.memory_space<hbm>> -> memref<1x1256x16xi32, #tpu.memory_space<hbm>>
          %dma_wait3A_2456 = tpu.memref_squeeze %dma_wait3A_2455 : memref<1x1256x16xi32, #tpu.memory_space<hbm>> -> memref<1256x16xi32, #tpu.memory_space<hbm>>
          %dma_wait3A_2457 = arith.constant 0 : i32
          %dma_wait3A_2458 = arith.constant 0 : i32
          %dma_wait3A_2459 = tpu.memref_slice %dma_wait3A_2456[%dma_wait3A_2457, %dma_wait3A_2458] : memref<1256x16xi32, #tpu.memory_space<hbm>> -> memref<4x16xi32, #tpu.memory_space<hbm>>
          %dma_wait3A_2460 = arith.constant 0 : i32
          %dma_wait3A_2461 = arith.constant 0 : i32
          %dma_wait3A_2462 = tpu.memref_slice %arg9[%dma_wait3A_2448, %dma_wait3A_2460, %dma_wait3A_2461] : memref<2x4x16xi32, #tpu.memory_space<vmem>> -> memref<1x4x16xi32, #tpu.memory_space<vmem>>
          %dma_wait3A_2463 = tpu.memref_squeeze %dma_wait3A_2462 : memref<1x4x16xi32, #tpu.memory_space<vmem>> -> memref<4x16xi32, #tpu.memory_space<vmem>>
          %dma_wait3A_2464 = arith.constant 0 : i32
          %dma_wait3A_2465 = arith.constant 0 : i32
          %dma_wait3A_2466 = tpu.memref_slice %arg3[%arg1, %dma_wait3A_2464, %dma_wait3A_2465] : memref<16x1256x16xi32, #tpu.memory_space<hbm>> -> memref<1x1256x16xi32, #tpu.memory_space<hbm>>
          %dma_wait3A_2467 = tpu.memref_squeeze %dma_wait3A_2466 : memref<1x1256x16xi32, #tpu.memory_space<hbm>> -> memref<1256x16xi32, #tpu.memory_space<hbm>>
          %dma_wait3A_2468 = arith.constant 0 : i32
          %dma_wait3A_2469 = arith.constant 0 : i32
          %dma_wait3A_2470 = tpu.memref_slice %dma_wait3A_2467[%dma_wait3A_2468, %dma_wait3A_2469] : memref<1256x16xi32, #tpu.memory_space<hbm>> -> memref<4x16xi32, #tpu.memory_space<hbm>>
          tpu.wait_dma2 semaphore(%arg15 : memref<!tpu.dma_semaphore, #tpu.memory_space<semaphore_mem>>) src(%dma_wait3A_2470 : memref<4x16xi32, #tpu.memory_space<hbm>>) dst(%dma_wait3A_2463 : memref<4x16xi32, #tpu.memory_space<vmem>>)
          %dma_wait3A_2471 = arith.constant 0 : i32
          %dma_wait3A_2472 = arith.constant 0 : i32
          %dma_wait3A_2473 = arith.constant 0 : i32
          %dma_wait3A_2474 = tpu.memref_slice %arg10[%dma_wait3A_2471, %dma_wait3A_2472, %dma_wait3A_2473] : memref<2x4x16xf32, #tpu.memory_space<vmem>> -> memref<1x4x16xf32, #tpu.memory_space<vmem>>
          %dma_wait3A_2475 = tpu.memref_squeeze %dma_wait3A_2474 : memref<1x4x16xf32, #tpu.memory_space<vmem>> -> memref<4x16xf32, #tpu.memory_space<vmem>>
          %dma_wait3A_2476 = arith.constant 0 : i32
          %dma_wait3A_2477 = arith.constant 0 : i32
          %dma_wait3A_2478 = tpu.memref_slice %arg4[%arg1, %dma_wait3A_2476, %dma_wait3A_2477] : memref<16x1256x16xf32, #tpu.memory_space<hbm>> -> memref<1x1256x16xf32, #tpu.memory_space<hbm>>
          %dma_wait3A_2479 = tpu.memref_squeeze %dma_wait3A_2478 : memref<1x1256x16xf32, #tpu.memory_space<hbm>> -> memref<1256x16xf32, #tpu.memory_space<hbm>>
          %dma_wait3A_2480 = arith.constant 0 : i32
          %dma_wait3A_2481 = arith.constant 0 : i32
          %dma_wait3A_2482 = tpu.memref_slice %dma_wait3A_2479[%dma_wait3A_2480, %dma_wait3A_2481] : memref<1256x16xf32, #tpu.memory_space<hbm>> -> memref<4x16xf32, #tpu.memory_space<hbm>>
          %dma_wait3A_2483 = arith.constant 0 : i32
          %dma_wait3A_2484 = arith.constant 0 : i32
          %dma_wait3A_2485 = tpu.memref_slice %arg10[%dma_wait3A_2471, %dma_wait3A_2483, %dma_wait3A_2484] : memref<2x4x16xf32, #tpu.memory_space<vmem>> -> memref<1x4x16xf32, #tpu.memory_space<vmem>>
          %dma_wait3A_2486 = tpu.memref_squeeze %dma_wait3A_2485 : memref<1x4x16xf32, #tpu.memory_space<vmem>> -> memref<4x16xf32, #tpu.memory_space<vmem>>
          %dma_wait3A_2487 = arith.constant 0 : i32
          %dma_wait3A_2488 = arith.constant 0 : i32
          %dma_wait3A_2489 = tpu.memref_slice %arg4[%arg1, %dma_wait3A_2487, %dma_wait3A_2488] : memref<16x1256x16xf32, #tpu.memory_space<hbm>> -> memref<1x1256x16xf32, #tpu.memory_space<hbm>>
          %dma_wait3A_2490 = tpu.memref_squeeze %dma_wait3A_2489 : memref<1x1256x16xf32, #tpu.memory_space<hbm>> -> memref<1256x16xf32, #tpu.memory_space<hbm>>
          %dma_wait3A_2491 = arith.constant 0 : i32
          %dma_wait3A_2492 = arith.constant 0 : i32
          %dma_wait3A_2493 = tpu.memref_slice %dma_wait3A_2490[%dma_wait3A_2491, %dma_wait3A_2492] : memref<1256x16xf32, #tpu.memory_space<hbm>> -> memref<4x16xf32, #tpu.memory_space<hbm>>
          tpu.wait_dma2 semaphore(%arg15 : memref<!tpu.dma_semaphore, #tpu.memory_space<semaphore_mem>>) src(%dma_wait3A_2493 : memref<4x16xf32, #tpu.memory_space<hbm>>) dst(%dma_wait3A_2486 : memref<4x16xf32, #tpu.memory_space<vmem>>)
          %jit3A_2494 = arith.constant 4 : i32
          %div3A_2495 = arith.divsi %sub3A_405, %jit3A_2494 : i32
          %sign3A_2496 = arith.constant 0 : i32
          %sign3A_2497 = arith.cmpi sgt, %sub3A_405, %sign3A_2496 : i32
          %sign3A_2498 = arith.extui %sign3A_2497 : i1 to i32
          %sign3A_2499 = arith.constant 0 : i32
          %sign3A_2500 = arith.cmpi slt, %sub3A_405, %sign3A_2499 : i32
          %sign3A_2501 = arith.extui %sign3A_2500 : i1 to i32
          %sign3A_2502 = arith.subi %sign3A_2498, %sign3A_2501 : i32
          %sign3A_2503 = arith.constant 0 : i32
          %sign3A_2504 = arith.cmpi sgt, %jit3A_2494, %sign3A_2503 : i32
          %sign3A_2505 = arith.extui %sign3A_2504 : i1 to i32
          %sign3A_2506 = arith.constant 0 : i32
          %sign3A_2507 = arith.cmpi slt, %jit3A_2494, %sign3A_2506 : i32
          %sign3A_2508 = arith.extui %sign3A_2507 : i1 to i32
          %sign3A_2509 = arith.subi %sign3A_2505, %sign3A_2508 : i32
          %ne3A_2510 = arith.cmpi ne, %sign3A_2502, %sign3A_2509 : i32
          %rem3A_2511 = arith.remsi %sub3A_405, %jit3A_2494 : i32
          %ne3A_2512 = arith.constant 0 : i32
          %ne3A_2513 = arith.cmpi ne, %rem3A_2511, %ne3A_2512 : i32
          %and3A_2514 = arith.andi %ne3A_2510, %ne3A_2513 : i1
          %sub3A_2515 = arith.constant 1 : i32
          %sub3A_2516 = arith.subi %div3A_2495, %sub3A_2515 : i32
          %select_n3A_2517 = arith.select %and3A_2514, %sub3A_2516, %div3A_2495 : i32
          %rem3A_2518 = arith.constant 2 : i32
          %rem3A_2519 = arith.remsi %select_n3A_2517, %rem3A_2518 : i32
          %get3A_2520 = arith.constant 0 : i32
          %get3A_2521 = arith.index_cast %rem3A_2519 : i32 to index
          %get3A_2522 = arith.index_cast %get3A_2520 : i32 to index
          %get3A_2523 = arith.constant 0 : index
          %get3A_2524 = tpu.vector_load %arg9[%get3A_2521, %get3A_2522, %get3A_2523] {strides = array<i32>} : memref<2x4x16xi32, #tpu.memory_space<vmem>>, vector<1x1x16xi32>,
          %get3A_2525 = vector.shape_cast %get3A_2524 : vector<1x1x16xi32> to vector<16xi32>
          %ge3A_2526 = vector.broadcast %mul3A_4 : i32 to vector<16xi32>
          %ge3A_2527 = arith.cmpi sge, %get3A_2525, %ge3A_2526 : vector<16xi32>
          %add3A_2528 = arith.constant 5120 : i32
          %add3A_2529 = arith.addi %mul3A_4, %add3A_2528 : i32
          %lt3A_2530 = vector.broadcast %add3A_2529 : i32 to vector<16xi32>
          %lt3A_2531 = arith.cmpi slt, %get3A_2525, %lt3A_2530 : vector<16xi32>
          %and3A_2532 = arith.andi %ge3A_2527, %lt3A_2531 : vector<16xi1>
          %sub3A_2533 = vector.broadcast %mul3A_4 : i32 to vector<16xi32>
          %sub3A_2534 = arith.subi %get3A_2525, %sub3A_2533 : vector<16xi32>
          %jit3A_2535 = arith.constant 0 : i32
          %broadcast_in_dim3A_2536 = vector.broadcast %jit3A_2535 : i32 to vector<16xi32>
          %select_n3A_2537 = arith.select %and3A_2532, %sub3A_2534, %broadcast_in_dim3A_2536 : vector<16xi1>, vector<16xi32>
          %swap3A_2538 = arith.constant 0 : i32
          %swap3A_2539 = arith.index_cast %rem3A_2519 : i32 to index
          %swap3A_2540 = arith.index_cast %swap3A_2538 : i32 to index
          %swap3A_2541 = arith.constant 0 : index
          %swap3A_2542 = tpu.vector_load %arg9[%swap3A_2539, %swap3A_2540, %swap3A_2541] {strides = array<i32>} : memref<2x4x16xi32, #tpu.memory_space<vmem>>, vector<1x1x16xi32>,
          %swap3A_2543 = vector.shape_cast %swap3A_2542 : vector<1x1x16xi32> to vector<16xi32>
          %swap3A_2544 = vector.shape_cast %select_n3A_2537 : vector<16xi32> to vector<1x1x16xi32>
          tpu.vector_store %arg9[%swap3A_2539, %swap3A_2540, %swap3A_2541], %swap3A_2544 {strides = array<i32>} : memref<2x4x16xi32, #tpu.memory_space<vmem>>, vector<1x1x16xi32>,
          %get3A_2545 = arith.constant 0 : i32
          %get3A_2546 = arith.index_cast %rem3A_2519 : i32 to index
          %get3A_2547 = arith.index_cast %get3A_2545 : i32 to index
          %get3A_2548 = arith.constant 0 : index
          %get3A_2549 = tpu.vector_load %arg10[%get3A_2546, %get3A_2547, %get3A_2548] {strides = array<i32>} : memref<2x4x16xf32, #tpu.memory_space<vmem>>, vector<1x1x16xf32>,
          %get3A_2550 = vector.shape_cast %get3A_2549 : vector<1x1x16xf32> to vector<16xf32>
          %jit3A_2551 = arith.constant 0.000000e+00 : f32
          %broadcast_in_dim3A_2552 = vector.broadcast %jit3A_2551 : f32 to vector<16xf32>
          %select_n3A_2553 = arith.select %and3A_2532, %get3A_2550, %broadcast_in_dim3A_2552 : vector<16xi1>, vector<16xf32>
          %swap3A_2554 = arith.constant 0 : i32
          %swap3A_2555 = arith.index_cast %rem3A_2519 : i32 to index
          %swap3A_2556 = arith.index_cast %swap3A_2554 : i32 to index
          %swap3A_2557 = arith.constant 0 : index
          %swap3A_2558 = tpu.vector_load %arg10[%swap3A_2555, %swap3A_2556, %swap3A_2557] {strides = array<i32>} : memref<2x4x16xf32, #tpu.memory_space<vmem>>, vector<1x1x16xf32>,
          %swap3A_2559 = vector.shape_cast %swap3A_2558 : vector<1x1x16xf32> to vector<16xf32>
          %swap3A_2560 = vector.shape_cast %select_n3A_2553 : vector<16xf32> to vector<1x1x16xf32>
          tpu.vector_store %arg10[%swap3A_2555, %swap3A_2556, %swap3A_2557], %swap3A_2560 {strides = array<i32>} : memref<2x4x16xf32, #tpu.memory_space<vmem>>, vector<1x1x16xf32>,
          %get3A_2561 = arith.constant 1 : i32
          %get3A_2562 = arith.index_cast %rem3A_2519 : i32 to index
          %get3A_2563 = arith.index_cast %get3A_2561 : i32 to index
          %get3A_2564 = arith.constant 0 : index
          %get3A_2565 = tpu.vector_load %arg9[%get3A_2562, %get3A_2563, %get3A_2564] {strides = array<i32>} : memref<2x4x16xi32, #tpu.memory_space<vmem>>, vector<1x1x16xi32>,
          %get3A_2566 = vector.shape_cast %get3A_2565 : vector<1x1x16xi32> to vector<16xi32>
          %ge3A_2567 = vector.broadcast %mul3A_4 : i32 to vector<16xi32>
          %ge3A_2568 = arith.cmpi sge, %get3A_2566, %ge3A_2567 : vector<16xi32>
          %add3A_2569 = arith.constant 5120 : i32
          %add3A_2570 = arith.addi %mul3A_4, %add3A_2569 : i32
          %lt3A_2571 = vector.broadcast %add3A_2570 : i32 to vector<16xi32>
          %lt3A_2572 = arith.cmpi slt, %get3A_2566, %lt3A_2571 : vector<16xi32>
          %and3A_2573 = arith.andi %ge3A_2568, %lt3A_2572 : vector<16xi1>
          %sub3A_2574 = vector.broadcast %mul3A_4 : i32 to vector<16xi32>
          %sub3A_2575 = arith.subi %get3A_2566, %sub3A_2574 : vector<16xi32>
          %jit3A_2576 = arith.constant 0 : i32
          %broadcast_in_dim3A_2577 = vector.broadcast %jit3A_2576 : i32 to vector<16xi32>
          %select_n3A_2578 = arith.select %and3A_2573, %sub3A_2575, %broadcast_in_dim3A_2577 : vector<16xi1>, vector<16xi32>
          %swap3A_2579 = arith.constant 1 : i32
          %swap3A_2580 = arith.index_cast %rem3A_2519 : i32 to index
          %swap3A_2581 = arith.index_cast %swap3A_2579 : i32 to index
          %swap3A_2582 = arith.constant 0 : index
          %swap3A_2583 = tpu.vector_load %arg9[%swap3A_2580, %swap3A_2581, %swap3A_2582] {strides = array<i32>} : memref<2x4x16xi32, #tpu.memory_space<vmem>>, vector<1x1x16xi32>,
          %swap3A_2584 = vector.shape_cast %swap3A_2583 : vector<1x1x16xi32> to vector<16xi32>
          %swap3A_2585 = vector.shape_cast %select_n3A_2578 : vector<16xi32> to vector<1x1x16xi32>
          tpu.vector_store %arg9[%swap3A_2580, %swap3A_2581, %swap3A_2582], %swap3A_2585 {strides = array<i32>} : memref<2x4x16xi32, #tpu.memory_space<vmem>>, vector<1x1x16xi32>,
          %get3A_2586 = arith.constant 1 : i32
          %get3A_2587 = arith.index_cast %rem3A_2519 : i32 to index
          %get3A_2588 = arith.index_cast %get3A_2586 : i32 to index
          %get3A_2589 = arith.constant 0 : index
          %get3A_2590 = tpu.vector_load %arg10[%get3A_2587, %get3A_2588, %get3A_2589] {strides = array<i32>} : memref<2x4x16xf32, #tpu.memory_space<vmem>>, vector<1x1x16xf32>,
          %get3A_2591 = vector.shape_cast %get3A_2590 : vector<1x1x16xf32> to vector<16xf32>
          %jit3A_2592 = arith.constant 0.000000e+00 : f32
          %broadcast_in_dim3A_2593 = vector.broadcast %jit3A_2592 : f32 to vector<16xf32>
          %select_n3A_2594 = arith.select %and3A_2573, %get3A_2591, %broadcast_in_dim3A_2593 : vector<16xi1>, vector<16xf32>
          %swap3A_2595 = arith.constant 1 : i32
          %swap3A_2596 = arith.index_cast %rem3A_2519 : i32 to index
          %swap3A_2597 = arith.index_cast %swap3A_2595 : i32 to index
          %swap3A_2598 = arith.constant 0 : index
          %swap3A_2599 = tpu.vector_load %arg10[%swap3A_2596, %swap3A_2597, %swap3A_2598] {strides = array<i32>} : memref<2x4x16xf32, #tpu.memory_space<vmem>>, vector<1x1x16xf32>,
          %swap3A_2600 = vector.shape_cast %swap3A_2599 : vector<1x1x16xf32> to vector<16xf32>
          %swap3A_2601 = vector.shape_cast %select_n3A_2594 : vector<16xf32> to vector<1x1x16xf32>
          tpu.vector_store %arg10[%swap3A_2596, %swap3A_2597, %swap3A_2598], %swap3A_2601 {strides = array<i32>} : memref<2x4x16xf32, #tpu.memory_space<vmem>>, vector<1x1x16xf32>,
          %get3A_2602 = arith.constant 2 : i32
          %get3A_2603 = arith.index_cast %rem3A_2519 : i32 to index
          %get3A_2604 = arith.index_cast %get3A_2602 : i32 to index
          %get3A_2605 = arith.constant 0 : index
          %get3A_2606 = tpu.vector_load %arg9[%get3A_2603, %get3A_2604, %get3A_2605] {strides = array<i32>} : memref<2x4x16xi32, #tpu.memory_space<vmem>>, vector<1x1x16xi32>,
          %get3A_2607 = vector.shape_cast %get3A_2606 : vector<1x1x16xi32> to vector<16xi32>
          %ge3A_2608 = vector.broadcast %mul3A_4 : i32 to vector<16xi32>
          %ge3A_2609 = arith.cmpi sge, %get3A_2607, %ge3A_2608 : vector<16xi32>
          %add3A_2610 = arith.constant 5120 : i32
          %add3A_2611 = arith.addi %mul3A_4, %add3A_2610 : i32
          %lt3A_2612 = vector.broadcast %add3A_2611 : i32 to vector<16xi32>
          %lt3A_2613 = arith.cmpi slt, %get3A_2607, %lt3A_2612 : vector<16xi32>
          %and3A_2614 = arith.andi %ge3A_2609, %lt3A_2613 : vector<16xi1>
          %sub3A_2615 = vector.broadcast %mul3A_4 : i32 to vector<16xi32>
          %sub3A_2616 = arith.subi %get3A_2607, %sub3A_2615 : vector<16xi32>
          %jit3A_2617 = arith.constant 0 : i32
          %broadcast_in_dim3A_2618 = vector.broadcast %jit3A_2617 : i32 to vector<16xi32>
          %select_n3A_2619 = arith.select %and3A_2614, %sub3A_2616, %broadcast_in_dim3A_2618 : vector<16xi1>, vector<16xi32>
          %swap3A_2620 = arith.constant 2 : i32
          %swap3A_2621 = arith.index_cast %rem3A_2519 : i32 to index
          %swap3A_2622 = arith.index_cast %swap3A_2620 : i32 to index
          %swap3A_2623 = arith.constant 0 : index
          %swap3A_2624 = tpu.vector_load %arg9[%swap3A_2621, %swap3A_2622, %swap3A_2623] {strides = array<i32>} : memref<2x4x16xi32, #tpu.memory_space<vmem>>, vector<1x1x16xi32>,
          %swap3A_2625 = vector.shape_cast %swap3A_2624 : vector<1x1x16xi32> to vector<16xi32>
          %swap3A_2626 = vector.shape_cast %select_n3A_2619 : vector<16xi32> to vector<1x1x16xi32>
          tpu.vector_store %arg9[%swap3A_2621, %swap3A_2622, %swap3A_2623], %swap3A_2626 {strides = array<i32>} : memref<2x4x16xi32, #tpu.memory_space<vmem>>, vector<1x1x16xi32>,
          %get3A_2627 = arith.constant 2 : i32
          %get3A_2628 = arith.index_cast %rem3A_2519 : i32 to index
          %get3A_2629 = arith.index_cast %get3A_2627 : i32 to index
          %get3A_2630 = arith.constant 0 : index
          %get3A_2631 = tpu.vector_load %arg10[%get3A_2628, %get3A_2629, %get3A_2630] {strides = array<i32>} : memref<2x4x16xf32, #tpu.memory_space<vmem>>, vector<1x1x16xf32>,
          %get3A_2632 = vector.shape_cast %get3A_2631 : vector<1x1x16xf32> to vector<16xf32>
          %jit3A_2633 = arith.constant 0.000000e+00 : f32
          %broadcast_in_dim3A_2634 = vector.broadcast %jit3A_2633 : f32 to vector<16xf32>
          %select_n3A_2635 = arith.select %and3A_2614, %get3A_2632, %broadcast_in_dim3A_2634 : vector<16xi1>, vector<16xf32>
          %swap3A_2636 = arith.constant 2 : i32
          %swap3A_2637 = arith.index_cast %rem3A_2519 : i32 to index
          %swap3A_2638 = arith.index_cast %swap3A_2636 : i32 to index
          %swap3A_2639 = arith.constant 0 : index
          %swap3A_2640 = tpu.vector_load %arg10[%swap3A_2637, %swap3A_2638, %swap3A_2639] {strides = array<i32>} : memref<2x4x16xf32, #tpu.memory_space<vmem>>, vector<1x1x16xf32>,
          %swap3A_2641 = vector.shape_cast %swap3A_2640 : vector<1x1x16xf32> to vector<16xf32>
          %swap3A_2642 = vector.shape_cast %select_n3A_2635 : vector<16xf32> to vector<1x1x16xf32>
          tpu.vector_store %arg10[%swap3A_2637, %swap3A_2638, %swap3A_2639], %swap3A_2642 {strides = array<i32>} : memref<2x4x16xf32, #tpu.memory_space<vmem>>, vector<1x1x16xf32>,
          %get3A_2643 = arith.constant 3 : i32
          %get3A_2644 = arith.index_cast %rem3A_2519 : i32 to index
          %get3A_2645 = arith.index_cast %get3A_2643 : i32 to index
          %get3A_2646 = arith.constant 0 : index
          %get3A_2647 = tpu.vector_load %arg9[%get3A_2644, %get3A_2645, %get3A_2646] {strides = array<i32>} : memref<2x4x16xi32, #tpu.memory_space<vmem>>, vector<1x1x16xi32>,
          %get3A_2648 = vector.shape_cast %get3A_2647 : vector<1x1x16xi32> to vector<16xi32>
          %ge3A_2649 = vector.broadcast %mul3A_4 : i32 to vector<16xi32>
          %ge3A_2650 = arith.cmpi sge, %get3A_2648, %ge3A_2649 : vector<16xi32>
          %add3A_2651 = arith.constant 5120 : i32
          %add3A_2652 = arith.addi %mul3A_4, %add3A_2651 : i32
          %lt3A_2653 = vector.broadcast %add3A_2652 : i32 to vector<16xi32>
          %lt3A_2654 = arith.cmpi slt, %get3A_2648, %lt3A_2653 : vector<16xi32>
          %and3A_2655 = arith.andi %ge3A_2650, %lt3A_2654 : vector<16xi1>
          %sub3A_2656 = vector.broadcast %mul3A_4 : i32 to vector<16xi32>
          %sub3A_2657 = arith.subi %get3A_2648, %sub3A_2656 : vector<16xi32>
          %jit3A_2658 = arith.constant 0 : i32
          %broadcast_in_dim3A_2659 = vector.broadcast %jit3A_2658 : i32 to vector<16xi32>
          %select_n3A_2660 = arith.select %and3A_2655, %sub3A_2657, %broadcast_in_dim3A_2659 : vector<16xi1>, vector<16xi32>
          %swap3A_2661 = arith.constant 3 : i32
          %swap3A_2662 = arith.index_cast %rem3A_2519 : i32 to index
          %swap3A_2663 = arith.index_cast %swap3A_2661 : i32 to index
          %swap3A_2664 = arith.constant 0 : index
          %swap3A_2665 = tpu.vector_load %arg9[%swap3A_2662, %swap3A_2663, %swap3A_2664] {strides = array<i32>} : memref<2x4x16xi32, #tpu.memory_space<vmem>>, vector<1x1x16xi32>,
          %swap3A_2666 = vector.shape_cast %swap3A_2665 : vector<1x1x16xi32> to vector<16xi32>
          %swap3A_2667 = vector.shape_cast %select_n3A_2660 : vector<16xi32> to vector<1x1x16xi32>
          tpu.vector_store %arg9[%swap3A_2662, %swap3A_2663, %swap3A_2664], %swap3A_2667 {strides = array<i32>} : memref<2x4x16xi32, #tpu.memory_space<vmem>>, vector<1x1x16xi32>,
          %get3A_2668 = arith.constant 3 : i32
          %get3A_2669 = arith.index_cast %rem3A_2519 : i32 to index
          %get3A_2670 = arith.index_cast %get3A_2668 : i32 to index
          %get3A_2671 = arith.constant 0 : index
          %get3A_2672 = tpu.vector_load %arg10[%get3A_2669, %get3A_2670, %get3A_2671] {strides = array<i32>} : memref<2x4x16xf32, #tpu.memory_space<vmem>>, vector<1x1x16xf32>,
          %get3A_2673 = vector.shape_cast %get3A_2672 : vector<1x1x16xf32> to vector<16xf32>
          %jit3A_2674 = arith.constant 0.000000e+00 : f32
          %broadcast_in_dim3A_2675 = vector.broadcast %jit3A_2674 : f32 to vector<16xf32>
          %select_n3A_2676 = arith.select %and3A_2655, %get3A_2673, %broadcast_in_dim3A_2675 : vector<16xi1>, vector<16xf32>
          %swap3A_2677 = arith.constant 3 : i32
          %swap3A_2678 = arith.index_cast %rem3A_2519 : i32 to index
          %swap3A_2679 = arith.index_cast %swap3A_2677 : i32 to index
          %swap3A_2680 = arith.constant 0 : index
          %swap3A_2681 = tpu.vector_load %arg10[%swap3A_2678, %swap3A_2679, %swap3A_2680] {strides = array<i32>} : memref<2x4x16xf32, #tpu.memory_space<vmem>>, vector<1x1x16xf32>,
          %swap3A_2682 = vector.shape_cast %swap3A_2681 : vector<1x1x16xf32> to vector<16xf32>
          %swap3A_2683 = vector.shape_cast %select_n3A_2676 : vector<16xf32> to vector<1x1x16xf32>
          tpu.vector_store %arg10[%swap3A_2678, %swap3A_2679, %swap3A_2680], %swap3A_2683 {strides = array<i32>} : memref<2x4x16xf32, #tpu.memory_space<vmem>>, vector<1x1x16xf32>,
        } else {
        }
        %jit3A_2381 = arith.constant 4 : i32
        %div3A_2382 = arith.divsi %sub3A_405, %jit3A_2381 : i32
        %sign3A_2383 = arith.constant 0 : i32
        %sign3A_2384 = arith.cmpi sgt, %sub3A_405, %sign3A_2383 : i32
        %sign3A_2385 = arith.extui %sign3A_2384 : i1 to i32
        %sign3A_2386 = arith.constant 0 : i32
        %sign3A_2387 = arith.cmpi slt, %sub3A_405, %sign3A_2386 : i32
        %sign3A_2388 = arith.extui %sign3A_2387 : i1 to i32
        %sign3A_2389 = arith.subi %sign3A_2385, %sign3A_2388 : i32
        %sign3A_2390 = arith.constant 0 : i32
        %sign3A_2391 = arith.cmpi sgt, %jit3A_2381, %sign3A_2390 : i32
        %sign3A_2392 = arith.extui %sign3A_2391 : i1 to i32
        %sign3A_2393 = arith.constant 0 : i32
        %sign3A_2394 = arith.cmpi slt, %jit3A_2381, %sign3A_2393 : i32
        %sign3A_2395 = arith.extui %sign3A_2394 : i1 to i32
        %sign3A_2396 = arith.subi %sign3A_2392, %sign3A_2395 : i32
        %ne3A_2397 = arith.cmpi ne, %sign3A_2389, %sign3A_2396 : i32
        %rem3A_2398 = arith.remsi %sub3A_405, %jit3A_2381 : i32
        %ne3A_2399 = arith.constant 0 : i32
        %ne3A_2400 = arith.cmpi ne, %rem3A_2398, %ne3A_2399 : i32
        %and3A_2401 = arith.andi %ne3A_2397, %ne3A_2400 : i1
        %sub3A_2402 = arith.constant 1 : i32
        %sub3A_2403 = arith.subi %div3A_2382, %sub3A_2402 : i32
        %select_n3A_2404 = arith.select %and3A_2401, %sub3A_2403, %div3A_2382 : i32
        %rem3A_2405 = arith.constant 2 : i32
        %rem3A_2406 = arith.remsi %select_n3A_2404, %rem3A_2405 : i32
        %rem3A_2407 = arith.constant 4 : i32
        %rem3A_2408 = arith.remsi %sub3A_405, %rem3A_2407 : i32
        %rem3A_2409 = arith.constant 2 : i32
        %rem3A_2410 = arith.remsi %sub3A_405, %rem3A_2409 : i32
        %dma_start3A_2411 = arith.constant 0 : i32
        %dma_start3A_2412 = arith.constant 0 : i32
        %dma_start3A_2413 = tpu.memref_slice %arg11[%rem3A_2410, %dma_start3A_2411, %dma_start3A_2412] : memref<2x16x128xf32, #tpu.memory_space<vmem>> -> memref<1x16x128xf32, #tpu.memory_space<vmem>>
        %dma_start3A_2414 = tpu.memref_squeeze %dma_start3A_2413 : memref<1x16x128xf32, #tpu.memory_space<vmem>> -> memref<16x128xf32, #tpu.memory_space<vmem>>
        %dma_start3A_2415 = arith.constant 0 : i32
        %dma_start3A_2416 = arith.constant 0 : i32
        %dma_start3A_2417 = tpu.memref_slice %arg8[%rem3A_2406, %dma_start3A_2415, %dma_start3A_2416] : memref<2x4x16xi32, #tpu.memory_space<vmem>> -> memref<1x4x16xi32, #tpu.memory_space<vmem>>
        %dma_start3A_2418 = tpu.memref_squeeze %dma_start3A_2417 : memref<1x4x16xi32, #tpu.memory_space<vmem>> -> memref<4x16xi32, #tpu.memory_space<vmem>>
        %dma_start3A_2419 = arith.constant 0 : i32
        %dma_start3A_2420 = tpu.memref_slice %dma_start3A_2418[%rem3A_2408, %dma_start3A_2419] : memref<4x16xi32, #tpu.memory_space<vmem>> -> memref<1x16xi32, #tpu.memory_space<vmem>>
        %dma_start3A_2421 = tpu.memref_squeeze %dma_start3A_2420 : memref<1x16xi32, #tpu.memory_space<vmem>> -> memref<16xi32, #tpu.memory_space<vmem>>
        %dma_start3A_2422 = arith.constant 0 : i32
        %dma_start3A_2423 = arith.constant 0 : i32
        %dma_start3A_2424 = tpu.memref_slice %arg12[%dma_start3A_2422, %dma_start3A_2423] : memref<10000x128xf32, #tpu.memory_space<vmem_shared>> -> memref<10000x128xf32, #tpu.memory_space<vmem_shared>>
        tpu.enqueue_indirect_dma source(%dma_start3A_2424 : memref<10000x128xf32, #tpu.memory_space<vmem_shared>>) target(%dma_start3A_2414 : memref<16x128xf32, #tpu.memory_space<vmem>>) offsets(%dma_start3A_2421 : memref<16xi32, #tpu.memory_space<vmem>>) semaphore(%arg14 : memref<!tpu.dma_semaphore, #tpu.memory_space<semaphore_mem>>)
      } else {
      }
      %dma_wait3A_411 = arith.constant 0 : i32
      %dma_wait3A_412 = arith.constant 0 : i32
      %dma_wait3A_413 = tpu.memref_slice %arg11[%rem3A_368, %dma_wait3A_411, %dma_wait3A_412] : memref<2x16x128xf32, #tpu.memory_space<vmem>> -> memref<1x16x128xf32, #tpu.memory_space<vmem>>
      %dma_wait3A_414 = tpu.memref_squeeze %dma_wait3A_413 : memref<1x16x128xf32, #tpu.memory_space<vmem>> -> memref<16x128xf32, #tpu.memory_space<vmem>>
      %dma_wait3A_415 = arith.constant 0 : i32
      %dma_wait3A_416 = arith.constant 0 : i32
      %dma_wait3A_417 = tpu.memref_slice %arg11[%rem3A_368, %dma_wait3A_415, %dma_wait3A_416] : memref<2x16x128xf32, #tpu.memory_space<vmem>> -> memref<1x16x128xf32, #tpu.memory_space<vmem>>
      %dma_wait3A_418 = tpu.memref_squeeze %dma_wait3A_417 : memref<1x16x128xf32, #tpu.memory_space<vmem>> -> memref<16x128xf32, #tpu.memory_space<vmem>>
      tpu.wait_dma2 semaphore(%arg14 : memref<!tpu.dma_semaphore, #tpu.memory_space<semaphore_mem>>) src(%arg6 : memref<16x128xf32, #tpu.memory_space<hbm>>) dst(%dma_wait3A_418 : memref<16x128xf32, #tpu.memory_space<vmem>>)
      %get3A_419 = arith.index_cast %rem3A_393 : i32 to index
      %get3A_420 = arith.index_cast %rem3A_391 : i32 to index
      %get3A_421 = arith.constant 0 : index
      %get3A_422 = tpu.vector_load %arg10[%get3A_419, %get3A_420, %get3A_421] {strides = array<i32>} : memref<2x4x16xf32, #tpu.memory_space<vmem>>, vector<1x1x16xf32>,
      %get3A_423 = vector.shape_cast %get3A_422 : vector<1x1x16xf32> to vector<16xf32>
      %slice3A = vector.extract_strided_slice %get3A_423 {offsets = [0], sizes = [1], strides = [1]} : vector<16xf32> to vector<1xf32>
      %squeeze3A = vector.extract %slice3A[0] : f32 from vector<1xf32>
      %get3A_424 = arith.constant 0 : i32
      %get3A_425 = arith.index_cast %rem3A_368 : i32 to index
      %get3A_426 = arith.index_cast %get3A_424 : i32 to index
      %get3A_427 = arith.constant 0 : index
      %get3A_428 = tpu.vector_load %arg11[%get3A_425, %get3A_426, %get3A_427] {strides = array<i32>} : memref<2x16x128xf32, #tpu.memory_space<vmem>>, vector<1x1x16xf32>,
      %get3A_429 = vector.shape_cast %get3A_428 : vector<1x1x16xf32> to vector<16xf32>
      %mul3A_430 = vector.broadcast %squeeze3A : f32 to vector<16xf32>
      %mul3A_431 = arith.mulf %get3A_429, %mul3A_430 : vector<16xf32>
      %swap3A_432 = arith.constant 0 : i32
      %swap3A_433 = arith.index_cast %rem3A_368 : i32 to index
      %swap3A_434 = arith.index_cast %swap3A_432 : i32 to index
      %swap3A_435 = arith.constant 0 : index
      %swap3A_436 = tpu.vector_load %arg11[%swap3A_433, %swap3A_434, %swap3A_435] {strides = array<i32>} : memref<2x16x128xf32, #tpu.memory_space<vmem>>, vector<1x1x16xf32>,
      %swap3A_437 = vector.shape_cast %swap3A_436 : vector<1x1x16xf32> to vector<16xf32>
      %swap3A_438 = vector.shape_cast %mul3A_431 : vector<16xf32> to vector<1x1x16xf32>
      tpu.vector_store %arg11[%swap3A_433, %swap3A_434, %swap3A_435], %swap3A_438 {strides = array<i32>} : memref<2x16x128xf32, #tpu.memory_space<vmem>>, vector<1x1x16xf32>,
      %get3A_439 = arith.constant 0 : i32
      %get3A_440 = arith.index_cast %rem3A_368 : i32 to index
      %get3A_441 = arith.index_cast %get3A_439 : i32 to index
      %get3A_442 = arith.constant 16 : index
      %get3A_443 = tpu.vector_load %arg11[%get3A_440, %get3A_441, %get3A_442] {strides = array<i32>} : memref<2x16x128xf32, #tpu.memory_space<vmem>>, vector<1x1x16xf32>,
      %get3A_444 = vector.shape_cast %get3A_443 : vector<1x1x16xf32> to vector<16xf32>
      %mul3A_445 = vector.broadcast %squeeze3A : f32 to vector<16xf32>
      %mul3A_446 = arith.mulf %get3A_444, %mul3A_445 : vector<16xf32>
      %swap3A_447 = arith.constant 0 : i32
      %swap3A_448 = arith.index_cast %rem3A_368 : i32 to index
      %swap3A_449 = arith.index_cast %swap3A_447 : i32 to index
      %swap3A_450 = arith.constant 16 : index
      %swap3A_451 = tpu.vector_load %arg11[%swap3A_448, %swap3A_449, %swap3A_450] {strides = array<i32>} : memref<2x16x128xf32, #tpu.memory_space<vmem>>, vector<1x1x16xf32>,
      %swap3A_452 = vector.shape_cast %swap3A_451 : vector<1x1x16xf32> to vector<16xf32>
      %swap3A_453 = vector.shape_cast %mul3A_446 : vector<16xf32> to vector<1x1x16xf32>
      tpu.vector_store %arg11[%swap3A_448, %swap3A_449, %swap3A_450], %swap3A_453 {strides = array<i32>} : memref<2x16x128xf32, #tpu.memory_space<vmem>>, vector<1x1x16xf32>,
      %get3A_454 = arith.constant 0 : i32
      %get3A_455 = arith.index_cast %rem3A_368 : i32 to index
      %get3A_456 = arith.index_cast %get3A_454 : i32 to index
      %get3A_457 = arith.constant 32 : index
      %get3A_458 = tpu.vector_load %arg11[%get3A_455, %get3A_456, %get3A_457] {strides = array<i32>} : memref<2x16x128xf32, #tpu.memory_space<vmem>>, vector<1x1x16xf32>,
      %get3A_459 = vector.shape_cast %get3A_458 : vector<1x1x16xf32> to vector<16xf32>
      %mul3A_460 = vector.broadcast %squeeze3A : f32 to vector<16xf32>
      %mul3A_461 = arith.mulf %get3A_459, %mul3A_460 : vector<16xf32>
      %swap3A_462 = arith.constant 0 : i32
      %swap3A_463 = arith.index_cast %rem3A_368 : i32 to index
      %swap3A_464 = arith.index_cast %swap3A_462 : i32 to index
      %swap3A_465 = arith.constant 32 : index
      %swap3A_466 = tpu.vector_load %arg11[%swap3A_463, %swap3A_464, %swap3A_465] {strides = array<i32>} : memref<2x16x128xf32, #tpu.memory_space<vmem>>, vector<1x1x16xf32>,
      %swap3A_467 = vector.shape_cast %swap3A_466 : vector<1x1x16xf32> to vector<16xf32>
      %swap3A_468 = vector.shape_cast %mul3A_461 : vector<16xf32> to vector<1x1x16xf32>
      tpu.vector_store %arg11[%swap3A_463, %swap3A_464, %swap3A_465], %swap3A_468 {strides = array<i32>} : memref<2x16x128xf32, #tpu.memory_space<vmem>>, vector<1x1x16xf32>,
      %get3A_469 = arith.constant 0 : i32
      %get3A_470 = arith.index_cast %rem3A_368 : i32 to index
      %get3A_471 = arith.index_cast %get3A_469 : i32 to index
      %get3A_472 = arith.constant 48 : index
      %get3A_473 = tpu.vector_load %arg11[%get3A_470, %get3A_471, %get3A_472] {strides = array<i32>} : memref<2x16x128xf32, #tpu.memory_space<vmem>>, vector<1x1x16xf32>,
      %get3A_474 = vector.shape_cast %get3A_473 : vector<1x1x16xf32> to vector<16xf32>
      %mul3A_475 = vector.broadcast %squeeze3A : f32 to vector<16xf32>
      %mul3A_476 = arith.mulf %get3A_474, %mul3A_475 : vector<16xf32>
      %swap3A_477 = arith.constant 0 : i32
      %swap3A_478 = arith.index_cast %rem3A_368 : i32 to index
      %swap3A_479 = arith.index_cast %swap3A_477 : i32 to index
      %swap3A_480 = arith.constant 48 : index
      %swap3A_481 = tpu.vector_load %arg11[%swap3A_478, %swap3A_479, %swap3A_480] {strides = array<i32>} : memref<2x16x128xf32, #tpu.memory_space<vmem>>, vector<1x1x16xf32>,
      %swap3A_482 = vector.shape_cast %swap3A_481 : vector<1x1x16xf32> to vector<16xf32>
      %swap3A_483 = vector.shape_cast %mul3A_476 : vector<16xf32> to vector<1x1x16xf32>
      tpu.vector_store %arg11[%swap3A_478, %swap3A_479, %swap3A_480], %swap3A_483 {strides = array<i32>} : memref<2x16x128xf32, #tpu.memory_space<vmem>>, vector<1x1x16xf32>,
      %get3A_484 = arith.constant 0 : i32
      %get3A_485 = arith.index_cast %rem3A_368 : i32 to index
      %get3A_486 = arith.index_cast %get3A_484 : i32 to index
      %get3A_487 = arith.constant 64 : index
      %get3A_488 = tpu.vector_load %arg11[%get3A_485, %get3A_486, %get3A_487] {strides = array<i32>} : memref<2x16x128xf32, #tpu.memory_space<vmem>>, vector<1x1x16xf32>,
      %get3A_489 = vector.shape_cast %get3A_488 : vector<1x1x16xf32> to vector<16xf32>
      %mul3A_490 = vector.broadcast %squeeze3A : f32 to vector<16xf32>
      %mul3A_491 = arith.mulf %get3A_489, %mul3A_490 : vector<16xf32>
      %swap3A_492 = arith.constant 0 : i32
      %swap3A_493 = arith.index_cast %rem3A_368 : i32 to index
      %swap3A_494 = arith.index_cast %swap3A_492 : i32 to index
      %swap3A_495 = arith.constant 64 : index
      %swap3A_496 = tpu.vector_load %arg11[%swap3A_493, %swap3A_494, %swap3A_495] {strides = array<i32>} : memref<2x16x128xf32, #tpu.memory_space<vmem>>, vector<1x1x16xf32>,
      %swap3A_497 = vector.shape_cast %swap3A_496 : vector<1x1x16xf32> to vector<16xf32>
      %swap3A_498 = vector.shape_cast %mul3A_491 : vector<16xf32> to vector<1x1x16xf32>
      tpu.vector_store %arg11[%swap3A_493, %swap3A_494, %swap3A_495], %swap3A_498 {strides = array<i32>} : memref<2x16x128xf32, #tpu.memory_space<vmem>>, vector<1x1x16xf32>,
      %get3A_499 = arith.constant 0 : i32
      %get3A_500 = arith.index_cast %rem3A_368 : i32 to index
      %get3A_501 = arith.index_cast %get3A_499 : i32 to index
      %get3A_502 = arith.constant 80 : index
      %get3A_503 = tpu.vector_load %arg11[%get3A_500, %get3A_501, %get3A_502] {strides = array<i32>} : memref<2x16x128xf32, #tpu.memory_space<vmem>>, vector<1x1x16xf32>,
      %get3A_504 = vector.shape_cast %get3A_503 : vector<1x1x16xf32> to vector<16xf32>
      %mul3A_505 = vector.broadcast %squeeze3A : f32 to vector<16xf32>
      %mul3A_506 = arith.mulf %get3A_504, %mul3A_505 : vector<16xf32>
      %swap3A_507 = arith.constant 0 : i32
      %swap3A_508 = arith.index_cast %rem3A_368 : i32 to index
      %swap3A_509 = arith.index_cast %swap3A_507 : i32 to index
      %swap3A_510 = arith.constant 80 : index
      %swap3A_511 = tpu.vector_load %arg11[%swap3A_508, %swap3A_509, %swap3A_510] {strides = array<i32>} : memref<2x16x128xf32, #tpu.memory_space<vmem>>, vector<1x1x16xf32>,
      %swap3A_512 = vector.shape_cast %swap3A_511 : vector<1x1x16xf32> to vector<16xf32>
      %swap3A_513 = vector.shape_cast %mul3A_506 : vector<16xf32> to vector<1x1x16xf32>
      tpu.vector_store %arg11[%swap3A_508, %swap3A_509, %swap3A_510], %swap3A_513 {strides = array<i32>} : memref<2x16x128xf32, #tpu.memory_space<vmem>>, vector<1x1x16xf32>,
      %get3A_514 = arith.constant 0 : i32
      %get3A_515 = arith.index_cast %rem3A_368 : i32 to index
      %get3A_516 = arith.index_cast %get3A_514 : i32 to index
      %get3A_517 = arith.constant 96 : index
      %get3A_518 = tpu.vector_load %arg11[%get3A_515, %get3A_516, %get3A_517] {strides = array<i32>} : memref<2x16x128xf32, #tpu.memory_space<vmem>>, vector<1x1x16xf32>,
      %get3A_519 = vector.shape_cast %get3A_518 : vector<1x1x16xf32> to vector<16xf32>
      %mul3A_520 = vector.broadcast %squeeze3A : f32 to vector<16xf32>
      %mul3A_521 = arith.mulf %get3A_519, %mul3A_520 : vector<16xf32>
      %swap3A_522 = arith.constant 0 : i32
      %swap3A_523 = arith.index_cast %rem3A_368 : i32 to index
      %swap3A_524 = arith.index_cast %swap3A_522 : i32 to index
      %swap3A_525 = arith.constant 96 : index
      %swap3A_526 = tpu.vector_load %arg11[%swap3A_523, %swap3A_524, %swap3A_525] {strides = array<i32>} : memref<2x16x128xf32, #tpu.memory_space<vmem>>, vector<1x1x16xf32>,
      %swap3A_527 = vector.shape_cast %swap3A_526 : vector<1x1x16xf32> to vector<16xf32>
      %swap3A_528 = vector.shape_cast %mul3A_521 : vector<16xf32> to vector<1x1x16xf32>
      tpu.vector_store %arg11[%swap3A_523, %swap3A_524, %swap3A_525], %swap3A_528 {strides = array<i32>} : memref<2x16x128xf32, #tpu.memory_space<vmem>>, vector<1x1x16xf32>,
      %get3A_529 = arith.constant 0 : i32
      %get3A_530 = arith.index_cast %rem3A_368 : i32 to index
      %get3A_531 = arith.index_cast %get3A_529 : i32 to index
      %get3A_532 = arith.constant 112 : index
      %get3A_533 = tpu.vector_load %arg11[%get3A_530, %get3A_531, %get3A_532] {strides = array<i32>} : memref<2x16x128xf32, #tpu.memory_space<vmem>>, vector<1x1x16xf32>,
      %get3A_534 = vector.shape_cast %get3A_533 : vector<1x1x16xf32> to vector<16xf32>
      %mul3A_535 = vector.broadcast %squeeze3A : f32 to vector<16xf32>
      %mul3A_536 = arith.mulf %get3A_534, %mul3A_535 : vector<16xf32>
      %swap3A_537 = arith.constant 0 : i32
      %swap3A_538 = arith.index_cast %rem3A_368 : i32 to index
      %swap3A_539 = arith.index_cast %swap3A_537 : i32 to index
      %swap3A_540 = arith.constant 112 : index
      %swap3A_541 = tpu.vector_load %arg11[%swap3A_538, %swap3A_539, %swap3A_540] {strides = array<i32>} : memref<2x16x128xf32, #tpu.memory_space<vmem>>, vector<1x1x16xf32>,
      %swap3A_542 = vector.shape_cast %swap3A_541 : vector<1x1x16xf32> to vector<16xf32>
      %swap3A_543 = vector.shape_cast %mul3A_536 : vector<16xf32> to vector<1x1x16xf32>
      tpu.vector_store %arg11[%swap3A_538, %swap3A_539, %swap3A_540], %swap3A_543 {strides = array<i32>} : memref<2x16x128xf32, #tpu.memory_space<vmem>>, vector<1x1x16xf32>,
      %slice3A_544 = vector.extract_strided_slice %get3A_423 {offsets = [1], sizes = [1], strides = [1]} : vector<16xf32> to vector<1xf32>
      %squeeze3A_545 = vector.extract %slice3A_544[0] : f32 from vector<1xf32>
      %get3A_546 = arith.constant 1 : i32
      %get3A_547 = arith.index_cast %rem3A_368 : i32 to index
      %get3A_548 = arith.index_cast %get3A_546 : i32 to index
      %get3A_549 = arith.constant 0 : index
      %get3A_550 = tpu.vector_load %arg11[%get3A_547, %get3A_548, %get3A_549] {strides = array<i32>} : memref<2x16x128xf32, #tpu.memory_space<vmem>>, vector<1x1x16xf32>,
      %get3A_551 = vector.shape_cast %get3A_550 : vector<1x1x16xf32> to vector<16xf32>
      %mul3A_552 = vector.broadcast %squeeze3A_545 : f32 to vector<16xf32>
      %mul3A_553 = arith.mulf %get3A_551, %mul3A_552 : vector<16xf32>
      %swap3A_554 = arith.constant 1 : i32
      %swap3A_555 = arith.index_cast %rem3A_368 : i32 to index
      %swap3A_556 = arith.index_cast %swap3A_554 : i32 to index
      %swap3A_557 = arith.constant 0 : index
      %swap3A_558 = tpu.vector_load %arg11[%swap3A_555, %swap3A_556, %swap3A_557] {strides = array<i32>} : memref<2x16x128xf32, #tpu.memory_space<vmem>>, vector<1x1x16xf32>,
      %swap3A_559 = vector.shape_cast %swap3A_558 : vector<1x1x16xf32> to vector<16xf32>
      %swap3A_560 = vector.shape_cast %mul3A_553 : vector<16xf32> to vector<1x1x16xf32>
      tpu.vector_store %arg11[%swap3A_555, %swap3A_556, %swap3A_557], %swap3A_560 {strides = array<i32>} : memref<2x16x128xf32, #tpu.memory_space<vmem>>, vector<1x1x16xf32>,
      %get3A_561 = arith.constant 1 : i32
      %get3A_562 = arith.index_cast %rem3A_368 : i32 to index
      %get3A_563 = arith.index_cast %get3A_561 : i32 to index
      %get3A_564 = arith.constant 16 : index
      %get3A_565 = tpu.vector_load %arg11[%get3A_562, %get3A_563, %get3A_564] {strides = array<i32>} : memref<2x16x128xf32, #tpu.memory_space<vmem>>, vector<1x1x16xf32>,
      %get3A_566 = vector.shape_cast %get3A_565 : vector<1x1x16xf32> to vector<16xf32>
      %mul3A_567 = vector.broadcast %squeeze3A_545 : f32 to vector<16xf32>
      %mul3A_568 = arith.mulf %get3A_566, %mul3A_567 : vector<16xf32>
      %swap3A_569 = arith.constant 1 : i32
      %swap3A_570 = arith.index_cast %rem3A_368 : i32 to index
      %swap3A_571 = arith.index_cast %swap3A_569 : i32 to index
      %swap3A_572 = arith.constant 16 : index
      %swap3A_573 = tpu.vector_load %arg11[%swap3A_570, %swap3A_571, %swap3A_572] {strides = array<i32>} : memref<2x16x128xf32, #tpu.memory_space<vmem>>, vector<1x1x16xf32>,
      %swap3A_574 = vector.shape_cast %swap3A_573 : vector<1x1x16xf32> to vector<16xf32>
      %swap3A_575 = vector.shape_cast %mul3A_568 : vector<16xf32> to vector<1x1x16xf32>
      tpu.vector_store %arg11[%swap3A_570, %swap3A_571, %swap3A_572], %swap3A_575 {strides = array<i32>} : memref<2x16x128xf32, #tpu.memory_space<vmem>>, vector<1x1x16xf32>,
      %get3A_576 = arith.constant 1 : i32
      %get3A_577 = arith.index_cast %rem3A_368 : i32 to index
      %get3A_578 = arith.index_cast %get3A_576 : i32 to index
      %get3A_579 = arith.constant 32 : index
      %get3A_580 = tpu.vector_load %arg11[%get3A_577, %get3A_578, %get3A_579] {strides = array<i32>} : memref<2x16x128xf32, #tpu.memory_space<vmem>>, vector<1x1x16xf32>,
      %get3A_581 = vector.shape_cast %get3A_580 : vector<1x1x16xf32> to vector<16xf32>
      %mul3A_582 = vector.broadcast %squeeze3A_545 : f32 to vector<16xf32>
      %mul3A_583 = arith.mulf %get3A_581, %mul3A_582 : vector<16xf32>
      %swap3A_584 = arith.constant 1 : i32
      %swap3A_585 = arith.index_cast %rem3A_368 : i32 to index
      %swap3A_586 = arith.index_cast %swap3A_584 : i32 to index
      %swap3A_587 = arith.constant 32 : index
      %swap3A_588 = tpu.vector_load %arg11[%swap3A_585, %swap3A_586, %swap3A_587] {strides = array<i32>} : memref<2x16x128xf32, #tpu.memory_space<vmem>>, vector<1x1x16xf32>,
      %swap3A_589 = vector.shape_cast %swap3A_588 : vector<1x1x16xf32> to vector<16xf32>
      %swap3A_590 = vector.shape_cast %mul3A_583 : vector<16xf32> to vector<1x1x16xf32>
      tpu.vector_store %arg11[%swap3A_585, %swap3A_586, %swap3A_587], %swap3A_590 {strides = array<i32>} : memref<2x16x128xf32, #tpu.memory_space<vmem>>, vector<1x1x16xf32>,
      %get3A_591 = arith.constant 1 : i32
      %get3A_592 = arith.index_cast %rem3A_368 : i32 to index
      %get3A_593 = arith.index_cast %get3A_591 : i32 to index
      %get3A_594 = arith.constant 48 : index
      %get3A_595 = tpu.vector_load %arg11[%get3A_592, %get3A_593, %get3A_594] {strides = array<i32>} : memref<2x16x128xf32, #tpu.memory_space<vmem>>, vector<1x1x16xf32>,
      %get3A_596 = vector.shape_cast %get3A_595 : vector<1x1x16xf32> to vector<16xf32>
      %mul3A_597 = vector.broadcast %squeeze3A_545 : f32 to vector<16xf32>
      %mul3A_598 = arith.mulf %get3A_596, %mul3A_597 : vector<16xf32>
      %swap3A_599 = arith.constant 1 : i32
      %swap3A_600 = arith.index_cast %rem3A_368 : i32 to index
      %swap3A_601 = arith.index_cast %swap3A_599 : i32 to index
      %swap3A_602 = arith.constant 48 : index
      %swap3A_603 = tpu.vector_load %arg11[%swap3A_600, %swap3A_601, %swap3A_602] {strides = array<i32>} : memref<2x16x128xf32, #tpu.memory_space<vmem>>, vector<1x1x16xf32>,
      %swap3A_604 = vector.shape_cast %swap3A_603 : vector<1x1x16xf32> to vector<16xf32>
      %swap3A_605 = vector.shape_cast %mul3A_598 : vector<16xf32> to vector<1x1x16xf32>
      tpu.vector_store %arg11[%swap3A_600, %swap3A_601, %swap3A_602], %swap3A_605 {strides = array<i32>} : memref<2x16x128xf32, #tpu.memory_space<vmem>>, vector<1x1x16xf32>,
      %get3A_606 = arith.constant 1 : i32
      %get3A_607 = arith.index_cast %rem3A_368 : i32 to index
      %get3A_608 = arith.index_cast %get3A_606 : i32 to index
      %get3A_609 = arith.constant 64 : index
      %get3A_610 = tpu.vector_load %arg11[%get3A_607, %get3A_608, %get3A_609] {strides = array<i32>} : memref<2x16x128xf32, #tpu.memory_space<vmem>>, vector<1x1x16xf32>,
      %get3A_611 = vector.shape_cast %get3A_610 : vector<1x1x16xf32> to vector<16xf32>
      %mul3A_612 = vector.broadcast %squeeze3A_545 : f32 to vector<16xf32>
      %mul3A_613 = arith.mulf %get3A_611, %mul3A_612 : vector<16xf32>
      %swap3A_614 = arith.constant 1 : i32
      %swap3A_615 = arith.index_cast %rem3A_368 : i32 to index
      %swap3A_616 = arith.index_cast %swap3A_614 : i32 to index
      %swap3A_617 = arith.constant 64 : index
      %swap3A_618 = tpu.vector_load %arg11[%swap3A_615, %swap3A_616, %swap3A_617] {strides = array<i32>} : memref<2x16x128xf32, #tpu.memory_space<vmem>>, vector<1x1x16xf32>,
      %swap3A_619 = vector.shape_cast %swap3A_618 : vector<1x1x16xf32> to vector<16xf32>
      %swap3A_620 = vector.shape_cast %mul3A_613 : vector<16xf32> to vector<1x1x16xf32>
      tpu.vector_store %arg11[%swap3A_615, %swap3A_616, %swap3A_617], %swap3A_620 {strides = array<i32>} : memref<2x16x128xf32, #tpu.memory_space<vmem>>, vector<1x1x16xf32>,
      %get3A_621 = arith.constant 1 : i32
      %get3A_622 = arith.index_cast %rem3A_368 : i32 to index
      %get3A_623 = arith.index_cast %get3A_621 : i32 to index
      %get3A_624 = arith.constant 80 : index
      %get3A_625 = tpu.vector_load %arg11[%get3A_622, %get3A_623, %get3A_624] {strides = array<i32>} : memref<2x16x128xf32, #tpu.memory_space<vmem>>, vector<1x1x16xf32>,
      %get3A_626 = vector.shape_cast %get3A_625 : vector<1x1x16xf32> to vector<16xf32>
      %mul3A_627 = vector.broadcast %squeeze3A_545 : f32 to vector<16xf32>
      %mul3A_628 = arith.mulf %get3A_626, %mul3A_627 : vector<16xf32>
      %swap3A_629 = arith.constant 1 : i32
      %swap3A_630 = arith.index_cast %rem3A_368 : i32 to index
      %swap3A_631 = arith.index_cast %swap3A_629 : i32 to index
      %swap3A_632 = arith.constant 80 : index
      %swap3A_633 = tpu.vector_load %arg11[%swap3A_630, %swap3A_631, %swap3A_632] {strides = array<i32>} : memref<2x16x128xf32, #tpu.memory_space<vmem>>, vector<1x1x16xf32>,
      %swap3A_634 = vector.shape_cast %swap3A_633 : vector<1x1x16xf32> to vector<16xf32>
      %swap3A_635 = vector.shape_cast %mul3A_628 : vector<16xf32> to vector<1x1x16xf32>
      tpu.vector_store %arg11[%swap3A_630, %swap3A_631, %swap3A_632], %swap3A_635 {strides = array<i32>} : memref<2x16x128xf32, #tpu.memory_space<vmem>>, vector<1x1x16xf32>,
      %get3A_636 = arith.constant 1 : i32
      %get3A_637 = arith.index_cast %rem3A_368 : i32 to index
      %get3A_638 = arith.index_cast %get3A_636 : i32 to index
      %get3A_639 = arith.constant 96 : index
      %get3A_640 = tpu.vector_load %arg11[%get3A_637, %get3A_638, %get3A_639] {strides = array<i32>} : memref<2x16x128xf32, #tpu.memory_space<vmem>>, vector<1x1x16xf32>,
      %get3A_641 = vector.shape_cast %get3A_640 : vector<1x1x16xf32> to vector<16xf32>
      %mul3A_642 = vector.broadcast %squeeze3A_545 : f32 to vector<16xf32>
      %mul3A_643 = arith.mulf %get3A_641, %mul3A_642 : vector<16xf32>
      %swap3A_644 = arith.constant 1 : i32
      %swap3A_645 = arith.index_cast %rem3A_368 : i32 to index
      %swap3A_646 = arith.index_cast %swap3A_644 : i32 to index
      %swap3A_647 = arith.constant 96 : index
      %swap3A_648 = tpu.vector_load %arg11[%swap3A_645, %swap3A_646, %swap3A_647] {strides = array<i32>} : memref<2x16x128xf32, #tpu.memory_space<vmem>>, vector<1x1x16xf32>,
      %swap3A_649 = vector.shape_cast %swap3A_648 : vector<1x1x16xf32> to vector<16xf32>
      %swap3A_650 = vector.shape_cast %mul3A_643 : vector<16xf32> to vector<1x1x16xf32>
      tpu.vector_store %arg11[%swap3A_645, %swap3A_646, %swap3A_647], %swap3A_650 {strides = array<i32>} : memref<2x16x128xf32, #tpu.memory_space<vmem>>, vector<1x1x16xf32>,
      %get3A_651 = arith.constant 1 : i32
      %get3A_652 = arith.index_cast %rem3A_368 : i32 to index
      %get3A_653 = arith.index_cast %get3A_651 : i32 to index
      %get3A_654 = arith.constant 112 : index
      %get3A_655 = tpu.vector_load %arg11[%get3A_652, %get3A_653, %get3A_654] {strides = array<i32>} : memref<2x16x128xf32, #tpu.memory_space<vmem>>, vector<1x1x16xf32>,
      %get3A_656 = vector.shape_cast %get3A_655 : vector<1x1x16xf32> to vector<16xf32>
      %mul3A_657 = vector.broadcast %squeeze3A_545 : f32 to vector<16xf32>
      %mul3A_658 = arith.mulf %get3A_656, %mul3A_657 : vector<16xf32>
      %swap3A_659 = arith.constant 1 : i32
      %swap3A_660 = arith.index_cast %rem3A_368 : i32 to index
      %swap3A_661 = arith.index_cast %swap3A_659 : i32 to index
      %swap3A_662 = arith.constant 112 : index
      %swap3A_663 = tpu.vector_load %arg11[%swap3A_660, %swap3A_661, %swap3A_662] {strides = array<i32>} : memref<2x16x128xf32, #tpu.memory_space<vmem>>, vector<1x1x16xf32>,
      %swap3A_664 = vector.shape_cast %swap3A_663 : vector<1x1x16xf32> to vector<16xf32>
      %swap3A_665 = vector.shape_cast %mul3A_658 : vector<16xf32> to vector<1x1x16xf32>
      tpu.vector_store %arg11[%swap3A_660, %swap3A_661, %swap3A_662], %swap3A_665 {strides = array<i32>} : memref<2x16x128xf32, #tpu.memory_space<vmem>>, vector<1x1x16xf32>,
      %slice3A_666 = vector.extract_strided_slice %get3A_423 {offsets = [2], sizes = [1], strides = [1]} : vector<16xf32> to vector<1xf32>
      %squeeze3A_667 = vector.extract %slice3A_666[0] : f32 from vector<1xf32>
      %get3A_668 = arith.constant 2 : i32
      %get3A_669 = arith.index_cast %rem3A_368 : i32 to index
      %get3A_670 = arith.index_cast %get3A_668 : i32 to index
      %get3A_671 = arith.constant 0 : index
      %get3A_672 = tpu.vector_load %arg11[%get3A_669, %get3A_670, %get3A_671] {strides = array<i32>} : memref<2x16x128xf32, #tpu.memory_space<vmem>>, vector<1x1x16xf32>,
      %get3A_673 = vector.shape_cast %get3A_672 : vector<1x1x16xf32> to vector<16xf32>
      %mul3A_674 = vector.broadcast %squeeze3A_667 : f32 to vector<16xf32>
      %mul3A_675 = arith.mulf %get3A_673, %mul3A_674 : vector<16xf32>
      %swap3A_676 = arith.constant 2 : i32
      %swap3A_677 = arith.index_cast %rem3A_368 : i32 to index
      %swap3A_678 = arith.index_cast %swap3A_676 : i32 to index
      %swap3A_679 = arith.constant 0 : index
      %swap3A_680 = tpu.vector_load %arg11[%swap3A_677, %swap3A_678, %swap3A_679] {strides = array<i32>} : memref<2x16x128xf32, #tpu.memory_space<vmem>>, vector<1x1x16xf32>,
      %swap3A_681 = vector.shape_cast %swap3A_680 : vector<1x1x16xf32> to vector<16xf32>
      %swap3A_682 = vector.shape_cast %mul3A_675 : vector<16xf32> to vector<1x1x16xf32>
      tpu.vector_store %arg11[%swap3A_677, %swap3A_678, %swap3A_679], %swap3A_682 {strides = array<i32>} : memref<2x16x128xf32, #tpu.memory_space<vmem>>, vector<1x1x16xf32>,
      %get3A_683 = arith.constant 2 : i32
      %get3A_684 = arith.index_cast %rem3A_368 : i32 to index
      %get3A_685 = arith.index_cast %get3A_683 : i32 to index
      %get3A_686 = arith.constant 16 : index
      %get3A_687 = tpu.vector_load %arg11[%get3A_684, %get3A_685, %get3A_686] {strides = array<i32>} : memref<2x16x128xf32, #tpu.memory_space<vmem>>, vector<1x1x16xf32>,
      %get3A_688 = vector.shape_cast %get3A_687 : vector<1x1x16xf32> to vector<16xf32>
      %mul3A_689 = vector.broadcast %squeeze3A_667 : f32 to vector<16xf32>
      %mul3A_690 = arith.mulf %get3A_688, %mul3A_689 : vector<16xf32>
      %swap3A_691 = arith.constant 2 : i32
      %swap3A_692 = arith.index_cast %rem3A_368 : i32 to index
      %swap3A_693 = arith.index_cast %swap3A_691 : i32 to index
      %swap3A_694 = arith.constant 16 : index
      %swap3A_695 = tpu.vector_load %arg11[%swap3A_692, %swap3A_693, %swap3A_694] {strides = array<i32>} : memref<2x16x128xf32, #tpu.memory_space<vmem>>, vector<1x1x16xf32>,
      %swap3A_696 = vector.shape_cast %swap3A_695 : vector<1x1x16xf32> to vector<16xf32>
      %swap3A_697 = vector.shape_cast %mul3A_690 : vector<16xf32> to vector<1x1x16xf32>
      tpu.vector_store %arg11[%swap3A_692, %swap3A_693, %swap3A_694], %swap3A_697 {strides = array<i32>} : memref<2x16x128xf32, #tpu.memory_space<vmem>>, vector<1x1x16xf32>,
      %get3A_698 = arith.constant 2 : i32
      %get3A_699 = arith.index_cast %rem3A_368 : i32 to index
      %get3A_700 = arith.index_cast %get3A_698 : i32 to index
      %get3A_701 = arith.constant 32 : index
      %get3A_702 = tpu.vector_load %arg11[%get3A_699, %get3A_700, %get3A_701] {strides = array<i32>} : memref<2x16x128xf32, #tpu.memory_space<vmem>>, vector<1x1x16xf32>,
      %get3A_703 = vector.shape_cast %get3A_702 : vector<1x1x16xf32> to vector<16xf32>
      %mul3A_704 = vector.broadcast %squeeze3A_667 : f32 to vector<16xf32>
      %mul3A_705 = arith.mulf %get3A_703, %mul3A_704 : vector<16xf32>
      %swap3A_706 = arith.constant 2 : i32
      %swap3A_707 = arith.index_cast %rem3A_368 : i32 to index
      %swap3A_708 = arith.index_cast %swap3A_706 : i32 to index
      %swap3A_709 = arith.constant 32 : index
      %swap3A_710 = tpu.vector_load %arg11[%swap3A_707, %swap3A_708, %swap3A_709] {strides = array<i32>} : memref<2x16x128xf32, #tpu.memory_space<vmem>>, vector<1x1x16xf32>,
      %swap3A_711 = vector.shape_cast %swap3A_710 : vector<1x1x16xf32> to vector<16xf32>
      %swap3A_712 = vector.shape_cast %mul3A_705 : vector<16xf32> to vector<1x1x16xf32>
      tpu.vector_store %arg11[%swap3A_707, %swap3A_708, %swap3A_709], %swap3A_712 {strides = array<i32>} : memref<2x16x128xf32, #tpu.memory_space<vmem>>, vector<1x1x16xf32>,
      %get3A_713 = arith.constant 2 : i32
      %get3A_714 = arith.index_cast %rem3A_368 : i32 to index
      %get3A_715 = arith.index_cast %get3A_713 : i32 to index
      %get3A_716 = arith.constant 48 : index
      %get3A_717 = tpu.vector_load %arg11[%get3A_714, %get3A_715, %get3A_716] {strides = array<i32>} : memref<2x16x128xf32, #tpu.memory_space<vmem>>, vector<1x1x16xf32>,
      %get3A_718 = vector.shape_cast %get3A_717 : vector<1x1x16xf32> to vector<16xf32>
      %mul3A_719 = vector.broadcast %squeeze3A_667 : f32 to vector<16xf32>
      %mul3A_720 = arith.mulf %get3A_718, %mul3A_719 : vector<16xf32>
      %swap3A_721 = arith.constant 2 : i32
      %swap3A_722 = arith.index_cast %rem3A_368 : i32 to index
      %swap3A_723 = arith.index_cast %swap3A_721 : i32 to index
      %swap3A_724 = arith.constant 48 : index
      %swap3A_725 = tpu.vector_load %arg11[%swap3A_722, %swap3A_723, %swap3A_724] {strides = array<i32>} : memref<2x16x128xf32, #tpu.memory_space<vmem>>, vector<1x1x16xf32>,
      %swap3A_726 = vector.shape_cast %swap3A_725 : vector<1x1x16xf32> to vector<16xf32>
      %swap3A_727 = vector.shape_cast %mul3A_720 : vector<16xf32> to vector<1x1x16xf32>
      tpu.vector_store %arg11[%swap3A_722, %swap3A_723, %swap3A_724], %swap3A_727 {strides = array<i32>} : memref<2x16x128xf32, #tpu.memory_space<vmem>>, vector<1x1x16xf32>,
      %get3A_728 = arith.constant 2 : i32
      %get3A_729 = arith.index_cast %rem3A_368 : i32 to index
      %get3A_730 = arith.index_cast %get3A_728 : i32 to index
      %get3A_731 = arith.constant 64 : index
      %get3A_732 = tpu.vector_load %arg11[%get3A_729, %get3A_730, %get3A_731] {strides = array<i32>} : memref<2x16x128xf32, #tpu.memory_space<vmem>>, vector<1x1x16xf32>,
      %get3A_733 = vector.shape_cast %get3A_732 : vector<1x1x16xf32> to vector<16xf32>
      %mul3A_734 = vector.broadcast %squeeze3A_667 : f32 to vector<16xf32>
      %mul3A_735 = arith.mulf %get3A_733, %mul3A_734 : vector<16xf32>
      %swap3A_736 = arith.constant 2 : i32
      %swap3A_737 = arith.index_cast %rem3A_368 : i32 to index
      %swap3A_738 = arith.index_cast %swap3A_736 : i32 to index
      %swap3A_739 = arith.constant 64 : index
      %swap3A_740 = tpu.vector_load %arg11[%swap3A_737, %swap3A_738, %swap3A_739] {strides = array<i32>} : memref<2x16x128xf32, #tpu.memory_space<vmem>>, vector<1x1x16xf32>,
      %swap3A_741 = vector.shape_cast %swap3A_740 : vector<1x1x16xf32> to vector<16xf32>
      %swap3A_742 = vector.shape_cast %mul3A_735 : vector<16xf32> to vector<1x1x16xf32>
      tpu.vector_store %arg11[%swap3A_737, %swap3A_738, %swap3A_739], %swap3A_742 {strides = array<i32>} : memref<2x16x128xf32, #tpu.memory_space<vmem>>, vector<1x1x16xf32>,
      %get3A_743 = arith.constant 2 : i32
      %get3A_744 = arith.index_cast %rem3A_368 : i32 to index
      %get3A_745 = arith.index_cast %get3A_743 : i32 to index
      %get3A_746 = arith.constant 80 : index
      %get3A_747 = tpu.vector_load %arg11[%get3A_744, %get3A_745, %get3A_746] {strides = array<i32>} : memref<2x16x128xf32, #tpu.memory_space<vmem>>, vector<1x1x16xf32>,
      %get3A_748 = vector.shape_cast %get3A_747 : vector<1x1x16xf32> to vector<16xf32>
      %mul3A_749 = vector.broadcast %squeeze3A_667 : f32 to vector<16xf32>
      %mul3A_750 = arith.mulf %get3A_748, %mul3A_749 : vector<16xf32>
      %swap3A_751 = arith.constant 2 : i32
      %swap3A_752 = arith.index_cast %rem3A_368 : i32 to index
      %swap3A_753 = arith.index_cast %swap3A_751 : i32 to index
      %swap3A_754 = arith.constant 80 : index
      %swap3A_755 = tpu.vector_load %arg11[%swap3A_752, %swap3A_753, %swap3A_754] {strides = array<i32>} : memref<2x16x128xf32, #tpu.memory_space<vmem>>, vector<1x1x16xf32>,
      %swap3A_756 = vector.shape_cast %swap3A_755 : vector<1x1x16xf32> to vector<16xf32>
      %swap3A_757 = vector.shape_cast %mul3A_750 : vector<16xf32> to vector<1x1x16xf32>
      tpu.vector_store %arg11[%swap3A_752, %swap3A_753, %swap3A_754], %swap3A_757 {strides = array<i32>} : memref<2x16x128xf32, #tpu.memory_space<vmem>>, vector<1x1x16xf32>,
      %get3A_758 = arith.constant 2 : i32
      %get3A_759 = arith.index_cast %rem3A_368 : i32 to index
      %get3A_760 = arith.index_cast %get3A_758 : i32 to index
      %get3A_761 = arith.constant 96 : index
      %get3A_762 = tpu.vector_load %arg11[%get3A_759, %get3A_760, %get3A_761] {strides = array<i32>} : memref<2x16x128xf32, #tpu.memory_space<vmem>>, vector<1x1x16xf32>,
      %get3A_763 = vector.shape_cast %get3A_762 : vector<1x1x16xf32> to vector<16xf32>
      %mul3A_764 = vector.broadcast %squeeze3A_667 : f32 to vector<16xf32>
      %mul3A_765 = arith.mulf %get3A_763, %mul3A_764 : vector<16xf32>
      %swap3A_766 = arith.constant 2 : i32
      %swap3A_767 = arith.index_cast %rem3A_368 : i32 to index
      %swap3A_768 = arith.index_cast %swap3A_766 : i32 to index
      %swap3A_769 = arith.constant 96 : index
      %swap3A_770 = tpu.vector_load %arg11[%swap3A_767, %swap3A_768, %swap3A_769] {strides = array<i32>} : memref<2x16x128xf32, #tpu.memory_space<vmem>>, vector<1x1x16xf32>,
      %swap3A_771 = vector.shape_cast %swap3A_770 : vector<1x1x16xf32> to vector<16xf32>
      %swap3A_772 = vector.shape_cast %mul3A_765 : vector<16xf32> to vector<1x1x16xf32>
      tpu.vector_store %arg11[%swap3A_767, %swap3A_768, %swap3A_769], %swap3A_772 {strides = array<i32>} : memref<2x16x128xf32, #tpu.memory_space<vmem>>, vector<1x1x16xf32>,
      %get3A_773 = arith.constant 2 : i32
      %get3A_774 = arith.index_cast %rem3A_368 : i32 to index
      %get3A_775 = arith.index_cast %get3A_773 : i32 to index
      %get3A_776 = arith.constant 112 : index
      %get3A_777 = tpu.vector_load %arg11[%get3A_774, %get3A_775, %get3A_776] {strides = array<i32>} : memref<2x16x128xf32, #tpu.memory_space<vmem>>, vector<1x1x16xf32>,
      %get3A_778 = vector.shape_cast %get3A_777 : vector<1x1x16xf32> to vector<16xf32>
      %mul3A_779 = vector.broadcast %squeeze3A_667 : f32 to vector<16xf32>
      %mul3A_780 = arith.mulf %get3A_778, %mul3A_779 : vector<16xf32>
      %swap3A_781 = arith.constant 2 : i32
      %swap3A_782 = arith.index_cast %rem3A_368 : i32 to index
      %swap3A_783 = arith.index_cast %swap3A_781 : i32 to index
      %swap3A_784 = arith.constant 112 : index
      %swap3A_785 = tpu.vector_load %arg11[%swap3A_782, %swap3A_783, %swap3A_784] {strides = array<i32>} : memref<2x16x128xf32, #tpu.memory_space<vmem>>, vector<1x1x16xf32>,
      %swap3A_786 = vector.shape_cast %swap3A_785 : vector<1x1x16xf32> to vector<16xf32>
      %swap3A_787 = vector.shape_cast %mul3A_780 : vector<16xf32> to vector<1x1x16xf32>
      tpu.vector_store %arg11[%swap3A_782, %swap3A_783, %swap3A_784], %swap3A_787 {strides = array<i32>} : memref<2x16x128xf32, #tpu.memory_space<vmem>>, vector<1x1x16xf32>,
      %slice3A_788 = vector.extract_strided_slice %get3A_423 {offsets = [3], sizes = [1], strides = [1]} : vector<16xf32> to vector<1xf32>
      %squeeze3A_789 = vector.extract %slice3A_788[0] : f32 from vector<1xf32>
      %get3A_790 = arith.constant 3 : i32
      %get3A_791 = arith.index_cast %rem3A_368 : i32 to index
      %get3A_792 = arith.index_cast %get3A_790 : i32 to index
      %get3A_793 = arith.constant 0 : index
      %get3A_794 = tpu.vector_load %arg11[%get3A_791, %get3A_792, %get3A_793] {strides = array<i32>} : memref<2x16x128xf32, #tpu.memory_space<vmem>>, vector<1x1x16xf32>,
      %get3A_795 = vector.shape_cast %get3A_794 : vector<1x1x16xf32> to vector<16xf32>
      %mul3A_796 = vector.broadcast %squeeze3A_789 : f32 to vector<16xf32>
      %mul3A_797 = arith.mulf %get3A_795, %mul3A_796 : vector<16xf32>
      %swap3A_798 = arith.constant 3 : i32
      %swap3A_799 = arith.index_cast %rem3A_368 : i32 to index
      %swap3A_800 = arith.index_cast %swap3A_798 : i32 to index
      %swap3A_801 = arith.constant 0 : index
      %swap3A_802 = tpu.vector_load %arg11[%swap3A_799, %swap3A_800, %swap3A_801] {strides = array<i32>} : memref<2x16x128xf32, #tpu.memory_space<vmem>>, vector<1x1x16xf32>,
      %swap3A_803 = vector.shape_cast %swap3A_802 : vector<1x1x16xf32> to vector<16xf32>
      %swap3A_804 = vector.shape_cast %mul3A_797 : vector<16xf32> to vector<1x1x16xf32>
      tpu.vector_store %arg11[%swap3A_799, %swap3A_800, %swap3A_801], %swap3A_804 {strides = array<i32>} : memref<2x16x128xf32, #tpu.memory_space<vmem>>, vector<1x1x16xf32>,
      %get3A_805 = arith.constant 3 : i32
      %get3A_806 = arith.index_cast %rem3A_368 : i32 to index
      %get3A_807 = arith.index_cast %get3A_805 : i32 to index
      %get3A_808 = arith.constant 16 : index
      %get3A_809 = tpu.vector_load %arg11[%get3A_806, %get3A_807, %get3A_808] {strides = array<i32>} : memref<2x16x128xf32, #tpu.memory_space<vmem>>, vector<1x1x16xf32>,
      %get3A_810 = vector.shape_cast %get3A_809 : vector<1x1x16xf32> to vector<16xf32>
      %mul3A_811 = vector.broadcast %squeeze3A_789 : f32 to vector<16xf32>
      %mul3A_812 = arith.mulf %get3A_810, %mul3A_811 : vector<16xf32>
      %swap3A_813 = arith.constant 3 : i32
      %swap3A_814 = arith.index_cast %rem3A_368 : i32 to index
      %swap3A_815 = arith.index_cast %swap3A_813 : i32 to index
      %swap3A_816 = arith.constant 16 : index
      %swap3A_817 = tpu.vector_load %arg11[%swap3A_814, %swap3A_815, %swap3A_816] {strides = array<i32>} : memref<2x16x128xf32, #tpu.memory_space<vmem>>, vector<1x1x16xf32>,
      %swap3A_818 = vector.shape_cast %swap3A_817 : vector<1x1x16xf32> to vector<16xf32>
      %swap3A_819 = vector.shape_cast %mul3A_812 : vector<16xf32> to vector<1x1x16xf32>
      tpu.vector_store %arg11[%swap3A_814, %swap3A_815, %swap3A_816], %swap3A_819 {strides = array<i32>} : memref<2x16x128xf32, #tpu.memory_space<vmem>>, vector<1x1x16xf32>,
      %get3A_820 = arith.constant 3 : i32
      %get3A_821 = arith.index_cast %rem3A_368 : i32 to index
      %get3A_822 = arith.index_cast %get3A_820 : i32 to index
      %get3A_823 = arith.constant 32 : index
      %get3A_824 = tpu.vector_load %arg11[%get3A_821, %get3A_822, %get3A_823] {strides = array<i32>} : memref<2x16x128xf32, #tpu.memory_space<vmem>>, vector<1x1x16xf32>,
      %get3A_825 = vector.shape_cast %get3A_824 : vector<1x1x16xf32> to vector<16xf32>
      %mul3A_826 = vector.broadcast %squeeze3A_789 : f32 to vector<16xf32>
      %mul3A_827 = arith.mulf %get3A_825, %mul3A_826 : vector<16xf32>
      %swap3A_828 = arith.constant 3 : i32
      %swap3A_829 = arith.index_cast %rem3A_368 : i32 to index
      %swap3A_830 = arith.index_cast %swap3A_828 : i32 to index
      %swap3A_831 = arith.constant 32 : index
      %swap3A_832 = tpu.vector_load %arg11[%swap3A_829, %swap3A_830, %swap3A_831] {strides = array<i32>} : memref<2x16x128xf32, #tpu.memory_space<vmem>>, vector<1x1x16xf32>,
      %swap3A_833 = vector.shape_cast %swap3A_832 : vector<1x1x16xf32> to vector<16xf32>
      %swap3A_834 = vector.shape_cast %mul3A_827 : vector<16xf32> to vector<1x1x16xf32>
      tpu.vector_store %arg11[%swap3A_829, %swap3A_830, %swap3A_831], %swap3A_834 {strides = array<i32>} : memref<2x16x128xf32, #tpu.memory_space<vmem>>, vector<1x1x16xf32>,
      %get3A_835 = arith.constant 3 : i32
      %get3A_836 = arith.index_cast %rem3A_368 : i32 to index
      %get3A_837 = arith.index_cast %get3A_835 : i32 to index
      %get3A_838 = arith.constant 48 : index
      %get3A_839 = tpu.vector_load %arg11[%get3A_836, %get3A_837, %get3A_838] {strides = array<i32>} : memref<2x16x128xf32, #tpu.memory_space<vmem>>, vector<1x1x16xf32>,
      %get3A_840 = vector.shape_cast %get3A_839 : vector<1x1x16xf32> to vector<16xf32>
      %mul3A_841 = vector.broadcast %squeeze3A_789 : f32 to vector<16xf32>
      %mul3A_842 = arith.mulf %get3A_840, %mul3A_841 : vector<16xf32>
      %swap3A_843 = arith.constant 3 : i32
      %swap3A_844 = arith.index_cast %rem3A_368 : i32 to index
      %swap3A_845 = arith.index_cast %swap3A_843 : i32 to index
      %swap3A_846 = arith.constant 48 : index
      %swap3A_847 = tpu.vector_load %arg11[%swap3A_844, %swap3A_845, %swap3A_846] {strides = array<i32>} : memref<2x16x128xf32, #tpu.memory_space<vmem>>, vector<1x1x16xf32>,
      %swap3A_848 = vector.shape_cast %swap3A_847 : vector<1x1x16xf32> to vector<16xf32>
      %swap3A_849 = vector.shape_cast %mul3A_842 : vector<16xf32> to vector<1x1x16xf32>
      tpu.vector_store %arg11[%swap3A_844, %swap3A_845, %swap3A_846], %swap3A_849 {strides = array<i32>} : memref<2x16x128xf32, #tpu.memory_space<vmem>>, vector<1x1x16xf32>,
      %get3A_850 = arith.constant 3 : i32
      %get3A_851 = arith.index_cast %rem3A_368 : i32 to index
      %get3A_852 = arith.index_cast %get3A_850 : i32 to index
      %get3A_853 = arith.constant 64 : index
      %get3A_854 = tpu.vector_load %arg11[%get3A_851, %get3A_852, %get3A_853] {strides = array<i32>} : memref<2x16x128xf32, #tpu.memory_space<vmem>>, vector<1x1x16xf32>,
      %get3A_855 = vector.shape_cast %get3A_854 : vector<1x1x16xf32> to vector<16xf32>
      %mul3A_856 = vector.broadcast %squeeze3A_789 : f32 to vector<16xf32>
      %mul3A_857 = arith.mulf %get3A_855, %mul3A_856 : vector<16xf32>
      %swap3A_858 = arith.constant 3 : i32
      %swap3A_859 = arith.index_cast %rem3A_368 : i32 to index
      %swap3A_860 = arith.index_cast %swap3A_858 : i32 to index
      %swap3A_861 = arith.constant 64 : index
      %swap3A_862 = tpu.vector_load %arg11[%swap3A_859, %swap3A_860, %swap3A_861] {strides = array<i32>} : memref<2x16x128xf32, #tpu.memory_space<vmem>>, vector<1x1x16xf32>,
      %swap3A_863 = vector.shape_cast %swap3A_862 : vector<1x1x16xf32> to vector<16xf32>
      %swap3A_864 = vector.shape_cast %mul3A_857 : vector<16xf32> to vector<1x1x16xf32>
      tpu.vector_store %arg11[%swap3A_859, %swap3A_860, %swap3A_861], %swap3A_864 {strides = array<i32>} : memref<2x16x128xf32, #tpu.memory_space<vmem>>, vector<1x1x16xf32>,
      %get3A_865 = arith.constant 3 : i32
      %get3A_866 = arith.index_cast %rem3A_368 : i32 to index
      %get3A_867 = arith.index_cast %get3A_865 : i32 to index
      %get3A_868 = arith.constant 80 : index
      %get3A_869 = tpu.vector_load %arg11[%get3A_866, %get3A_867, %get3A_868] {strides = array<i32>} : memref<2x16x128xf32, #tpu.memory_space<vmem>>, vector<1x1x16xf32>,
      %get3A_870 = vector.shape_cast %get3A_869 : vector<1x1x16xf32> to vector<16xf32>
      %mul3A_871 = vector.broadcast %squeeze3A_789 : f32 to vector<16xf32>
      %mul3A_872 = arith.mulf %get3A_870, %mul3A_871 : vector<16xf32>
      %swap3A_873 = arith.constant 3 : i32
      %swap3A_874 = arith.index_cast %rem3A_368 : i32 to index
      %swap3A_875 = arith.index_cast %swap3A_873 : i32 to index
      %swap3A_876 = arith.constant 80 : index
      %swap3A_877 = tpu.vector_load %arg11[%swap3A_874, %swap3A_875, %swap3A_876] {strides = array<i32>} : memref<2x16x128xf32, #tpu.memory_space<vmem>>, vector<1x1x16xf32>,
      %swap3A_878 = vector.shape_cast %swap3A_877 : vector<1x1x16xf32> to vector<16xf32>
      %swap3A_879 = vector.shape_cast %mul3A_872 : vector<16xf32> to vector<1x1x16xf32>
      tpu.vector_store %arg11[%swap3A_874, %swap3A_875, %swap3A_876], %swap3A_879 {strides = array<i32>} : memref<2x16x128xf32, #tpu.memory_space<vmem>>, vector<1x1x16xf32>,
      %get3A_880 = arith.constant 3 : i32
      %get3A_881 = arith.index_cast %rem3A_368 : i32 to index
      %get3A_882 = arith.index_cast %get3A_880 : i32 to index
      %get3A_883 = arith.constant 96 : index
      %get3A_884 = tpu.vector_load %arg11[%get3A_881, %get3A_882, %get3A_883] {strides = array<i32>} : memref<2x16x128xf32, #tpu.memory_space<vmem>>, vector<1x1x16xf32>,
      %get3A_885 = vector.shape_cast %get3A_884 : vector<1x1x16xf32> to vector<16xf32>
      %mul3A_886 = vector.broadcast %squeeze3A_789 : f32 to vector<16xf32>
      %mul3A_887 = arith.mulf %get3A_885, %mul3A_886 : vector<16xf32>
      %swap3A_888 = arith.constant 3 : i32
      %swap3A_889 = arith.index_cast %rem3A_368 : i32 to index
      %swap3A_890 = arith.index_cast %swap3A_888 : i32 to index
      %swap3A_891 = arith.constant 96 : index
      %swap3A_892 = tpu.vector_load %arg11[%swap3A_889, %swap3A_890, %swap3A_891] {strides = array<i32>} : memref<2x16x128xf32, #tpu.memory_space<vmem>>, vector<1x1x16xf32>,
      %swap3A_893 = vector.shape_cast %swap3A_892 : vector<1x1x16xf32> to vector<16xf32>
      %swap3A_894 = vector.shape_cast %mul3A_887 : vector<16xf32> to vector<1x1x16xf32>
      tpu.vector_store %arg11[%swap3A_889, %swap3A_890, %swap3A_891], %swap3A_894 {strides = array<i32>} : memref<2x16x128xf32, #tpu.memory_space<vmem>>, vector<1x1x16xf32>,
      %get3A_895 = arith.constant 3 : i32
      %get3A_896 = arith.index_cast %rem3A_368 : i32 to index
      %get3A_897 = arith.index_cast %get3A_895 : i32 to index
      %get3A_898 = arith.constant 112 : index
      %get3A_899 = tpu.vector_load %arg11[%get3A_896, %get3A_897, %get3A_898] {strides = array<i32>} : memref<2x16x128xf32, #tpu.memory_space<vmem>>, vector<1x1x16xf32>,
      %get3A_900 = vector.shape_cast %get3A_899 : vector<1x1x16xf32> to vector<16xf32>
      %mul3A_901 = vector.broadcast %squeeze3A_789 : f32 to vector<16xf32>
      %mul3A_902 = arith.mulf %get3A_900, %mul3A_901 : vector<16xf32>
      %swap3A_903 = arith.constant 3 : i32
      %swap3A_904 = arith.index_cast %rem3A_368 : i32 to index
      %swap3A_905 = arith.index_cast %swap3A_903 : i32 to index
      %swap3A_906 = arith.constant 112 : index
      %swap3A_907 = tpu.vector_load %arg11[%swap3A_904, %swap3A_905, %swap3A_906] {strides = array<i32>} : memref<2x16x128xf32, #tpu.memory_space<vmem>>, vector<1x1x16xf32>,
      %swap3A_908 = vector.shape_cast %swap3A_907 : vector<1x1x16xf32> to vector<16xf32>
      %swap3A_909 = vector.shape_cast %mul3A_902 : vector<16xf32> to vector<1x1x16xf32>
      tpu.vector_store %arg11[%swap3A_904, %swap3A_905, %swap3A_906], %swap3A_909 {strides = array<i32>} : memref<2x16x128xf32, #tpu.memory_space<vmem>>, vector<1x1x16xf32>,
      %slice3A_910 = vector.extract_strided_slice %get3A_423 {offsets = [4], sizes = [1], strides = [1]} : vector<16xf32> to vector<1xf32>
      %squeeze3A_911 = vector.extract %slice3A_910[0] : f32 from vector<1xf32>
      %get3A_912 = arith.constant 4 : i32
      %get3A_913 = arith.index_cast %rem3A_368 : i32 to index
      %get3A_914 = arith.index_cast %get3A_912 : i32 to index
      %get3A_915 = arith.constant 0 : index
      %get3A_916 = tpu.vector_load %arg11[%get3A_913, %get3A_914, %get3A_915] {strides = array<i32>} : memref<2x16x128xf32, #tpu.memory_space<vmem>>, vector<1x1x16xf32>,
      %get3A_917 = vector.shape_cast %get3A_916 : vector<1x1x16xf32> to vector<16xf32>
      %mul3A_918 = vector.broadcast %squeeze3A_911 : f32 to vector<16xf32>
      %mul3A_919 = arith.mulf %get3A_917, %mul3A_918 : vector<16xf32>
      %swap3A_920 = arith.constant 4 : i32
      %swap3A_921 = arith.index_cast %rem3A_368 : i32 to index
      %swap3A_922 = arith.index_cast %swap3A_920 : i32 to index
      %swap3A_923 = arith.constant 0 : index
      %swap3A_924 = tpu.vector_load %arg11[%swap3A_921, %swap3A_922, %swap3A_923] {strides = array<i32>} : memref<2x16x128xf32, #tpu.memory_space<vmem>>, vector<1x1x16xf32>,
      %swap3A_925 = vector.shape_cast %swap3A_924 : vector<1x1x16xf32> to vector<16xf32>
      %swap3A_926 = vector.shape_cast %mul3A_919 : vector<16xf32> to vector<1x1x16xf32>
      tpu.vector_store %arg11[%swap3A_921, %swap3A_922, %swap3A_923], %swap3A_926 {strides = array<i32>} : memref<2x16x128xf32, #tpu.memory_space<vmem>>, vector<1x1x16xf32>,
      %get3A_927 = arith.constant 4 : i32
      %get3A_928 = arith.index_cast %rem3A_368 : i32 to index
      %get3A_929 = arith.index_cast %get3A_927 : i32 to index
      %get3A_930 = arith.constant 16 : index
      %get3A_931 = tpu.vector_load %arg11[%get3A_928, %get3A_929, %get3A_930] {strides = array<i32>} : memref<2x16x128xf32, #tpu.memory_space<vmem>>, vector<1x1x16xf32>,
      %get3A_932 = vector.shape_cast %get3A_931 : vector<1x1x16xf32> to vector<16xf32>
      %mul3A_933 = vector.broadcast %squeeze3A_911 : f32 to vector<16xf32>
      %mul3A_934 = arith.mulf %get3A_932, %mul3A_933 : vector<16xf32>
      %swap3A_935 = arith.constant 4 : i32
      %swap3A_936 = arith.index_cast %rem3A_368 : i32 to index
      %swap3A_937 = arith.index_cast %swap3A_935 : i32 to index
      %swap3A_938 = arith.constant 16 : index
      %swap3A_939 = tpu.vector_load %arg11[%swap3A_936, %swap3A_937, %swap3A_938] {strides = array<i32>} : memref<2x16x128xf32, #tpu.memory_space<vmem>>, vector<1x1x16xf32>,
      %swap3A_940 = vector.shape_cast %swap3A_939 : vector<1x1x16xf32> to vector<16xf32>
      %swap3A_941 = vector.shape_cast %mul3A_934 : vector<16xf32> to vector<1x1x16xf32>
      tpu.vector_store %arg11[%swap3A_936, %swap3A_937, %swap3A_938], %swap3A_941 {strides = array<i32>} : memref<2x16x128xf32, #tpu.memory_space<vmem>>, vector<1x1x16xf32>,
      %get3A_942 = arith.constant 4 : i32
      %get3A_943 = arith.index_cast %rem3A_368 : i32 to index
      %get3A_944 = arith.index_cast %get3A_942 : i32 to index
      %get3A_945 = arith.constant 32 : index
      %get3A_946 = tpu.vector_load %arg11[%get3A_943, %get3A_944, %get3A_945] {strides = array<i32>} : memref<2x16x128xf32, #tpu.memory_space<vmem>>, vector<1x1x16xf32>,
      %get3A_947 = vector.shape_cast %get3A_946 : vector<1x1x16xf32> to vector<16xf32>
      %mul3A_948 = vector.broadcast %squeeze3A_911 : f32 to vector<16xf32>
      %mul3A_949 = arith.mulf %get3A_947, %mul3A_948 : vector<16xf32>
      %swap3A_950 = arith.constant 4 : i32
      %swap3A_951 = arith.index_cast %rem3A_368 : i32 to index
      %swap3A_952 = arith.index_cast %swap3A_950 : i32 to index
      %swap3A_953 = arith.constant 32 : index
      %swap3A_954 = tpu.vector_load %arg11[%swap3A_951, %swap3A_952, %swap3A_953] {strides = array<i32>} : memref<2x16x128xf32, #tpu.memory_space<vmem>>, vector<1x1x16xf32>,
      %swap3A_955 = vector.shape_cast %swap3A_954 : vector<1x1x16xf32> to vector<16xf32>
      %swap3A_956 = vector.shape_cast %mul3A_949 : vector<16xf32> to vector<1x1x16xf32>
      tpu.vector_store %arg11[%swap3A_951, %swap3A_952, %swap3A_953], %swap3A_956 {strides = array<i32>} : memref<2x16x128xf32, #tpu.memory_space<vmem>>, vector<1x1x16xf32>,
      %get3A_957 = arith.constant 4 : i32
      %get3A_958 = arith.index_cast %rem3A_368 : i32 to index
      %get3A_959 = arith.index_cast %get3A_957 : i32 to index
      %get3A_960 = arith.constant 48 : index
      %get3A_961 = tpu.vector_load %arg11[%get3A_958, %get3A_959, %get3A_960] {strides = array<i32>} : memref<2x16x128xf32, #tpu.memory_space<vmem>>, vector<1x1x16xf32>,
      %get3A_962 = vector.shape_cast %get3A_961 : vector<1x1x16xf32> to vector<16xf32>
      %mul3A_963 = vector.broadcast %squeeze3A_911 : f32 to vector<16xf32>
      %mul3A_964 = arith.mulf %get3A_962, %mul3A_963 : vector<16xf32>
      %swap3A_965 = arith.constant 4 : i32
      %swap3A_966 = arith.index_cast %rem3A_368 : i32 to index
      %swap3A_967 = arith.index_cast %swap3A_965 : i32 to index
      %swap3A_968 = arith.constant 48 : index
      %swap3A_969 = tpu.vector_load %arg11[%swap3A_966, %swap3A_967, %swap3A_968] {strides = array<i32>} : memref<2x16x128xf32, #tpu.memory_space<vmem>>, vector<1x1x16xf32>,
      %swap3A_970 = vector.shape_cast %swap3A_969 : vector<1x1x16xf32> to vector<16xf32>
      %swap3A_971 = vector.shape_cast %mul3A_964 : vector<16xf32> to vector<1x1x16xf32>
      tpu.vector_store %arg11[%swap3A_966, %swap3A_967, %swap3A_968], %swap3A_971 {strides = array<i32>} : memref<2x16x128xf32, #tpu.memory_space<vmem>>, vector<1x1x16xf32>,
      %get3A_972 = arith.constant 4 : i32
      %get3A_973 = arith.index_cast %rem3A_368 : i32 to index
      %get3A_974 = arith.index_cast %get3A_972 : i32 to index
      %get3A_975 = arith.constant 64 : index
      %get3A_976 = tpu.vector_load %arg11[%get3A_973, %get3A_974, %get3A_975] {strides = array<i32>} : memref<2x16x128xf32, #tpu.memory_space<vmem>>, vector<1x1x16xf32>,
      %get3A_977 = vector.shape_cast %get3A_976 : vector<1x1x16xf32> to vector<16xf32>
      %mul3A_978 = vector.broadcast %squeeze3A_911 : f32 to vector<16xf32>
      %mul3A_979 = arith.mulf %get3A_977, %mul3A_978 : vector<16xf32>
      %swap3A_980 = arith.constant 4 : i32
      %swap3A_981 = arith.index_cast %rem3A_368 : i32 to index
      %swap3A_982 = arith.index_cast %swap3A_980 : i32 to index
      %swap3A_983 = arith.constant 64 : index
      %swap3A_984 = tpu.vector_load %arg11[%swap3A_981, %swap3A_982, %swap3A_983] {strides = array<i32>} : memref<2x16x128xf32, #tpu.memory_space<vmem>>, vector<1x1x16xf32>,
      %swap3A_985 = vector.shape_cast %swap3A_984 : vector<1x1x16xf32> to vector<16xf32>
      %swap3A_986 = vector.shape_cast %mul3A_979 : vector<16xf32> to vector<1x1x16xf32>
      tpu.vector_store %arg11[%swap3A_981, %swap3A_982, %swap3A_983], %swap3A_986 {strides = array<i32>} : memref<2x16x128xf32, #tpu.memory_space<vmem>>, vector<1x1x16xf32>,
      %get3A_987 = arith.constant 4 : i32
      %get3A_988 = arith.index_cast %rem3A_368 : i32 to index
      %get3A_989 = arith.index_cast %get3A_987 : i32 to index
      %get3A_990 = arith.constant 80 : index
      %get3A_991 = tpu.vector_load %arg11[%get3A_988, %get3A_989, %get3A_990] {strides = array<i32>} : memref<2x16x128xf32, #tpu.memory_space<vmem>>, vector<1x1x16xf32>,
      %get3A_992 = vector.shape_cast %get3A_991 : vector<1x1x16xf32> to vector<16xf32>
      %mul3A_993 = vector.broadcast %squeeze3A_911 : f32 to vector<16xf32>
      %mul3A_994 = arith.mulf %get3A_992, %mul3A_993 : vector<16xf32>
      %swap3A_995 = arith.constant 4 : i32
      %swap3A_996 = arith.index_cast %rem3A_368 : i32 to index
      %swap3A_997 = arith.index_cast %swap3A_995 : i32 to index
      %swap3A_998 = arith.constant 80 : index
      %swap3A_999 = tpu.vector_load %arg11[%swap3A_996, %swap3A_997, %swap3A_998] {strides = array<i32>} : memref<2x16x128xf32, #tpu.memory_space<vmem>>, vector<1x1x16xf32>,
      %swap3A_1000 = vector.shape_cast %swap3A_999 : vector<1x1x16xf32> to vector<16xf32>
      %swap3A_1001 = vector.shape_cast %mul3A_994 : vector<16xf32> to vector<1x1x16xf32>
      tpu.vector_store %arg11[%swap3A_996, %swap3A_997, %swap3A_998], %swap3A_1001 {strides = array<i32>} : memref<2x16x128xf32, #tpu.memory_space<vmem>>, vector<1x1x16xf32>,
      %get3A_1002 = arith.constant 4 : i32
      %get3A_1003 = arith.index_cast %rem3A_368 : i32 to index
      %get3A_1004 = arith.index_cast %get3A_1002 : i32 to index
      %get3A_1005 = arith.constant 96 : index
      %get3A_1006 = tpu.vector_load %arg11[%get3A_1003, %get3A_1004, %get3A_1005] {strides = array<i32>} : memref<2x16x128xf32, #tpu.memory_space<vmem>>, vector<1x1x16xf32>,
      %get3A_1007 = vector.shape_cast %get3A_1006 : vector<1x1x16xf32> to vector<16xf32>
      %mul3A_1008 = vector.broadcast %squeeze3A_911 : f32 to vector<16xf32>
      %mul3A_1009 = arith.mulf %get3A_1007, %mul3A_1008 : vector<16xf32>
      %swap3A_1010 = arith.constant 4 : i32
      %swap3A_1011 = arith.index_cast %rem3A_368 : i32 to index
      %swap3A_1012 = arith.index_cast %swap3A_1010 : i32 to index
      %swap3A_1013 = arith.constant 96 : index
      %swap3A_1014 = tpu.vector_load %arg11[%swap3A_1011, %swap3A_1012, %swap3A_1013] {strides = array<i32>} : memref<2x16x128xf32, #tpu.memory_space<vmem>>, vector<1x1x16xf32>,
      %swap3A_1015 = vector.shape_cast %swap3A_1014 : vector<1x1x16xf32> to vector<16xf32>
      %swap3A_1016 = vector.shape_cast %mul3A_1009 : vector<16xf32> to vector<1x1x16xf32>
      tpu.vector_store %arg11[%swap3A_1011, %swap3A_1012, %swap3A_1013], %swap3A_1016 {strides = array<i32>} : memref<2x16x128xf32, #tpu.memory_space<vmem>>, vector<1x1x16xf32>,
      %get3A_1017 = arith.constant 4 : i32
      %get3A_1018 = arith.index_cast %rem3A_368 : i32 to index
      %get3A_1019 = arith.index_cast %get3A_1017 : i32 to index
      %get3A_1020 = arith.constant 112 : index
      %get3A_1021 = tpu.vector_load %arg11[%get3A_1018, %get3A_1019, %get3A_1020] {strides = array<i32>} : memref<2x16x128xf32, #tpu.memory_space<vmem>>, vector<1x1x16xf32>,
      %get3A_1022 = vector.shape_cast %get3A_1021 : vector<1x1x16xf32> to vector<16xf32>
      %mul3A_1023 = vector.broadcast %squeeze3A_911 : f32 to vector<16xf32>
      %mul3A_1024 = arith.mulf %get3A_1022, %mul3A_1023 : vector<16xf32>
      %swap3A_1025 = arith.constant 4 : i32
      %swap3A_1026 = arith.index_cast %rem3A_368 : i32 to index
      %swap3A_1027 = arith.index_cast %swap3A_1025 : i32 to index
      %swap3A_1028 = arith.constant 112 : index
      %swap3A_1029 = tpu.vector_load %arg11[%swap3A_1026, %swap3A_1027, %swap3A_1028] {strides = array<i32>} : memref<2x16x128xf32, #tpu.memory_space<vmem>>, vector<1x1x16xf32>,
      %swap3A_1030 = vector.shape_cast %swap3A_1029 : vector<1x1x16xf32> to vector<16xf32>
      %swap3A_1031 = vector.shape_cast %mul3A_1024 : vector<16xf32> to vector<1x1x16xf32>
      tpu.vector_store %arg11[%swap3A_1026, %swap3A_1027, %swap3A_1028], %swap3A_1031 {strides = array<i32>} : memref<2x16x128xf32, #tpu.memory_space<vmem>>, vector<1x1x16xf32>,
      %slice3A_1032 = vector.extract_strided_slice %get3A_423 {offsets = [5], sizes = [1], strides = [1]} : vector<16xf32> to vector<1xf32>
      %squeeze3A_1033 = vector.extract %slice3A_1032[0] : f32 from vector<1xf32>
      %get3A_1034 = arith.constant 5 : i32
      %get3A_1035 = arith.index_cast %rem3A_368 : i32 to index
      %get3A_1036 = arith.index_cast %get3A_1034 : i32 to index
      %get3A_1037 = arith.constant 0 : index
      %get3A_1038 = tpu.vector_load %arg11[%get3A_1035, %get3A_1036, %get3A_1037] {strides = array<i32>} : memref<2x16x128xf32, #tpu.memory_space<vmem>>, vector<1x1x16xf32>,
      %get3A_1039 = vector.shape_cast %get3A_1038 : vector<1x1x16xf32> to vector<16xf32>
      %mul3A_1040 = vector.broadcast %squeeze3A_1033 : f32 to vector<16xf32>
      %mul3A_1041 = arith.mulf %get3A_1039, %mul3A_1040 : vector<16xf32>
      %swap3A_1042 = arith.constant 5 : i32
      %swap3A_1043 = arith.index_cast %rem3A_368 : i32 to index
      %swap3A_1044 = arith.index_cast %swap3A_1042 : i32 to index
      %swap3A_1045 = arith.constant 0 : index
      %swap3A_1046 = tpu.vector_load %arg11[%swap3A_1043, %swap3A_1044, %swap3A_1045] {strides = array<i32>} : memref<2x16x128xf32, #tpu.memory_space<vmem>>, vector<1x1x16xf32>,
      %swap3A_1047 = vector.shape_cast %swap3A_1046 : vector<1x1x16xf32> to vector<16xf32>
      %swap3A_1048 = vector.shape_cast %mul3A_1041 : vector<16xf32> to vector<1x1x16xf32>
      tpu.vector_store %arg11[%swap3A_1043, %swap3A_1044, %swap3A_1045], %swap3A_1048 {strides = array<i32>} : memref<2x16x128xf32, #tpu.memory_space<vmem>>, vector<1x1x16xf32>,
      %get3A_1049 = arith.constant 5 : i32
      %get3A_1050 = arith.index_cast %rem3A_368 : i32 to index
      %get3A_1051 = arith.index_cast %get3A_1049 : i32 to index
      %get3A_1052 = arith.constant 16 : index
      %get3A_1053 = tpu.vector_load %arg11[%get3A_1050, %get3A_1051, %get3A_1052] {strides = array<i32>} : memref<2x16x128xf32, #tpu.memory_space<vmem>>, vector<1x1x16xf32>,
      %get3A_1054 = vector.shape_cast %get3A_1053 : vector<1x1x16xf32> to vector<16xf32>
      %mul3A_1055 = vector.broadcast %squeeze3A_1033 : f32 to vector<16xf32>
      %mul3A_1056 = arith.mulf %get3A_1054, %mul3A_1055 : vector<16xf32>
      %swap3A_1057 = arith.constant 5 : i32
      %swap3A_1058 = arith.index_cast %rem3A_368 : i32 to index
      %swap3A_1059 = arith.index_cast %swap3A_1057 : i32 to index
      %swap3A_1060 = arith.constant 16 : index
      %swap3A_1061 = tpu.vector_load %arg11[%swap3A_1058, %swap3A_1059, %swap3A_1060] {strides = array<i32>} : memref<2x16x128xf32, #tpu.memory_space<vmem>>, vector<1x1x16xf32>,
      %swap3A_1062 = vector.shape_cast %swap3A_1061 : vector<1x1x16xf32> to vector<16xf32>
      %swap3A_1063 = vector.shape_cast %mul3A_1056 : vector<16xf32> to vector<1x1x16xf32>
      tpu.vector_store %arg11[%swap3A_1058, %swap3A_1059, %swap3A_1060], %swap3A_1063 {strides = array<i32>} : memref<2x16x128xf32, #tpu.memory_space<vmem>>, vector<1x1x16xf32>,
      %get3A_1064 = arith.constant 5 : i32
      %get3A_1065 = arith.index_cast %rem3A_368 : i32 to index
      %get3A_1066 = arith.index_cast %get3A_1064 : i32 to index
      %get3A_1067 = arith.constant 32 : index
      %get3A_1068 = tpu.vector_load %arg11[%get3A_1065, %get3A_1066, %get3A_1067] {strides = array<i32>} : memref<2x16x128xf32, #tpu.memory_space<vmem>>, vector<1x1x16xf32>,
      %get3A_1069 = vector.shape_cast %get3A_1068 : vector<1x1x16xf32> to vector<16xf32>
      %mul3A_1070 = vector.broadcast %squeeze3A_1033 : f32 to vector<16xf32>
      %mul3A_1071 = arith.mulf %get3A_1069, %mul3A_1070 : vector<16xf32>
      %swap3A_1072 = arith.constant 5 : i32
      %swap3A_1073 = arith.index_cast %rem3A_368 : i32 to index
      %swap3A_1074 = arith.index_cast %swap3A_1072 : i32 to index
      %swap3A_1075 = arith.constant 32 : index
      %swap3A_1076 = tpu.vector_load %arg11[%swap3A_1073, %swap3A_1074, %swap3A_1075] {strides = array<i32>} : memref<2x16x128xf32, #tpu.memory_space<vmem>>, vector<1x1x16xf32>,
      %swap3A_1077 = vector.shape_cast %swap3A_1076 : vector<1x1x16xf32> to vector<16xf32>
      %swap3A_1078 = vector.shape_cast %mul3A_1071 : vector<16xf32> to vector<1x1x16xf32>
      tpu.vector_store %arg11[%swap3A_1073, %swap3A_1074, %swap3A_1075], %swap3A_1078 {strides = array<i32>} : memref<2x16x128xf32, #tpu.memory_space<vmem>>, vector<1x1x16xf32>,
      %get3A_1079 = arith.constant 5 : i32
      %get3A_1080 = arith.index_cast %rem3A_368 : i32 to index
      %get3A_1081 = arith.index_cast %get3A_1079 : i32 to index
      %get3A_1082 = arith.constant 48 : index
      %get3A_1083 = tpu.vector_load %arg11[%get3A_1080, %get3A_1081, %get3A_1082] {strides = array<i32>} : memref<2x16x128xf32, #tpu.memory_space<vmem>>, vector<1x1x16xf32>,
      %get3A_1084 = vector.shape_cast %get3A_1083 : vector<1x1x16xf32> to vector<16xf32>
      %mul3A_1085 = vector.broadcast %squeeze3A_1033 : f32 to vector<16xf32>
      %mul3A_1086 = arith.mulf %get3A_1084, %mul3A_1085 : vector<16xf32>
      %swap3A_1087 = arith.constant 5 : i32
      %swap3A_1088 = arith.index_cast %rem3A_368 : i32 to index
      %swap3A_1089 = arith.index_cast %swap3A_1087 : i32 to index
      %swap3A_1090 = arith.constant 48 : index
      %swap3A_1091 = tpu.vector_load %arg11[%swap3A_1088, %swap3A_1089, %swap3A_1090] {strides = array<i32>} : memref<2x16x128xf32, #tpu.memory_space<vmem>>, vector<1x1x16xf32>,
      %swap3A_1092 = vector.shape_cast %swap3A_1091 : vector<1x1x16xf32> to vector<16xf32>
      %swap3A_1093 = vector.shape_cast %mul3A_1086 : vector<16xf32> to vector<1x1x16xf32>
      tpu.vector_store %arg11[%swap3A_1088, %swap3A_1089, %swap3A_1090], %swap3A_1093 {strides = array<i32>} : memref<2x16x128xf32, #tpu.memory_space<vmem>>, vector<1x1x16xf32>,
      %get3A_1094 = arith.constant 5 : i32
      %get3A_1095 = arith.index_cast %rem3A_368 : i32 to index
      %get3A_1096 = arith.index_cast %get3A_1094 : i32 to index
      %get3A_1097 = arith.constant 64 : index
      %get3A_1098 = tpu.vector_load %arg11[%get3A_1095, %get3A_1096, %get3A_1097] {strides = array<i32>} : memref<2x16x128xf32, #tpu.memory_space<vmem>>, vector<1x1x16xf32>,
      %get3A_1099 = vector.shape_cast %get3A_1098 : vector<1x1x16xf32> to vector<16xf32>
      %mul3A_1100 = vector.broadcast %squeeze3A_1033 : f32 to vector<16xf32>
      %mul3A_1101 = arith.mulf %get3A_1099, %mul3A_1100 : vector<16xf32>
      %swap3A_1102 = arith.constant 5 : i32
      %swap3A_1103 = arith.index_cast %rem3A_368 : i32 to index
      %swap3A_1104 = arith.index_cast %swap3A_1102 : i32 to index
      %swap3A_1105 = arith.constant 64 : index
      %swap3A_1106 = tpu.vector_load %arg11[%swap3A_1103, %swap3A_1104, %swap3A_1105] {strides = array<i32>} : memref<2x16x128xf32, #tpu.memory_space<vmem>>, vector<1x1x16xf32>,
      %swap3A_1107 = vector.shape_cast %swap3A_1106 : vector<1x1x16xf32> to vector<16xf32>
      %swap3A_1108 = vector.shape_cast %mul3A_1101 : vector<16xf32> to vector<1x1x16xf32>
      tpu.vector_store %arg11[%swap3A_1103, %swap3A_1104, %swap3A_1105], %swap3A_1108 {strides = array<i32>} : memref<2x16x128xf32, #tpu.memory_space<vmem>>, vector<1x1x16xf32>,
      %get3A_1109 = arith.constant 5 : i32
      %get3A_1110 = arith.index_cast %rem3A_368 : i32 to index
      %get3A_1111 = arith.index_cast %get3A_1109 : i32 to index
      %get3A_1112 = arith.constant 80 : index
      %get3A_1113 = tpu.vector_load %arg11[%get3A_1110, %get3A_1111, %get3A_1112] {strides = array<i32>} : memref<2x16x128xf32, #tpu.memory_space<vmem>>, vector<1x1x16xf32>,
      %get3A_1114 = vector.shape_cast %get3A_1113 : vector<1x1x16xf32> to vector<16xf32>
      %mul3A_1115 = vector.broadcast %squeeze3A_1033 : f32 to vector<16xf32>
      %mul3A_1116 = arith.mulf %get3A_1114, %mul3A_1115 : vector<16xf32>
      %swap3A_1117 = arith.constant 5 : i32
      %swap3A_1118 = arith.index_cast %rem3A_368 : i32 to index
      %swap3A_1119 = arith.index_cast %swap3A_1117 : i32 to index
      %swap3A_1120 = arith.constant 80 : index
      %swap3A_1121 = tpu.vector_load %arg11[%swap3A_1118, %swap3A_1119, %swap3A_1120] {strides = array<i32>} : memref<2x16x128xf32, #tpu.memory_space<vmem>>, vector<1x1x16xf32>,
      %swap3A_1122 = vector.shape_cast %swap3A_1121 : vector<1x1x16xf32> to vector<16xf32>
      %swap3A_1123 = vector.shape_cast %mul3A_1116 : vector<16xf32> to vector<1x1x16xf32>
      tpu.vector_store %arg11[%swap3A_1118, %swap3A_1119, %swap3A_1120], %swap3A_1123 {strides = array<i32>} : memref<2x16x128xf32, #tpu.memory_space<vmem>>, vector<1x1x16xf32>,
      %get3A_1124 = arith.constant 5 : i32
      %get3A_1125 = arith.index_cast %rem3A_368 : i32 to index
      %get3A_1126 = arith.index_cast %get3A_1124 : i32 to index
      %get3A_1127 = arith.constant 96 : index
      %get3A_1128 = tpu.vector_load %arg11[%get3A_1125, %get3A_1126, %get3A_1127] {strides = array<i32>} : memref<2x16x128xf32, #tpu.memory_space<vmem>>, vector<1x1x16xf32>,
      %get3A_1129 = vector.shape_cast %get3A_1128 : vector<1x1x16xf32> to vector<16xf32>
      %mul3A_1130 = vector.broadcast %squeeze3A_1033 : f32 to vector<16xf32>
      %mul3A_1131 = arith.mulf %get3A_1129, %mul3A_1130 : vector<16xf32>
      %swap3A_1132 = arith.constant 5 : i32
      %swap3A_1133 = arith.index_cast %rem3A_368 : i32 to index
      %swap3A_1134 = arith.index_cast %swap3A_1132 : i32 to index
      %swap3A_1135 = arith.constant 96 : index
      %swap3A_1136 = tpu.vector_load %arg11[%swap3A_1133, %swap3A_1134, %swap3A_1135] {strides = array<i32>} : memref<2x16x128xf32, #tpu.memory_space<vmem>>, vector<1x1x16xf32>,
      %swap3A_1137 = vector.shape_cast %swap3A_1136 : vector<1x1x16xf32> to vector<16xf32>
      %swap3A_1138 = vector.shape_cast %mul3A_1131 : vector<16xf32> to vector<1x1x16xf32>
      tpu.vector_store %arg11[%swap3A_1133, %swap3A_1134, %swap3A_1135], %swap3A_1138 {strides = array<i32>} : memref<2x16x128xf32, #tpu.memory_space<vmem>>, vector<1x1x16xf32>,
      %get3A_1139 = arith.constant 5 : i32
      %get3A_1140 = arith.index_cast %rem3A_368 : i32 to index
      %get3A_1141 = arith.index_cast %get3A_1139 : i32 to index
      %get3A_1142 = arith.constant 112 : index
      %get3A_1143 = tpu.vector_load %arg11[%get3A_1140, %get3A_1141, %get3A_1142] {strides = array<i32>} : memref<2x16x128xf32, #tpu.memory_space<vmem>>, vector<1x1x16xf32>,
      %get3A_1144 = vector.shape_cast %get3A_1143 : vector<1x1x16xf32> to vector<16xf32>
      %mul3A_1145 = vector.broadcast %squeeze3A_1033 : f32 to vector<16xf32>
      %mul3A_1146 = arith.mulf %get3A_1144, %mul3A_1145 : vector<16xf32>
      %swap3A_1147 = arith.constant 5 : i32
      %swap3A_1148 = arith.index_cast %rem3A_368 : i32 to index
      %swap3A_1149 = arith.index_cast %swap3A_1147 : i32 to index
      %swap3A_1150 = arith.constant 112 : index
      %swap3A_1151 = tpu.vector_load %arg11[%swap3A_1148, %swap3A_1149, %swap3A_1150] {strides = array<i32>} : memref<2x16x128xf32, #tpu.memory_space<vmem>>, vector<1x1x16xf32>,
      %swap3A_1152 = vector.shape_cast %swap3A_1151 : vector<1x1x16xf32> to vector<16xf32>
      %swap3A_1153 = vector.shape_cast %mul3A_1146 : vector<16xf32> to vector<1x1x16xf32>
      tpu.vector_store %arg11[%swap3A_1148, %swap3A_1149, %swap3A_1150], %swap3A_1153 {strides = array<i32>} : memref<2x16x128xf32, #tpu.memory_space<vmem>>, vector<1x1x16xf32>,
      %slice3A_1154 = vector.extract_strided_slice %get3A_423 {offsets = [6], sizes = [1], strides = [1]} : vector<16xf32> to vector<1xf32>
      %squeeze3A_1155 = vector.extract %slice3A_1154[0] : f32 from vector<1xf32>
      %get3A_1156 = arith.constant 6 : i32
      %get3A_1157 = arith.index_cast %rem3A_368 : i32 to index
      %get3A_1158 = arith.index_cast %get3A_1156 : i32 to index
      %get3A_1159 = arith.constant 0 : index
      %get3A_1160 = tpu.vector_load %arg11[%get3A_1157, %get3A_1158, %get3A_1159] {strides = array<i32>} : memref<2x16x128xf32, #tpu.memory_space<vmem>>, vector<1x1x16xf32>,
      %get3A_1161 = vector.shape_cast %get3A_1160 : vector<1x1x16xf32> to vector<16xf32>
      %mul3A_1162 = vector.broadcast %squeeze3A_1155 : f32 to vector<16xf32>
      %mul3A_1163 = arith.mulf %get3A_1161, %mul3A_1162 : vector<16xf32>
      %swap3A_1164 = arith.constant 6 : i32
      %swap3A_1165 = arith.index_cast %rem3A_368 : i32 to index
      %swap3A_1166 = arith.index_cast %swap3A_1164 : i32 to index
      %swap3A_1167 = arith.constant 0 : index
      %swap3A_1168 = tpu.vector_load %arg11[%swap3A_1165, %swap3A_1166, %swap3A_1167] {strides = array<i32>} : memref<2x16x128xf32, #tpu.memory_space<vmem>>, vector<1x1x16xf32>,
      %swap3A_1169 = vector.shape_cast %swap3A_1168 : vector<1x1x16xf32> to vector<16xf32>
      %swap3A_1170 = vector.shape_cast %mul3A_1163 : vector<16xf32> to vector<1x1x16xf32>
      tpu.vector_store %arg11[%swap3A_1165, %swap3A_1166, %swap3A_1167], %swap3A_1170 {strides = array<i32>} : memref<2x16x128xf32, #tpu.memory_space<vmem>>, vector<1x1x16xf32>,
      %get3A_1171 = arith.constant 6 : i32
      %get3A_1172 = arith.index_cast %rem3A_368 : i32 to index
      %get3A_1173 = arith.index_cast %get3A_1171 : i32 to index
      %get3A_1174 = arith.constant 16 : index
      %get3A_1175 = tpu.vector_load %arg11[%get3A_1172, %get3A_1173, %get3A_1174] {strides = array<i32>} : memref<2x16x128xf32, #tpu.memory_space<vmem>>, vector<1x1x16xf32>,
      %get3A_1176 = vector.shape_cast %get3A_1175 : vector<1x1x16xf32> to vector<16xf32>
      %mul3A_1177 = vector.broadcast %squeeze3A_1155 : f32 to vector<16xf32>
      %mul3A_1178 = arith.mulf %get3A_1176, %mul3A_1177 : vector<16xf32>
      %swap3A_1179 = arith.constant 6 : i32
      %swap3A_1180 = arith.index_cast %rem3A_368 : i32 to index
      %swap3A_1181 = arith.index_cast %swap3A_1179 : i32 to index
      %swap3A_1182 = arith.constant 16 : index
      %swap3A_1183 = tpu.vector_load %arg11[%swap3A_1180, %swap3A_1181, %swap3A_1182] {strides = array<i32>} : memref<2x16x128xf32, #tpu.memory_space<vmem>>, vector<1x1x16xf32>,
      %swap3A_1184 = vector.shape_cast %swap3A_1183 : vector<1x1x16xf32> to vector<16xf32>
      %swap3A_1185 = vector.shape_cast %mul3A_1178 : vector<16xf32> to vector<1x1x16xf32>
      tpu.vector_store %arg11[%swap3A_1180, %swap3A_1181, %swap3A_1182], %swap3A_1185 {strides = array<i32>} : memref<2x16x128xf32, #tpu.memory_space<vmem>>, vector<1x1x16xf32>,
      %get3A_1186 = arith.constant 6 : i32
      %get3A_1187 = arith.index_cast %rem3A_368 : i32 to index
      %get3A_1188 = arith.index_cast %get3A_1186 : i32 to index
      %get3A_1189 = arith.constant 32 : index
      %get3A_1190 = tpu.vector_load %arg11[%get3A_1187, %get3A_1188, %get3A_1189] {strides = array<i32>} : memref<2x16x128xf32, #tpu.memory_space<vmem>>, vector<1x1x16xf32>,
      %get3A_1191 = vector.shape_cast %get3A_1190 : vector<1x1x16xf32> to vector<16xf32>
      %mul3A_1192 = vector.broadcast %squeeze3A_1155 : f32 to vector<16xf32>
      %mul3A_1193 = arith.mulf %get3A_1191, %mul3A_1192 : vector<16xf32>
      %swap3A_1194 = arith.constant 6 : i32
      %swap3A_1195 = arith.index_cast %rem3A_368 : i32 to index
      %swap3A_1196 = arith.index_cast %swap3A_1194 : i32 to index
      %swap3A_1197 = arith.constant 32 : index
      %swap3A_1198 = tpu.vector_load %arg11[%swap3A_1195, %swap3A_1196, %swap3A_1197] {strides = array<i32>} : memref<2x16x128xf32, #tpu.memory_space<vmem>>, vector<1x1x16xf32>,
      %swap3A_1199 = vector.shape_cast %swap3A_1198 : vector<1x1x16xf32> to vector<16xf32>
      %swap3A_1200 = vector.shape_cast %mul3A_1193 : vector<16xf32> to vector<1x1x16xf32>
      tpu.vector_store %arg11[%swap3A_1195, %swap3A_1196, %swap3A_1197], %swap3A_1200 {strides = array<i32>} : memref<2x16x128xf32, #tpu.memory_space<vmem>>, vector<1x1x16xf32>,
      %get3A_1201 = arith.constant 6 : i32
      %get3A_1202 = arith.index_cast %rem3A_368 : i32 to index
      %get3A_1203 = arith.index_cast %get3A_1201 : i32 to index
      %get3A_1204 = arith.constant 48 : index
      %get3A_1205 = tpu.vector_load %arg11[%get3A_1202, %get3A_1203, %get3A_1204] {strides = array<i32>} : memref<2x16x128xf32, #tpu.memory_space<vmem>>, vector<1x1x16xf32>,
      %get3A_1206 = vector.shape_cast %get3A_1205 : vector<1x1x16xf32> to vector<16xf32>
      %mul3A_1207 = vector.broadcast %squeeze3A_1155 : f32 to vector<16xf32>
      %mul3A_1208 = arith.mulf %get3A_1206, %mul3A_1207 : vector<16xf32>
      %swap3A_1209 = arith.constant 6 : i32
      %swap3A_1210 = arith.index_cast %rem3A_368 : i32 to index
      %swap3A_1211 = arith.index_cast %swap3A_1209 : i32 to index
      %swap3A_1212 = arith.constant 48 : index
      %swap3A_1213 = tpu.vector_load %arg11[%swap3A_1210, %swap3A_1211, %swap3A_1212] {strides = array<i32>} : memref<2x16x128xf32, #tpu.memory_space<vmem>>, vector<1x1x16xf32>,
      %swap3A_1214 = vector.shape_cast %swap3A_1213 : vector<1x1x16xf32> to vector<16xf32>
      %swap3A_1215 = vector.shape_cast %mul3A_1208 : vector<16xf32> to vector<1x1x16xf32>
      tpu.vector_store %arg11[%swap3A_1210, %swap3A_1211, %swap3A_1212], %swap3A_1215 {strides = array<i32>} : memref<2x16x128xf32, #tpu.memory_space<vmem>>, vector<1x1x16xf32>,
      %get3A_1216 = arith.constant 6 : i32
      %get3A_1217 = arith.index_cast %rem3A_368 : i32 to index
      %get3A_1218 = arith.index_cast %get3A_1216 : i32 to index
      %get3A_1219 = arith.constant 64 : index
      %get3A_1220 = tpu.vector_load %arg11[%get3A_1217, %get3A_1218, %get3A_1219] {strides = array<i32>} : memref<2x16x128xf32, #tpu.memory_space<vmem>>, vector<1x1x16xf32>,
      %get3A_1221 = vector.shape_cast %get3A_1220 : vector<1x1x16xf32> to vector<16xf32>
      %mul3A_1222 = vector.broadcast %squeeze3A_1155 : f32 to vector<16xf32>
      %mul3A_1223 = arith.mulf %get3A_1221, %mul3A_1222 : vector<16xf32>
      %swap3A_1224 = arith.constant 6 : i32
      %swap3A_1225 = arith.index_cast %rem3A_368 : i32 to index
      %swap3A_1226 = arith.index_cast %swap3A_1224 : i32 to index
      %swap3A_1227 = arith.constant 64 : index
      %swap3A_1228 = tpu.vector_load %arg11[%swap3A_1225, %swap3A_1226, %swap3A_1227] {strides = array<i32>} : memref<2x16x128xf32, #tpu.memory_space<vmem>>, vector<1x1x16xf32>,
      %swap3A_1229 = vector.shape_cast %swap3A_1228 : vector<1x1x16xf32> to vector<16xf32>
      %swap3A_1230 = vector.shape_cast %mul3A_1223 : vector<16xf32> to vector<1x1x16xf32>
      tpu.vector_store %arg11[%swap3A_1225, %swap3A_1226, %swap3A_1227], %swap3A_1230 {strides = array<i32>} : memref<2x16x128xf32, #tpu.memory_space<vmem>>, vector<1x1x16xf32>,
      %get3A_1231 = arith.constant 6 : i32
      %get3A_1232 = arith.index_cast %rem3A_368 : i32 to index
      %get3A_1233 = arith.index_cast %get3A_1231 : i32 to index
      %get3A_1234 = arith.constant 80 : index
      %get3A_1235 = tpu.vector_load %arg11[%get3A_1232, %get3A_1233, %get3A_1234] {strides = array<i32>} : memref<2x16x128xf32, #tpu.memory_space<vmem>>, vector<1x1x16xf32>,
      %get3A_1236 = vector.shape_cast %get3A_1235 : vector<1x1x16xf32> to vector<16xf32>
      %mul3A_1237 = vector.broadcast %squeeze3A_1155 : f32 to vector<16xf32>
      %mul3A_1238 = arith.mulf %get3A_1236, %mul3A_1237 : vector<16xf32>
      %swap3A_1239 = arith.constant 6 : i32
      %swap3A_1240 = arith.index_cast %rem3A_368 : i32 to index
      %swap3A_1241 = arith.index_cast %swap3A_1239 : i32 to index
      %swap3A_1242 = arith.constant 80 : index
      %swap3A_1243 = tpu.vector_load %arg11[%swap3A_1240, %swap3A_1241, %swap3A_1242] {strides = array<i32>} : memref<2x16x128xf32, #tpu.memory_space<vmem>>, vector<1x1x16xf32>,
      %swap3A_1244 = vector.shape_cast %swap3A_1243 : vector<1x1x16xf32> to vector<16xf32>
      %swap3A_1245 = vector.shape_cast %mul3A_1238 : vector<16xf32> to vector<1x1x16xf32>
      tpu.vector_store %arg11[%swap3A_1240, %swap3A_1241, %swap3A_1242], %swap3A_1245 {strides = array<i32>} : memref<2x16x128xf32, #tpu.memory_space<vmem>>, vector<1x1x16xf32>,
      %get3A_1246 = arith.constant 6 : i32
      %get3A_1247 = arith.index_cast %rem3A_368 : i32 to index
      %get3A_1248 = arith.index_cast %get3A_1246 : i32 to index
      %get3A_1249 = arith.constant 96 : index
      %get3A_1250 = tpu.vector_load %arg11[%get3A_1247, %get3A_1248, %get3A_1249] {strides = array<i32>} : memref<2x16x128xf32, #tpu.memory_space<vmem>>, vector<1x1x16xf32>,
      %get3A_1251 = vector.shape_cast %get3A_1250 : vector<1x1x16xf32> to vector<16xf32>
      %mul3A_1252 = vector.broadcast %squeeze3A_1155 : f32 to vector<16xf32>
      %mul3A_1253 = arith.mulf %get3A_1251, %mul3A_1252 : vector<16xf32>
      %swap3A_1254 = arith.constant 6 : i32
      %swap3A_1255 = arith.index_cast %rem3A_368 : i32 to index
      %swap3A_1256 = arith.index_cast %swap3A_1254 : i32 to index
      %swap3A_1257 = arith.constant 96 : index
      %swap3A_1258 = tpu.vector_load %arg11[%swap3A_1255, %swap3A_1256, %swap3A_1257] {strides = array<i32>} : memref<2x16x128xf32, #tpu.memory_space<vmem>>, vector<1x1x16xf32>,
      %swap3A_1259 = vector.shape_cast %swap3A_1258 : vector<1x1x16xf32> to vector<16xf32>
      %swap3A_1260 = vector.shape_cast %mul3A_1253 : vector<16xf32> to vector<1x1x16xf32>
      tpu.vector_store %arg11[%swap3A_1255, %swap3A_1256, %swap3A_1257], %swap3A_1260 {strides = array<i32>} : memref<2x16x128xf32, #tpu.memory_space<vmem>>, vector<1x1x16xf32>,
      %get3A_1261 = arith.constant 6 : i32
      %get3A_1262 = arith.index_cast %rem3A_368 : i32 to index
      %get3A_1263 = arith.index_cast %get3A_1261 : i32 to index
      %get3A_1264 = arith.constant 112 : index
      %get3A_1265 = tpu.vector_load %arg11[%get3A_1262, %get3A_1263, %get3A_1264] {strides = array<i32>} : memref<2x16x128xf32, #tpu.memory_space<vmem>>, vector<1x1x16xf32>,
      %get3A_1266 = vector.shape_cast %get3A_1265 : vector<1x1x16xf32> to vector<16xf32>
      %mul3A_1267 = vector.broadcast %squeeze3A_1155 : f32 to vector<16xf32>
      %mul3A_1268 = arith.mulf %get3A_1266, %mul3A_1267 : vector<16xf32>
      %swap3A_1269 = arith.constant 6 : i32
      %swap3A_1270 = arith.index_cast %rem3A_368 : i32 to index
      %swap3A_1271 = arith.index_cast %swap3A_1269 : i32 to index
      %swap3A_1272 = arith.constant 112 : index
      %swap3A_1273 = tpu.vector_load %arg11[%swap3A_1270, %swap3A_1271, %swap3A_1272] {strides = array<i32>} : memref<2x16x128xf32, #tpu.memory_space<vmem>>, vector<1x1x16xf32>,
      %swap3A_1274 = vector.shape_cast %swap3A_1273 : vector<1x1x16xf32> to vector<16xf32>
      %swap3A_1275 = vector.shape_cast %mul3A_1268 : vector<16xf32> to vector<1x1x16xf32>
      tpu.vector_store %arg11[%swap3A_1270, %swap3A_1271, %swap3A_1272], %swap3A_1275 {strides = array<i32>} : memref<2x16x128xf32, #tpu.memory_space<vmem>>, vector<1x1x16xf32>,
      %slice3A_1276 = vector.extract_strided_slice %get3A_423 {offsets = [7], sizes = [1], strides = [1]} : vector<16xf32> to vector<1xf32>
      %squeeze3A_1277 = vector.extract %slice3A_1276[0] : f32 from vector<1xf32>
      %get3A_1278 = arith.constant 7 : i32
      %get3A_1279 = arith.index_cast %rem3A_368 : i32 to index
      %get3A_1280 = arith.index_cast %get3A_1278 : i32 to index
      %get3A_1281 = arith.constant 0 : index
      %get3A_1282 = tpu.vector_load %arg11[%get3A_1279, %get3A_1280, %get3A_1281] {strides = array<i32>} : memref<2x16x128xf32, #tpu.memory_space<vmem>>, vector<1x1x16xf32>,
      %get3A_1283 = vector.shape_cast %get3A_1282 : vector<1x1x16xf32> to vector<16xf32>
      %mul3A_1284 = vector.broadcast %squeeze3A_1277 : f32 to vector<16xf32>
      %mul3A_1285 = arith.mulf %get3A_1283, %mul3A_1284 : vector<16xf32>
      %swap3A_1286 = arith.constant 7 : i32
      %swap3A_1287 = arith.index_cast %rem3A_368 : i32 to index
      %swap3A_1288 = arith.index_cast %swap3A_1286 : i32 to index
      %swap3A_1289 = arith.constant 0 : index
      %swap3A_1290 = tpu.vector_load %arg11[%swap3A_1287, %swap3A_1288, %swap3A_1289] {strides = array<i32>} : memref<2x16x128xf32, #tpu.memory_space<vmem>>, vector<1x1x16xf32>,
      %swap3A_1291 = vector.shape_cast %swap3A_1290 : vector<1x1x16xf32> to vector<16xf32>
      %swap3A_1292 = vector.shape_cast %mul3A_1285 : vector<16xf32> to vector<1x1x16xf32>
      tpu.vector_store %arg11[%swap3A_1287, %swap3A_1288, %swap3A_1289], %swap3A_1292 {strides = array<i32>} : memref<2x16x128xf32, #tpu.memory_space<vmem>>, vector<1x1x16xf32>,
      %get3A_1293 = arith.constant 7 : i32
      %get3A_1294 = arith.index_cast %rem3A_368 : i32 to index
      %get3A_1295 = arith.index_cast %get3A_1293 : i32 to index
      %get3A_1296 = arith.constant 16 : index
      %get3A_1297 = tpu.vector_load %arg11[%get3A_1294, %get3A_1295, %get3A_1296] {strides = array<i32>} : memref<2x16x128xf32, #tpu.memory_space<vmem>>, vector<1x1x16xf32>,
      %get3A_1298 = vector.shape_cast %get3A_1297 : vector<1x1x16xf32> to vector<16xf32>
      %mul3A_1299 = vector.broadcast %squeeze3A_1277 : f32 to vector<16xf32>
      %mul3A_1300 = arith.mulf %get3A_1298, %mul3A_1299 : vector<16xf32>
      %swap3A_1301 = arith.constant 7 : i32
      %swap3A_1302 = arith.index_cast %rem3A_368 : i32 to index
      %swap3A_1303 = arith.index_cast %swap3A_1301 : i32 to index
      %swap3A_1304 = arith.constant 16 : index
      %swap3A_1305 = tpu.vector_load %arg11[%swap3A_1302, %swap3A_1303, %swap3A_1304] {strides = array<i32>} : memref<2x16x128xf32, #tpu.memory_space<vmem>>, vector<1x1x16xf32>,
      %swap3A_1306 = vector.shape_cast %swap3A_1305 : vector<1x1x16xf32> to vector<16xf32>
      %swap3A_1307 = vector.shape_cast %mul3A_1300 : vector<16xf32> to vector<1x1x16xf32>
      tpu.vector_store %arg11[%swap3A_1302, %swap3A_1303, %swap3A_1304], %swap3A_1307 {strides = array<i32>} : memref<2x16x128xf32, #tpu.memory_space<vmem>>, vector<1x1x16xf32>,
      %get3A_1308 = arith.constant 7 : i32
      %get3A_1309 = arith.index_cast %rem3A_368 : i32 to index
      %get3A_1310 = arith.index_cast %get3A_1308 : i32 to index
      %get3A_1311 = arith.constant 32 : index
      %get3A_1312 = tpu.vector_load %arg11[%get3A_1309, %get3A_1310, %get3A_1311] {strides = array<i32>} : memref<2x16x128xf32, #tpu.memory_space<vmem>>, vector<1x1x16xf32>,
      %get3A_1313 = vector.shape_cast %get3A_1312 : vector<1x1x16xf32> to vector<16xf32>
      %mul3A_1314 = vector.broadcast %squeeze3A_1277 : f32 to vector<16xf32>
      %mul3A_1315 = arith.mulf %get3A_1313, %mul3A_1314 : vector<16xf32>
      %swap3A_1316 = arith.constant 7 : i32
      %swap3A_1317 = arith.index_cast %rem3A_368 : i32 to index
      %swap3A_1318 = arith.index_cast %swap3A_1316 : i32 to index
      %swap3A_1319 = arith.constant 32 : index
      %swap3A_1320 = tpu.vector_load %arg11[%swap3A_1317, %swap3A_1318, %swap3A_1319] {strides = array<i32>} : memref<2x16x128xf32, #tpu.memory_space<vmem>>, vector<1x1x16xf32>,
      %swap3A_1321 = vector.shape_cast %swap3A_1320 : vector<1x1x16xf32> to vector<16xf32>
      %swap3A_1322 = vector.shape_cast %mul3A_1315 : vector<16xf32> to vector<1x1x16xf32>
      tpu.vector_store %arg11[%swap3A_1317, %swap3A_1318, %swap3A_1319], %swap3A_1322 {strides = array<i32>} : memref<2x16x128xf32, #tpu.memory_space<vmem>>, vector<1x1x16xf32>,
      %get3A_1323 = arith.constant 7 : i32
      %get3A_1324 = arith.index_cast %rem3A_368 : i32 to index
      %get3A_1325 = arith.index_cast %get3A_1323 : i32 to index
      %get3A_1326 = arith.constant 48 : index
      %get3A_1327 = tpu.vector_load %arg11[%get3A_1324, %get3A_1325, %get3A_1326] {strides = array<i32>} : memref<2x16x128xf32, #tpu.memory_space<vmem>>, vector<1x1x16xf32>,
      %get3A_1328 = vector.shape_cast %get3A_1327 : vector<1x1x16xf32> to vector<16xf32>
      %mul3A_1329 = vector.broadcast %squeeze3A_1277 : f32 to vector<16xf32>
      %mul3A_1330 = arith.mulf %get3A_1328, %mul3A_1329 : vector<16xf32>
      %swap3A_1331 = arith.constant 7 : i32
      %swap3A_1332 = arith.index_cast %rem3A_368 : i32 to index
      %swap3A_1333 = arith.index_cast %swap3A_1331 : i32 to index
      %swap3A_1334 = arith.constant 48 : index
      %swap3A_1335 = tpu.vector_load %arg11[%swap3A_1332, %swap3A_1333, %swap3A_1334] {strides = array<i32>} : memref<2x16x128xf32, #tpu.memory_space<vmem>>, vector<1x1x16xf32>,
      %swap3A_1336 = vector.shape_cast %swap3A_1335 : vector<1x1x16xf32> to vector<16xf32>
      %swap3A_1337 = vector.shape_cast %mul3A_1330 : vector<16xf32> to vector<1x1x16xf32>
      tpu.vector_store %arg11[%swap3A_1332, %swap3A_1333, %swap3A_1334], %swap3A_1337 {strides = array<i32>} : memref<2x16x128xf32, #tpu.memory_space<vmem>>, vector<1x1x16xf32>,
      %get3A_1338 = arith.constant 7 : i32
      %get3A_1339 = arith.index_cast %rem3A_368 : i32 to index
      %get3A_1340 = arith.index_cast %get3A_1338 : i32 to index
      %get3A_1341 = arith.constant 64 : index
      %get3A_1342 = tpu.vector_load %arg11[%get3A_1339, %get3A_1340, %get3A_1341] {strides = array<i32>} : memref<2x16x128xf32, #tpu.memory_space<vmem>>, vector<1x1x16xf32>,
      %get3A_1343 = vector.shape_cast %get3A_1342 : vector<1x1x16xf32> to vector<16xf32>
      %mul3A_1344 = vector.broadcast %squeeze3A_1277 : f32 to vector<16xf32>
      %mul3A_1345 = arith.mulf %get3A_1343, %mul3A_1344 : vector<16xf32>
      %swap3A_1346 = arith.constant 7 : i32
      %swap3A_1347 = arith.index_cast %rem3A_368 : i32 to index
      %swap3A_1348 = arith.index_cast %swap3A_1346 : i32 to index
      %swap3A_1349 = arith.constant 64 : index
      %swap3A_1350 = tpu.vector_load %arg11[%swap3A_1347, %swap3A_1348, %swap3A_1349] {strides = array<i32>} : memref<2x16x128xf32, #tpu.memory_space<vmem>>, vector<1x1x16xf32>,
      %swap3A_1351 = vector.shape_cast %swap3A_1350 : vector<1x1x16xf32> to vector<16xf32>
      %swap3A_1352 = vector.shape_cast %mul3A_1345 : vector<16xf32> to vector<1x1x16xf32>
      tpu.vector_store %arg11[%swap3A_1347, %swap3A_1348, %swap3A_1349], %swap3A_1352 {strides = array<i32>} : memref<2x16x128xf32, #tpu.memory_space<vmem>>, vector<1x1x16xf32>,
      %get3A_1353 = arith.constant 7 : i32
      %get3A_1354 = arith.index_cast %rem3A_368 : i32 to index
      %get3A_1355 = arith.index_cast %get3A_1353 : i32 to index
      %get3A_1356 = arith.constant 80 : index
      %get3A_1357 = tpu.vector_load %arg11[%get3A_1354, %get3A_1355, %get3A_1356] {strides = array<i32>} : memref<2x16x128xf32, #tpu.memory_space<vmem>>, vector<1x1x16xf32>,
      %get3A_1358 = vector.shape_cast %get3A_1357 : vector<1x1x16xf32> to vector<16xf32>
      %mul3A_1359 = vector.broadcast %squeeze3A_1277 : f32 to vector<16xf32>
      %mul3A_1360 = arith.mulf %get3A_1358, %mul3A_1359 : vector<16xf32>
      %swap3A_1361 = arith.constant 7 : i32
      %swap3A_1362 = arith.index_cast %rem3A_368 : i32 to index
      %swap3A_1363 = arith.index_cast %swap3A_1361 : i32 to index
      %swap3A_1364 = arith.constant 80 : index
      %swap3A_1365 = tpu.vector_load %arg11[%swap3A_1362, %swap3A_1363, %swap3A_1364] {strides = array<i32>} : memref<2x16x128xf32, #tpu.memory_space<vmem>>, vector<1x1x16xf32>,
      %swap3A_1366 = vector.shape_cast %swap3A_1365 : vector<1x1x16xf32> to vector<16xf32>
      %swap3A_1367 = vector.shape_cast %mul3A_1360 : vector<16xf32> to vector<1x1x16xf32>
      tpu.vector_store %arg11[%swap3A_1362, %swap3A_1363, %swap3A_1364], %swap3A_1367 {strides = array<i32>} : memref<2x16x128xf32, #tpu.memory_space<vmem>>, vector<1x1x16xf32>,
      %get3A_1368 = arith.constant 7 : i32
      %get3A_1369 = arith.index_cast %rem3A_368 : i32 to index
      %get3A_1370 = arith.index_cast %get3A_1368 : i32 to index
      %get3A_1371 = arith.constant 96 : index
      %get3A_1372 = tpu.vector_load %arg11[%get3A_1369, %get3A_1370, %get3A_1371] {strides = array<i32>} : memref<2x16x128xf32, #tpu.memory_space<vmem>>, vector<1x1x16xf32>,
      %get3A_1373 = vector.shape_cast %get3A_1372 : vector<1x1x16xf32> to vector<16xf32>
      %mul3A_1374 = vector.broadcast %squeeze3A_1277 : f32 to vector<16xf32>
      %mul3A_1375 = arith.mulf %get3A_1373, %mul3A_1374 : vector<16xf32>
      %swap3A_1376 = arith.constant 7 : i32
      %swap3A_1377 = arith.index_cast %rem3A_368 : i32 to index
      %swap3A_1378 = arith.index_cast %swap3A_1376 : i32 to index
      %swap3A_1379 = arith.constant 96 : index
      %swap3A_1380 = tpu.vector_load %arg11[%swap3A_1377, %swap3A_1378, %swap3A_1379] {strides = array<i32>} : memref<2x16x128xf32, #tpu.memory_space<vmem>>, vector<1x1x16xf32>,
      %swap3A_1381 = vector.shape_cast %swap3A_1380 : vector<1x1x16xf32> to vector<16xf32>
      %swap3A_1382 = vector.shape_cast %mul3A_1375 : vector<16xf32> to vector<1x1x16xf32>
      tpu.vector_store %arg11[%swap3A_1377, %swap3A_1378, %swap3A_1379], %swap3A_1382 {strides = array<i32>} : memref<2x16x128xf32, #tpu.memory_space<vmem>>, vector<1x1x16xf32>,
      %get3A_1383 = arith.constant 7 : i32
      %get3A_1384 = arith.index_cast %rem3A_368 : i32 to index
      %get3A_1385 = arith.index_cast %get3A_1383 : i32 to index
      %get3A_1386 = arith.constant 112 : index
      %get3A_1387 = tpu.vector_load %arg11[%get3A_1384, %get3A_1385, %get3A_1386] {strides = array<i32>} : memref<2x16x128xf32, #tpu.memory_space<vmem>>, vector<1x1x16xf32>,
      %get3A_1388 = vector.shape_cast %get3A_1387 : vector<1x1x16xf32> to vector<16xf32>
      %mul3A_1389 = vector.broadcast %squeeze3A_1277 : f32 to vector<16xf32>
      %mul3A_1390 = arith.mulf %get3A_1388, %mul3A_1389 : vector<16xf32>
      %swap3A_1391 = arith.constant 7 : i32
      %swap3A_1392 = arith.index_cast %rem3A_368 : i32 to index
      %swap3A_1393 = arith.index_cast %swap3A_1391 : i32 to index
      %swap3A_1394 = arith.constant 112 : index
      %swap3A_1395 = tpu.vector_load %arg11[%swap3A_1392, %swap3A_1393, %swap3A_1394] {strides = array<i32>} : memref<2x16x128xf32, #tpu.memory_space<vmem>>, vector<1x1x16xf32>,
      %swap3A_1396 = vector.shape_cast %swap3A_1395 : vector<1x1x16xf32> to vector<16xf32>
      %swap3A_1397 = vector.shape_cast %mul3A_1390 : vector<16xf32> to vector<1x1x16xf32>
      tpu.vector_store %arg11[%swap3A_1392, %swap3A_1393, %swap3A_1394], %swap3A_1397 {strides = array<i32>} : memref<2x16x128xf32, #tpu.memory_space<vmem>>, vector<1x1x16xf32>,
      %slice3A_1398 = vector.extract_strided_slice %get3A_423 {offsets = [8], sizes = [1], strides = [1]} : vector<16xf32> to vector<1xf32>
      %squeeze3A_1399 = vector.extract %slice3A_1398[0] : f32 from vector<1xf32>
      %get3A_1400 = arith.constant 8 : i32
      %get3A_1401 = arith.index_cast %rem3A_368 : i32 to index
      %get3A_1402 = arith.index_cast %get3A_1400 : i32 to index
      %get3A_1403 = arith.constant 0 : index
      %get3A_1404 = tpu.vector_load %arg11[%get3A_1401, %get3A_1402, %get3A_1403] {strides = array<i32>} : memref<2x16x128xf32, #tpu.memory_space<vmem>>, vector<1x1x16xf32>,
      %get3A_1405 = vector.shape_cast %get3A_1404 : vector<1x1x16xf32> to vector<16xf32>
      %mul3A_1406 = vector.broadcast %squeeze3A_1399 : f32 to vector<16xf32>
      %mul3A_1407 = arith.mulf %get3A_1405, %mul3A_1406 : vector<16xf32>
      %swap3A_1408 = arith.constant 8 : i32
      %swap3A_1409 = arith.index_cast %rem3A_368 : i32 to index
      %swap3A_1410 = arith.index_cast %swap3A_1408 : i32 to index
      %swap3A_1411 = arith.constant 0 : index
      %swap3A_1412 = tpu.vector_load %arg11[%swap3A_1409, %swap3A_1410, %swap3A_1411] {strides = array<i32>} : memref<2x16x128xf32, #tpu.memory_space<vmem>>, vector<1x1x16xf32>,
      %swap3A_1413 = vector.shape_cast %swap3A_1412 : vector<1x1x16xf32> to vector<16xf32>
      %swap3A_1414 = vector.shape_cast %mul3A_1407 : vector<16xf32> to vector<1x1x16xf32>
      tpu.vector_store %arg11[%swap3A_1409, %swap3A_1410, %swap3A_1411], %swap3A_1414 {strides = array<i32>} : memref<2x16x128xf32, #tpu.memory_space<vmem>>, vector<1x1x16xf32>,
      %get3A_1415 = arith.constant 8 : i32
      %get3A_1416 = arith.index_cast %rem3A_368 : i32 to index
      %get3A_1417 = arith.index_cast %get3A_1415 : i32 to index
      %get3A_1418 = arith.constant 16 : index
      %get3A_1419 = tpu.vector_load %arg11[%get3A_1416, %get3A_1417, %get3A_1418] {strides = array<i32>} : memref<2x16x128xf32, #tpu.memory_space<vmem>>, vector<1x1x16xf32>,
      %get3A_1420 = vector.shape_cast %get3A_1419 : vector<1x1x16xf32> to vector<16xf32>
      %mul3A_1421 = vector.broadcast %squeeze3A_1399 : f32 to vector<16xf32>
      %mul3A_1422 = arith.mulf %get3A_1420, %mul3A_1421 : vector<16xf32>
      %swap3A_1423 = arith.constant 8 : i32
      %swap3A_1424 = arith.index_cast %rem3A_368 : i32 to index
      %swap3A_1425 = arith.index_cast %swap3A_1423 : i32 to index
      %swap3A_1426 = arith.constant 16 : index
      %swap3A_1427 = tpu.vector_load %arg11[%swap3A_1424, %swap3A_1425, %swap3A_1426] {strides = array<i32>} : memref<2x16x128xf32, #tpu.memory_space<vmem>>, vector<1x1x16xf32>,
      %swap3A_1428 = vector.shape_cast %swap3A_1427 : vector<1x1x16xf32> to vector<16xf32>
      %swap3A_1429 = vector.shape_cast %mul3A_1422 : vector<16xf32> to vector<1x1x16xf32>
      tpu.vector_store %arg11[%swap3A_1424, %swap3A_1425, %swap3A_1426], %swap3A_1429 {strides = array<i32>} : memref<2x16x128xf32, #tpu.memory_space<vmem>>, vector<1x1x16xf32>,
      %get3A_1430 = arith.constant 8 : i32
      %get3A_1431 = arith.index_cast %rem3A_368 : i32 to index
      %get3A_1432 = arith.index_cast %get3A_1430 : i32 to index
      %get3A_1433 = arith.constant 32 : index
      %get3A_1434 = tpu.vector_load %arg11[%get3A_1431, %get3A_1432, %get3A_1433] {strides = array<i32>} : memref<2x16x128xf32, #tpu.memory_space<vmem>>, vector<1x1x16xf32>,
      %get3A_1435 = vector.shape_cast %get3A_1434 : vector<1x1x16xf32> to vector<16xf32>
      %mul3A_1436 = vector.broadcast %squeeze3A_1399 : f32 to vector<16xf32>
      %mul3A_1437 = arith.mulf %get3A_1435, %mul3A_1436 : vector<16xf32>
      %swap3A_1438 = arith.constant 8 : i32
      %swap3A_1439 = arith.index_cast %rem3A_368 : i32 to index
      %swap3A_1440 = arith.index_cast %swap3A_1438 : i32 to index
      %swap3A_1441 = arith.constant 32 : index
      %swap3A_1442 = tpu.vector_load %arg11[%swap3A_1439, %swap3A_1440, %swap3A_1441] {strides = array<i32>} : memref<2x16x128xf32, #tpu.memory_space<vmem>>, vector<1x1x16xf32>,
      %swap3A_1443 = vector.shape_cast %swap3A_1442 : vector<1x1x16xf32> to vector<16xf32>
      %swap3A_1444 = vector.shape_cast %mul3A_1437 : vector<16xf32> to vector<1x1x16xf32>
      tpu.vector_store %arg11[%swap3A_1439, %swap3A_1440, %swap3A_1441], %swap3A_1444 {strides = array<i32>} : memref<2x16x128xf32, #tpu.memory_space<vmem>>, vector<1x1x16xf32>,
      %get3A_1445 = arith.constant 8 : i32
      %get3A_1446 = arith.index_cast %rem3A_368 : i32 to index
      %get3A_1447 = arith.index_cast %get3A_1445 : i32 to index
      %get3A_1448 = arith.constant 48 : index
      %get3A_1449 = tpu.vector_load %arg11[%get3A_1446, %get3A_1447, %get3A_1448] {strides = array<i32>} : memref<2x16x128xf32, #tpu.memory_space<vmem>>, vector<1x1x16xf32>,
      %get3A_1450 = vector.shape_cast %get3A_1449 : vector<1x1x16xf32> to vector<16xf32>
      %mul3A_1451 = vector.broadcast %squeeze3A_1399 : f32 to vector<16xf32>
      %mul3A_1452 = arith.mulf %get3A_1450, %mul3A_1451 : vector<16xf32>
      %swap3A_1453 = arith.constant 8 : i32
      %swap3A_1454 = arith.index_cast %rem3A_368 : i32 to index
      %swap3A_1455 = arith.index_cast %swap3A_1453 : i32 to index
      %swap3A_1456 = arith.constant 48 : index
      %swap3A_1457 = tpu.vector_load %arg11[%swap3A_1454, %swap3A_1455, %swap3A_1456] {strides = array<i32>} : memref<2x16x128xf32, #tpu.memory_space<vmem>>, vector<1x1x16xf32>,
      %swap3A_1458 = vector.shape_cast %swap3A_1457 : vector<1x1x16xf32> to vector<16xf32>
      %swap3A_1459 = vector.shape_cast %mul3A_1452 : vector<16xf32> to vector<1x1x16xf32>
      tpu.vector_store %arg11[%swap3A_1454, %swap3A_1455, %swap3A_1456], %swap3A_1459 {strides = array<i32>} : memref<2x16x128xf32, #tpu.memory_space<vmem>>, vector<1x1x16xf32>,
      %get3A_1460 = arith.constant 8 : i32
      %get3A_1461 = arith.index_cast %rem3A_368 : i32 to index
      %get3A_1462 = arith.index_cast %get3A_1460 : i32 to index
      %get3A_1463 = arith.constant 64 : index
      %get3A_1464 = tpu.vector_load %arg11[%get3A_1461, %get3A_1462, %get3A_1463] {strides = array<i32>} : memref<2x16x128xf32, #tpu.memory_space<vmem>>, vector<1x1x16xf32>,
      %get3A_1465 = vector.shape_cast %get3A_1464 : vector<1x1x16xf32> to vector<16xf32>
      %mul3A_1466 = vector.broadcast %squeeze3A_1399 : f32 to vector<16xf32>
      %mul3A_1467 = arith.mulf %get3A_1465, %mul3A_1466 : vector<16xf32>
      %swap3A_1468 = arith.constant 8 : i32
      %swap3A_1469 = arith.index_cast %rem3A_368 : i32 to index
      %swap3A_1470 = arith.index_cast %swap3A_1468 : i32 to index
      %swap3A_1471 = arith.constant 64 : index
      %swap3A_1472 = tpu.vector_load %arg11[%swap3A_1469, %swap3A_1470, %swap3A_1471] {strides = array<i32>} : memref<2x16x128xf32, #tpu.memory_space<vmem>>, vector<1x1x16xf32>,
      %swap3A_1473 = vector.shape_cast %swap3A_1472 : vector<1x1x16xf32> to vector<16xf32>
      %swap3A_1474 = vector.shape_cast %mul3A_1467 : vector<16xf32> to vector<1x1x16xf32>
      tpu.vector_store %arg11[%swap3A_1469, %swap3A_1470, %swap3A_1471], %swap3A_1474 {strides = array<i32>} : memref<2x16x128xf32, #tpu.memory_space<vmem>>, vector<1x1x16xf32>,
      %get3A_1475 = arith.constant 8 : i32
      %get3A_1476 = arith.index_cast %rem3A_368 : i32 to index
      %get3A_1477 = arith.index_cast %get3A_1475 : i32 to index
      %get3A_1478 = arith.constant 80 : index
      %get3A_1479 = tpu.vector_load %arg11[%get3A_1476, %get3A_1477, %get3A_1478] {strides = array<i32>} : memref<2x16x128xf32, #tpu.memory_space<vmem>>, vector<1x1x16xf32>,
      %get3A_1480 = vector.shape_cast %get3A_1479 : vector<1x1x16xf32> to vector<16xf32>
      %mul3A_1481 = vector.broadcast %squeeze3A_1399 : f32 to vector<16xf32>
      %mul3A_1482 = arith.mulf %get3A_1480, %mul3A_1481 : vector<16xf32>
      %swap3A_1483 = arith.constant 8 : i32
      %swap3A_1484 = arith.index_cast %rem3A_368 : i32 to index
      %swap3A_1485 = arith.index_cast %swap3A_1483 : i32 to index
      %swap3A_1486 = arith.constant 80 : index
      %swap3A_1487 = tpu.vector_load %arg11[%swap3A_1484, %swap3A_1485, %swap3A_1486] {strides = array<i32>} : memref<2x16x128xf32, #tpu.memory_space<vmem>>, vector<1x1x16xf32>,
      %swap3A_1488 = vector.shape_cast %swap3A_1487 : vector<1x1x16xf32> to vector<16xf32>
      %swap3A_1489 = vector.shape_cast %mul3A_1482 : vector<16xf32> to vector<1x1x16xf32>
      tpu.vector_store %arg11[%swap3A_1484, %swap3A_1485, %swap3A_1486], %swap3A_1489 {strides = array<i32>} : memref<2x16x128xf32, #tpu.memory_space<vmem>>, vector<1x1x16xf32>,
      %get3A_1490 = arith.constant 8 : i32
      %get3A_1491 = arith.index_cast %rem3A_368 : i32 to index
      %get3A_1492 = arith.index_cast %get3A_1490 : i32 to index
      %get3A_1493 = arith.constant 96 : index
      %get3A_1494 = tpu.vector_load %arg11[%get3A_1491, %get3A_1492, %get3A_1493] {strides = array<i32>} : memref<2x16x128xf32, #tpu.memory_space<vmem>>, vector<1x1x16xf32>,
      %get3A_1495 = vector.shape_cast %get3A_1494 : vector<1x1x16xf32> to vector<16xf32>
      %mul3A_1496 = vector.broadcast %squeeze3A_1399 : f32 to vector<16xf32>
      %mul3A_1497 = arith.mulf %get3A_1495, %mul3A_1496 : vector<16xf32>
      %swap3A_1498 = arith.constant 8 : i32
      %swap3A_1499 = arith.index_cast %rem3A_368 : i32 to index
      %swap3A_1500 = arith.index_cast %swap3A_1498 : i32 to index
      %swap3A_1501 = arith.constant 96 : index
      %swap3A_1502 = tpu.vector_load %arg11[%swap3A_1499, %swap3A_1500, %swap3A_1501] {strides = array<i32>} : memref<2x16x128xf32, #tpu.memory_space<vmem>>, vector<1x1x16xf32>,
      %swap3A_1503 = vector.shape_cast %swap3A_1502 : vector<1x1x16xf32> to vector<16xf32>
      %swap3A_1504 = vector.shape_cast %mul3A_1497 : vector<16xf32> to vector<1x1x16xf32>
      tpu.vector_store %arg11[%swap3A_1499, %swap3A_1500, %swap3A_1501], %swap3A_1504 {strides = array<i32>} : memref<2x16x128xf32, #tpu.memory_space<vmem>>, vector<1x1x16xf32>,
      %get3A_1505 = arith.constant 8 : i32
      %get3A_1506 = arith.index_cast %rem3A_368 : i32 to index
      %get3A_1507 = arith.index_cast %get3A_1505 : i32 to index
      %get3A_1508 = arith.constant 112 : index
      %get3A_1509 = tpu.vector_load %arg11[%get3A_1506, %get3A_1507, %get3A_1508] {strides = array<i32>} : memref<2x16x128xf32, #tpu.memory_space<vmem>>, vector<1x1x16xf32>,
      %get3A_1510 = vector.shape_cast %get3A_1509 : vector<1x1x16xf32> to vector<16xf32>
      %mul3A_1511 = vector.broadcast %squeeze3A_1399 : f32 to vector<16xf32>
      %mul3A_1512 = arith.mulf %get3A_1510, %mul3A_1511 : vector<16xf32>
      %swap3A_1513 = arith.constant 8 : i32
      %swap3A_1514 = arith.index_cast %rem3A_368 : i32 to index
      %swap3A_1515 = arith.index_cast %swap3A_1513 : i32 to index
      %swap3A_1516 = arith.constant 112 : index
      %swap3A_1517 = tpu.vector_load %arg11[%swap3A_1514, %swap3A_1515, %swap3A_1516] {strides = array<i32>} : memref<2x16x128xf32, #tpu.memory_space<vmem>>, vector<1x1x16xf32>,
      %swap3A_1518 = vector.shape_cast %swap3A_1517 : vector<1x1x16xf32> to vector<16xf32>
      %swap3A_1519 = vector.shape_cast %mul3A_1512 : vector<16xf32> to vector<1x1x16xf32>
      tpu.vector_store %arg11[%swap3A_1514, %swap3A_1515, %swap3A_1516], %swap3A_1519 {strides = array<i32>} : memref<2x16x128xf32, #tpu.memory_space<vmem>>, vector<1x1x16xf32>,
      %slice3A_1520 = vector.extract_strided_slice %get3A_423 {offsets = [9], sizes = [1], strides = [1]} : vector<16xf32> to vector<1xf32>
      %squeeze3A_1521 = vector.extract %slice3A_1520[0] : f32 from vector<1xf32>
      %get3A_1522 = arith.constant 9 : i32
      %get3A_1523 = arith.index_cast %rem3A_368 : i32 to index
      %get3A_1524 = arith.index_cast %get3A_1522 : i32 to index
      %get3A_1525 = arith.constant 0 : index
      %get3A_1526 = tpu.vector_load %arg11[%get3A_1523, %get3A_1524, %get3A_1525] {strides = array<i32>} : memref<2x16x128xf32, #tpu.memory_space<vmem>>, vector<1x1x16xf32>,
      %get3A_1527 = vector.shape_cast %get3A_1526 : vector<1x1x16xf32> to vector<16xf32>
      %mul3A_1528 = vector.broadcast %squeeze3A_1521 : f32 to vector<16xf32>
      %mul3A_1529 = arith.mulf %get3A_1527, %mul3A_1528 : vector<16xf32>
      %swap3A_1530 = arith.constant 9 : i32
      %swap3A_1531 = arith.index_cast %rem3A_368 : i32 to index
      %swap3A_1532 = arith.index_cast %swap3A_1530 : i32 to index
      %swap3A_1533 = arith.constant 0 : index
      %swap3A_1534 = tpu.vector_load %arg11[%swap3A_1531, %swap3A_1532, %swap3A_1533] {strides = array<i32>} : memref<2x16x128xf32, #tpu.memory_space<vmem>>, vector<1x1x16xf32>,
      %swap3A_1535 = vector.shape_cast %swap3A_1534 : vector<1x1x16xf32> to vector<16xf32>
      %swap3A_1536 = vector.shape_cast %mul3A_1529 : vector<16xf32> to vector<1x1x16xf32>
      tpu.vector_store %arg11[%swap3A_1531, %swap3A_1532, %swap3A_1533], %swap3A_1536 {strides = array<i32>} : memref<2x16x128xf32, #tpu.memory_space<vmem>>, vector<1x1x16xf32>,
      %get3A_1537 = arith.constant 9 : i32
      %get3A_1538 = arith.index_cast %rem3A_368 : i32 to index
      %get3A_1539 = arith.index_cast %get3A_1537 : i32 to index
      %get3A_1540 = arith.constant 16 : index
      %get3A_1541 = tpu.vector_load %arg11[%get3A_1538, %get3A_1539, %get3A_1540] {strides = array<i32>} : memref<2x16x128xf32, #tpu.memory_space<vmem>>, vector<1x1x16xf32>,
      %get3A_1542 = vector.shape_cast %get3A_1541 : vector<1x1x16xf32> to vector<16xf32>
      %mul3A_1543 = vector.broadcast %squeeze3A_1521 : f32 to vector<16xf32>
      %mul3A_1544 = arith.mulf %get3A_1542, %mul3A_1543 : vector<16xf32>
      %swap3A_1545 = arith.constant 9 : i32
      %swap3A_1546 = arith.index_cast %rem3A_368 : i32 to index
      %swap3A_1547 = arith.index_cast %swap3A_1545 : i32 to index
      %swap3A_1548 = arith.constant 16 : index
      %swap3A_1549 = tpu.vector_load %arg11[%swap3A_1546, %swap3A_1547, %swap3A_1548] {strides = array<i32>} : memref<2x16x128xf32, #tpu.memory_space<vmem>>, vector<1x1x16xf32>,
      %swap3A_1550 = vector.shape_cast %swap3A_1549 : vector<1x1x16xf32> to vector<16xf32>
      %swap3A_1551 = vector.shape_cast %mul3A_1544 : vector<16xf32> to vector<1x1x16xf32>
      tpu.vector_store %arg11[%swap3A_1546, %swap3A_1547, %swap3A_1548], %swap3A_1551 {strides = array<i32>} : memref<2x16x128xf32, #tpu.memory_space<vmem>>, vector<1x1x16xf32>,
      %get3A_1552 = arith.constant 9 : i32
      %get3A_1553 = arith.index_cast %rem3A_368 : i32 to index
      %get3A_1554 = arith.index_cast %get3A_1552 : i32 to index
      %get3A_1555 = arith.constant 32 : index
      %get3A_1556 = tpu.vector_load %arg11[%get3A_1553, %get3A_1554, %get3A_1555] {strides = array<i32>} : memref<2x16x128xf32, #tpu.memory_space<vmem>>, vector<1x1x16xf32>,
      %get3A_1557 = vector.shape_cast %get3A_1556 : vector<1x1x16xf32> to vector<16xf32>
      %mul3A_1558 = vector.broadcast %squeeze3A_1521 : f32 to vector<16xf32>
      %mul3A_1559 = arith.mulf %get3A_1557, %mul3A_1558 : vector<16xf32>
      %swap3A_1560 = arith.constant 9 : i32
      %swap3A_1561 = arith.index_cast %rem3A_368 : i32 to index
      %swap3A_1562 = arith.index_cast %swap3A_1560 : i32 to index
      %swap3A_1563 = arith.constant 32 : index
      %swap3A_1564 = tpu.vector_load %arg11[%swap3A_1561, %swap3A_1562, %swap3A_1563] {strides = array<i32>} : memref<2x16x128xf32, #tpu.memory_space<vmem>>, vector<1x1x16xf32>,
      %swap3A_1565 = vector.shape_cast %swap3A_1564 : vector<1x1x16xf32> to vector<16xf32>
      %swap3A_1566 = vector.shape_cast %mul3A_1559 : vector<16xf32> to vector<1x1x16xf32>
      tpu.vector_store %arg11[%swap3A_1561, %swap3A_1562, %swap3A_1563], %swap3A_1566 {strides = array<i32>} : memref<2x16x128xf32, #tpu.memory_space<vmem>>, vector<1x1x16xf32>,
      %get3A_1567 = arith.constant 9 : i32
      %get3A_1568 = arith.index_cast %rem3A_368 : i32 to index
      %get3A_1569 = arith.index_cast %get3A_1567 : i32 to index
      %get3A_1570 = arith.constant 48 : index
      %get3A_1571 = tpu.vector_load %arg11[%get3A_1568, %get3A_1569, %get3A_1570] {strides = array<i32>} : memref<2x16x128xf32, #tpu.memory_space<vmem>>, vector<1x1x16xf32>,
      %get3A_1572 = vector.shape_cast %get3A_1571 : vector<1x1x16xf32> to vector<16xf32>
      %mul3A_1573 = vector.broadcast %squeeze3A_1521 : f32 to vector<16xf32>
      %mul3A_1574 = arith.mulf %get3A_1572, %mul3A_1573 : vector<16xf32>
      %swap3A_1575 = arith.constant 9 : i32
      %swap3A_1576 = arith.index_cast %rem3A_368 : i32 to index
      %swap3A_1577 = arith.index_cast %swap3A_1575 : i32 to index
      %swap3A_1578 = arith.constant 48 : index
      %swap3A_1579 = tpu.vector_load %arg11[%swap3A_1576, %swap3A_1577, %swap3A_1578] {strides = array<i32>} : memref<2x16x128xf32, #tpu.memory_space<vmem>>, vector<1x1x16xf32>,
      %swap3A_1580 = vector.shape_cast %swap3A_1579 : vector<1x1x16xf32> to vector<16xf32>
      %swap3A_1581 = vector.shape_cast %mul3A_1574 : vector<16xf32> to vector<1x1x16xf32>
      tpu.vector_store %arg11[%swap3A_1576, %swap3A_1577, %swap3A_1578], %swap3A_1581 {strides = array<i32>} : memref<2x16x128xf32, #tpu.memory_space<vmem>>, vector<1x1x16xf32>,
      %get3A_1582 = arith.constant 9 : i32
      %get3A_1583 = arith.index_cast %rem3A_368 : i32 to index
      %get3A_1584 = arith.index_cast %get3A_1582 : i32 to index
      %get3A_1585 = arith.constant 64 : index
      %get3A_1586 = tpu.vector_load %arg11[%get3A_1583, %get3A_1584, %get3A_1585] {strides = array<i32>} : memref<2x16x128xf32, #tpu.memory_space<vmem>>, vector<1x1x16xf32>,
      %get3A_1587 = vector.shape_cast %get3A_1586 : vector<1x1x16xf32> to vector<16xf32>
      %mul3A_1588 = vector.broadcast %squeeze3A_1521 : f32 to vector<16xf32>
      %mul3A_1589 = arith.mulf %get3A_1587, %mul3A_1588 : vector<16xf32>
      %swap3A_1590 = arith.constant 9 : i32
      %swap3A_1591 = arith.index_cast %rem3A_368 : i32 to index
      %swap3A_1592 = arith.index_cast %swap3A_1590 : i32 to index
      %swap3A_1593 = arith.constant 64 : index
      %swap3A_1594 = tpu.vector_load %arg11[%swap3A_1591, %swap3A_1592, %swap3A_1593] {strides = array<i32>} : memref<2x16x128xf32, #tpu.memory_space<vmem>>, vector<1x1x16xf32>,
      %swap3A_1595 = vector.shape_cast %swap3A_1594 : vector<1x1x16xf32> to vector<16xf32>
      %swap3A_1596 = vector.shape_cast %mul3A_1589 : vector<16xf32> to vector<1x1x16xf32>
      tpu.vector_store %arg11[%swap3A_1591, %swap3A_1592, %swap3A_1593], %swap3A_1596 {strides = array<i32>} : memref<2x16x128xf32, #tpu.memory_space<vmem>>, vector<1x1x16xf32>,
      %get3A_1597 = arith.constant 9 : i32
      %get3A_1598 = arith.index_cast %rem3A_368 : i32 to index
      %get3A_1599 = arith.index_cast %get3A_1597 : i32 to index
      %get3A_1600 = arith.constant 80 : index
      %get3A_1601 = tpu.vector_load %arg11[%get3A_1598, %get3A_1599, %get3A_1600] {strides = array<i32>} : memref<2x16x128xf32, #tpu.memory_space<vmem>>, vector<1x1x16xf32>,
      %get3A_1602 = vector.shape_cast %get3A_1601 : vector<1x1x16xf32> to vector<16xf32>
      %mul3A_1603 = vector.broadcast %squeeze3A_1521 : f32 to vector<16xf32>
      %mul3A_1604 = arith.mulf %get3A_1602, %mul3A_1603 : vector<16xf32>
      %swap3A_1605 = arith.constant 9 : i32
      %swap3A_1606 = arith.index_cast %rem3A_368 : i32 to index
      %swap3A_1607 = arith.index_cast %swap3A_1605 : i32 to index
      %swap3A_1608 = arith.constant 80 : index
      %swap3A_1609 = tpu.vector_load %arg11[%swap3A_1606, %swap3A_1607, %swap3A_1608] {strides = array<i32>} : memref<2x16x128xf32, #tpu.memory_space<vmem>>, vector<1x1x16xf32>,
      %swap3A_1610 = vector.shape_cast %swap3A_1609 : vector<1x1x16xf32> to vector<16xf32>
      %swap3A_1611 = vector.shape_cast %mul3A_1604 : vector<16xf32> to vector<1x1x16xf32>
      tpu.vector_store %arg11[%swap3A_1606, %swap3A_1607, %swap3A_1608], %swap3A_1611 {strides = array<i32>} : memref<2x16x128xf32, #tpu.memory_space<vmem>>, vector<1x1x16xf32>,
      %get3A_1612 = arith.constant 9 : i32
      %get3A_1613 = arith.index_cast %rem3A_368 : i32 to index
      %get3A_1614 = arith.index_cast %get3A_1612 : i32 to index
      %get3A_1615 = arith.constant 96 : index
      %get3A_1616 = tpu.vector_load %arg11[%get3A_1613, %get3A_1614, %get3A_1615] {strides = array<i32>} : memref<2x16x128xf32, #tpu.memory_space<vmem>>, vector<1x1x16xf32>,
      %get3A_1617 = vector.shape_cast %get3A_1616 : vector<1x1x16xf32> to vector<16xf32>
      %mul3A_1618 = vector.broadcast %squeeze3A_1521 : f32 to vector<16xf32>
      %mul3A_1619 = arith.mulf %get3A_1617, %mul3A_1618 : vector<16xf32>
      %swap3A_1620 = arith.constant 9 : i32
      %swap3A_1621 = arith.index_cast %rem3A_368 : i32 to index
      %swap3A_1622 = arith.index_cast %swap3A_1620 : i32 to index
      %swap3A_1623 = arith.constant 96 : index
      %swap3A_1624 = tpu.vector_load %arg11[%swap3A_1621, %swap3A_1622, %swap3A_1623] {strides = array<i32>} : memref<2x16x128xf32, #tpu.memory_space<vmem>>, vector<1x1x16xf32>,
      %swap3A_1625 = vector.shape_cast %swap3A_1624 : vector<1x1x16xf32> to vector<16xf32>
      %swap3A_1626 = vector.shape_cast %mul3A_1619 : vector<16xf32> to vector<1x1x16xf32>
      tpu.vector_store %arg11[%swap3A_1621, %swap3A_1622, %swap3A_1623], %swap3A_1626 {strides = array<i32>} : memref<2x16x128xf32, #tpu.memory_space<vmem>>, vector<1x1x16xf32>,
      %get3A_1627 = arith.constant 9 : i32
      %get3A_1628 = arith.index_cast %rem3A_368 : i32 to index
      %get3A_1629 = arith.index_cast %get3A_1627 : i32 to index
      %get3A_1630 = arith.constant 112 : index
      %get3A_1631 = tpu.vector_load %arg11[%get3A_1628, %get3A_1629, %get3A_1630] {strides = array<i32>} : memref<2x16x128xf32, #tpu.memory_space<vmem>>, vector<1x1x16xf32>,
      %get3A_1632 = vector.shape_cast %get3A_1631 : vector<1x1x16xf32> to vector<16xf32>
      %mul3A_1633 = vector.broadcast %squeeze3A_1521 : f32 to vector<16xf32>
      %mul3A_1634 = arith.mulf %get3A_1632, %mul3A_1633 : vector<16xf32>
      %swap3A_1635 = arith.constant 9 : i32
      %swap3A_1636 = arith.index_cast %rem3A_368 : i32 to index
      %swap3A_1637 = arith.index_cast %swap3A_1635 : i32 to index
      %swap3A_1638 = arith.constant 112 : index
      %swap3A_1639 = tpu.vector_load %arg11[%swap3A_1636, %swap3A_1637, %swap3A_1638] {strides = array<i32>} : memref<2x16x128xf32, #tpu.memory_space<vmem>>, vector<1x1x16xf32>,
      %swap3A_1640 = vector.shape_cast %swap3A_1639 : vector<1x1x16xf32> to vector<16xf32>
      %swap3A_1641 = vector.shape_cast %mul3A_1634 : vector<16xf32> to vector<1x1x16xf32>
      tpu.vector_store %arg11[%swap3A_1636, %swap3A_1637, %swap3A_1638], %swap3A_1641 {strides = array<i32>} : memref<2x16x128xf32, #tpu.memory_space<vmem>>, vector<1x1x16xf32>,
      %slice3A_1642 = vector.extract_strided_slice %get3A_423 {offsets = [10], sizes = [1], strides = [1]} : vector<16xf32> to vector<1xf32>
      %squeeze3A_1643 = vector.extract %slice3A_1642[0] : f32 from vector<1xf32>
      %get3A_1644 = arith.constant 10 : i32
      %get3A_1645 = arith.index_cast %rem3A_368 : i32 to index
      %get3A_1646 = arith.index_cast %get3A_1644 : i32 to index
      %get3A_1647 = arith.constant 0 : index
      %get3A_1648 = tpu.vector_load %arg11[%get3A_1645, %get3A_1646, %get3A_1647] {strides = array<i32>} : memref<2x16x128xf32, #tpu.memory_space<vmem>>, vector<1x1x16xf32>,
      %get3A_1649 = vector.shape_cast %get3A_1648 : vector<1x1x16xf32> to vector<16xf32>
      %mul3A_1650 = vector.broadcast %squeeze3A_1643 : f32 to vector<16xf32>
      %mul3A_1651 = arith.mulf %get3A_1649, %mul3A_1650 : vector<16xf32>
      %swap3A_1652 = arith.constant 10 : i32
      %swap3A_1653 = arith.index_cast %rem3A_368 : i32 to index
      %swap3A_1654 = arith.index_cast %swap3A_1652 : i32 to index
      %swap3A_1655 = arith.constant 0 : index
      %swap3A_1656 = tpu.vector_load %arg11[%swap3A_1653, %swap3A_1654, %swap3A_1655] {strides = array<i32>} : memref<2x16x128xf32, #tpu.memory_space<vmem>>, vector<1x1x16xf32>,
      %swap3A_1657 = vector.shape_cast %swap3A_1656 : vector<1x1x16xf32> to vector<16xf32>
      %swap3A_1658 = vector.shape_cast %mul3A_1651 : vector<16xf32> to vector<1x1x16xf32>
      tpu.vector_store %arg11[%swap3A_1653, %swap3A_1654, %swap3A_1655], %swap3A_1658 {strides = array<i32>} : memref<2x16x128xf32, #tpu.memory_space<vmem>>, vector<1x1x16xf32>,
      %get3A_1659 = arith.constant 10 : i32
      %get3A_1660 = arith.index_cast %rem3A_368 : i32 to index
      %get3A_1661 = arith.index_cast %get3A_1659 : i32 to index
      %get3A_1662 = arith.constant 16 : index
      %get3A_1663 = tpu.vector_load %arg11[%get3A_1660, %get3A_1661, %get3A_1662] {strides = array<i32>} : memref<2x16x128xf32, #tpu.memory_space<vmem>>, vector<1x1x16xf32>,
      %get3A_1664 = vector.shape_cast %get3A_1663 : vector<1x1x16xf32> to vector<16xf32>
      %mul3A_1665 = vector.broadcast %squeeze3A_1643 : f32 to vector<16xf32>
      %mul3A_1666 = arith.mulf %get3A_1664, %mul3A_1665 : vector<16xf32>
      %swap3A_1667 = arith.constant 10 : i32
      %swap3A_1668 = arith.index_cast %rem3A_368 : i32 to index
      %swap3A_1669 = arith.index_cast %swap3A_1667 : i32 to index
      %swap3A_1670 = arith.constant 16 : index
      %swap3A_1671 = tpu.vector_load %arg11[%swap3A_1668, %swap3A_1669, %swap3A_1670] {strides = array<i32>} : memref<2x16x128xf32, #tpu.memory_space<vmem>>, vector<1x1x16xf32>,
      %swap3A_1672 = vector.shape_cast %swap3A_1671 : vector<1x1x16xf32> to vector<16xf32>
      %swap3A_1673 = vector.shape_cast %mul3A_1666 : vector<16xf32> to vector<1x1x16xf32>
      tpu.vector_store %arg11[%swap3A_1668, %swap3A_1669, %swap3A_1670], %swap3A_1673 {strides = array<i32>} : memref<2x16x128xf32, #tpu.memory_space<vmem>>, vector<1x1x16xf32>,
      %get3A_1674 = arith.constant 10 : i32
      %get3A_1675 = arith.index_cast %rem3A_368 : i32 to index
      %get3A_1676 = arith.index_cast %get3A_1674 : i32 to index
      %get3A_1677 = arith.constant 32 : index
      %get3A_1678 = tpu.vector_load %arg11[%get3A_1675, %get3A_1676, %get3A_1677] {strides = array<i32>} : memref<2x16x128xf32, #tpu.memory_space<vmem>>, vector<1x1x16xf32>,
      %get3A_1679 = vector.shape_cast %get3A_1678 : vector<1x1x16xf32> to vector<16xf32>
      %mul3A_1680 = vector.broadcast %squeeze3A_1643 : f32 to vector<16xf32>
      %mul3A_1681 = arith.mulf %get3A_1679, %mul3A_1680 : vector<16xf32>
      %swap3A_1682 = arith.constant 10 : i32
      %swap3A_1683 = arith.index_cast %rem3A_368 : i32 to index
      %swap3A_1684 = arith.index_cast %swap3A_1682 : i32 to index
      %swap3A_1685 = arith.constant 32 : index
      %swap3A_1686 = tpu.vector_load %arg11[%swap3A_1683, %swap3A_1684, %swap3A_1685] {strides = array<i32>} : memref<2x16x128xf32, #tpu.memory_space<vmem>>, vector<1x1x16xf32>,
      %swap3A_1687 = vector.shape_cast %swap3A_1686 : vector<1x1x16xf32> to vector<16xf32>
      %swap3A_1688 = vector.shape_cast %mul3A_1681 : vector<16xf32> to vector<1x1x16xf32>
      tpu.vector_store %arg11[%swap3A_1683, %swap3A_1684, %swap3A_1685], %swap3A_1688 {strides = array<i32>} : memref<2x16x128xf32, #tpu.memory_space<vmem>>, vector<1x1x16xf32>,
      %get3A_1689 = arith.constant 10 : i32
      %get3A_1690 = arith.index_cast %rem3A_368 : i32 to index
      %get3A_1691 = arith.index_cast %get3A_1689 : i32 to index
      %get3A_1692 = arith.constant 48 : index
      %get3A_1693 = tpu.vector_load %arg11[%get3A_1690, %get3A_1691, %get3A_1692] {strides = array<i32>} : memref<2x16x128xf32, #tpu.memory_space<vmem>>, vector<1x1x16xf32>,
      %get3A_1694 = vector.shape_cast %get3A_1693 : vector<1x1x16xf32> to vector<16xf32>
      %mul3A_1695 = vector.broadcast %squeeze3A_1643 : f32 to vector<16xf32>
      %mul3A_1696 = arith.mulf %get3A_1694, %mul3A_1695 : vector<16xf32>
      %swap3A_1697 = arith.constant 10 : i32
      %swap3A_1698 = arith.index_cast %rem3A_368 : i32 to index
      %swap3A_1699 = arith.index_cast %swap3A_1697 : i32 to index
      %swap3A_1700 = arith.constant 48 : index
      %swap3A_1701 = tpu.vector_load %arg11[%swap3A_1698, %swap3A_1699, %swap3A_1700] {strides = array<i32>} : memref<2x16x128xf32, #tpu.memory_space<vmem>>, vector<1x1x16xf32>,
      %swap3A_1702 = vector.shape_cast %swap3A_1701 : vector<1x1x16xf32> to vector<16xf32>
      %swap3A_1703 = vector.shape_cast %mul3A_1696 : vector<16xf32> to vector<1x1x16xf32>
      tpu.vector_store %arg11[%swap3A_1698, %swap3A_1699, %swap3A_1700], %swap3A_1703 {strides = array<i32>} : memref<2x16x128xf32, #tpu.memory_space<vmem>>, vector<1x1x16xf32>,
      %get3A_1704 = arith.constant 10 : i32
      %get3A_1705 = arith.index_cast %rem3A_368 : i32 to index
      %get3A_1706 = arith.index_cast %get3A_1704 : i32 to index
      %get3A_1707 = arith.constant 64 : index
      %get3A_1708 = tpu.vector_load %arg11[%get3A_1705, %get3A_1706, %get3A_1707] {strides = array<i32>} : memref<2x16x128xf32, #tpu.memory_space<vmem>>, vector<1x1x16xf32>,
      %get3A_1709 = vector.shape_cast %get3A_1708 : vector<1x1x16xf32> to vector<16xf32>
      %mul3A_1710 = vector.broadcast %squeeze3A_1643 : f32 to vector<16xf32>
      %mul3A_1711 = arith.mulf %get3A_1709, %mul3A_1710 : vector<16xf32>
      %swap3A_1712 = arith.constant 10 : i32
      %swap3A_1713 = arith.index_cast %rem3A_368 : i32 to index
      %swap3A_1714 = arith.index_cast %swap3A_1712 : i32 to index
      %swap3A_1715 = arith.constant 64 : index
      %swap3A_1716 = tpu.vector_load %arg11[%swap3A_1713, %swap3A_1714, %swap3A_1715] {strides = array<i32>} : memref<2x16x128xf32, #tpu.memory_space<vmem>>, vector<1x1x16xf32>,
      %swap3A_1717 = vector.shape_cast %swap3A_1716 : vector<1x1x16xf32> to vector<16xf32>
      %swap3A_1718 = vector.shape_cast %mul3A_1711 : vector<16xf32> to vector<1x1x16xf32>
      tpu.vector_store %arg11[%swap3A_1713, %swap3A_1714, %swap3A_1715], %swap3A_1718 {strides = array<i32>} : memref<2x16x128xf32, #tpu.memory_space<vmem>>, vector<1x1x16xf32>,
      %get3A_1719 = arith.constant 10 : i32
      %get3A_1720 = arith.index_cast %rem3A_368 : i32 to index
      %get3A_1721 = arith.index_cast %get3A_1719 : i32 to index
      %get3A_1722 = arith.constant 80 : index
      %get3A_1723 = tpu.vector_load %arg11[%get3A_1720, %get3A_1721, %get3A_1722] {strides = array<i32>} : memref<2x16x128xf32, #tpu.memory_space<vmem>>, vector<1x1x16xf32>,
      %get3A_1724 = vector.shape_cast %get3A_1723 : vector<1x1x16xf32> to vector<16xf32>
      %mul3A_1725 = vector.broadcast %squeeze3A_1643 : f32 to vector<16xf32>
      %mul3A_1726 = arith.mulf %get3A_1724, %mul3A_1725 : vector<16xf32>
      %swap3A_1727 = arith.constant 10 : i32
      %swap3A_1728 = arith.index_cast %rem3A_368 : i32 to index
      %swap3A_1729 = arith.index_cast %swap3A_1727 : i32 to index
      %swap3A_1730 = arith.constant 80 : index
      %swap3A_1731 = tpu.vector_load %arg11[%swap3A_1728, %swap3A_1729, %swap3A_1730] {strides = array<i32>} : memref<2x16x128xf32, #tpu.memory_space<vmem>>, vector<1x1x16xf32>,
      %swap3A_1732 = vector.shape_cast %swap3A_1731 : vector<1x1x16xf32> to vector<16xf32>
      %swap3A_1733 = vector.shape_cast %mul3A_1726 : vector<16xf32> to vector<1x1x16xf32>
      tpu.vector_store %arg11[%swap3A_1728, %swap3A_1729, %swap3A_1730], %swap3A_1733 {strides = array<i32>} : memref<2x16x128xf32, #tpu.memory_space<vmem>>, vector<1x1x16xf32>,
      %get3A_1734 = arith.constant 10 : i32
      %get3A_1735 = arith.index_cast %rem3A_368 : i32 to index
      %get3A_1736 = arith.index_cast %get3A_1734 : i32 to index
      %get3A_1737 = arith.constant 96 : index
      %get3A_1738 = tpu.vector_load %arg11[%get3A_1735, %get3A_1736, %get3A_1737] {strides = array<i32>} : memref<2x16x128xf32, #tpu.memory_space<vmem>>, vector<1x1x16xf32>,
      %get3A_1739 = vector.shape_cast %get3A_1738 : vector<1x1x16xf32> to vector<16xf32>
      %mul3A_1740 = vector.broadcast %squeeze3A_1643 : f32 to vector<16xf32>
      %mul3A_1741 = arith.mulf %get3A_1739, %mul3A_1740 : vector<16xf32>
      %swap3A_1742 = arith.constant 10 : i32
      %swap3A_1743 = arith.index_cast %rem3A_368 : i32 to index
      %swap3A_1744 = arith.index_cast %swap3A_1742 : i32 to index
      %swap3A_1745 = arith.constant 96 : index
      %swap3A_1746 = tpu.vector_load %arg11[%swap3A_1743, %swap3A_1744, %swap3A_1745] {strides = array<i32>} : memref<2x16x128xf32, #tpu.memory_space<vmem>>, vector<1x1x16xf32>,
      %swap3A_1747 = vector.shape_cast %swap3A_1746 : vector<1x1x16xf32> to vector<16xf32>
      %swap3A_1748 = vector.shape_cast %mul3A_1741 : vector<16xf32> to vector<1x1x16xf32>
      tpu.vector_store %arg11[%swap3A_1743, %swap3A_1744, %swap3A_1745], %swap3A_1748 {strides = array<i32>} : memref<2x16x128xf32, #tpu.memory_space<vmem>>, vector<1x1x16xf32>,
      %get3A_1749 = arith.constant 10 : i32
      %get3A_1750 = arith.index_cast %rem3A_368 : i32 to index
      %get3A_1751 = arith.index_cast %get3A_1749 : i32 to index
      %get3A_1752 = arith.constant 112 : index
      %get3A_1753 = tpu.vector_load %arg11[%get3A_1750, %get3A_1751, %get3A_1752] {strides = array<i32>} : memref<2x16x128xf32, #tpu.memory_space<vmem>>, vector<1x1x16xf32>,
      %get3A_1754 = vector.shape_cast %get3A_1753 : vector<1x1x16xf32> to vector<16xf32>
      %mul3A_1755 = vector.broadcast %squeeze3A_1643 : f32 to vector<16xf32>
      %mul3A_1756 = arith.mulf %get3A_1754, %mul3A_1755 : vector<16xf32>
      %swap3A_1757 = arith.constant 10 : i32
      %swap3A_1758 = arith.index_cast %rem3A_368 : i32 to index
      %swap3A_1759 = arith.index_cast %swap3A_1757 : i32 to index
      %swap3A_1760 = arith.constant 112 : index
      %swap3A_1761 = tpu.vector_load %arg11[%swap3A_1758, %swap3A_1759, %swap3A_1760] {strides = array<i32>} : memref<2x16x128xf32, #tpu.memory_space<vmem>>, vector<1x1x16xf32>,
      %swap3A_1762 = vector.shape_cast %swap3A_1761 : vector<1x1x16xf32> to vector<16xf32>
      %swap3A_1763 = vector.shape_cast %mul3A_1756 : vector<16xf32> to vector<1x1x16xf32>
      tpu.vector_store %arg11[%swap3A_1758, %swap3A_1759, %swap3A_1760], %swap3A_1763 {strides = array<i32>} : memref<2x16x128xf32, #tpu.memory_space<vmem>>, vector<1x1x16xf32>,
      %slice3A_1764 = vector.extract_strided_slice %get3A_423 {offsets = [11], sizes = [1], strides = [1]} : vector<16xf32> to vector<1xf32>
      %squeeze3A_1765 = vector.extract %slice3A_1764[0] : f32 from vector<1xf32>
      %get3A_1766 = arith.constant 11 : i32
      %get3A_1767 = arith.index_cast %rem3A_368 : i32 to index
      %get3A_1768 = arith.index_cast %get3A_1766 : i32 to index
      %get3A_1769 = arith.constant 0 : index
      %get3A_1770 = tpu.vector_load %arg11[%get3A_1767, %get3A_1768, %get3A_1769] {strides = array<i32>} : memref<2x16x128xf32, #tpu.memory_space<vmem>>, vector<1x1x16xf32>,
      %get3A_1771 = vector.shape_cast %get3A_1770 : vector<1x1x16xf32> to vector<16xf32>
      %mul3A_1772 = vector.broadcast %squeeze3A_1765 : f32 to vector<16xf32>
      %mul3A_1773 = arith.mulf %get3A_1771, %mul3A_1772 : vector<16xf32>
      %swap3A_1774 = arith.constant 11 : i32
      %swap3A_1775 = arith.index_cast %rem3A_368 : i32 to index
      %swap3A_1776 = arith.index_cast %swap3A_1774 : i32 to index
      %swap3A_1777 = arith.constant 0 : index
      %swap3A_1778 = tpu.vector_load %arg11[%swap3A_1775, %swap3A_1776, %swap3A_1777] {strides = array<i32>} : memref<2x16x128xf32, #tpu.memory_space<vmem>>, vector<1x1x16xf32>,
      %swap3A_1779 = vector.shape_cast %swap3A_1778 : vector<1x1x16xf32> to vector<16xf32>
      %swap3A_1780 = vector.shape_cast %mul3A_1773 : vector<16xf32> to vector<1x1x16xf32>
      tpu.vector_store %arg11[%swap3A_1775, %swap3A_1776, %swap3A_1777], %swap3A_1780 {strides = array<i32>} : memref<2x16x128xf32, #tpu.memory_space<vmem>>, vector<1x1x16xf32>,
      %get3A_1781 = arith.constant 11 : i32
      %get3A_1782 = arith.index_cast %rem3A_368 : i32 to index
      %get3A_1783 = arith.index_cast %get3A_1781 : i32 to index
      %get3A_1784 = arith.constant 16 : index
      %get3A_1785 = tpu.vector_load %arg11[%get3A_1782, %get3A_1783, %get3A_1784] {strides = array<i32>} : memref<2x16x128xf32, #tpu.memory_space<vmem>>, vector<1x1x16xf32>,
      %get3A_1786 = vector.shape_cast %get3A_1785 : vector<1x1x16xf32> to vector<16xf32>
      %mul3A_1787 = vector.broadcast %squeeze3A_1765 : f32 to vector<16xf32>
      %mul3A_1788 = arith.mulf %get3A_1786, %mul3A_1787 : vector<16xf32>
      %swap3A_1789 = arith.constant 11 : i32
      %swap3A_1790 = arith.index_cast %rem3A_368 : i32 to index
      %swap3A_1791 = arith.index_cast %swap3A_1789 : i32 to index
      %swap3A_1792 = arith.constant 16 : index
      %swap3A_1793 = tpu.vector_load %arg11[%swap3A_1790, %swap3A_1791, %swap3A_1792] {strides = array<i32>} : memref<2x16x128xf32, #tpu.memory_space<vmem>>, vector<1x1x16xf32>,
      %swap3A_1794 = vector.shape_cast %swap3A_1793 : vector<1x1x16xf32> to vector<16xf32>
      %swap3A_1795 = vector.shape_cast %mul3A_1788 : vector<16xf32> to vector<1x1x16xf32>
      tpu.vector_store %arg11[%swap3A_1790, %swap3A_1791, %swap3A_1792], %swap3A_1795 {strides = array<i32>} : memref<2x16x128xf32, #tpu.memory_space<vmem>>, vector<1x1x16xf32>,
      %get3A_1796 = arith.constant 11 : i32
      %get3A_1797 = arith.index_cast %rem3A_368 : i32 to index
      %get3A_1798 = arith.index_cast %get3A_1796 : i32 to index
      %get3A_1799 = arith.constant 32 : index
      %get3A_1800 = tpu.vector_load %arg11[%get3A_1797, %get3A_1798, %get3A_1799] {strides = array<i32>} : memref<2x16x128xf32, #tpu.memory_space<vmem>>, vector<1x1x16xf32>,
      %get3A_1801 = vector.shape_cast %get3A_1800 : vector<1x1x16xf32> to vector<16xf32>
      %mul3A_1802 = vector.broadcast %squeeze3A_1765 : f32 to vector<16xf32>
      %mul3A_1803 = arith.mulf %get3A_1801, %mul3A_1802 : vector<16xf32>
      %swap3A_1804 = arith.constant 11 : i32
      %swap3A_1805 = arith.index_cast %rem3A_368 : i32 to index
      %swap3A_1806 = arith.index_cast %swap3A_1804 : i32 to index
      %swap3A_1807 = arith.constant 32 : index
      %swap3A_1808 = tpu.vector_load %arg11[%swap3A_1805, %swap3A_1806, %swap3A_1807] {strides = array<i32>} : memref<2x16x128xf32, #tpu.memory_space<vmem>>, vector<1x1x16xf32>,
      %swap3A_1809 = vector.shape_cast %swap3A_1808 : vector<1x1x16xf32> to vector<16xf32>
      %swap3A_1810 = vector.shape_cast %mul3A_1803 : vector<16xf32> to vector<1x1x16xf32>
      tpu.vector_store %arg11[%swap3A_1805, %swap3A_1806, %swap3A_1807], %swap3A_1810 {strides = array<i32>} : memref<2x16x128xf32, #tpu.memory_space<vmem>>, vector<1x1x16xf32>,
      %get3A_1811 = arith.constant 11 : i32
      %get3A_1812 = arith.index_cast %rem3A_368 : i32 to index
      %get3A_1813 = arith.index_cast %get3A_1811 : i32 to index
      %get3A_1814 = arith.constant 48 : index
      %get3A_1815 = tpu.vector_load %arg11[%get3A_1812, %get3A_1813, %get3A_1814] {strides = array<i32>} : memref<2x16x128xf32, #tpu.memory_space<vmem>>, vector<1x1x16xf32>,
      %get3A_1816 = vector.shape_cast %get3A_1815 : vector<1x1x16xf32> to vector<16xf32>
      %mul3A_1817 = vector.broadcast %squeeze3A_1765 : f32 to vector<16xf32>
      %mul3A_1818 = arith.mulf %get3A_1816, %mul3A_1817 : vector<16xf32>
      %swap3A_1819 = arith.constant 11 : i32
      %swap3A_1820 = arith.index_cast %rem3A_368 : i32 to index
      %swap3A_1821 = arith.index_cast %swap3A_1819 : i32 to index
      %swap3A_1822 = arith.constant 48 : index
      %swap3A_1823 = tpu.vector_load %arg11[%swap3A_1820, %swap3A_1821, %swap3A_1822] {strides = array<i32>} : memref<2x16x128xf32, #tpu.memory_space<vmem>>, vector<1x1x16xf32>,
      %swap3A_1824 = vector.shape_cast %swap3A_1823 : vector<1x1x16xf32> to vector<16xf32>
      %swap3A_1825 = vector.shape_cast %mul3A_1818 : vector<16xf32> to vector<1x1x16xf32>
      tpu.vector_store %arg11[%swap3A_1820, %swap3A_1821, %swap3A_1822], %swap3A_1825 {strides = array<i32>} : memref<2x16x128xf32, #tpu.memory_space<vmem>>, vector<1x1x16xf32>,
      %get3A_1826 = arith.constant 11 : i32
      %get3A_1827 = arith.index_cast %rem3A_368 : i32 to index
      %get3A_1828 = arith.index_cast %get3A_1826 : i32 to index
      %get3A_1829 = arith.constant 64 : index
      %get3A_1830 = tpu.vector_load %arg11[%get3A_1827, %get3A_1828, %get3A_1829] {strides = array<i32>} : memref<2x16x128xf32, #tpu.memory_space<vmem>>, vector<1x1x16xf32>,
      %get3A_1831 = vector.shape_cast %get3A_1830 : vector<1x1x16xf32> to vector<16xf32>
      %mul3A_1832 = vector.broadcast %squeeze3A_1765 : f32 to vector<16xf32>
      %mul3A_1833 = arith.mulf %get3A_1831, %mul3A_1832 : vector<16xf32>
      %swap3A_1834 = arith.constant 11 : i32
      %swap3A_1835 = arith.index_cast %rem3A_368 : i32 to index
      %swap3A_1836 = arith.index_cast %swap3A_1834 : i32 to index
      %swap3A_1837 = arith.constant 64 : index
      %swap3A_1838 = tpu.vector_load %arg11[%swap3A_1835, %swap3A_1836, %swap3A_1837] {strides = array<i32>} : memref<2x16x128xf32, #tpu.memory_space<vmem>>, vector<1x1x16xf32>,
      %swap3A_1839 = vector.shape_cast %swap3A_1838 : vector<1x1x16xf32> to vector<16xf32>
      %swap3A_1840 = vector.shape_cast %mul3A_1833 : vector<16xf32> to vector<1x1x16xf32>
      tpu.vector_store %arg11[%swap3A_1835, %swap3A_1836, %swap3A_1837], %swap3A_1840 {strides = array<i32>} : memref<2x16x128xf32, #tpu.memory_space<vmem>>, vector<1x1x16xf32>,
      %get3A_1841 = arith.constant 11 : i32
      %get3A_1842 = arith.index_cast %rem3A_368 : i32 to index
      %get3A_1843 = arith.index_cast %get3A_1841 : i32 to index
      %get3A_1844 = arith.constant 80 : index
      %get3A_1845 = tpu.vector_load %arg11[%get3A_1842, %get3A_1843, %get3A_1844] {strides = array<i32>} : memref<2x16x128xf32, #tpu.memory_space<vmem>>, vector<1x1x16xf32>,
      %get3A_1846 = vector.shape_cast %get3A_1845 : vector<1x1x16xf32> to vector<16xf32>
      %mul3A_1847 = vector.broadcast %squeeze3A_1765 : f32 to vector<16xf32>
      %mul3A_1848 = arith.mulf %get3A_1846, %mul3A_1847 : vector<16xf32>
      %swap3A_1849 = arith.constant 11 : i32
      %swap3A_1850 = arith.index_cast %rem3A_368 : i32 to index
      %swap3A_1851 = arith.index_cast %swap3A_1849 : i32 to index
      %swap3A_1852 = arith.constant 80 : index
      %swap3A_1853 = tpu.vector_load %arg11[%swap3A_1850, %swap3A_1851, %swap3A_1852] {strides = array<i32>} : memref<2x16x128xf32, #tpu.memory_space<vmem>>, vector<1x1x16xf32>,
      %swap3A_1854 = vector.shape_cast %swap3A_1853 : vector<1x1x16xf32> to vector<16xf32>
      %swap3A_1855 = vector.shape_cast %mul3A_1848 : vector<16xf32> to vector<1x1x16xf32>
      tpu.vector_store %arg11[%swap3A_1850, %swap3A_1851, %swap3A_1852], %swap3A_1855 {strides = array<i32>} : memref<2x16x128xf32, #tpu.memory_space<vmem>>, vector<1x1x16xf32>,
      %get3A_1856 = arith.constant 11 : i32
      %get3A_1857 = arith.index_cast %rem3A_368 : i32 to index
      %get3A_1858 = arith.index_cast %get3A_1856 : i32 to index
      %get3A_1859 = arith.constant 96 : index
      %get3A_1860 = tpu.vector_load %arg11[%get3A_1857, %get3A_1858, %get3A_1859] {strides = array<i32>} : memref<2x16x128xf32, #tpu.memory_space<vmem>>, vector<1x1x16xf32>,
      %get3A_1861 = vector.shape_cast %get3A_1860 : vector<1x1x16xf32> to vector<16xf32>
      %mul3A_1862 = vector.broadcast %squeeze3A_1765 : f32 to vector<16xf32>
      %mul3A_1863 = arith.mulf %get3A_1861, %mul3A_1862 : vector<16xf32>
      %swap3A_1864 = arith.constant 11 : i32
      %swap3A_1865 = arith.index_cast %rem3A_368 : i32 to index
      %swap3A_1866 = arith.index_cast %swap3A_1864 : i32 to index
      %swap3A_1867 = arith.constant 96 : index
      %swap3A_1868 = tpu.vector_load %arg11[%swap3A_1865, %swap3A_1866, %swap3A_1867] {strides = array<i32>} : memref<2x16x128xf32, #tpu.memory_space<vmem>>, vector<1x1x16xf32>,
      %swap3A_1869 = vector.shape_cast %swap3A_1868 : vector<1x1x16xf32> to vector<16xf32>
      %swap3A_1870 = vector.shape_cast %mul3A_1863 : vector<16xf32> to vector<1x1x16xf32>
      tpu.vector_store %arg11[%swap3A_1865, %swap3A_1866, %swap3A_1867], %swap3A_1870 {strides = array<i32>} : memref<2x16x128xf32, #tpu.memory_space<vmem>>, vector<1x1x16xf32>,
      %get3A_1871 = arith.constant 11 : i32
      %get3A_1872 = arith.index_cast %rem3A_368 : i32 to index
      %get3A_1873 = arith.index_cast %get3A_1871 : i32 to index
      %get3A_1874 = arith.constant 112 : index
      %get3A_1875 = tpu.vector_load %arg11[%get3A_1872, %get3A_1873, %get3A_1874] {strides = array<i32>} : memref<2x16x128xf32, #tpu.memory_space<vmem>>, vector<1x1x16xf32>,
      %get3A_1876 = vector.shape_cast %get3A_1875 : vector<1x1x16xf32> to vector<16xf32>
      %mul3A_1877 = vector.broadcast %squeeze3A_1765 : f32 to vector<16xf32>
      %mul3A_1878 = arith.mulf %get3A_1876, %mul3A_1877 : vector<16xf32>
      %swap3A_1879 = arith.constant 11 : i32
      %swap3A_1880 = arith.index_cast %rem3A_368 : i32 to index
      %swap3A_1881 = arith.index_cast %swap3A_1879 : i32 to index
      %swap3A_1882 = arith.constant 112 : index
      %swap3A_1883 = tpu.vector_load %arg11[%swap3A_1880, %swap3A_1881, %swap3A_1882] {strides = array<i32>} : memref<2x16x128xf32, #tpu.memory_space<vmem>>, vector<1x1x16xf32>,
      %swap3A_1884 = vector.shape_cast %swap3A_1883 : vector<1x1x16xf32> to vector<16xf32>
      %swap3A_1885 = vector.shape_cast %mul3A_1878 : vector<16xf32> to vector<1x1x16xf32>
      tpu.vector_store %arg11[%swap3A_1880, %swap3A_1881, %swap3A_1882], %swap3A_1885 {strides = array<i32>} : memref<2x16x128xf32, #tpu.memory_space<vmem>>, vector<1x1x16xf32>,
      %slice3A_1886 = vector.extract_strided_slice %get3A_423 {offsets = [12], sizes = [1], strides = [1]} : vector<16xf32> to vector<1xf32>
      %squeeze3A_1887 = vector.extract %slice3A_1886[0] : f32 from vector<1xf32>
      %get3A_1888 = arith.constant 12 : i32
      %get3A_1889 = arith.index_cast %rem3A_368 : i32 to index
      %get3A_1890 = arith.index_cast %get3A_1888 : i32 to index
      %get3A_1891 = arith.constant 0 : index
      %get3A_1892 = tpu.vector_load %arg11[%get3A_1889, %get3A_1890, %get3A_1891] {strides = array<i32>} : memref<2x16x128xf32, #tpu.memory_space<vmem>>, vector<1x1x16xf32>,
      %get3A_1893 = vector.shape_cast %get3A_1892 : vector<1x1x16xf32> to vector<16xf32>
      %mul3A_1894 = vector.broadcast %squeeze3A_1887 : f32 to vector<16xf32>
      %mul3A_1895 = arith.mulf %get3A_1893, %mul3A_1894 : vector<16xf32>
      %swap3A_1896 = arith.constant 12 : i32
      %swap3A_1897 = arith.index_cast %rem3A_368 : i32 to index
      %swap3A_1898 = arith.index_cast %swap3A_1896 : i32 to index
      %swap3A_1899 = arith.constant 0 : index
      %swap3A_1900 = tpu.vector_load %arg11[%swap3A_1897, %swap3A_1898, %swap3A_1899] {strides = array<i32>} : memref<2x16x128xf32, #tpu.memory_space<vmem>>, vector<1x1x16xf32>,
      %swap3A_1901 = vector.shape_cast %swap3A_1900 : vector<1x1x16xf32> to vector<16xf32>
      %swap3A_1902 = vector.shape_cast %mul3A_1895 : vector<16xf32> to vector<1x1x16xf32>
      tpu.vector_store %arg11[%swap3A_1897, %swap3A_1898, %swap3A_1899], %swap3A_1902 {strides = array<i32>} : memref<2x16x128xf32, #tpu.memory_space<vmem>>, vector<1x1x16xf32>,
      %get3A_1903 = arith.constant 12 : i32
      %get3A_1904 = arith.index_cast %rem3A_368 : i32 to index
      %get3A_1905 = arith.index_cast %get3A_1903 : i32 to index
      %get3A_1906 = arith.constant 16 : index
      %get3A_1907 = tpu.vector_load %arg11[%get3A_1904, %get3A_1905, %get3A_1906] {strides = array<i32>} : memref<2x16x128xf32, #tpu.memory_space<vmem>>, vector<1x1x16xf32>,
      %get3A_1908 = vector.shape_cast %get3A_1907 : vector<1x1x16xf32> to vector<16xf32>
      %mul3A_1909 = vector.broadcast %squeeze3A_1887 : f32 to vector<16xf32>
      %mul3A_1910 = arith.mulf %get3A_1908, %mul3A_1909 : vector<16xf32>
      %swap3A_1911 = arith.constant 12 : i32
      %swap3A_1912 = arith.index_cast %rem3A_368 : i32 to index
      %swap3A_1913 = arith.index_cast %swap3A_1911 : i32 to index
      %swap3A_1914 = arith.constant 16 : index
      %swap3A_1915 = tpu.vector_load %arg11[%swap3A_1912, %swap3A_1913, %swap3A_1914] {strides = array<i32>} : memref<2x16x128xf32, #tpu.memory_space<vmem>>, vector<1x1x16xf32>,
      %swap3A_1916 = vector.shape_cast %swap3A_1915 : vector<1x1x16xf32> to vector<16xf32>
      %swap3A_1917 = vector.shape_cast %mul3A_1910 : vector<16xf32> to vector<1x1x16xf32>
      tpu.vector_store %arg11[%swap3A_1912, %swap3A_1913, %swap3A_1914], %swap3A_1917 {strides = array<i32>} : memref<2x16x128xf32, #tpu.memory_space<vmem>>, vector<1x1x16xf32>,
      %get3A_1918 = arith.constant 12 : i32
      %get3A_1919 = arith.index_cast %rem3A_368 : i32 to index
      %get3A_1920 = arith.index_cast %get3A_1918 : i32 to index
      %get3A_1921 = arith.constant 32 : index
      %get3A_1922 = tpu.vector_load %arg11[%get3A_1919, %get3A_1920, %get3A_1921] {strides = array<i32>} : memref<2x16x128xf32, #tpu.memory_space<vmem>>, vector<1x1x16xf32>,
      %get3A_1923 = vector.shape_cast %get3A_1922 : vector<1x1x16xf32> to vector<16xf32>
      %mul3A_1924 = vector.broadcast %squeeze3A_1887 : f32 to vector<16xf32>
      %mul3A_1925 = arith.mulf %get3A_1923, %mul3A_1924 : vector<16xf32>
      %swap3A_1926 = arith.constant 12 : i32
      %swap3A_1927 = arith.index_cast %rem3A_368 : i32 to index
      %swap3A_1928 = arith.index_cast %swap3A_1926 : i32 to index
      %swap3A_1929 = arith.constant 32 : index
      %swap3A_1930 = tpu.vector_load %arg11[%swap3A_1927, %swap3A_1928, %swap3A_1929] {strides = array<i32>} : memref<2x16x128xf32, #tpu.memory_space<vmem>>, vector<1x1x16xf32>,
      %swap3A_1931 = vector.shape_cast %swap3A_1930 : vector<1x1x16xf32> to vector<16xf32>
      %swap3A_1932 = vector.shape_cast %mul3A_1925 : vector<16xf32> to vector<1x1x16xf32>
      tpu.vector_store %arg11[%swap3A_1927, %swap3A_1928, %swap3A_1929], %swap3A_1932 {strides = array<i32>} : memref<2x16x128xf32, #tpu.memory_space<vmem>>, vector<1x1x16xf32>,
      %get3A_1933 = arith.constant 12 : i32
      %get3A_1934 = arith.index_cast %rem3A_368 : i32 to index
      %get3A_1935 = arith.index_cast %get3A_1933 : i32 to index
      %get3A_1936 = arith.constant 48 : index
      %get3A_1937 = tpu.vector_load %arg11[%get3A_1934, %get3A_1935, %get3A_1936] {strides = array<i32>} : memref<2x16x128xf32, #tpu.memory_space<vmem>>, vector<1x1x16xf32>,
      %get3A_1938 = vector.shape_cast %get3A_1937 : vector<1x1x16xf32> to vector<16xf32>
      %mul3A_1939 = vector.broadcast %squeeze3A_1887 : f32 to vector<16xf32>
      %mul3A_1940 = arith.mulf %get3A_1938, %mul3A_1939 : vector<16xf32>
      %swap3A_1941 = arith.constant 12 : i32
      %swap3A_1942 = arith.index_cast %rem3A_368 : i32 to index
      %swap3A_1943 = arith.index_cast %swap3A_1941 : i32 to index
      %swap3A_1944 = arith.constant 48 : index
      %swap3A_1945 = tpu.vector_load %arg11[%swap3A_1942, %swap3A_1943, %swap3A_1944] {strides = array<i32>} : memref<2x16x128xf32, #tpu.memory_space<vmem>>, vector<1x1x16xf32>,
      %swap3A_1946 = vector.shape_cast %swap3A_1945 : vector<1x1x16xf32> to vector<16xf32>
      %swap3A_1947 = vector.shape_cast %mul3A_1940 : vector<16xf32> to vector<1x1x16xf32>
      tpu.vector_store %arg11[%swap3A_1942, %swap3A_1943, %swap3A_1944], %swap3A_1947 {strides = array<i32>} : memref<2x16x128xf32, #tpu.memory_space<vmem>>, vector<1x1x16xf32>,
      %get3A_1948 = arith.constant 12 : i32
      %get3A_1949 = arith.index_cast %rem3A_368 : i32 to index
      %get3A_1950 = arith.index_cast %get3A_1948 : i32 to index
      %get3A_1951 = arith.constant 64 : index
      %get3A_1952 = tpu.vector_load %arg11[%get3A_1949, %get3A_1950, %get3A_1951] {strides = array<i32>} : memref<2x16x128xf32, #tpu.memory_space<vmem>>, vector<1x1x16xf32>,
      %get3A_1953 = vector.shape_cast %get3A_1952 : vector<1x1x16xf32> to vector<16xf32>
      %mul3A_1954 = vector.broadcast %squeeze3A_1887 : f32 to vector<16xf32>
      %mul3A_1955 = arith.mulf %get3A_1953, %mul3A_1954 : vector<16xf32>
      %swap3A_1956 = arith.constant 12 : i32
      %swap3A_1957 = arith.index_cast %rem3A_368 : i32 to index
      %swap3A_1958 = arith.index_cast %swap3A_1956 : i32 to index
      %swap3A_1959 = arith.constant 64 : index
      %swap3A_1960 = tpu.vector_load %arg11[%swap3A_1957, %swap3A_1958, %swap3A_1959] {strides = array<i32>} : memref<2x16x128xf32, #tpu.memory_space<vmem>>, vector<1x1x16xf32>,
      %swap3A_1961 = vector.shape_cast %swap3A_1960 : vector<1x1x16xf32> to vector<16xf32>
      %swap3A_1962 = vector.shape_cast %mul3A_1955 : vector<16xf32> to vector<1x1x16xf32>
      tpu.vector_store %arg11[%swap3A_1957, %swap3A_1958, %swap3A_1959], %swap3A_1962 {strides = array<i32>} : memref<2x16x128xf32, #tpu.memory_space<vmem>>, vector<1x1x16xf32>,
      %get3A_1963 = arith.constant 12 : i32
      %get3A_1964 = arith.index_cast %rem3A_368 : i32 to index
      %get3A_1965 = arith.index_cast %get3A_1963 : i32 to index
      %get3A_1966 = arith.constant 80 : index
      %get3A_1967 = tpu.vector_load %arg11[%get3A_1964, %get3A_1965, %get3A_1966] {strides = array<i32>} : memref<2x16x128xf32, #tpu.memory_space<vmem>>, vector<1x1x16xf32>,
      %get3A_1968 = vector.shape_cast %get3A_1967 : vector<1x1x16xf32> to vector<16xf32>
      %mul3A_1969 = vector.broadcast %squeeze3A_1887 : f32 to vector<16xf32>
      %mul3A_1970 = arith.mulf %get3A_1968, %mul3A_1969 : vector<16xf32>
      %swap3A_1971 = arith.constant 12 : i32
      %swap3A_1972 = arith.index_cast %rem3A_368 : i32 to index
      %swap3A_1973 = arith.index_cast %swap3A_1971 : i32 to index
      %swap3A_1974 = arith.constant 80 : index
      %swap3A_1975 = tpu.vector_load %arg11[%swap3A_1972, %swap3A_1973, %swap3A_1974] {strides = array<i32>} : memref<2x16x128xf32, #tpu.memory_space<vmem>>, vector<1x1x16xf32>,
      %swap3A_1976 = vector.shape_cast %swap3A_1975 : vector<1x1x16xf32> to vector<16xf32>
      %swap3A_1977 = vector.shape_cast %mul3A_1970 : vector<16xf32> to vector<1x1x16xf32>
      tpu.vector_store %arg11[%swap3A_1972, %swap3A_1973, %swap3A_1974], %swap3A_1977 {strides = array<i32>} : memref<2x16x128xf32, #tpu.memory_space<vmem>>, vector<1x1x16xf32>,
      %get3A_1978 = arith.constant 12 : i32
      %get3A_1979 = arith.index_cast %rem3A_368 : i32 to index
      %get3A_1980 = arith.index_cast %get3A_1978 : i32 to index
      %get3A_1981 = arith.constant 96 : index
      %get3A_1982 = tpu.vector_load %arg11[%get3A_1979, %get3A_1980, %get3A_1981] {strides = array<i32>} : memref<2x16x128xf32, #tpu.memory_space<vmem>>, vector<1x1x16xf32>,
      %get3A_1983 = vector.shape_cast %get3A_1982 : vector<1x1x16xf32> to vector<16xf32>
      %mul3A_1984 = vector.broadcast %squeeze3A_1887 : f32 to vector<16xf32>
      %mul3A_1985 = arith.mulf %get3A_1983, %mul3A_1984 : vector<16xf32>
      %swap3A_1986 = arith.constant 12 : i32
      %swap3A_1987 = arith.index_cast %rem3A_368 : i32 to index
      %swap3A_1988 = arith.index_cast %swap3A_1986 : i32 to index
      %swap3A_1989 = arith.constant 96 : index
      %swap3A_1990 = tpu.vector_load %arg11[%swap3A_1987, %swap3A_1988, %swap3A_1989] {strides = array<i32>} : memref<2x16x128xf32, #tpu.memory_space<vmem>>, vector<1x1x16xf32>,
      %swap3A_1991 = vector.shape_cast %swap3A_1990 : vector<1x1x16xf32> to vector<16xf32>
      %swap3A_1992 = vector.shape_cast %mul3A_1985 : vector<16xf32> to vector<1x1x16xf32>
      tpu.vector_store %arg11[%swap3A_1987, %swap3A_1988, %swap3A_1989], %swap3A_1992 {strides = array<i32>} : memref<2x16x128xf32, #tpu.memory_space<vmem>>, vector<1x1x16xf32>,
      %get3A_1993 = arith.constant 12 : i32
      %get3A_1994 = arith.index_cast %rem3A_368 : i32 to index
      %get3A_1995 = arith.index_cast %get3A_1993 : i32 to index
      %get3A_1996 = arith.constant 112 : index
      %get3A_1997 = tpu.vector_load %arg11[%get3A_1994, %get3A_1995, %get3A_1996] {strides = array<i32>} : memref<2x16x128xf32, #tpu.memory_space<vmem>>, vector<1x1x16xf32>,
      %get3A_1998 = vector.shape_cast %get3A_1997 : vector<1x1x16xf32> to vector<16xf32>
      %mul3A_1999 = vector.broadcast %squeeze3A_1887 : f32 to vector<16xf32>
      %mul3A_2000 = arith.mulf %get3A_1998, %mul3A_1999 : vector<16xf32>
      %swap3A_2001 = arith.constant 12 : i32
      %swap3A_2002 = arith.index_cast %rem3A_368 : i32 to index
      %swap3A_2003 = arith.index_cast %swap3A_2001 : i32 to index
      %swap3A_2004 = arith.constant 112 : index
      %swap3A_2005 = tpu.vector_load %arg11[%swap3A_2002, %swap3A_2003, %swap3A_2004] {strides = array<i32>} : memref<2x16x128xf32, #tpu.memory_space<vmem>>, vector<1x1x16xf32>,
      %swap3A_2006 = vector.shape_cast %swap3A_2005 : vector<1x1x16xf32> to vector<16xf32>
      %swap3A_2007 = vector.shape_cast %mul3A_2000 : vector<16xf32> to vector<1x1x16xf32>
      tpu.vector_store %arg11[%swap3A_2002, %swap3A_2003, %swap3A_2004], %swap3A_2007 {strides = array<i32>} : memref<2x16x128xf32, #tpu.memory_space<vmem>>, vector<1x1x16xf32>,
      %slice3A_2008 = vector.extract_strided_slice %get3A_423 {offsets = [13], sizes = [1], strides = [1]} : vector<16xf32> to vector<1xf32>
      %squeeze3A_2009 = vector.extract %slice3A_2008[0] : f32 from vector<1xf32>
      %get3A_2010 = arith.constant 13 : i32
      %get3A_2011 = arith.index_cast %rem3A_368 : i32 to index
      %get3A_2012 = arith.index_cast %get3A_2010 : i32 to index
      %get3A_2013 = arith.constant 0 : index
      %get3A_2014 = tpu.vector_load %arg11[%get3A_2011, %get3A_2012, %get3A_2013] {strides = array<i32>} : memref<2x16x128xf32, #tpu.memory_space<vmem>>, vector<1x1x16xf32>,
      %get3A_2015 = vector.shape_cast %get3A_2014 : vector<1x1x16xf32> to vector<16xf32>
      %mul3A_2016 = vector.broadcast %squeeze3A_2009 : f32 to vector<16xf32>
      %mul3A_2017 = arith.mulf %get3A_2015, %mul3A_2016 : vector<16xf32>
      %swap3A_2018 = arith.constant 13 : i32
      %swap3A_2019 = arith.index_cast %rem3A_368 : i32 to index
      %swap3A_2020 = arith.index_cast %swap3A_2018 : i32 to index
      %swap3A_2021 = arith.constant 0 : index
      %swap3A_2022 = tpu.vector_load %arg11[%swap3A_2019, %swap3A_2020, %swap3A_2021] {strides = array<i32>} : memref<2x16x128xf32, #tpu.memory_space<vmem>>, vector<1x1x16xf32>,
      %swap3A_2023 = vector.shape_cast %swap3A_2022 : vector<1x1x16xf32> to vector<16xf32>
      %swap3A_2024 = vector.shape_cast %mul3A_2017 : vector<16xf32> to vector<1x1x16xf32>
      tpu.vector_store %arg11[%swap3A_2019, %swap3A_2020, %swap3A_2021], %swap3A_2024 {strides = array<i32>} : memref<2x16x128xf32, #tpu.memory_space<vmem>>, vector<1x1x16xf32>,
      %get3A_2025 = arith.constant 13 : i32
      %get3A_2026 = arith.index_cast %rem3A_368 : i32 to index
      %get3A_2027 = arith.index_cast %get3A_2025 : i32 to index
      %get3A_2028 = arith.constant 16 : index
      %get3A_2029 = tpu.vector_load %arg11[%get3A_2026, %get3A_2027, %get3A_2028] {strides = array<i32>} : memref<2x16x128xf32, #tpu.memory_space<vmem>>, vector<1x1x16xf32>,
      %get3A_2030 = vector.shape_cast %get3A_2029 : vector<1x1x16xf32> to vector<16xf32>
      %mul3A_2031 = vector.broadcast %squeeze3A_2009 : f32 to vector<16xf32>
      %mul3A_2032 = arith.mulf %get3A_2030, %mul3A_2031 : vector<16xf32>
      %swap3A_2033 = arith.constant 13 : i32
      %swap3A_2034 = arith.index_cast %rem3A_368 : i32 to index
      %swap3A_2035 = arith.index_cast %swap3A_2033 : i32 to index
      %swap3A_2036 = arith.constant 16 : index
      %swap3A_2037 = tpu.vector_load %arg11[%swap3A_2034, %swap3A_2035, %swap3A_2036] {strides = array<i32>} : memref<2x16x128xf32, #tpu.memory_space<vmem>>, vector<1x1x16xf32>,
      %swap3A_2038 = vector.shape_cast %swap3A_2037 : vector<1x1x16xf32> to vector<16xf32>
      %swap3A_2039 = vector.shape_cast %mul3A_2032 : vector<16xf32> to vector<1x1x16xf32>
      tpu.vector_store %arg11[%swap3A_2034, %swap3A_2035, %swap3A_2036], %swap3A_2039 {strides = array<i32>} : memref<2x16x128xf32, #tpu.memory_space<vmem>>, vector<1x1x16xf32>,
      %get3A_2040 = arith.constant 13 : i32
      %get3A_2041 = arith.index_cast %rem3A_368 : i32 to index
      %get3A_2042 = arith.index_cast %get3A_2040 : i32 to index
      %get3A_2043 = arith.constant 32 : index
      %get3A_2044 = tpu.vector_load %arg11[%get3A_2041, %get3A_2042, %get3A_2043] {strides = array<i32>} : memref<2x16x128xf32, #tpu.memory_space<vmem>>, vector<1x1x16xf32>,
      %get3A_2045 = vector.shape_cast %get3A_2044 : vector<1x1x16xf32> to vector<16xf32>
      %mul3A_2046 = vector.broadcast %squeeze3A_2009 : f32 to vector<16xf32>
      %mul3A_2047 = arith.mulf %get3A_2045, %mul3A_2046 : vector<16xf32>
      %swap3A_2048 = arith.constant 13 : i32
      %swap3A_2049 = arith.index_cast %rem3A_368 : i32 to index
      %swap3A_2050 = arith.index_cast %swap3A_2048 : i32 to index
      %swap3A_2051 = arith.constant 32 : index
      %swap3A_2052 = tpu.vector_load %arg11[%swap3A_2049, %swap3A_2050, %swap3A_2051] {strides = array<i32>} : memref<2x16x128xf32, #tpu.memory_space<vmem>>, vector<1x1x16xf32>,
      %swap3A_2053 = vector.shape_cast %swap3A_2052 : vector<1x1x16xf32> to vector<16xf32>
      %swap3A_2054 = vector.shape_cast %mul3A_2047 : vector<16xf32> to vector<1x1x16xf32>
      tpu.vector_store %arg11[%swap3A_2049, %swap3A_2050, %swap3A_2051], %swap3A_2054 {strides = array<i32>} : memref<2x16x128xf32, #tpu.memory_space<vmem>>, vector<1x1x16xf32>,
      %get3A_2055 = arith.constant 13 : i32
      %get3A_2056 = arith.index_cast %rem3A_368 : i32 to index
      %get3A_2057 = arith.index_cast %get3A_2055 : i32 to index
      %get3A_2058 = arith.constant 48 : index
      %get3A_2059 = tpu.vector_load %arg11[%get3A_2056, %get3A_2057, %get3A_2058] {strides = array<i32>} : memref<2x16x128xf32, #tpu.memory_space<vmem>>, vector<1x1x16xf32>,
      %get3A_2060 = vector.shape_cast %get3A_2059 : vector<1x1x16xf32> to vector<16xf32>
      %mul3A_2061 = vector.broadcast %squeeze3A_2009 : f32 to vector<16xf32>
      %mul3A_2062 = arith.mulf %get3A_2060, %mul3A_2061 : vector<16xf32>
      %swap3A_2063 = arith.constant 13 : i32
      %swap3A_2064 = arith.index_cast %rem3A_368 : i32 to index
      %swap3A_2065 = arith.index_cast %swap3A_2063 : i32 to index
      %swap3A_2066 = arith.constant 48 : index
      %swap3A_2067 = tpu.vector_load %arg11[%swap3A_2064, %swap3A_2065, %swap3A_2066] {strides = array<i32>} : memref<2x16x128xf32, #tpu.memory_space<vmem>>, vector<1x1x16xf32>,
      %swap3A_2068 = vector.shape_cast %swap3A_2067 : vector<1x1x16xf32> to vector<16xf32>
      %swap3A_2069 = vector.shape_cast %mul3A_2062 : vector<16xf32> to vector<1x1x16xf32>
      tpu.vector_store %arg11[%swap3A_2064, %swap3A_2065, %swap3A_2066], %swap3A_2069 {strides = array<i32>} : memref<2x16x128xf32, #tpu.memory_space<vmem>>, vector<1x1x16xf32>,
      %get3A_2070 = arith.constant 13 : i32
      %get3A_2071 = arith.index_cast %rem3A_368 : i32 to index
      %get3A_2072 = arith.index_cast %get3A_2070 : i32 to index
      %get3A_2073 = arith.constant 64 : index
      %get3A_2074 = tpu.vector_load %arg11[%get3A_2071, %get3A_2072, %get3A_2073] {strides = array<i32>} : memref<2x16x128xf32, #tpu.memory_space<vmem>>, vector<1x1x16xf32>,
      %get3A_2075 = vector.shape_cast %get3A_2074 : vector<1x1x16xf32> to vector<16xf32>
      %mul3A_2076 = vector.broadcast %squeeze3A_2009 : f32 to vector<16xf32>
      %mul3A_2077 = arith.mulf %get3A_2075, %mul3A_2076 : vector<16xf32>
      %swap3A_2078 = arith.constant 13 : i32
      %swap3A_2079 = arith.index_cast %rem3A_368 : i32 to index
      %swap3A_2080 = arith.index_cast %swap3A_2078 : i32 to index
      %swap3A_2081 = arith.constant 64 : index
      %swap3A_2082 = tpu.vector_load %arg11[%swap3A_2079, %swap3A_2080, %swap3A_2081] {strides = array<i32>} : memref<2x16x128xf32, #tpu.memory_space<vmem>>, vector<1x1x16xf32>,
      %swap3A_2083 = vector.shape_cast %swap3A_2082 : vector<1x1x16xf32> to vector<16xf32>
      %swap3A_2084 = vector.shape_cast %mul3A_2077 : vector<16xf32> to vector<1x1x16xf32>
      tpu.vector_store %arg11[%swap3A_2079, %swap3A_2080, %swap3A_2081], %swap3A_2084 {strides = array<i32>} : memref<2x16x128xf32, #tpu.memory_space<vmem>>, vector<1x1x16xf32>,
      %get3A_2085 = arith.constant 13 : i32
      %get3A_2086 = arith.index_cast %rem3A_368 : i32 to index
      %get3A_2087 = arith.index_cast %get3A_2085 : i32 to index
      %get3A_2088 = arith.constant 80 : index
      %get3A_2089 = tpu.vector_load %arg11[%get3A_2086, %get3A_2087, %get3A_2088] {strides = array<i32>} : memref<2x16x128xf32, #tpu.memory_space<vmem>>, vector<1x1x16xf32>,
      %get3A_2090 = vector.shape_cast %get3A_2089 : vector<1x1x16xf32> to vector<16xf32>
      %mul3A_2091 = vector.broadcast %squeeze3A_2009 : f32 to vector<16xf32>
      %mul3A_2092 = arith.mulf %get3A_2090, %mul3A_2091 : vector<16xf32>
      %swap3A_2093 = arith.constant 13 : i32
      %swap3A_2094 = arith.index_cast %rem3A_368 : i32 to index
      %swap3A_2095 = arith.index_cast %swap3A_2093 : i32 to index
      %swap3A_2096 = arith.constant 80 : index
      %swap3A_2097 = tpu.vector_load %arg11[%swap3A_2094, %swap3A_2095, %swap3A_2096] {strides = array<i32>} : memref<2x16x128xf32, #tpu.memory_space<vmem>>, vector<1x1x16xf32>,
      %swap3A_2098 = vector.shape_cast %swap3A_2097 : vector<1x1x16xf32> to vector<16xf32>
      %swap3A_2099 = vector.shape_cast %mul3A_2092 : vector<16xf32> to vector<1x1x16xf32>
      tpu.vector_store %arg11[%swap3A_2094, %swap3A_2095, %swap3A_2096], %swap3A_2099 {strides = array<i32>} : memref<2x16x128xf32, #tpu.memory_space<vmem>>, vector<1x1x16xf32>,
      %get3A_2100 = arith.constant 13 : i32
      %get3A_2101 = arith.index_cast %rem3A_368 : i32 to index
      %get3A_2102 = arith.index_cast %get3A_2100 : i32 to index
      %get3A_2103 = arith.constant 96 : index
      %get3A_2104 = tpu.vector_load %arg11[%get3A_2101, %get3A_2102, %get3A_2103] {strides = array<i32>} : memref<2x16x128xf32, #tpu.memory_space<vmem>>, vector<1x1x16xf32>,
      %get3A_2105 = vector.shape_cast %get3A_2104 : vector<1x1x16xf32> to vector<16xf32>
      %mul3A_2106 = vector.broadcast %squeeze3A_2009 : f32 to vector<16xf32>
      %mul3A_2107 = arith.mulf %get3A_2105, %mul3A_2106 : vector<16xf32>
      %swap3A_2108 = arith.constant 13 : i32
      %swap3A_2109 = arith.index_cast %rem3A_368 : i32 to index
      %swap3A_2110 = arith.index_cast %swap3A_2108 : i32 to index
      %swap3A_2111 = arith.constant 96 : index
      %swap3A_2112 = tpu.vector_load %arg11[%swap3A_2109, %swap3A_2110, %swap3A_2111] {strides = array<i32>} : memref<2x16x128xf32, #tpu.memory_space<vmem>>, vector<1x1x16xf32>,
      %swap3A_2113 = vector.shape_cast %swap3A_2112 : vector<1x1x16xf32> to vector<16xf32>
      %swap3A_2114 = vector.shape_cast %mul3A_2107 : vector<16xf32> to vector<1x1x16xf32>
      tpu.vector_store %arg11[%swap3A_2109, %swap3A_2110, %swap3A_2111], %swap3A_2114 {strides = array<i32>} : memref<2x16x128xf32, #tpu.memory_space<vmem>>, vector<1x1x16xf32>,
      %get3A_2115 = arith.constant 13 : i32
      %get3A_2116 = arith.index_cast %rem3A_368 : i32 to index
      %get3A_2117 = arith.index_cast %get3A_2115 : i32 to index
      %get3A_2118 = arith.constant 112 : index
      %get3A_2119 = tpu.vector_load %arg11[%get3A_2116, %get3A_2117, %get3A_2118] {strides = array<i32>} : memref<2x16x128xf32, #tpu.memory_space<vmem>>, vector<1x1x16xf32>,
      %get3A_2120 = vector.shape_cast %get3A_2119 : vector<1x1x16xf32> to vector<16xf32>
      %mul3A_2121 = vector.broadcast %squeeze3A_2009 : f32 to vector<16xf32>
      %mul3A_2122 = arith.mulf %get3A_2120, %mul3A_2121 : vector<16xf32>
      %swap3A_2123 = arith.constant 13 : i32
      %swap3A_2124 = arith.index_cast %rem3A_368 : i32 to index
      %swap3A_2125 = arith.index_cast %swap3A_2123 : i32 to index
      %swap3A_2126 = arith.constant 112 : index
      %swap3A_2127 = tpu.vector_load %arg11[%swap3A_2124, %swap3A_2125, %swap3A_2126] {strides = array<i32>} : memref<2x16x128xf32, #tpu.memory_space<vmem>>, vector<1x1x16xf32>,
      %swap3A_2128 = vector.shape_cast %swap3A_2127 : vector<1x1x16xf32> to vector<16xf32>
      %swap3A_2129 = vector.shape_cast %mul3A_2122 : vector<16xf32> to vector<1x1x16xf32>
      tpu.vector_store %arg11[%swap3A_2124, %swap3A_2125, %swap3A_2126], %swap3A_2129 {strides = array<i32>} : memref<2x16x128xf32, #tpu.memory_space<vmem>>, vector<1x1x16xf32>,
      %slice3A_2130 = vector.extract_strided_slice %get3A_423 {offsets = [14], sizes = [1], strides = [1]} : vector<16xf32> to vector<1xf32>
      %squeeze3A_2131 = vector.extract %slice3A_2130[0] : f32 from vector<1xf32>
      %get3A_2132 = arith.constant 14 : i32
      %get3A_2133 = arith.index_cast %rem3A_368 : i32 to index
      %get3A_2134 = arith.index_cast %get3A_2132 : i32 to index
      %get3A_2135 = arith.constant 0 : index
      %get3A_2136 = tpu.vector_load %arg11[%get3A_2133, %get3A_2134, %get3A_2135] {strides = array<i32>} : memref<2x16x128xf32, #tpu.memory_space<vmem>>, vector<1x1x16xf32>,
      %get3A_2137 = vector.shape_cast %get3A_2136 : vector<1x1x16xf32> to vector<16xf32>
      %mul3A_2138 = vector.broadcast %squeeze3A_2131 : f32 to vector<16xf32>
      %mul3A_2139 = arith.mulf %get3A_2137, %mul3A_2138 : vector<16xf32>
      %swap3A_2140 = arith.constant 14 : i32
      %swap3A_2141 = arith.index_cast %rem3A_368 : i32 to index
      %swap3A_2142 = arith.index_cast %swap3A_2140 : i32 to index
      %swap3A_2143 = arith.constant 0 : index
      %swap3A_2144 = tpu.vector_load %arg11[%swap3A_2141, %swap3A_2142, %swap3A_2143] {strides = array<i32>} : memref<2x16x128xf32, #tpu.memory_space<vmem>>, vector<1x1x16xf32>,
      %swap3A_2145 = vector.shape_cast %swap3A_2144 : vector<1x1x16xf32> to vector<16xf32>
      %swap3A_2146 = vector.shape_cast %mul3A_2139 : vector<16xf32> to vector<1x1x16xf32>
      tpu.vector_store %arg11[%swap3A_2141, %swap3A_2142, %swap3A_2143], %swap3A_2146 {strides = array<i32>} : memref<2x16x128xf32, #tpu.memory_space<vmem>>, vector<1x1x16xf32>,
      %get3A_2147 = arith.constant 14 : i32
      %get3A_2148 = arith.index_cast %rem3A_368 : i32 to index
      %get3A_2149 = arith.index_cast %get3A_2147 : i32 to index
      %get3A_2150 = arith.constant 16 : index
      %get3A_2151 = tpu.vector_load %arg11[%get3A_2148, %get3A_2149, %get3A_2150] {strides = array<i32>} : memref<2x16x128xf32, #tpu.memory_space<vmem>>, vector<1x1x16xf32>,
      %get3A_2152 = vector.shape_cast %get3A_2151 : vector<1x1x16xf32> to vector<16xf32>
      %mul3A_2153 = vector.broadcast %squeeze3A_2131 : f32 to vector<16xf32>
      %mul3A_2154 = arith.mulf %get3A_2152, %mul3A_2153 : vector<16xf32>
      %swap3A_2155 = arith.constant 14 : i32
      %swap3A_2156 = arith.index_cast %rem3A_368 : i32 to index
      %swap3A_2157 = arith.index_cast %swap3A_2155 : i32 to index
      %swap3A_2158 = arith.constant 16 : index
      %swap3A_2159 = tpu.vector_load %arg11[%swap3A_2156, %swap3A_2157, %swap3A_2158] {strides = array<i32>} : memref<2x16x128xf32, #tpu.memory_space<vmem>>, vector<1x1x16xf32>,
      %swap3A_2160 = vector.shape_cast %swap3A_2159 : vector<1x1x16xf32> to vector<16xf32>
      %swap3A_2161 = vector.shape_cast %mul3A_2154 : vector<16xf32> to vector<1x1x16xf32>
      tpu.vector_store %arg11[%swap3A_2156, %swap3A_2157, %swap3A_2158], %swap3A_2161 {strides = array<i32>} : memref<2x16x128xf32, #tpu.memory_space<vmem>>, vector<1x1x16xf32>,
      %get3A_2162 = arith.constant 14 : i32
      %get3A_2163 = arith.index_cast %rem3A_368 : i32 to index
      %get3A_2164 = arith.index_cast %get3A_2162 : i32 to index
      %get3A_2165 = arith.constant 32 : index
      %get3A_2166 = tpu.vector_load %arg11[%get3A_2163, %get3A_2164, %get3A_2165] {strides = array<i32>} : memref<2x16x128xf32, #tpu.memory_space<vmem>>, vector<1x1x16xf32>,
      %get3A_2167 = vector.shape_cast %get3A_2166 : vector<1x1x16xf32> to vector<16xf32>
      %mul3A_2168 = vector.broadcast %squeeze3A_2131 : f32 to vector<16xf32>
      %mul3A_2169 = arith.mulf %get3A_2167, %mul3A_2168 : vector<16xf32>
      %swap3A_2170 = arith.constant 14 : i32
      %swap3A_2171 = arith.index_cast %rem3A_368 : i32 to index
      %swap3A_2172 = arith.index_cast %swap3A_2170 : i32 to index
      %swap3A_2173 = arith.constant 32 : index
      %swap3A_2174 = tpu.vector_load %arg11[%swap3A_2171, %swap3A_2172, %swap3A_2173] {strides = array<i32>} : memref<2x16x128xf32, #tpu.memory_space<vmem>>, vector<1x1x16xf32>,
      %swap3A_2175 = vector.shape_cast %swap3A_2174 : vector<1x1x16xf32> to vector<16xf32>
      %swap3A_2176 = vector.shape_cast %mul3A_2169 : vector<16xf32> to vector<1x1x16xf32>
      tpu.vector_store %arg11[%swap3A_2171, %swap3A_2172, %swap3A_2173], %swap3A_2176 {strides = array<i32>} : memref<2x16x128xf32, #tpu.memory_space<vmem>>, vector<1x1x16xf32>,
      %get3A_2177 = arith.constant 14 : i32
      %get3A_2178 = arith.index_cast %rem3A_368 : i32 to index
      %get3A_2179 = arith.index_cast %get3A_2177 : i32 to index
      %get3A_2180 = arith.constant 48 : index
      %get3A_2181 = tpu.vector_load %arg11[%get3A_2178, %get3A_2179, %get3A_2180] {strides = array<i32>} : memref<2x16x128xf32, #tpu.memory_space<vmem>>, vector<1x1x16xf32>,
      %get3A_2182 = vector.shape_cast %get3A_2181 : vector<1x1x16xf32> to vector<16xf32>
      %mul3A_2183 = vector.broadcast %squeeze3A_2131 : f32 to vector<16xf32>
      %mul3A_2184 = arith.mulf %get3A_2182, %mul3A_2183 : vector<16xf32>
      %swap3A_2185 = arith.constant 14 : i32
      %swap3A_2186 = arith.index_cast %rem3A_368 : i32 to index
      %swap3A_2187 = arith.index_cast %swap3A_2185 : i32 to index
      %swap3A_2188 = arith.constant 48 : index
      %swap3A_2189 = tpu.vector_load %arg11[%swap3A_2186, %swap3A_2187, %swap3A_2188] {strides = array<i32>} : memref<2x16x128xf32, #tpu.memory_space<vmem>>, vector<1x1x16xf32>,
      %swap3A_2190 = vector.shape_cast %swap3A_2189 : vector<1x1x16xf32> to vector<16xf32>
      %swap3A_2191 = vector.shape_cast %mul3A_2184 : vector<16xf32> to vector<1x1x16xf32>
      tpu.vector_store %arg11[%swap3A_2186, %swap3A_2187, %swap3A_2188], %swap3A_2191 {strides = array<i32>} : memref<2x16x128xf32, #tpu.memory_space<vmem>>, vector<1x1x16xf32>,
      %get3A_2192 = arith.constant 14 : i32
      %get3A_2193 = arith.index_cast %rem3A_368 : i32 to index
      %get3A_2194 = arith.index_cast %get3A_2192 : i32 to index
      %get3A_2195 = arith.constant 64 : index
      %get3A_2196 = tpu.vector_load %arg11[%get3A_2193, %get3A_2194, %get3A_2195] {strides = array<i32>} : memref<2x16x128xf32, #tpu.memory_space<vmem>>, vector<1x1x16xf32>,
      %get3A_2197 = vector.shape_cast %get3A_2196 : vector<1x1x16xf32> to vector<16xf32>
      %mul3A_2198 = vector.broadcast %squeeze3A_2131 : f32 to vector<16xf32>
      %mul3A_2199 = arith.mulf %get3A_2197, %mul3A_2198 : vector<16xf32>
      %swap3A_2200 = arith.constant 14 : i32
      %swap3A_2201 = arith.index_cast %rem3A_368 : i32 to index
      %swap3A_2202 = arith.index_cast %swap3A_2200 : i32 to index
      %swap3A_2203 = arith.constant 64 : index
      %swap3A_2204 = tpu.vector_load %arg11[%swap3A_2201, %swap3A_2202, %swap3A_2203] {strides = array<i32>} : memref<2x16x128xf32, #tpu.memory_space<vmem>>, vector<1x1x16xf32>,
      %swap3A_2205 = vector.shape_cast %swap3A_2204 : vector<1x1x16xf32> to vector<16xf32>
      %swap3A_2206 = vector.shape_cast %mul3A_2199 : vector<16xf32> to vector<1x1x16xf32>
      tpu.vector_store %arg11[%swap3A_2201, %swap3A_2202, %swap3A_2203], %swap3A_2206 {strides = array<i32>} : memref<2x16x128xf32, #tpu.memory_space<vmem>>, vector<1x1x16xf32>,
      %get3A_2207 = arith.constant 14 : i32
      %get3A_2208 = arith.index_cast %rem3A_368 : i32 to index
      %get3A_2209 = arith.index_cast %get3A_2207 : i32 to index
      %get3A_2210 = arith.constant 80 : index
      %get3A_2211 = tpu.vector_load %arg11[%get3A_2208, %get3A_2209, %get3A_2210] {strides = array<i32>} : memref<2x16x128xf32, #tpu.memory_space<vmem>>, vector<1x1x16xf32>,
      %get3A_2212 = vector.shape_cast %get3A_2211 : vector<1x1x16xf32> to vector<16xf32>
      %mul3A_2213 = vector.broadcast %squeeze3A_2131 : f32 to vector<16xf32>
      %mul3A_2214 = arith.mulf %get3A_2212, %mul3A_2213 : vector<16xf32>
      %swap3A_2215 = arith.constant 14 : i32
      %swap3A_2216 = arith.index_cast %rem3A_368 : i32 to index
      %swap3A_2217 = arith.index_cast %swap3A_2215 : i32 to index
      %swap3A_2218 = arith.constant 80 : index
      %swap3A_2219 = tpu.vector_load %arg11[%swap3A_2216, %swap3A_2217, %swap3A_2218] {strides = array<i32>} : memref<2x16x128xf32, #tpu.memory_space<vmem>>, vector<1x1x16xf32>,
      %swap3A_2220 = vector.shape_cast %swap3A_2219 : vector<1x1x16xf32> to vector<16xf32>
      %swap3A_2221 = vector.shape_cast %mul3A_2214 : vector<16xf32> to vector<1x1x16xf32>
      tpu.vector_store %arg11[%swap3A_2216, %swap3A_2217, %swap3A_2218], %swap3A_2221 {strides = array<i32>} : memref<2x16x128xf32, #tpu.memory_space<vmem>>, vector<1x1x16xf32>,
      %get3A_2222 = arith.constant 14 : i32
      %get3A_2223 = arith.index_cast %rem3A_368 : i32 to index
      %get3A_2224 = arith.index_cast %get3A_2222 : i32 to index
      %get3A_2225 = arith.constant 96 : index
      %get3A_2226 = tpu.vector_load %arg11[%get3A_2223, %get3A_2224, %get3A_2225] {strides = array<i32>} : memref<2x16x128xf32, #tpu.memory_space<vmem>>, vector<1x1x16xf32>,
      %get3A_2227 = vector.shape_cast %get3A_2226 : vector<1x1x16xf32> to vector<16xf32>
      %mul3A_2228 = vector.broadcast %squeeze3A_2131 : f32 to vector<16xf32>
      %mul3A_2229 = arith.mulf %get3A_2227, %mul3A_2228 : vector<16xf32>
      %swap3A_2230 = arith.constant 14 : i32
      %swap3A_2231 = arith.index_cast %rem3A_368 : i32 to index
      %swap3A_2232 = arith.index_cast %swap3A_2230 : i32 to index
      %swap3A_2233 = arith.constant 96 : index
      %swap3A_2234 = tpu.vector_load %arg11[%swap3A_2231, %swap3A_2232, %swap3A_2233] {strides = array<i32>} : memref<2x16x128xf32, #tpu.memory_space<vmem>>, vector<1x1x16xf32>,
      %swap3A_2235 = vector.shape_cast %swap3A_2234 : vector<1x1x16xf32> to vector<16xf32>
      %swap3A_2236 = vector.shape_cast %mul3A_2229 : vector<16xf32> to vector<1x1x16xf32>
      tpu.vector_store %arg11[%swap3A_2231, %swap3A_2232, %swap3A_2233], %swap3A_2236 {strides = array<i32>} : memref<2x16x128xf32, #tpu.memory_space<vmem>>, vector<1x1x16xf32>,
      %get3A_2237 = arith.constant 14 : i32
      %get3A_2238 = arith.index_cast %rem3A_368 : i32 to index
      %get3A_2239 = arith.index_cast %get3A_2237 : i32 to index
      %get3A_2240 = arith.constant 112 : index
      %get3A_2241 = tpu.vector_load %arg11[%get3A_2238, %get3A_2239, %get3A_2240] {strides = array<i32>} : memref<2x16x128xf32, #tpu.memory_space<vmem>>, vector<1x1x16xf32>,
      %get3A_2242 = vector.shape_cast %get3A_2241 : vector<1x1x16xf32> to vector<16xf32>
      %mul3A_2243 = vector.broadcast %squeeze3A_2131 : f32 to vector<16xf32>
      %mul3A_2244 = arith.mulf %get3A_2242, %mul3A_2243 : vector<16xf32>
      %swap3A_2245 = arith.constant 14 : i32
      %swap3A_2246 = arith.index_cast %rem3A_368 : i32 to index
      %swap3A_2247 = arith.index_cast %swap3A_2245 : i32 to index
      %swap3A_2248 = arith.constant 112 : index
      %swap3A_2249 = tpu.vector_load %arg11[%swap3A_2246, %swap3A_2247, %swap3A_2248] {strides = array<i32>} : memref<2x16x128xf32, #tpu.memory_space<vmem>>, vector<1x1x16xf32>,
      %swap3A_2250 = vector.shape_cast %swap3A_2249 : vector<1x1x16xf32> to vector<16xf32>
      %swap3A_2251 = vector.shape_cast %mul3A_2244 : vector<16xf32> to vector<1x1x16xf32>
      tpu.vector_store %arg11[%swap3A_2246, %swap3A_2247, %swap3A_2248], %swap3A_2251 {strides = array<i32>} : memref<2x16x128xf32, #tpu.memory_space<vmem>>, vector<1x1x16xf32>,
      %slice3A_2252 = vector.extract_strided_slice %get3A_423 {offsets = [15], sizes = [1], strides = [1]} : vector<16xf32> to vector<1xf32>
      %squeeze3A_2253 = vector.extract %slice3A_2252[0] : f32 from vector<1xf32>
      %get3A_2254 = arith.constant 15 : i32
      %get3A_2255 = arith.index_cast %rem3A_368 : i32 to index
      %get3A_2256 = arith.index_cast %get3A_2254 : i32 to index
      %get3A_2257 = arith.constant 0 : index
      %get3A_2258 = tpu.vector_load %arg11[%get3A_2255, %get3A_2256, %get3A_2257] {strides = array<i32>} : memref<2x16x128xf32, #tpu.memory_space<vmem>>, vector<1x1x16xf32>,
      %get3A_2259 = vector.shape_cast %get3A_2258 : vector<1x1x16xf32> to vector<16xf32>
      %mul3A_2260 = vector.broadcast %squeeze3A_2253 : f32 to vector<16xf32>
      %mul3A_2261 = arith.mulf %get3A_2259, %mul3A_2260 : vector<16xf32>
      %swap3A_2262 = arith.constant 15 : i32
      %swap3A_2263 = arith.index_cast %rem3A_368 : i32 to index
      %swap3A_2264 = arith.index_cast %swap3A_2262 : i32 to index
      %swap3A_2265 = arith.constant 0 : index
      %swap3A_2266 = tpu.vector_load %arg11[%swap3A_2263, %swap3A_2264, %swap3A_2265] {strides = array<i32>} : memref<2x16x128xf32, #tpu.memory_space<vmem>>, vector<1x1x16xf32>,
      %swap3A_2267 = vector.shape_cast %swap3A_2266 : vector<1x1x16xf32> to vector<16xf32>
      %swap3A_2268 = vector.shape_cast %mul3A_2261 : vector<16xf32> to vector<1x1x16xf32>
      tpu.vector_store %arg11[%swap3A_2263, %swap3A_2264, %swap3A_2265], %swap3A_2268 {strides = array<i32>} : memref<2x16x128xf32, #tpu.memory_space<vmem>>, vector<1x1x16xf32>,
      %get3A_2269 = arith.constant 15 : i32
      %get3A_2270 = arith.index_cast %rem3A_368 : i32 to index
      %get3A_2271 = arith.index_cast %get3A_2269 : i32 to index
      %get3A_2272 = arith.constant 16 : index
      %get3A_2273 = tpu.vector_load %arg11[%get3A_2270, %get3A_2271, %get3A_2272] {strides = array<i32>} : memref<2x16x128xf32, #tpu.memory_space<vmem>>, vector<1x1x16xf32>,
      %get3A_2274 = vector.shape_cast %get3A_2273 : vector<1x1x16xf32> to vector<16xf32>
      %mul3A_2275 = vector.broadcast %squeeze3A_2253 : f32 to vector<16xf32>
      %mul3A_2276 = arith.mulf %get3A_2274, %mul3A_2275 : vector<16xf32>
      %swap3A_2277 = arith.constant 15 : i32
      %swap3A_2278 = arith.index_cast %rem3A_368 : i32 to index
      %swap3A_2279 = arith.index_cast %swap3A_2277 : i32 to index
      %swap3A_2280 = arith.constant 16 : index
      %swap3A_2281 = tpu.vector_load %arg11[%swap3A_2278, %swap3A_2279, %swap3A_2280] {strides = array<i32>} : memref<2x16x128xf32, #tpu.memory_space<vmem>>, vector<1x1x16xf32>,
      %swap3A_2282 = vector.shape_cast %swap3A_2281 : vector<1x1x16xf32> to vector<16xf32>
      %swap3A_2283 = vector.shape_cast %mul3A_2276 : vector<16xf32> to vector<1x1x16xf32>
      tpu.vector_store %arg11[%swap3A_2278, %swap3A_2279, %swap3A_2280], %swap3A_2283 {strides = array<i32>} : memref<2x16x128xf32, #tpu.memory_space<vmem>>, vector<1x1x16xf32>,
      %get3A_2284 = arith.constant 15 : i32
      %get3A_2285 = arith.index_cast %rem3A_368 : i32 to index
      %get3A_2286 = arith.index_cast %get3A_2284 : i32 to index
      %get3A_2287 = arith.constant 32 : index
      %get3A_2288 = tpu.vector_load %arg11[%get3A_2285, %get3A_2286, %get3A_2287] {strides = array<i32>} : memref<2x16x128xf32, #tpu.memory_space<vmem>>, vector<1x1x16xf32>,
      %get3A_2289 = vector.shape_cast %get3A_2288 : vector<1x1x16xf32> to vector<16xf32>
      %mul3A_2290 = vector.broadcast %squeeze3A_2253 : f32 to vector<16xf32>
      %mul3A_2291 = arith.mulf %get3A_2289, %mul3A_2290 : vector<16xf32>
      %swap3A_2292 = arith.constant 15 : i32
      %swap3A_2293 = arith.index_cast %rem3A_368 : i32 to index
      %swap3A_2294 = arith.index_cast %swap3A_2292 : i32 to index
      %swap3A_2295 = arith.constant 32 : index
      %swap3A_2296 = tpu.vector_load %arg11[%swap3A_2293, %swap3A_2294, %swap3A_2295] {strides = array<i32>} : memref<2x16x128xf32, #tpu.memory_space<vmem>>, vector<1x1x16xf32>,
      %swap3A_2297 = vector.shape_cast %swap3A_2296 : vector<1x1x16xf32> to vector<16xf32>
      %swap3A_2298 = vector.shape_cast %mul3A_2291 : vector<16xf32> to vector<1x1x16xf32>
      tpu.vector_store %arg11[%swap3A_2293, %swap3A_2294, %swap3A_2295], %swap3A_2298 {strides = array<i32>} : memref<2x16x128xf32, #tpu.memory_space<vmem>>, vector<1x1x16xf32>,
      %get3A_2299 = arith.constant 15 : i32
      %get3A_2300 = arith.index_cast %rem3A_368 : i32 to index
      %get3A_2301 = arith.index_cast %get3A_2299 : i32 to index
      %get3A_2302 = arith.constant 48 : index
      %get3A_2303 = tpu.vector_load %arg11[%get3A_2300, %get3A_2301, %get3A_2302] {strides = array<i32>} : memref<2x16x128xf32, #tpu.memory_space<vmem>>, vector<1x1x16xf32>,
      %get3A_2304 = vector.shape_cast %get3A_2303 : vector<1x1x16xf32> to vector<16xf32>
      %mul3A_2305 = vector.broadcast %squeeze3A_2253 : f32 to vector<16xf32>
      %mul3A_2306 = arith.mulf %get3A_2304, %mul3A_2305 : vector<16xf32>
      %swap3A_2307 = arith.constant 15 : i32
      %swap3A_2308 = arith.index_cast %rem3A_368 : i32 to index
      %swap3A_2309 = arith.index_cast %swap3A_2307 : i32 to index
      %swap3A_2310 = arith.constant 48 : index
      %swap3A_2311 = tpu.vector_load %arg11[%swap3A_2308, %swap3A_2309, %swap3A_2310] {strides = array<i32>} : memref<2x16x128xf32, #tpu.memory_space<vmem>>, vector<1x1x16xf32>,
      %swap3A_2312 = vector.shape_cast %swap3A_2311 : vector<1x1x16xf32> to vector<16xf32>
      %swap3A_2313 = vector.shape_cast %mul3A_2306 : vector<16xf32> to vector<1x1x16xf32>
      tpu.vector_store %arg11[%swap3A_2308, %swap3A_2309, %swap3A_2310], %swap3A_2313 {strides = array<i32>} : memref<2x16x128xf32, #tpu.memory_space<vmem>>, vector<1x1x16xf32>,
      %get3A_2314 = arith.constant 15 : i32
      %get3A_2315 = arith.index_cast %rem3A_368 : i32 to index
      %get3A_2316 = arith.index_cast %get3A_2314 : i32 to index
      %get3A_2317 = arith.constant 64 : index
      %get3A_2318 = tpu.vector_load %arg11[%get3A_2315, %get3A_2316, %get3A_2317] {strides = array<i32>} : memref<2x16x128xf32, #tpu.memory_space<vmem>>, vector<1x1x16xf32>,
      %get3A_2319 = vector.shape_cast %get3A_2318 : vector<1x1x16xf32> to vector<16xf32>
      %mul3A_2320 = vector.broadcast %squeeze3A_2253 : f32 to vector<16xf32>
      %mul3A_2321 = arith.mulf %get3A_2319, %mul3A_2320 : vector<16xf32>
      %swap3A_2322 = arith.constant 15 : i32
      %swap3A_2323 = arith.index_cast %rem3A_368 : i32 to index
      %swap3A_2324 = arith.index_cast %swap3A_2322 : i32 to index
      %swap3A_2325 = arith.constant 64 : index
      %swap3A_2326 = tpu.vector_load %arg11[%swap3A_2323, %swap3A_2324, %swap3A_2325] {strides = array<i32>} : memref<2x16x128xf32, #tpu.memory_space<vmem>>, vector<1x1x16xf32>,
      %swap3A_2327 = vector.shape_cast %swap3A_2326 : vector<1x1x16xf32> to vector<16xf32>
      %swap3A_2328 = vector.shape_cast %mul3A_2321 : vector<16xf32> to vector<1x1x16xf32>
      tpu.vector_store %arg11[%swap3A_2323, %swap3A_2324, %swap3A_2325], %swap3A_2328 {strides = array<i32>} : memref<2x16x128xf32, #tpu.memory_space<vmem>>, vector<1x1x16xf32>,
      %get3A_2329 = arith.constant 15 : i32
      %get3A_2330 = arith.index_cast %rem3A_368 : i32 to index
      %get3A_2331 = arith.index_cast %get3A_2329 : i32 to index
      %get3A_2332 = arith.constant 80 : index
      %get3A_2333 = tpu.vector_load %arg11[%get3A_2330, %get3A_2331, %get3A_2332] {strides = array<i32>} : memref<2x16x128xf32, #tpu.memory_space<vmem>>, vector<1x1x16xf32>,
      %get3A_2334 = vector.shape_cast %get3A_2333 : vector<1x1x16xf32> to vector<16xf32>
      %mul3A_2335 = vector.broadcast %squeeze3A_2253 : f32 to vector<16xf32>
      %mul3A_2336 = arith.mulf %get3A_2334, %mul3A_2335 : vector<16xf32>
      %swap3A_2337 = arith.constant 15 : i32
      %swap3A_2338 = arith.index_cast %rem3A_368 : i32 to index
      %swap3A_2339 = arith.index_cast %swap3A_2337 : i32 to index
      %swap3A_2340 = arith.constant 80 : index
      %swap3A_2341 = tpu.vector_load %arg11[%swap3A_2338, %swap3A_2339, %swap3A_2340] {strides = array<i32>} : memref<2x16x128xf32, #tpu.memory_space<vmem>>, vector<1x1x16xf32>,
      %swap3A_2342 = vector.shape_cast %swap3A_2341 : vector<1x1x16xf32> to vector<16xf32>
      %swap3A_2343 = vector.shape_cast %mul3A_2336 : vector<16xf32> to vector<1x1x16xf32>
      tpu.vector_store %arg11[%swap3A_2338, %swap3A_2339, %swap3A_2340], %swap3A_2343 {strides = array<i32>} : memref<2x16x128xf32, #tpu.memory_space<vmem>>, vector<1x1x16xf32>,
      %get3A_2344 = arith.constant 15 : i32
      %get3A_2345 = arith.index_cast %rem3A_368 : i32 to index
      %get3A_2346 = arith.index_cast %get3A_2344 : i32 to index
      %get3A_2347 = arith.constant 96 : index
      %get3A_2348 = tpu.vector_load %arg11[%get3A_2345, %get3A_2346, %get3A_2347] {strides = array<i32>} : memref<2x16x128xf32, #tpu.memory_space<vmem>>, vector<1x1x16xf32>,
      %get3A_2349 = vector.shape_cast %get3A_2348 : vector<1x1x16xf32> to vector<16xf32>
      %mul3A_2350 = vector.broadcast %squeeze3A_2253 : f32 to vector<16xf32>
      %mul3A_2351 = arith.mulf %get3A_2349, %mul3A_2350 : vector<16xf32>
      %swap3A_2352 = arith.constant 15 : i32
      %swap3A_2353 = arith.index_cast %rem3A_368 : i32 to index
      %swap3A_2354 = arith.index_cast %swap3A_2352 : i32 to index
      %swap3A_2355 = arith.constant 96 : index
      %swap3A_2356 = tpu.vector_load %arg11[%swap3A_2353, %swap3A_2354, %swap3A_2355] {strides = array<i32>} : memref<2x16x128xf32, #tpu.memory_space<vmem>>, vector<1x1x16xf32>,
      %swap3A_2357 = vector.shape_cast %swap3A_2356 : vector<1x1x16xf32> to vector<16xf32>
      %swap3A_2358 = vector.shape_cast %mul3A_2351 : vector<16xf32> to vector<1x1x16xf32>
      tpu.vector_store %arg11[%swap3A_2353, %swap3A_2354, %swap3A_2355], %swap3A_2358 {strides = array<i32>} : memref<2x16x128xf32, #tpu.memory_space<vmem>>, vector<1x1x16xf32>,
      %get3A_2359 = arith.constant 15 : i32
      %get3A_2360 = arith.index_cast %rem3A_368 : i32 to index
      %get3A_2361 = arith.index_cast %get3A_2359 : i32 to index
      %get3A_2362 = arith.constant 112 : index
      %get3A_2363 = tpu.vector_load %arg11[%get3A_2360, %get3A_2361, %get3A_2362] {strides = array<i32>} : memref<2x16x128xf32, #tpu.memory_space<vmem>>, vector<1x1x16xf32>,
      %get3A_2364 = vector.shape_cast %get3A_2363 : vector<1x1x16xf32> to vector<16xf32>
      %mul3A_2365 = vector.broadcast %squeeze3A_2253 : f32 to vector<16xf32>
      %mul3A_2366 = arith.mulf %get3A_2364, %mul3A_2365 : vector<16xf32>
      %swap3A_2367 = arith.constant 15 : i32
      %swap3A_2368 = arith.index_cast %rem3A_368 : i32 to index
      %swap3A_2369 = arith.index_cast %swap3A_2367 : i32 to index
      %swap3A_2370 = arith.constant 112 : index
      %swap3A_2371 = tpu.vector_load %arg11[%swap3A_2368, %swap3A_2369, %swap3A_2370] {strides = array<i32>} : memref<2x16x128xf32, #tpu.memory_space<vmem>>, vector<1x1x16xf32>,
      %swap3A_2372 = vector.shape_cast %swap3A_2371 : vector<1x1x16xf32> to vector<16xf32>
      %swap3A_2373 = vector.shape_cast %mul3A_2366 : vector<16xf32> to vector<1x1x16xf32>
      tpu.vector_store %arg11[%swap3A_2368, %swap3A_2369, %swap3A_2370], %swap3A_2373 {strides = array<i32>} : memref<2x16x128xf32, #tpu.memory_space<vmem>>, vector<1x1x16xf32>,
      "tpu.region"() ({
        %run_scoped3A_2374 = tpu.sem_alloc : memref<!tpu.dma_semaphore, #tpu.memory_space<semaphore_mem>>
        %dma_start3A_2375 = arith.constant 0 : i32
        %dma_start3A_2376 = arith.constant 0 : i32
        %dma_start3A_2377 = tpu.memref_slice %arg11[%rem3A_368, %dma_start3A_2375, %dma_start3A_2376] : memref<2x16x128xf32, #tpu.memory_space<vmem>> -> memref<1x16x128xf32, #tpu.memory_space<vmem>>
        %dma_start3A_2378 = tpu.memref_squeeze %dma_start3A_2377 : memref<1x16x128xf32, #tpu.memory_space<vmem>> -> memref<16x128xf32, #tpu.memory_space<vmem>>
        %dma_start3A_2379 = arith.constant 0 : i32
        %dma_start3A_2380 = arith.constant 0 : i32
        %dma_start3A_2381 = tpu.memref_slice %arg9[%rem3A_393, %dma_start3A_2379, %dma_start3A_2380] : memref<2x4x16xi32, #tpu.memory_space<vmem>> -> memref<1x4x16xi32, #tpu.memory_space<vmem>>
        %dma_start3A_2382 = tpu.memref_squeeze %dma_start3A_2381 : memref<1x4x16xi32, #tpu.memory_space<vmem>> -> memref<4x16xi32, #tpu.memory_space<vmem>>
        %dma_start3A_2383 = arith.constant 0 : i32
        %dma_start3A_2384 = tpu.memref_slice %dma_start3A_2382[%rem3A_391, %dma_start3A_2383] : memref<4x16xi32, #tpu.memory_space<vmem>> -> memref<1x16xi32, #tpu.memory_space<vmem>>
        %dma_start3A_2385 = tpu.memref_squeeze %dma_start3A_2384 : memref<1x16xi32, #tpu.memory_space<vmem>> -> memref<16xi32, #tpu.memory_space<vmem>>
        %dma_start3A_2386 = arith.constant 0 : i32
        %dma_start3A_2387 = arith.constant 0 : i32
        %dma_start3A_2388 = tpu.memref_slice %arg13[%dma_start3A_2386, %dma_start3A_2387] : memref<5120x128xf32, #tpu.memory_space<vmem_shared>> -> memref<5120x128xf32, #tpu.memory_space<vmem_shared>>
        tpu.enqueue_indirect_dma source(%dma_start3A_2378 : memref<16x128xf32, #tpu.memory_space<vmem>>) target(%dma_start3A_2388 : memref<5120x128xf32, #tpu.memory_space<vmem_shared>>) offsets(%dma_start3A_2385 : memref<16xi32, #tpu.memory_space<vmem>>) semaphore(%run_scoped3A_2374 : memref<!tpu.dma_semaphore, #tpu.memory_space<semaphore_mem>>) {add = true}
        %dma_wait3A_2389 = arith.constant 0 : i32
        %dma_wait3A_2390 = arith.constant 0 : i32
        %dma_wait3A_2391 = tpu.memref_slice %arg11[%rem3A_368, %dma_wait3A_2389, %dma_wait3A_2390] : memref<2x16x128xf32, #tpu.memory_space<vmem>> -> memref<1x16x128xf32, #tpu.memory_space<vmem>>
        %dma_wait3A_2392 = tpu.memref_squeeze %dma_wait3A_2391 : memref<1x16x128xf32, #tpu.memory_space<vmem>> -> memref<16x128xf32, #tpu.memory_space<vmem>>
        %dma_wait3A_2393 = arith.constant 0 : i32
        %dma_wait3A_2394 = arith.constant 0 : i32
        %dma_wait3A_2395 = tpu.memref_slice %arg9[%rem3A_393, %dma_wait3A_2393, %dma_wait3A_2394] : memref<2x4x16xi32, #tpu.memory_space<vmem>> -> memref<1x4x16xi32, #tpu.memory_space<vmem>>
        %dma_wait3A_2396 = tpu.memref_squeeze %dma_wait3A_2395 : memref<1x4x16xi32, #tpu.memory_space<vmem>> -> memref<4x16xi32, #tpu.memory_space<vmem>>
        %dma_wait3A_2397 = arith.constant 0 : i32
        %dma_wait3A_2398 = tpu.memref_slice %dma_wait3A_2396[%rem3A_391, %dma_wait3A_2397] : memref<4x16xi32, #tpu.memory_space<vmem>> -> memref<1x16xi32, #tpu.memory_space<vmem>>
        %dma_wait3A_2399 = tpu.memref_squeeze %dma_wait3A_2398 : memref<1x16xi32, #tpu.memory_space<vmem>> -> memref<16xi32, #tpu.memory_space<vmem>>
        %dma_wait3A_2400 = arith.constant 0 : i32
        %dma_wait3A_2401 = arith.constant 0 : i32
        %dma_wait3A_2402 = tpu.memref_slice %arg13[%dma_wait3A_2400, %dma_wait3A_2401] : memref<5120x128xf32, #tpu.memory_space<vmem_shared>> -> memref<5120x128xf32, #tpu.memory_space<vmem_shared>>
        tpu.wait_indirect_dma semaphore(%run_scoped3A_2374 : memref<!tpu.dma_semaphore, #tpu.memory_space<semaphore_mem>>) src(%dma_wait3A_2392 : memref<16x128xf32, #tpu.memory_space<vmem>>) dst(%dma_wait3A_2402 : memref<5120x128xf32, #tpu.memory_space<vmem_shared>>)
        tpu.yield
      }) : () -> ()
    }
    %scan3A_358 = arith.constant 1256 : i32
    %barrier3A_359 = arith.constant 0 : index
    tpu.barrier barrier_id(%barrier3A_359)
    %scan3A_360 = arith.constant 0 : i32
    %scan3A_361 = arith.constant 0 : i32
    %scan3A_362 = arith.constant 20 : i32
    %scan3A_363 = arith.addi %scan3A_361, %scan3A_362 : i32
    %scan3A_364 = arith.constant 1 : i32
    scf.for %scan3A_366 = %scan3A_361 to %scan3A_363 step %scan3A_364  : i32 {
      %mul3A_367 = arith.constant 16 : i32
      %mul3A_368 = arith.muli %scan3A_366, %mul3A_367 : i32
      %add3A_369 = arith.addi %mul3A_0, %mul3A_368 : i32
      %run_scoped3A_370 = arith.constant 0 : i32
      "tpu.region"() ({
        %run_scoped3A_372 = tpu.sem_alloc : memref<!tpu.dma_semaphore, #tpu.memory_space<semaphore_mem>>
        %dma_start3A_373 = arith.constant 0 : i32
        %dma_start3A_374 = arith.constant 0 : i32
        %dma_start3A_375 = tpu.memref_slice %arg11[%run_scoped3A_370, %dma_start3A_373, %dma_start3A_374] : memref<2x16x128xf32, #tpu.memory_space<vmem>> -> memref<1x16x128xf32, #tpu.memory_space<vmem>>
        %dma_start3A_376 = tpu.memref_squeeze %dma_start3A_375 : memref<1x16x128xf32, #tpu.memory_space<vmem>> -> memref<16x128xf32, #tpu.memory_space<vmem>>
        %dma_start3A_377 = arith.constant 0 : i32
        %dma_start3A_378 = tpu.memref_slice %arg13[%add3A_369, %dma_start3A_377] : memref<5120x128xf32, #tpu.memory_space<vmem_shared>> -> memref<16x128xf32, #tpu.memory_space<vmem_shared>>
        %dma_start3A_379 = arith.constant 0 : i32
        %dma_start3A_380 = arith.constant 0 : i32
        %dma_start3A_381 = tpu.memref_slice %arg11[%run_scoped3A_370, %dma_start3A_379, %dma_start3A_380] : memref<2x16x128xf32, #tpu.memory_space<vmem>> -> memref<1x16x128xf32, #tpu.memory_space<vmem>>
        %dma_start3A_382 = tpu.memref_squeeze %dma_start3A_381 : memref<1x16x128xf32, #tpu.memory_space<vmem>> -> memref<16x128xf32, #tpu.memory_space<vmem>>
        %dma_start3A_383 = arith.constant 0 : i32
        %dma_start3A_384 = tpu.memref_slice %arg13[%add3A_369, %dma_start3A_383] : memref<5120x128xf32, #tpu.memory_space<vmem_shared>> -> memref<16x128xf32, #tpu.memory_space<vmem_shared>>
        tpu.enqueue_dma source(%dma_start3A_384 : memref<16x128xf32, #tpu.memory_space<vmem_shared>>) target(%dma_start3A_382 : memref<16x128xf32, #tpu.memory_space<vmem>>) target_semaphore(%run_scoped3A_372 : memref<!tpu.dma_semaphore, #tpu.memory_space<semaphore_mem>>)
        %dma_wait3A_385 = arith.constant 0 : i32
        %dma_wait3A_386 = arith.constant 0 : i32
        %dma_wait3A_387 = tpu.memref_slice %arg11[%run_scoped3A_370, %dma_wait3A_385, %dma_wait3A_386] : memref<2x16x128xf32, #tpu.memory_space<vmem>> -> memref<1x16x128xf32, #tpu.memory_space<vmem>>
        %dma_wait3A_388 = tpu.memref_squeeze %dma_wait3A_387 : memref<1x16x128xf32, #tpu.memory_space<vmem>> -> memref<16x128xf32, #tpu.memory_space<vmem>>
        %dma_wait3A_389 = arith.constant 0 : i32
        %dma_wait3A_390 = tpu.memref_slice %arg13[%add3A_369, %dma_wait3A_389] : memref<5120x128xf32, #tpu.memory_space<vmem_shared>> -> memref<16x128xf32, #tpu.memory_space<vmem_shared>>
        %dma_wait3A_391 = arith.constant 0 : i32
        %dma_wait3A_392 = arith.constant 0 : i32
        %dma_wait3A_393 = tpu.memref_slice %arg11[%run_scoped3A_370, %dma_wait3A_391, %dma_wait3A_392] : memref<2x16x128xf32, #tpu.memory_space<vmem>> -> memref<1x16x128xf32, #tpu.memory_space<vmem>>
        %dma_wait3A_394 = tpu.memref_squeeze %dma_wait3A_393 : memref<1x16x128xf32, #tpu.memory_space<vmem>> -> memref<16x128xf32, #tpu.memory_space<vmem>>
        %dma_wait3A_395 = arith.constant 0 : i32
        %dma_wait3A_396 = tpu.memref_slice %arg13[%add3A_369, %dma_wait3A_395] : memref<5120x128xf32, #tpu.memory_space<vmem_shared>> -> memref<16x128xf32, #tpu.memory_space<vmem_shared>>
        tpu.wait_dma2 semaphore(%run_scoped3A_372 : memref<!tpu.dma_semaphore, #tpu.memory_space<semaphore_mem>>) src(%dma_wait3A_396 : memref<16x128xf32, #tpu.memory_space<vmem_shared>>) dst(%dma_wait3A_394 : memref<16x128xf32, #tpu.memory_space<vmem>>)
        tpu.yield
      }) : () -> ()
      %run_scoped3A_371 = arith.constant 0 : i32
      "tpu.region"() ({
        %run_scoped3A_372 = tpu.sem_alloc : memref<!tpu.dma_semaphore, #tpu.memory_space<semaphore_mem>>
        %dma_start3A_373 = arith.constant 0 : i32
        %dma_start3A_374 = arith.constant 0 : i32
        %dma_start3A_375 = tpu.memref_slice %arg11[%run_scoped3A_371, %dma_start3A_373, %dma_start3A_374] : memref<2x16x128xf32, #tpu.memory_space<vmem>> -> memref<1x16x128xf32, #tpu.memory_space<vmem>>
        %dma_start3A_376 = tpu.memref_squeeze %dma_start3A_375 : memref<1x16x128xf32, #tpu.memory_space<vmem>> -> memref<16x128xf32, #tpu.memory_space<vmem>>
        %dma_start3A_377 = arith.constant 0 : i32
        %dma_start3A_378 = arith.constant 0 : i32
        %dma_start3A_379 = tpu.memref_slice %arg7[%arg0, %dma_start3A_377, %dma_start3A_378] : memref<2x5120x128xf32, #tpu.memory_space<hbm>> -> memref<1x5120x128xf32, #tpu.memory_space<hbm>>
        %dma_start3A_380 = tpu.memref_squeeze %dma_start3A_379 : memref<1x5120x128xf32, #tpu.memory_space<hbm>> -> memref<5120x128xf32, #tpu.memory_space<hbm>>
        %dma_start3A_381 = arith.constant 0 : i32
        %dma_start3A_382 = tpu.memref_slice %dma_start3A_380[%add3A_369, %dma_start3A_381] : memref<5120x128xf32, #tpu.memory_space<hbm>> -> memref<16x128xf32, #tpu.memory_space<hbm>>
        %dma_start3A_383 = arith.constant 0 : i32
        %dma_start3A_384 = arith.constant 0 : i32
        %dma_start3A_385 = tpu.memref_slice %arg7[%arg0, %dma_start3A_383, %dma_start3A_384] : memref<2x5120x128xf32, #tpu.memory_space<hbm>> -> memref<1x5120x128xf32, #tpu.memory_space<hbm>>
        %dma_start3A_386 = tpu.memref_squeeze %dma_start3A_385 : memref<1x5120x128xf32, #tpu.memory_space<hbm>> -> memref<5120x128xf32, #tpu.memory_space<hbm>>
        %dma_start3A_387 = arith.constant 0 : i32
        %dma_start3A_388 = tpu.memref_slice %dma_start3A_386[%add3A_369, %dma_start3A_387] : memref<5120x128xf32, #tpu.memory_space<hbm>> -> memref<16x128xf32, #tpu.memory_space<hbm>>
        %dma_start3A_389 = arith.constant 0 : i32
        %dma_start3A_390 = arith.constant 0 : i32
        %dma_start3A_391 = tpu.memref_slice %arg11[%run_scoped3A_371, %dma_start3A_389, %dma_start3A_390] : memref<2x16x128xf32, #tpu.memory_space<vmem>> -> memref<1x16x128xf32, #tpu.memory_space<vmem>>
        %dma_start3A_392 = tpu.memref_squeeze %dma_start3A_391 : memref<1x16x128xf32, #tpu.memory_space<vmem>> -> memref<16x128xf32, #tpu.memory_space<vmem>>
        tpu.enqueue_dma source(%dma_start3A_392 : memref<16x128xf32, #tpu.memory_space<vmem>>) target(%dma_start3A_388 : memref<16x128xf32, #tpu.memory_space<hbm>>) target_semaphore(%run_scoped3A_372 : memref<!tpu.dma_semaphore, #tpu.memory_space<semaphore_mem>>)
        %dma_wait3A_393 = arith.constant 0 : i32
        %dma_wait3A_394 = arith.constant 0 : i32
        %dma_wait3A_395 = tpu.memref_slice %arg11[%run_scoped3A_371, %dma_wait3A_393, %dma_wait3A_394] : memref<2x16x128xf32, #tpu.memory_space<vmem>> -> memref<1x16x128xf32, #tpu.memory_space<vmem>>
        %dma_wait3A_396 = tpu.memref_squeeze %dma_wait3A_395 : memref<1x16x128xf32, #tpu.memory_space<vmem>> -> memref<16x128xf32, #tpu.memory_space<vmem>>
        %dma_wait3A_397 = arith.constant 0 : i32
        %dma_wait3A_398 = arith.constant 0 : i32
        %dma_wait3A_399 = tpu.memref_slice %arg7[%arg0, %dma_wait3A_397, %dma_wait3A_398] : memref<2x5120x128xf32, #tpu.memory_space<hbm>> -> memref<1x5120x128xf32, #tpu.memory_space<hbm>>
        %dma_wait3A_400 = tpu.memref_squeeze %dma_wait3A_399 : memref<1x5120x128xf32, #tpu.memory_space<hbm>> -> memref<5120x128xf32, #tpu.memory_space<hbm>>
        %dma_wait3A_401 = arith.constant 0 : i32
        %dma_wait3A_402 = tpu.memref_slice %dma_wait3A_400[%add3A_369, %dma_wait3A_401] : memref<5120x128xf32, #tpu.memory_space<hbm>> -> memref<16x128xf32, #tpu.memory_space<hbm>>
        %dma_wait3A_403 = arith.constant 0 : i32
        %dma_wait3A_404 = arith.constant 0 : i32
        %dma_wait3A_405 = tpu.memref_slice %arg7[%arg0, %dma_wait3A_403, %dma_wait3A_404] : memref<2x5120x128xf32, #tpu.memory_space<hbm>> -> memref<1x5120x128xf32, #tpu.memory_space<hbm>>
        %dma_wait3A_406 = tpu.memref_squeeze %dma_wait3A_405 : memref<1x5120x128xf32, #tpu.memory_space<hbm>> -> memref<5120x128xf32, #tpu.memory_space<hbm>>
        %dma_wait3A_407 = arith.constant 0 : i32
        %dma_wait3A_408 = tpu.memref_slice %dma_wait3A_406[%add3A_369, %dma_wait3A_407] : memref<5120x128xf32, #tpu.memory_space<hbm>> -> memref<16x128xf32, #tpu.memory_space<hbm>>
        %dma_wait3A_409 = arith.constant 0 : i32
        %dma_wait3A_410 = arith.constant 0 : i32
        %dma_wait3A_411 = tpu.memref_slice %arg11[%run_scoped3A_371, %dma_wait3A_409, %dma_wait3A_410] : memref<2x16x128xf32, #tpu.memory_space<vmem>> -> memref<1x16x128xf32, #tpu.memory_space<vmem>>
        %dma_wait3A_412 = tpu.memref_squeeze %dma_wait3A_411 : memref<1x16x128xf32, #tpu.memory_space<vmem>> -> memref<16x128xf32, #tpu.memory_space<vmem>>
        tpu.wait_dma2 semaphore(%run_scoped3A_372 : memref<!tpu.dma_semaphore, #tpu.memory_space<semaphore_mem>>) src(%dma_wait3A_412 : memref<16x128xf32, #tpu.memory_space<vmem>>) dst(%dma_wait3A_408 : memref<16x128xf32, #tpu.memory_space<hbm>>)
        tpu.yield
      }) : () -> ()
    }
    %scan3A_365 = arith.constant 20 : i32
    return
  }
}

module attributes {stable_mosaic.version = 14 : i64} {
  func.func @_self_body(%arg0: i32, %arg1: memref<1000x128xf32, #tpu.memory_space<vmem>>, %arg2: memref<128x128xf32, #tpu.memory_space<vmem>>, %arg3: memref<1x128xf32, #tpu.memory_space<vmem>>, %arg4: memref<1000x128xf32, #tpu.memory_space<vmem>>) attributes {dimension_semantics = [#tpu.dimension_semantics<arbitrary>], iteration_bounds = array<i64: 10>, scalar_prefetch = 0 : i64, scratch_operands = 0 : i64, tpu.core_type = #tpu.core_type<tc>, window_params = [{transform_indices = @transform_0, window_bounds = array<i64: 1000, 128>}, {pipeline_mode = #tpu.pipeline_mode<synchronous>, transform_indices = @transform_1, window_bounds = array<i64: 128, 128>}, {pipeline_mode = #tpu.pipeline_mode<synchronous>, transform_indices = @transform_2, window_bounds = array<i64: 1, 128>}, {transform_indices = @transform_3, window_bounds = array<i64: 1000, 128>}]} {
    %get3A = arith.constant 0 : index
    %get3A_0 = arith.constant 0 : index
    %get3A_1 = vector.load %arg1[%get3A, %get3A_0] : memref<1000x128xf32, #tpu.memory_space<vmem>>, vector<1000x128xf32>
    %get3A_2 = arith.constant 0 : index
    %get3A_3 = arith.constant 0 : index
    %get3A_4 = vector.load %arg2[%get3A_2, %get3A_3] : memref<128x128xf32, #tpu.memory_space<vmem>>, vector<128x128xf32>
    %dot_general3A = arith.constant dense<0.000000e+00> : vector<1000x128xf32>
    %dot_general3A_5 = tpu.matmul %get3A_1, %get3A_4, %dot_general3A {dimension_numbers = #tpu.dot_dimension_numbers<[1], [1], [0], [0], [0, 0, 1, 0], [], []>, transpose_lhs_hint = false} : vector<1000x128xf32>, vector<128x128xf32>, vector<1000x128xf32> -> vector<1000x128xf32>
    %get3A_6 = arith.constant 0 : index
    %get3A_7 = arith.constant 0 : index
    %get3A_8 = vector.load %arg3[%get3A_6, %get3A_7] : memref<1x128xf32, #tpu.memory_space<vmem>>, vector<1x128xf32>
    %add3A = vector.broadcast %get3A_8 : vector<1x128xf32> to vector<1000x128xf32>
    %add3A_9 = arith.addf %dot_general3A_5, %add3A : vector<1000x128xf32>
    %swap3A = arith.constant 0 : index
    %swap3A_10 = arith.constant 0 : index
    %swap3A_11 = vector.load %arg4[%swap3A, %swap3A_10] : memref<1000x128xf32, #tpu.memory_space<vmem>>, vector<1000x128xf32>
    tpu.vector_store %arg4[%swap3A, %swap3A_10], %add3A_9 {strides = array<i32>} : memref<1000x128xf32, #tpu.memory_space<vmem>>, vector<1000x128xf32>,
    return
  }
  func.func @transform_0(%arg0: i32) -> (i32, i32) {
    %c0_i32 = arith.constant 0 : i32
    %c0_i32_0 = arith.constant 0 : i32
    return %arg0, %c0_i32 : i32, i32
  }
  func.func @transform_1(%arg0: i32) -> (i32, i32) {
    %c0_i32 = arith.constant 0 : i32
    %c0_i32_0 = arith.constant 0 : i32
    %c0_i32_1 = arith.constant 0 : i32
    return %c0_i32, %c0_i32_0 : i32, i32
  }
  func.func @transform_2(%arg0: i32) -> (i32, i32) {
    %c0_i32 = arith.constant 0 : i32
    %c0_i32_0 = arith.constant 0 : i32
    %c0_i32_1 = arith.constant 0 : i32
    return %c0_i32, %c0_i32_0 : i32, i32
  }
  func.func @transform_3(%arg0: i32) -> (i32, i32) {
    %c0_i32 = arith.constant 0 : i32
    %c0_i32_0 = arith.constant 0 : i32
    return %arg0, %c0_i32 : i32, i32
  }
}

module attributes {stable_mosaic.version = 14 : i64} {
  func.func @_final_body(%arg0: i32, %arg1: memref<1000x128xf32, #tpu.memory_space<vmem>>, %arg2: memref<128x128xf32, #tpu.memory_space<vmem>>, %arg3: memref<1000x128xf32, #tpu.memory_space<vmem>>, %arg4: memref<1000x128xf32, #tpu.memory_space<vmem>>) attributes {dimension_semantics = [#tpu.dimension_semantics<arbitrary>], iteration_bounds = array<i64: 10>, scalar_prefetch = 0 : i64, scratch_operands = 0 : i64, tpu.core_type = #tpu.core_type<tc>, window_params = [{transform_indices = @transform_0, window_bounds = array<i64: 1000, 128>}, {pipeline_mode = #tpu.pipeline_mode<synchronous>, transform_indices = @transform_1, window_bounds = array<i64: 128, 128>}, {transform_indices = @transform_2, window_bounds = array<i64: 1000, 128>}, {transform_indices = @transform_3, window_bounds = array<i64: 1000, 128>}]} {
    %get3A = arith.constant 0 : index
    %get3A_0 = arith.constant 0 : index
    %get3A_1 = vector.load %arg3[%get3A, %get3A_0] : memref<1000x128xf32, #tpu.memory_space<vmem>>, vector<1000x128xf32>
    %get3A_2 = arith.constant 0 : index
    %get3A_3 = arith.constant 0 : index
    %get3A_4 = vector.load %arg2[%get3A_2, %get3A_3] : memref<128x128xf32, #tpu.memory_space<vmem>>, vector<128x128xf32>
    %dot_general3A = arith.constant dense<0.000000e+00> : vector<1000x128xf32>
    %dot_general3A_5 = tpu.matmul %get3A_1, %get3A_4, %dot_general3A {dimension_numbers = #tpu.dot_dimension_numbers<[1], [1], [0], [0], [0, 0, 1, 0], [], []>, transpose_lhs_hint = false} : vector<1000x128xf32>, vector<128x128xf32>, vector<1000x128xf32> -> vector<1000x128xf32>
    %get3A_6 = arith.constant 0 : index
    %get3A_7 = arith.constant 0 : index
    %get3A_8 = vector.load %arg1[%get3A_6, %get3A_7] : memref<1000x128xf32, #tpu.memory_space<vmem>>, vector<1000x128xf32>
    %add3A = arith.addf %get3A_8, %dot_general3A_5 : vector<1000x128xf32>
    %swap3A = arith.constant 0 : index
    %swap3A_9 = arith.constant 0 : index
    %swap3A_10 = vector.load %arg4[%swap3A, %swap3A_9] : memref<1000x128xf32, #tpu.memory_space<vmem>>, vector<1000x128xf32>
    tpu.vector_store %arg4[%swap3A, %swap3A_9], %add3A {strides = array<i32>} : memref<1000x128xf32, #tpu.memory_space<vmem>>, vector<1000x128xf32>,
    return
  }
  func.func @transform_0(%arg0: i32) -> (i32, i32) {
    %c0_i32 = arith.constant 0 : i32
    %c0_i32_0 = arith.constant 0 : i32
    return %arg0, %c0_i32 : i32, i32
  }
  func.func @transform_1(%arg0: i32) -> (i32, i32) {
    %c0_i32 = arith.constant 0 : i32
    %c0_i32_0 = arith.constant 0 : i32
    %c0_i32_1 = arith.constant 0 : i32
    return %c0_i32, %c0_i32_0 : i32, i32
  }
  func.func @transform_2(%arg0: i32) -> (i32, i32) {
    %c0_i32 = arith.constant 0 : i32
    %c0_i32_0 = arith.constant 0 : i32
    return %arg0, %c0_i32 : i32, i32
  }
  func.func @transform_3(%arg0: i32) -> (i32, i32) {
    %c0_i32 = arith.constant 0 : i32
    %c0_i32_0 = arith.constant 0 : i32
    return %arg0, %c0_i32 : i32, i32
  }
}

</mosaic_0001>

<sc_bundles>
// kernel: kernel.5.cloned.1.call-start
scs
__scs_entry_jumppad:
0x0: {  	(pc) =	sbr.rel $0x88, $3  }
0x1: {  	(tag) =	ssettag $0x0;
	lr =	simm.s32 $0x1  }
0x2: {  	[smem:$0x3F9B] =	sst lr;
	_ =	strace $0xD0000000  }
0x3: {  	_ = 	snop  }
0x4: {  	_ = 	snop  }
0x5: {  	_ = 	snop  }
0x6: {  	_ = 	snop  }
0x7: {  	_ = 	snop  }
__scs_overlays_trampoline_lowered:
0x8: {  	[smem:$0x3FAA] =	sst s0  }
0x9: {  	[smem:$0x3FAB] =	sst s1  }
0xa: {  	[smem:$0x3FAC] =	sst s2  }
0xb: {  	[smem:$0x3FAD] =	sst s3  }
0xc: {  	[smem:$0x3FAE] =	sst s4  }
0xd: {  	[smem:$0x3FAF] =	sst s5  }
0xe: {  	[smem:$0x3FB0] =	sst s6  }
0xf: {  	[smem:$0x3FB1] =	sst s7  }
0x10: {  	[smem:$0x3FB2] =	sst s8  }
0x11: {  	[smem:$0x3FB3] =	sst s9;
	s0 =	simm.s32 @!p0 $0x0  }
0x12: {  	s1 =	sld [smem:$0x3F99];
	s0 =	simm.s32 @p0 $0x1  }
0x13: {  	[smem:$0x3FB4] =	sst s0;
	s0 =	simm.s32 @!p1 $0x0  }
0x14: {  	s2 =	sld [smem:$0x3F98];
	s0 =	simm.s32 @p1 $0x1  }
0x15: {  	[smem:$0x3FB5] =	sst s0;
	s0 =	simm.s32 @!p2 $0x0  }
0x16: {  	s3 =	sld [smem:$0x3FDB];
	s0 =	simm.s32 @p2 $0x1  }
0x17: {  	s4 =	simm.s32 $0x1BF5;
	[smem:$0x3FB7] =	sst s0  }
0x18: {  	s0 =	sld [smem:$0x3F9A];
	_ =	swait.ge [sflag:s4], $0x0  }
0x19: {  	s7 =	sld [smem:$0x3F9B]  }
0x1a: {  	s8 =	sadd.s32 $0xFFFFE003, lr  }
0x1b: {  	s9 =	sadd.s32 $0xFFFFFEF7, lr;
	s5 =	simm.s32 $0xFFFFFFFF;
	p2 =	slt.u32 s8, $0xFFFFF086  }
0x1c: {  	p1 =	slt.u32 s9, $0xF7A;
	s5 =	simm.s32 @!p2 $0x0  }
0x1d: {  	s5 =	simm.s32 @p1 $0x1;
	p0 =	seq.s32 s7, s2  }
0x1e: {  	s7 =	smul.u32 @!p0 $0xF7A, s2;
	p2 =	seq.s32 @!p0 s5, $0x0  }
0x1f: {  	s9 =	smul.u32 $0xF7A, s1;
	s8 =	simm.s32 @!p0 $0x1BF5;
	p2 =	por !p2, p0  }
0x20: {  	[sflag:s8] =	ssyncset.s32 @!p0 $0xFFFFF086;
	s6 =	sadd.s32 @!p0 s3, s7;
	s7 =	simm.s32 @!p0 $0x108  }
0x21: {  	s3 =	sadd.s32 s3, s9;
	s6 =	sadd.s32 @!p0 $0x88, s6;
	s7 =	simm.s32 @p2 $0x1082  }
0x22: {  	[simem:s7], [sflag:s8] =	dma.local @!p0 [hbm:s6], $0xF7A  }
0x23: {  	s9 =	sor.u32 $0xD0000000, s2;
	s6 =	simm.s32 $0x108;
	_ =	swait.ge @!p0 [sflag:s8], $0x0  }
0x24: {  	s3 =	sadd.s32 $0x88, s3;
	s6 =	simm.s32 @!p1 $0x1082;
	[sflag:s4] =	ssyncset.s32 $0xFFFFF086  }
0x25: {  	[simem:s6], [sflag:s4] =	dma.local [hbm:s3], $0xF7A  }
0x26: {  	[smem:$0x3F9B] =	sst s1;
	(tag) =	ssettag s2;
	_ =	strace s9  }
0x27: {  	s1 =	sld [smem:$0x3FAB]  }
0x28: {  	s2 =	sld [smem:$0x3FAC]  }
0x29: {  	s4 =	sld [smem:$0x3FAE]  }
0x2a: {  	p0 =	seq.s32 s5, $0x0;
	s5 =	sld [smem:$0x3FAF]  }
0x2b: {  	s6 =	sld [smem:$0x3FB0]  }
0x2c: {  	s7 =	sld [smem:$0x3FB1]  }
0x2d: {  	s3 =	simm.s32 $0x108;
	s8 =	sld [smem:$0x3FB2]  }
0x2e: {  	s3 =	simm.s32 @!p0 $0x1082;
	s9 =	sld [smem:$0x3FB3]  }
0x2f: {  	lr =	sadd.s32 s0, s3;
	s0 =	sld [smem:$0x3FAA]  }
0x30: {  	s3 =	sld [smem:$0x3FAD]  }
0x31: {  	[smem:$0x3FB6] =	sst s10  }
0x32: {  	s10 =	sld [smem:$0x3FB4];
	_ =	sdelay $0x3  }
0x33: {  	p0 =	seq.s32 s10, $0x1;
	s10 =	sld [smem:$0x3FB6];
	_ =	sdelay $0x3  }
0x34: {  	[smem:$0x3FB6] =	sst s10  }
0x35: {  	s10 =	sld [smem:$0x3FB5];
	_ =	sdelay $0x3  }
0x36: {  	p1 =	seq.s32 s10, $0x1;
	s10 =	sld [smem:$0x3FB6];
	_ =	sdelay $0x3  }
0x37: {  	[smem:$0x3FB6] =	sst s10  }
0x38: {  	s10 =	sld [smem:$0x3FB7]  }
0x39: {  	_ = 	snop;
	(pc) =	sbr.ind lr, $3  }
0x3a: {  	_ = 	snop  }
0x3b: {  	_ = 	snop  }
0x3c: {  	p2 =	seq.s32 s10, $0x1;
	s10 =	sld [smem:$0x3FB6]  }
0x3d: {  	_ =	shalt  }
0x3e: {  	_ =	shalt  }
0x3f: {  	_ =	shalt  }
0x40: {  	_ =	shalt  }
0x41: {  	_ =	shalt  }
0x42: {  	_ =	shalt  }
0x43: {  	_ =	shalt  }
0x44: {  	_ =	shalt  }
0x45: {  	_ =	shalt  }
0x46: {  	_ =	shalt  }
0x47: {  	_ =	shalt  }
0x48: {  	_ =	shalt  }
0x49: {  	_ =	shalt  }
0x4a: {  	_ =	shalt  }
0x4b: {  	_ =	shalt  }
0x4c: {  	_ =	shalt  }
0x4d: {  	_ =	shalt  }
0x4e: {  	_ =	shalt  }
0x4f: {  	_ =	shalt  }
0x50: {  	_ =	shalt  }
0x51: {  	_ =	shalt  }
0x52: {  	_ =	shalt  }
0x53: {  	_ =	shalt  }
0x54: {  	_ =	shalt  }
0x55: {  	_ =	shalt  }
0x56: {  	_ =	shalt  }
0x57: {  	_ =	shalt  }
0x58: {  	_ =	shalt  }
0x59: {  	_ =	shalt  }
0x5a: {  	_ =	shalt  }
0x5b: {  	_ =	shalt  }
0x5c: {  	_ =	shalt  }
0x5d: {  	_ =	shalt  }
0x5e: {  	_ =	shalt  }
0x5f: {  	_ =	shalt  }
0x60: {  	_ =	shalt  }
0x61: {  	_ =	shalt  }
0x62: {  	_ =	shalt  }
0x63: {  	_ =	shalt  }
0x64: {  	_ =	shalt  }
0x65: {  	_ =	shalt  }
0x66: {  	_ =	shalt  }
0x67: {  	_ =	shalt  }
0x68: {  	_ =	shalt  }
0x69: {  	_ =	shalt  }
0x6a: {  	_ =	shalt  }
0x6b: {  	_ =	shalt  }
0x6c: {  	_ =	shalt  }
0x6d: {  	_ =	shalt  }
0x6e: {  	_ =	shalt  }
0x6f: {  	_ =	shalt  }
0x70: {  	_ =	shalt  }
0x71: {  	_ =	shalt  }
0x72: {  	_ =	shalt  }
0x73: {  	_ =	shalt  }
0x74: {  	_ =	shalt  }
0x75: {  	_ =	shalt  }
0x76: {  	_ =	shalt  }
0x77: {  	_ =	shalt  }
0x78: {  	_ =	shalt  }
0x79: {  	_ =	shalt  }
0x7a: {  	_ =	shalt  }
0x7b: {  	_ =	shalt  }
0x7c: {  	_ =	shalt  }
0x7d: {  	_ =	shalt  }
0x7e: {  	_ =	shalt  }
0x7f: {  	_ =	shalt  }
0x80: {  	_ =	shalt  }
0x81: {  	_ =	shalt  }
0x82: {  	_ =	shalt  }
0x83: {  	_ =	shalt  }
0x84: {  	_ =	shalt  }
0x85: {  	_ =	shalt  }
0x86: {  	_ =	shalt  }
0x87: {  	_ =	shalt  }
.Lfunc_end0:
.L_simem_size_0:
called_computation_lowered:
.L_overlay_start_0:
0x88: {  	s2 =	sld [smem:$0x3FD9]  }
0x89: {  	s3 =	sld [smem:$0x3FFE];
	_ =	sdelay $0x1  }
0x8a: {  	s1 =	srdreg.scid  }
0x8b: {  	s0 =	sand.u32 $0x1, s1  }
0x8c: {  	s17 =	sshll.u32 s0, $0xA;
	s2 =	sadd.s32 s3, s2  }
0x8d: {  	s2 =	sadd.s32 s2, s17  }
0x8e: {  	[smem:$0x3FC2] =	sst s2  }
0x8f: {  	_ = 	snop  }
0x90: {  	s2 =	sld [smem:$0x3FC9]  }
0x91: {  	s18 =	sld [smem:$0x3FD0];
	(tm) =	ssettm $0x1  }
0x92: {  	s4 =	sld [smem:$0x3FFB];
	_ =	sdelay $0x3  }
0x93: {  	_ =	strace s4  }
0x94: {  	s4 =	sld [smem:$0x3FFC];
	_ =	sdelay $0x3  }
0x95: {  	_ =	strace s4  }
0x96: {  	s4 =	sld [smem:$0x3FFD];
	_ =	sdelay $0x3  }
0x97: {  	_ =	strace s4  }
0x98: {  	_ =	strace $0x8FFFFFFF  }
0x99: {  	s19 =	sld [smem:$0x3FDB];
	_ =	sdelay $0x1  }
0x9a: {  	s5 =	simm.s32 $_scs_section_size  }
0x9b: {  	s6 =	simm.s32 $_size__tile_overlayer_lowered;
	s7 =	simm.s32 $_tile_overlayer_lowered  }
0x9c: {  	s22 =	simm.s32 $0x1BFF;
	s21 =	sshll.u32 s7, $0x1;
	s4 =	sadd.s32 s5, s19  }
0x9d: {  	s8 =	simm.s32 $0x0;
	s20 =	sshll.u32 s6, $0x1;
	s6 =	sadd.s32 s21, s4  }
0x9e: {  	[timem:s8], [sflag:s22] =	dma.local [hbm:s6], s20  }
0x9f: {  	_ =	swait.ge [sflag:s22], s20  }
0xa0: {  	s5 =	ssub.s32 $0x0, s20;
	[sflag:s22] =	ssyncset.done $0x0  }
0xa1: {  	[sflag:s22] =	ssyncadd.s32 s5;
	_ =	sdelay $0x1  }
0xa2: {  	s23 =	simm.s32 $0x1B8B  }
0xa3: {  	_ =	swait.ge [sflag:s23], $0x1  }
0xa4: {  	[sflag:s23] =	ssyncset.done $0x0  }
0xa5: {  	s25 =	simm.s32 $0x1B8E;
	s24 =	sld [smem:$0x3FFE];
	[sflag:s23] =	ssyncadd.s32 $0xFFFFFFFF  }
0xa6: {  	s26 =	simm.s32 $execute0_lowered;
	[smem:$0x3FD2] =	sst s25  }
0xa7: {  	s6 =	sshll.u32 s26, $0x1;
	_ =	strace $0x80000046;
	[dreg:$0x1] =	wrdreg $0xFFFFFFFF  }
0xa8: {  	s28 =	simm.s32 $_size_execute0_lowered;
	s4 =	sadd.s32 s4, s6;
	[dreg:$0x0] =	wrdreg $0x0  }
0xa9: {  	s6 =	sshll.u32 s28, $0x1;
	[dreg:$0x2] =	wrdreg s4  }
0xaa: {  	[dreg:$0x3] =	wrdreg s6  }
0xab: {  	[dreg:$0x4] =	wrdreg $0xC0  }
0xac: {  	_ =	task [dreg:s8], $0x5FFFF  }
0xad: {  	[dreg:$0x1] =	wrdreg $0xFFFFFFFF  }
0xae: {  	[dreg:$0x0] =	wrdreg $0x60  }
0xaf: {  	[dreg:$0x2] =	wrdreg s24  }
0xb0: {  	[dreg:$0x3] =	wrdreg s2  }
0xb1: {  	[dreg:$0x4] =	wrdreg s18  }
0xb2: {  	[dreg:$0x5] =	wrdreg $0x1C000  }
0xb3: {  	[dreg:$0x6] =	wrdreg $0x154800  }
0xb4: {  	[dreg:$0x7] =	wrdreg $0x9  }
0xb5: {  	_ =	task.clear_ibuf [dreg:s8], $0x8FFFF;
	_ =	strace $0x90000046  }
0xb6: {  	s29 =	simm.s32 $0x9;
	_ =	strace $0x80000048  }
0xb7: {  	_ =	swait.ge [sflag:s29], $0x1  }
0xb8: {  	[sflag:s29] =	ssyncadd.s32 $0xFFFFFFFF  }
0xb9: {  	_ =	strace $0x90000048  }
0xba: {  	_ =	sfence  }
0xbb: {  	s30 =	sld [smem:$0x0];
	_ =	sdelay $0x2  }
0xbc: {  	s31 =	sshll.u32 s1, $0xD;
	s1 =	sshrl.u32 s1, $0x2  }
0xbd: {  	s3 =	sand.u32 $0x4000, s31;
	s1 =	sadd.s32 s1, s30  }
0xbe: {  	s0 =	sor.u32 s3, s0;
	s1 =	sshll.u32 s1, $0x11  }
0xbf: {  	s0 =	sor.u32 s1, s0  }
0xc0: {  	s0 =	sadd.s32 $0x8F2B, s0  }
0xc1: {  	[sflag:s0] =	ssyncadd.remote.s32 $0x1  }
0xc2: {  	_ =	sfence.sel $0xFFFF  }
0xc3: {  	[dreg:$0x0] =	wrdreg $0xFFFFFFFF;
	(pc) =	sbr.abs _section_cstart, $3  }
0xc4: {  	[dreg:$0x1] =	wrdreg $0xFFFFFFFF  }
0xc5: {  	_ =	task.clear_ibuf [dreg:s8], $0x2FFFF;
	_ =	strace $0x9FFFFFFF  }
0xc6: {  	(tm) =	ssettm $0x7FFFFFFF  }
0xc7: {  	_ =	shalt  }
tec
execute0_lowered:
.L_overlay_start_1:
0x0: {  	(tag) =	ssettag $0x1  }
0x1: {  	s0 =	rddreg [dreg:$0x0]  }
0x2: {  	s1 =	rddreg [dreg:$0x1];
	s13 =	stileid.u32  }
0x3: {  	s3 =	rddreg [dreg:$0x3];
	s2 =	smul.u32 $0x4E80, s13  }
0x4: {  	s4 =	rddreg [dreg:$0x4];
	s10 =	smul.u32 $0x278, s13  }
0x5: {  	s5 =	simm.s32 $0x0;
	s6 =	srdreg.scid;
	s20 =	smul.u32 $0x28000, s13  }
0x6: {  	[smem:$0x7FF] =	sst s5;
	s7 =	sand.u32 $0x1, s6;
	s26 =	smul.u32 $0x2780, s13  }
0x7: {  	p0 =	seq.s32 s13, $0xF;
	s6 =	simm.s32 $0x20;
	s29 =	smul.u32 $0x4F000, s13  }
0x8: {  	s14 =	smul.u32 $0x1400, s13;
	s13 =	simm.s32 $0xC00;
	_ =	strace $0x80000047  }
0x9: {  	s8 =	smul.u32 $0x14000, s7;
	s9 =	ssub.s32 $0x2, s7;
	s6 =	simm.s32 @!p0 $0x27  }
0xa: {  	s17 =	smul.u32 $0x1400, s7;
	s2 =	sadd.s32 s2, s0;
	s18 =	sshrl.u32 s9, $0x1  }
0xb: {  	s11 =	sshll.u32 s6, $0x4;
	s23 =	sshrl.u32 s20, $0x2;
	s16 =	sshrl.u32 s29, $0x2  }
0xc: {  	s0 =	sadd.s32 s8, s0;
	s8 =	ssub.s32 s9, s18;
	s19 =	sadd.s32 s10, s11  }
0xd: {  	s10 =	sadd.s32 $0xC00, s2;
	s21 =	sshll.u32 s19, $0x4;
	s24 =	smax.u32 s8, $0x1  }
0xe: {  	s9 =	sshll.u32 s19, $0x7;
	s7 =	sadd.s32 s1, s21;
	[dreg:$0x8] =	wrdreg s24  }
0xf: {  	s22 =	sadd.s32 s9, s3;
	s9 =	sadd.s32 s23, s4;
	[dreg:$0x6] =	wrdreg s7  }
0x10: {  	s11 =	sadd.s32 $0x4F400, s2;
	[dreg:$0x7] =	wrdreg s22;
	s25 =	sadd.s32 $0x800, s9  }
0x11: {  	s12 =	sadd.s32 $0x9DC00, s2;
	s7 =	sadd.s32 $0x1000, s9;
	[dreg:$0x9] =	wrdreg s25  }
0x12: {  	s18 =	sadd.s32 $0x1400, s17;
	s28 =	sadd.s32 $0x1800, s9;
	[dreg:$0xa] =	wrdreg s7  }
0x13: {  	v0 =	vmov s17;
	s17 =	simm.s32 $0x10;
	s30 =	sadd.s32 $0x2000, s9;
	[dreg:$0xb] =	wrdreg s28  }
0x14: {  	s0 =	sadd.s32 $0xEC400, s0;
	s31 =	sadd.s32 $0x2800, s9;
	[dreg:$0xc] =	wrdreg s30  }
0x15: {  	s19 =	sadd.s32 s26, s1;
	s15 =	sadd.s32 $0x3000, s9;
	[dreg:$0xd] =	wrdreg s31  }
0x16: {  	v1 =	vmov s18;
	s18 =	simm.s32 $0x1;
	s20 =	sadd.s32 $0x3800, s9;
	[dreg:$0xe] =	wrdreg s15  }
0x17: {  	s21 =	sadd.s32 s0, s14;
	s22 =	sadd.s32 $0x4000, s9;
	[dreg:$0xf] =	wrdreg s20  }
0x18: {  	s23 =	sadd.s32 s16, s3;
	s24 =	sadd.s32 $0x4800, s9;
	[dreg:$0x10] =	wrdreg s22  }
0x19: {  	s14 =	simm.s32 $0x3;
	s26 =	sadd.s32 $0x5800, s9;
	[dreg:$0x11] =	wrdreg s24  }
0x1a: {  	s16 =	simm.s32 $0x2;
	s29 =	sadd.s32 $0x6800, s9;
	[dreg:$0x13] =	wrdreg s26  }
0x1b: {  	s1 =	sadd.s32 $0x8000, s9;
	s25 =	sadd.s32 $0x5000, s9;
	[dreg:$0x15] =	wrdreg s29  }
0x1c: {  	s2 =	sadd.s32 $0x8800, s9;
	s28 =	sadd.s32 $0x6000, s9;
	[dreg:$0x12] =	wrdreg s25  }
0x1d: {  	s8 =	sadd.s32 $0x9800, s9;
	s30 =	sadd.s32 $0x7000, s9;
	[dreg:$0x14] =	wrdreg s28  }
0x1e: {  	s31 =	sadd.s32 $0x7800, s9;
	s7 =	sadd.s32 $0x9000, s9;
	[dreg:$0x16] =	wrdreg s30  }
0x1f: {  	s15 =	simm.s32 $0x1400;
	s20 =	simm.s32 $0x0;
	[dreg:$0x17] =	wrdreg s31  }
.LBB2_1:
0x20: {  	p0 =	sle.u32 s6, $0x0  }
0x21: {  	s22 =	simm.s32 @!p0 $0x0;
	s24 =	simm.s32 @!p0 $0xC00;
	s25 =	simm.s32 @!p0 $0x4  }
0x22: {  	[tilespmem:s24], [sflag:$0x4] =	stream.linear.gather @!p0 [hbm4b:s19+s22], $0x800, $0x38;
	[tilespmem:$0x1F480] =	vst v63  }
0x23: {  	_ =	swait.ge @!p0 [sflag:s25], $0x800  }
0x24: {  	p1 =	sle.u32 s6, $0x1;
	[sflag:s25] =	ssyncset.done @!p0 $0x0;
	p0 =	por p0, p0  }
0x25: {  	s22 =	sadd.s32 $0x800, s23;
	[sflag:s25] =	ssyncadd.s32 @!p0 $0xFFFFF800;
	s26 =	simm.s32 @!p0 $0x3  }
0x26: {  	[spmem:s23] =	stream.linear.scatter @!p0 [tilespmem:s24], [sflag:$0x3], $0x800, $0x38;
	[tilespmem:$0x1F480] =	vst v63  }
0x27: {  	s25 =	simm.s32 $0x2;
	s24 =	sadd.s32 $0x100, s19;
	_ =	swait.ge @!p0 [sflag:s26], $0x800  }
.LBB2_2:
0x28: {  	s28 =	simm.s32 @!p1 $0x0;
	s29 =	simm.s32 @!p1 $0xC00;
	[sflag:s26] =	ssyncset.done @!p0 $0x0  }
0x29: {  	s30 =	smov.u32 s25;
	s31 =	smov.u32 s22;
	s25 =	sadd.s32 $0x1, s25  }
0x2a: {  	s0 =	simm.s32 @!p1 $0x4;
	[sflag:s26] =	ssyncadd.s32 @!p0 $0xFFFFF800;
	p2 =	sne.s32 s25, $0x27  }
0x2b: {  	[tilespmem:s29], [sflag:$0x4] =	stream.linear.gather @!p1 [hbm4b:s24+s28], $0x800, $0x38;
	[tilespmem:$0x1F480] =	vst v63  }
.Ltmp0:
0x2c: {  	_ =	swait.ge @!p1 [sflag:s0], $0x800;
	(pc) =	sbr.rel @p2 .LBB2_2-.Ltmp0, $4  }
0x2d: {  	p0 =	por p1, p1;
	[sflag:s0] =	ssyncset.done @!p1 $0x0  }
0x2e: {  	s22 =	sadd.s32 $0x800, s22;
	s26 =	simm.s32 @!p0 $0x3;
	[sflag:s0] =	ssyncadd.s32 @!p0 $0xFFFFF800  }
0x2f: {  	[spmem:s31] =	stream.linear.scatter @!p0 [tilespmem:s29], [sflag:$0x3], $0x800, $0x38;
	[tilespmem:$0x1F480] =	vst v63  }
0x30: {  	s24 =	sadd.s32 $0x100, s24;
	p1 =	sge.u32 s30, s6;
	_ =	swait.ge @!p0 [sflag:s26], $0x800  }
0x31: {  	[sflag:s26] =	ssyncset.done @!p0 $0x0  }
0x32: {  	s0 =	simm.s32 @!p1 $0x0;
	s25 =	simm.s32 @!p1 $0xC00;
	[sflag:s26] =	ssyncadd.s32 @!p0 $0xFFFFF800  }
0x33: {  	[tilespmem:s25], [sflag:$0x4] =	stream.linear.gather @!p1 [hbm4b:s24+s0], $0x800, $0x38;
	[tilespmem:$0x1F480] =	vst v63  }
0x34: {  	s0 =	simm.s32 @!p1 $0x4  }
0x35: {  	_ =	swait.ge @!p1 [sflag:s0], $0x800  }
0x36: {  	p0 =	por p1, p1;
	[sflag:s0] =	ssyncset.done @!p1 $0x0  }
0x37: {  	[sflag:s0] =	ssyncadd.s32 @!p0 $0xFFFFF800;
	s0 =	simm.s32 @!p0 $0x3  }
0x38: {  	[spmem:s22] =	stream.linear.scatter @!p0 [tilespmem:s25], [sflag:$0x3], $0x800, $0x38;
	[tilespmem:$0x1F480] =	vst v63  }
0x39: {  	_ =	swait.ge @!p0 [sflag:s0], $0x800  }
0x3a: {  	[sflag:s0] =	ssyncset.done @!p0 $0x0  }
0x3b: {  	s25 =	simm.s32 $0x0;
	s24 =	rddreg [dreg:$0x6];
	[sflag:s0] =	ssyncadd.s32 @!p0 $0xFFFFF800  }
0x3c: {  	[tilespmem:s13], [sflag:$0x3] =	stream.linear.gather [hbm4b:s24+s25], $0x400, $0x38;
	[tilespmem:$0x1F480] =	vst v63  }
0x3d: {  	_ =	swait.ge [sflag:s14], $0x400  }
0x3e: {  	[sflag:s14] =	ssyncset.done $0x0  }
0x3f: {  	s26 =	rddreg [dreg:$0x7];
	[sflag:s14] =	ssyncadd.s32 $0xFFFFFC00  }
0x40: {  	[spmem:s26] =	stream.linear.scatter [tilespmem:s13], [sflag:$0x3], $0x400, $0x38;
	[tilespmem:$0x1F480] =	vst v63  }
0x41: {  	_ =	swait.ge [sflag:s14], $0x400  }
0x42: {  	[sflag:s14] =	ssyncset.done $0x0  }
0x43: {  	[sflag:s14] =	ssyncadd.s32 $0xFFFFFC00  }
0x44: {  	s28 =	rddreg [dreg:$0x2]  }
0x45: {  	[tilespmem:s15], [sflag:$0x3] =	stream.linear.gather [hbm4b:s28+s25], $0x800, $0x38;
	[tilespmem:$0x1F480] =	vst v63  }
0x46: {  	_ =	swait.ge [sflag:s14], $0x800  }
0x47: {  	[sflag:s14] =	ssyncset.done $0x0  }
0x48: {  	[sflag:s14] =	ssyncadd.s32 $0xFFFFF800  }
0x49: {  	[spmem:s9] =	stream.linear.scatter [tilespmem:s15], [sflag:$0x3], $0x800, $0x38;
	[tilespmem:$0x1F480] =	vst v63  }
0x4a: {  	_ =	swait.ge [sflag:s14], $0x800  }
0x4b: {  	[sflag:s14] =	ssyncset.done $0x0  }
0x4c: {  	s29 =	rddreg [dreg:$0x9];
	[sflag:s14] =	ssyncadd.s32 $0xFFFFF800  }
0x4d: {  	[spmem:s29] =	stream.linear.scatter [tilespmem:s15], [sflag:$0x3], $0x800, $0x38;
	[tilespmem:$0x1F480] =	vst v63  }
0x4e: {  	_ =	swait.ge [sflag:s14], $0x800  }
0x4f: {  	[sflag:s14] =	ssyncset.done $0x0  }
0x50: {  	s30 =	rddreg [dreg:$0xa];
	[sflag:s14] =	ssyncadd.s32 $0xFFFFF800  }
0x51: {  	[spmem:s30] =	stream.linear.scatter [tilespmem:s15], [sflag:$0x3], $0x800, $0x38;
	[tilespmem:$0x1F480] =	vst v63  }
0x52: {  	_ =	swait.ge [sflag:s14], $0x800  }
0x53: {  	[sflag:s14] =	ssyncset.done $0x0  }
0x54: {  	s31 =	rddreg [dreg:$0xb];
	[sflag:s14] =	ssyncadd.s32 $0xFFFFF800  }
0x55: {  	[spmem:s31] =	stream.linear.scatter [tilespmem:s15], [sflag:$0x3], $0x800, $0x38;
	[tilespmem:$0x1F480] =	vst v63  }
0x56: {  	_ =	swait.ge [sflag:s14], $0x800  }
0x57: {  	[sflag:s14] =	ssyncset.done $0x0  }
0x58: {  	s22 =	rddreg [dreg:$0xc];
	[sflag:s14] =	ssyncadd.s32 $0xFFFFF800  }
0x59: {  	[spmem:s22] =	stream.linear.scatter [tilespmem:s15], [sflag:$0x3], $0x800, $0x38;
	[tilespmem:$0x1F480] =	vst v63  }
0x5a: {  	_ =	swait.ge [sflag:s14], $0x800  }
0x5b: {  	[sflag:s14] =	ssyncset.done $0x0  }
0x5c: {  	s24 =	rddreg [dreg:$0xd];
	[sflag:s14] =	ssyncadd.s32 $0xFFFFF800  }
0x5d: {  	[spmem:s24] =	stream.linear.scatter [tilespmem:s15], [sflag:$0x3], $0x800, $0x38;
	[tilespmem:$0x1F480] =	vst v63  }
0x5e: {  	_ =	swait.ge [sflag:s14], $0x800  }
0x5f: {  	[sflag:s14] =	ssyncset.done $0x0  }
0x60: {  	s26 =	rddreg [dreg:$0xe];
	[sflag:s14] =	ssyncadd.s32 $0xFFFFF800  }
0x61: {  	[spmem:s26] =	stream.linear.scatter [tilespmem:s15], [sflag:$0x3], $0x800, $0x38;
	[tilespmem:$0x1F480] =	vst v63  }
0x62: {  	_ =	swait.ge [sflag:s14], $0x800  }
0x63: {  	[sflag:s14] =	ssyncset.done $0x0  }
0x64: {  	s28 =	rddreg [dreg:$0xf];
	[sflag:s14] =	ssyncadd.s32 $0xFFFFF800  }
0x65: {  	[spmem:s28] =	stream.linear.scatter [tilespmem:s15], [sflag:$0x3], $0x800, $0x38;
	[tilespmem:$0x1F480] =	vst v63  }
0x66: {  	_ =	swait.ge [sflag:s14], $0x800  }
0x67: {  	[sflag:s14] =	ssyncset.done $0x0  }
0x68: {  	s29 =	rddreg [dreg:$0x10];
	[sflag:s14] =	ssyncadd.s32 $0xFFFFF800  }
0x69: {  	[spmem:s29] =	stream.linear.scatter [tilespmem:s15], [sflag:$0x3], $0x800, $0x38;
	[tilespmem:$0x1F480] =	vst v63  }
0x6a: {  	_ =	swait.ge [sflag:s14], $0x800  }
0x6b: {  	[sflag:s14] =	ssyncset.done $0x0  }
0x6c: {  	s30 =	rddreg [dreg:$0x11];
	[sflag:s14] =	ssyncadd.s32 $0xFFFFF800  }
0x6d: {  	[spmem:s30] =	stream.linear.scatter [tilespmem:s15], [sflag:$0x3], $0x800, $0x38;
	[tilespmem:$0x1F480] =	vst v63  }
0x6e: {  	_ =	swait.ge [sflag:s14], $0x800  }
0x6f: {  	[sflag:s14] =	ssyncset.done $0x0  }
0x70: {  	s31 =	rddreg [dreg:$0x12];
	[sflag:s14] =	ssyncadd.s32 $0xFFFFF800  }
0x71: {  	[spmem:s31] =	stream.linear.scatter [tilespmem:s15], [sflag:$0x3], $0x800, $0x38;
	[tilespmem:$0x1F480] =	vst v63  }
0x72: {  	_ =	swait.ge [sflag:s14], $0x800  }
0x73: {  	[sflag:s14] =	ssyncset.done $0x0  }
0x74: {  	s22 =	rddreg [dreg:$0x13];
	[sflag:s14] =	ssyncadd.s32 $0xFFFFF800  }
0x75: {  	[spmem:s22] =	stream.linear.scatter [tilespmem:s15], [sflag:$0x3], $0x800, $0x38;
	[tilespmem:$0x1F480] =	vst v63  }
0x76: {  	_ =	swait.ge [sflag:s14], $0x800  }
0x77: {  	[sflag:s14] =	ssyncset.done $0x0  }
0x78: {  	s24 =	rddreg [dreg:$0x14];
	[sflag:s14] =	ssyncadd.s32 $0xFFFFF800  }
0x79: {  	[spmem:s24] =	stream.linear.scatter [tilespmem:s15], [sflag:$0x3], $0x800, $0x38;
	[tilespmem:$0x1F480] =	vst v63  }
0x7a: {  	_ =	swait.ge [sflag:s14], $0x800  }
0x7b: {  	[sflag:s14] =	ssyncset.done $0x0  }
0x7c: {  	s26 =	rddreg [dreg:$0x15];
	[sflag:s14] =	ssyncadd.s32 $0xFFFFF800  }
0x7d: {  	[spmem:s26] =	stream.linear.scatter [tilespmem:s15], [sflag:$0x3], $0x800, $0x38;
	[tilespmem:$0x1F480] =	vst v63  }
0x7e: {  	_ =	swait.ge [sflag:s14], $0x800  }
0x7f: {  	[sflag:s14] =	ssyncset.done $0x0  }
0x80: {  	s28 =	rddreg [dreg:$0x16];
	[sflag:s14] =	ssyncadd.s32 $0xFFFFF800  }
0x81: {  	[spmem:s28] =	stream.linear.scatter [tilespmem:s15], [sflag:$0x3], $0x800, $0x38;
	[tilespmem:$0x1F480] =	vst v63  }
0x82: {  	_ =	swait.ge [sflag:s14], $0x800  }
0x83: {  	[sflag:s14] =	ssyncset.done $0x0  }
0x84: {  	s29 =	rddreg [dreg:$0x17];
	[sflag:s14] =	ssyncadd.s32 $0xFFFFF800  }
0x85: {  	[spmem:s29] =	stream.linear.scatter [tilespmem:s15], [sflag:$0x3], $0x800, $0x38;
	[tilespmem:$0x1F480] =	vst v63  }
0x86: {  	_ =	swait.ge [sflag:s14], $0x800  }
0x87: {  	[sflag:s14] =	ssyncset.done $0x0  }
0x88: {  	[sflag:s14] =	ssyncadd.s32 $0xFFFFF800  }
0x89: {  	[spmem:s1] =	stream.linear.scatter [tilespmem:s15], [sflag:$0x3], $0x800, $0x38;
	[tilespmem:$0x1F480] =	vst v63  }
0x8a: {  	_ =	swait.ge [sflag:s14], $0x800  }
0x8b: {  	[sflag:s14] =	ssyncset.done $0x0  }
0x8c: {  	[sflag:s14] =	ssyncadd.s32 $0xFFFFF800  }
0x8d: {  	[spmem:s2] =	stream.linear.scatter [tilespmem:s15], [sflag:$0x3], $0x800, $0x38;
	[tilespmem:$0x1F480] =	vst v63  }
0x8e: {  	_ =	swait.ge [sflag:s14], $0x800  }
0x8f: {  	[sflag:s14] =	ssyncset.done $0x0  }
0x90: {  	[sflag:s14] =	ssyncadd.s32 $0xFFFFF800  }
0x91: {  	[spmem:s7] =	stream.linear.scatter [tilespmem:s15], [sflag:$0x3], $0x800, $0x38;
	[tilespmem:$0x1F480] =	vst v63  }
0x92: {  	_ =	swait.ge [sflag:s14], $0x800  }
0x93: {  	[sflag:s14] =	ssyncset.done $0x0  }
0x94: {  	[sflag:s14] =	ssyncadd.s32 $0xFFFFF800  }
0x95: {  	[spmem:s8] =	stream.linear.scatter [tilespmem:s15], [sflag:$0x3], $0x800, $0x38;
	[tilespmem:$0x1F480] =	vst v63  }
0x96: {  	_ =	swait.ge [sflag:s14], $0x800  }
0x97: {  	[sflag:s14] =	ssyncset.done $0x0  }
0x98: {  	[sflag:s14] =	ssyncadd.s32 $0xFFFFF800  }
0x99: {  	[bflag:$0x0] =	sbarrier.arrive $0xFFFF  }
0x9a: {  	[tilespmem:s25], [sflag:$0x2] =	stream.linear.gather [hbm4b:s10+s25], $0x200, $0x38;
	[tilespmem:$0x1F480] =	vst v63  }
0x9b: {  	s30 =	simm.s32 $0x400  }
0x9c: {  	[tilespmem:s30], [sflag:$0x2] =	stream.linear.gather [hbm4b:s11+s25], $0x200, $0x38;
	[tilespmem:$0x1F480] =	vst v63  }
0x9d: {  	s31 =	simm.s32 $0x800  }
0x9e: {  	[tilespmem:s31], [sflag:$0x2] =	stream.linear.gather [hbm4b:s12+s25], $0x200, $0x38;
	[tilespmem:$0x1F480] =	vst v63  }
0x9f: {  	_ =	swait.ge [sflag:s16], $0x200  }
0xa0: {  	[sflag:s16] =	ssyncset.done $0x0  }
0xa1: {  	[sflag:s16] =	ssyncadd.s32 $0xFFFFFE00  }
0xa2: {  	_ =	swait.ge [sflag:s16], $0x200  }
0xa3: {  	[sflag:s16] =	ssyncset.done $0x0  }
0xa4: {  	[sflag:s16] =	ssyncadd.s32 $0xFFFFFE00  }
0xa5: {  	_ =	swait.ge [sflag:s16], $0x200  }
0xa6: {  	[sflag:s16] =	ssyncset.done $0x0  }
0xa7: {  	[sflag:s16] =	ssyncadd.s32 $0xFFFFFE00  }
0xa8: {  	v2 =	vld [tilespmem:$0x400];
	_ =	sdelay $0x1  }
0xa9: {  	v3 =	vld [tilespmem:$0x480]  }
0xaa: {  	v4 =	vld [tilespmem:$0x800]  }
0xab: {  	v5 =	vld [tilespmem:$0x500]  }
0xac: {  	v6 =	vld [tilespmem:$0x880];
	vm0 =	vge.s32 v2, v0;
	vm1 =	vlt.s32 v2, v1  }
0xad: {  	v7 =	vld [tilespmem:$0x580];
	v2 =	vsub.s32 v2, v0;
	vm0 =	vmand vm0, vm1  }
0xae: {  	v8 =	vld [tilespmem:$0x900];
	vm8 =	vge.s32 v3, v0;
	vm2 =	vlt.s32 v3, v1;
	v2 =	vnsel vm0, $0x0, v2  }
0xaf: {  	v3 =	vsub.s32 v3, v0;
	vm9 =	vmand vm8, vm2;
	[tilespmem:$0x400] =	vst v2;
	v2 =	vnsel vm0, $0x0, v4  }
0xb0: {  	vm10 =	vge.s32 v5, v0;
	vm11 =	vlt.s32 v5, v1;
	[tilespmem:$0x800] =	vst v2;
	v2 =	vnsel vm9, $0x0, v3;
	v3 =	vld [tilespmem:$0x980]  }
0xb1: {  	v62 =	vsub.s32 v5, v0;
	vm12 =	vmand vm10, vm11;
	[tilespmem:$0x480] =	vst v2;
	v2 =	vnsel vm9, $0x0, v6  }
0xb2: {  	vm13 =	vge.s32 v7, v0;
	vm14 =	vlt.s32 v7, v1;
	[tilespmem:$0x880] =	vst v2;
	v2 =	vnsel vm12, $0x0, v62  }
.Ltmp1:
0xb3: {  	vm15 =	vmand vm13, vm14;
	v63 =	vnsel vm12, $0x0, v8;
	[tilespmem:$0x500] =	vst v2;
	v2 =	vsub.s32 v7, v0;
	(pc) =	sbr.rel .LBB2_4-.Ltmp1, $4  }
0xb4: {  	[tilespmem:$0x900] =	vst v63;
	v2 =	vnsel vm15, $0x0, v2  }
0xb5: {  	[tilespmem:$0x580] =	vst v2;
	v2 =	vnsel vm15, $0x0, v3  }
0xb6: {  	[tilespmem:$0x980] =	vst v2  }
0xb7: {  	[tilespmem:s13], [sflag:$0x1] =	stream.indirect.gather [spmem:s3], $0x80, s25, s17, $0xb8;
	[tilespmem:$0x1F480] =	vst v63  }
.LBB2_5:
0xb8: {  	s0 =	sadd.s32 $0x1, s26  }
0xb9: {  	s22 =	sshll.u32 s0, $0x9;
	s0 =	sshll.u32 s0, $0x6  }
0xba: {  	s22 =	sand.u32 $0x200, s22;
	s28 =	sadd.s32 s10, s0  }
0xbb: {  	[tilespmem:s22], [sflag:$0x2] =	stream.linear.gather [hbm4b:s28+s5], $0x200, $0x38;
	[tilespmem:$0x1F480] =	vst v63  }
0xbc: {  	s29 =	sadd.s32 s11, s0;
	s31 =	sor.u32 $0x400, s22  }
0xbd: {  	[tilespmem:s31], [sflag:$0x2] =	stream.linear.gather [hbm4b:s29+s5], $0x200, $0x38;
	[tilespmem:$0x1F480] =	vst v63  }
0xbe: {  	s0 =	sadd.s32 s12, s0;
	s22 =	sor.u32 $0x800, s22  }
0xbf: {  	[tilespmem:s22], [sflag:$0x2] =	stream.linear.gather [hbm4b:s0+s5], $0x200, $0x38;
	[tilespmem:$0x1F480] =	vst v63  }
0xc0: {  	s22 =	sor.u32 $0x1, s25  }
.LBB2_8:
0xc1: {  	s0 =	sand.u32 $0x3, s22  }
0xc2: {  	p0 =	sne.s32 s0, $0x0  }
0xc3: {  	s28 =	simm.s32 @!p0 $0x2  }
0xc4: {  	_ =	swait.ge @!p0 [sflag:s28], $0x200  }
0xc5: {  	[sflag:s28] =	ssyncset.done @!p0 $0x0  }
0xc6: {  	[sflag:s28] =	ssyncadd.s32 @!p0 $0xFFFFFE00  }
0xc7: {  	_ =	swait.ge @!p0 [sflag:s28], $0x200  }
0xc8: {  	[sflag:s28] =	ssyncset.done @!p0 $0x0  }
0xc9: {  	[sflag:s28] =	ssyncadd.s32 @!p0 $0xFFFFFE00  }
0xca: {  	_ =	swait.ge @!p0 [sflag:s28], $0x200  }
0xcb: {  	s29 =	sshll.u32 @!p0 s22, $0x7;
	[sflag:s28] =	ssyncset.done @!p0 $0x0  }
0xcc: {  	[sflag:s28] =	ssyncadd.s32 @!p0 $0xFFFFFE00;
	s28 =	sand.u32 @!p0 $0x200, s29  }
0xcd: {  	v2 =	vld @!p0 [tilespmem:s28+$0x400];
	_ =	sdelay $0x1  }
0xce: {  	v3 =	vld @!p0 [tilespmem:s28+$0x480]  }
0xcf: {  	v4 =	vld @!p0 [tilespmem:s28+$0x800]  }
0xd0: {  	v5 =	vld @!p0 [tilespmem:s28+$0x500]  }
0xd1: {  	v6 =	vld @!p0 [tilespmem:s28+$0x880];
	vm0 =	vge.s32 @!p0 v2, v0;
	vm1 =	vlt.s32 @!p0 v2, v1  }
0xd2: {  	v7 =	vld @!p0 [tilespmem:s28+$0x580];
	v2 =	vsub.s32 @!p0 v2, v0;
	vm0 =	vmand @!p0 vm0, vm1  }
0xd3: {  	v8 =	vld @!p0 [tilespmem:s28+$0x900];
	vm2 =	vlt.s32 @!p0 v3, v1;
	vm1 =	vge.s32 @!p0 v3, v0;
	v2 =	vnsel @!p0 vm0, $0x0, v2  }
0xd4: {  	v3 =	vsub.s32 @!p0 v3, v0;
	[tilespmem:s28+$0x400] =	vst @!p0 v2;
	v2 =	vnsel @!p0 vm0, $0x0, v4;
	vm0 =	vmand @!p0 vm1, vm2  }
0xd5: {  	vm1 =	vge.s32 @!p0 v5, v0;
	vm2 =	vlt.s32 @!p0 v5, v1;
	[tilespmem:s28+$0x800] =	vst @!p0 v2;
	v2 =	vnsel @!p0 vm0, $0x0, v3;
	v3 =	vld @!p0 [tilespmem:s28+$0x980]  }
0xd6: {  	v4 =	vsub.s32 @!p0 v5, v0;
	[tilespmem:s28+$0x480] =	vst @!p0 v2;
	v2 =	vnsel @!p0 vm0, $0x0, v6;
	vm0 =	vmand @!p0 vm1, vm2  }
0xd7: {  	vm1 =	vge.s32 @!p0 v7, v0;
	vm2 =	vlt.s32 @!p0 v7, v1;
	[tilespmem:s28+$0x880] =	vst @!p0 v2;
	v2 =	vnsel @!p0 vm0, $0x0, v4  }
0xd8: {  	v4 =	vnsel @!p0 vm0, $0x0, v8;
	vm0 =	vmand @!p0 vm1, vm2;
	[tilespmem:s28+$0x500] =	vst @!p0 v2;
	v2 =	vsub.s32 @!p0 v7, v0  }
0xd9: {  	s31 =	sshll.u32 s22, $0xB;
	s30 =	sshll.u32 s22, $0x7;
	[tilespmem:s28+$0x900] =	vst @!p0 v4;
	v2 =	vnsel @!p0 vm0, $0x0, v2  }
0xda: {  	s30 =	sand.u32 $0x200, s30;
	s0 =	sshll.u32 s0, $0x7;
	s29 =	sand.u32 $0x800, s31;
	[tilespmem:s28+$0x580] =	vst @!p0 v2;
	v2 =	vnsel @!p0 vm0, $0x0, v3  }
0xdb: {  	s0 =	sor.u32 s0, s30;
	s31 =	sadd.s32 $0xC00, s29;
	[tilespmem:s28+$0x980] =	vst @!p0 v2  }
0xdc: {  	[tilespmem:s31], [sflag:$0x1] =	stream.indirect.gather [spmem:s3], $0x80, s0, s17, $0xb8;
	[tilespmem:$0x1F480] =	vst v63  }
.LBB2_9:
0xdd: {  	_ =	swait.ge [sflag:s18], $0x800;
	s0 =	sshll.u32 s26, $0x9  }
0xde: {  	s24 =	sshll.u32 s24, $0x7;
	[sflag:s18] =	ssyncset.done $0x0;
	s0 =	sand.u32 $0x200, s0  }
0xdf: {  	[sflag:s18] =	ssyncadd.s32 $0xFFFFF800;
	s24 =	sor.u32 s24, s0  }
0xe0: {  	s31 =	sshll.u32 s25, $0xB;
	v2 =	vld [tilespmem:s24+$0x800]  }
0xe1: {  	s25 =	sand.u32 $0x800, s31  }
0xe2: {  	v3 =	vld [tilespmem:s25+$0xC00]  }
0xe3: {  	v4 =	vld [tilespmem:s25+$0xC10]  }
0xe4: {  	v5 =	vld [tilespmem:s25+$0xC20]  }
0xe5: {  	v7 =	vld [tilespmem:s25+$0xC30];
	v6 =	vbroadcast v2, $0x0  }
0xe6: {  	v8 =	vld [tilespmem:s25+$0xC40]  }
0xe7: {  	v9 =	vld [tilespmem:s25+$0xC50];
	v3 =	vmul.f32 v6, v3  }
0xe8: {  	v10 =	vld [tilespmem:s25+$0xC60];
	v4 =	vmul.f32 v4, v6  }
0xe9: {  	v24 =	vld [tilespmem:s25+$0xC70];
	[tilespmem:s25+$0xC00] =	vst v3;
	v3 =	vmul.f32 v5, v6  }
0xea: {  	v26 =	vld [tilespmem:s25+$0xC80];
	v25 =	vmul.f32 v7, v6;
	[tilespmem:s25+$0xC10] =	vst v4  }
0xeb: {  	v27 =	vld [tilespmem:s25+$0xC90];
	[tilespmem:s25+$0xC20] =	vst v3;
	v3 =	vmul.f32 v8, v6  }
0xec: {  	v29 =	vld [tilespmem:s25+$0xCA0];
	v28 =	vmul.f32 v9, v6;
	[tilespmem:s25+$0xC30] =	vst v25  }
0xed: {  	v11 =	vld [tilespmem:s25+$0xCB0];
	v30 =	vbroadcast v2, $0x1;
	[tilespmem:s25+$0xC40] =	vst v3;
	v3 =	vmul.f32 v10, v6  }
0xee: {  	v32 =	vld [tilespmem:s25+$0xCC0];
	v31 =	vmul.f32 v24, v6;
	[tilespmem:s25+$0xC50] =	vst v28  }
0xef: {  	v33 =	vld [tilespmem:s25+$0xCD0];
	[tilespmem:s25+$0xC60] =	vst v3;
	v3 =	vmul.f32 v26, v30  }
0xf0: {  	v35 =	vld [tilespmem:s25+$0xCE0];
	v34 =	vmul.f32 v27, v30;
	[tilespmem:s25+$0xC70] =	vst v31  }
0xf1: {  	v36 =	vld [tilespmem:s25+$0xCF0];
	[tilespmem:s25+$0xC80] =	vst v3;
	v3 =	vmul.f32 v29, v30  }
0xf2: {  	v38 =	vld [tilespmem:s25+$0xD00];
	v37 =	vmul.f32 v11, v30;
	[tilespmem:s25+$0xC90] =	vst v34  }
0xf3: {  	v39 =	vld [tilespmem:s25+$0xD10];
	[tilespmem:s25+$0xCA0] =	vst v3;
	v3 =	vmul.f32 v32, v30  }
0xf4: {  	v41 =	vld [tilespmem:s25+$0xD20];
	v40 =	vmul.f32 v33, v30;
	[tilespmem:s25+$0xCB0] =	vst v37  }
0xf5: {  	v43 =	vld [tilespmem:s25+$0xD30];
	v42 =	vbroadcast v2, $0x2;
	[tilespmem:s25+$0xCC0] =	vst v3;
	v3 =	vmul.f32 v35, v30  }
0xf6: {  	v45 =	vld [tilespmem:s25+$0xD40];
	v44 =	vmul.f32 v36, v30;
	[tilespmem:s25+$0xCD0] =	vst v40  }
0xf7: {  	v46 =	vld [tilespmem:s25+$0xD50];
	[tilespmem:s25+$0xCE0] =	vst v3;
	v3 =	vmul.f32 v38, v42  }
0xf8: {  	v48 =	vld [tilespmem:s25+$0xD60];
	v47 =	vmul.f32 v39, v42;
	[tilespmem:s25+$0xCF0] =	vst v44  }
0xf9: {  	v49 =	vld [tilespmem:s25+$0xD70];
	[tilespmem:s25+$0xD00] =	vst v3;
	v3 =	vmul.f32 v41, v42  }
0xfa: {  	v51 =	vld [tilespmem:s25+$0xD80];
	v50 =	vmul.f32 v43, v42;
	[tilespmem:s25+$0xD10] =	vst v47  }
0xfb: {  	v52 =	vld [tilespmem:s25+$0xD90];
	[tilespmem:s25+$0xD20] =	vst v3;
	v3 =	vmul.f32 v45, v42  }
0xfc: {  	v54 =	vld [tilespmem:s25+$0xDA0];
	v53 =	vmul.f32 v46, v42;
	[tilespmem:s25+$0xD30] =	vst v50  }
0xfd: {  	v56 =	vld [tilespmem:s25+$0xDB0];
	v55 =	vbroadcast v2, $0x3;
	[tilespmem:s25+$0xD40] =	vst v3;
	v3 =	vmul.f32 v48, v42  }
0xfe: {  	v58 =	vld [tilespmem:s25+$0xDC0];
	v57 =	vmul.f32 v49, v42;
	[tilespmem:s25+$0xD50] =	vst v53  }
0xff: {  	v59 =	vld [tilespmem:s25+$0xDD0];
	[tilespmem:s25+$0xD60] =	vst v3;
	v3 =	vmul.f32 v51, v55  }
0x100: {  	v61 =	vld [tilespmem:s25+$0xDE0];
	v60 =	vmul.f32 v52, v55;
	[tilespmem:s25+$0xD70] =	vst v57  }
0x101: {  	v62 =	vld [tilespmem:s25+$0xDF0];
	[tilespmem:s25+$0xD80] =	vst v3;
	v3 =	vmul.f32 v54, v55  }
0x102: {  	v12 =	vld [tilespmem:s25+$0xE00];
	v63 =	vmul.f32 v56, v55;
	[tilespmem:s25+$0xD90] =	vst v60  }
0x103: {  	v13 =	vld [tilespmem:s25+$0xE10];
	[tilespmem:s25+$0xDA0] =	vst v3;
	v3 =	vmul.f32 v58, v55  }
0x104: {  	v15 =	vld [tilespmem:s25+$0xE20];
	v14 =	vmul.f32 v59, v55;
	[tilespmem:s25+$0xDB0] =	vst v63  }
0x105: {  	v17 =	vld [tilespmem:s25+$0xE30];
	v16 =	vbroadcast v2, $0x4;
	[tilespmem:s25+$0xDC0] =	vst v3;
	v3 =	vmul.f32 v61, v55  }
0x106: {  	v19 =	vld [tilespmem:s25+$0xE40];
	v18 =	vmul.f32 v62, v55;
	[tilespmem:s25+$0xDD0] =	vst v14  }
0x107: {  	v20 =	vld [tilespmem:s25+$0xE50];
	[tilespmem:s25+$0xDE0] =	vst v3;
	v3 =	vmul.f32 v12, v16  }
0x108: {  	v22 =	vld [tilespmem:s25+$0xE60];
	v21 =	vmul.f32 v13, v16;
	[tilespmem:s25+$0xDF0] =	vst v18  }
0x109: {  	v23 =	vld [tilespmem:s25+$0xE70];
	[tilespmem:s25+$0xE00] =	vst v3;
	v3 =	vmul.f32 v15, v16  }
0x10a: {  	v24 =	vmul.f32 v17, v16;
	[tilespmem:s25+$0xE10] =	vst v21;
	v25 =	vld [tilespmem:s25+$0xE80]  }
0x10b: {  	v33 =	vld [tilespmem:s25+$0xED0];
	[tilespmem:s25+$0xE20] =	vst v3;
	v3 =	vmul.f32 v19, v16  }
0x10c: {  	v27 =	vmul.f32 v20, v16;
	[tilespmem:s25+$0xE30] =	vst v24;
	v28 =	vld [tilespmem:s25+$0xEA0]  }
0x10d: {  	v36 =	vld [tilespmem:s25+$0xEF0];
	v29 =	vbroadcast v2, $0x5;
	[tilespmem:s25+$0xE40] =	vst v3;
	v3 =	vmul.f32 v22, v16  }
0x10e: {  	[tilespmem:s25+$0xE50] =	vst v27;
	v31 =	vmul.f32 v23, v16;
	v32 =	vld [tilespmem:s25+$0xEC0]  }
0x10f: {  	v26 =	vld [tilespmem:s25+$0xE90];
	[tilespmem:s25+$0xE60] =	vst v3;
	v3 =	vmul.f32 v25, v29  }
0x110: {  	[tilespmem:s25+$0xE70] =	vst v31;
	v40 =	vmul.f32 v33, v29;
	v35 =	vld [tilespmem:s25+$0xEE0]  }
0x111: {  	v30 =	vld [tilespmem:s25+$0xEB0];
	[tilespmem:s25+$0xE80] =	vst v3;
	v3 =	vmul.f32 v28, v29  }
0x112: {  	v44 =	vmul.f32 v36, v29;
	[tilespmem:s25+$0xED0] =	vst v40;
	v38 =	vld [tilespmem:s25+$0xF00]  }
0x113: {  	v39 =	vld [tilespmem:s25+$0xF10];
	[tilespmem:s25+$0xEA0] =	vst v3;
	v3 =	vmul.f32 v32, v29  }
0x114: {  	v34 =	vmul.f32 v26, v29;
	[tilespmem:s25+$0xEF0] =	vst v44;
	v41 =	vld [tilespmem:s25+$0xF20]  }
0x115: {  	v43 =	vld [tilespmem:s25+$0xF30];
	v42 =	vbroadcast v2, $0x6;
	[tilespmem:s25+$0xEC0] =	vst v3;
	v3 =	vmul.f32 v35, v29  }
0x116: {  	[tilespmem:s25+$0xE90] =	vst v34;
	v37 =	vmul.f32 v30, v29;
	v45 =	vld [tilespmem:s25+$0xF40]  }
0x117: {  	v46 =	vld [tilespmem:s25+$0xF50];
	[tilespmem:s25+$0xEE0] =	vst v3;
	v3 =	vmul.f32 v38, v42  }
0x118: {  	[tilespmem:s25+$0xEB0] =	vst v37;
	v48 =	vld [tilespmem:s25+$0xF60];
	v47 =	vmul.f32 v39, v42  }
0x119: {  	v49 =	vld [tilespmem:s25+$0xF70];
	[tilespmem:s25+$0xF00] =	vst v3;
	v3 =	vmul.f32 v41, v42  }
0x11a: {  	v50 =	vmul.f32 v43, v42;
	v51 =	vld [tilespmem:s25+$0xF80];
	[tilespmem:s25+$0xF10] =	vst v47  }
0x11b: {  	v52 =	vld [tilespmem:s25+$0xF90];
	[tilespmem:s25+$0xF20] =	vst v3;
	v3 =	vmul.f32 v45, v42  }
0x11c: {  	v53 =	vmul.f32 v46, v42;
	[tilespmem:s25+$0xF30] =	vst v50;
	v54 =	vld [tilespmem:s25+$0xFA0]  }
0x11d: {  	v56 =	vld [tilespmem:s25+$0xFB0];
	v55 =	vbroadcast v2, $0x7;
	[tilespmem:s25+$0xF40] =	vst v3;
	v3 =	vmul.f32 v48, v42  }
0x11e: {  	v57 =	vmul.f32 v49, v42;
	[tilespmem:s25+$0xF50] =	vst v53;
	v58 =	vld [tilespmem:s25+$0xFC0]  }
0x11f: {  	v59 =	vld [tilespmem:s25+$0xFD0];
	[tilespmem:s25+$0xF60] =	vst v3;
	v3 =	vmul.f32 v51, v55  }
0x120: {  	[tilespmem:s25+$0xF70] =	vst v57;
	v61 =	vld [tilespmem:s25+$0xFE0];
	v60 =	vmul.f32 v52, v55  }
0x121: {  	v62 =	vld [tilespmem:s25+$0xFF0];
	[tilespmem:s25+$0xF80] =	vst v3;
	v3 =	vmul.f32 v54, v55  }
0x122: {  	v63 =	vmul.f32 v56, v55;
	v12 =	vld [tilespmem:s25+$0x1000];
	[tilespmem:s25+$0xF90] =	vst v60  }
0x123: {  	v13 =	vld [tilespmem:s25+$0x1010];
	[tilespmem:s25+$0xFA0] =	vst v3;
	v3 =	vmul.f32 v58, v55  }
0x124: {  	v14 =	vmul.f32 v59, v55;
	[tilespmem:s25+$0xFB0] =	vst v63;
	v15 =	vld [tilespmem:s25+$0x1020]  }
0x125: {  	v17 =	vld [tilespmem:s25+$0x1030];
	v16 =	vbroadcast v2, $0x8;
	[tilespmem:s25+$0xFC0] =	vst v3;
	v3 =	vmul.f32 v61, v55  }
0x126: {  	v18 =	vmul.f32 v62, v55;
	[tilespmem:s25+$0xFD0] =	vst v14;
	v19 =	vld [tilespmem:s25+$0x1040]  }
0x127: {  	v20 =	vld [tilespmem:s25+$0x1050];
	[tilespmem:s25+$0xFE0] =	vst v3;
	v3 =	vmul.f32 v12, v16  }
0x128: {  	[tilespmem:s25+$0xFF0] =	vst v18;
	v22 =	vld [tilespmem:s25+$0x1060];
	v21 =	vmul.f32 v13, v16  }
0x129: {  	v23 =	vld [tilespmem:s25+$0x1070];
	[tilespmem:s25+$0x1000] =	vst v3;
	v3 =	vmul.f32 v15, v16  }
0x12a: {  	v24 =	vmul.f32 v17, v16;
	v25 =	vld [tilespmem:s25+$0x1080];
	[tilespmem:s25+$0x1010] =	vst v21  }
0x12b: {  	v26 =	vld [tilespmem:s25+$0x1090];
	[tilespmem:s25+$0x1020] =	vst v3;
	v3 =	vmul.f32 v19, v16  }
0x12c: {  	v27 =	vmul.f32 v20, v16;
	[tilespmem:s25+$0x1030] =	vst v24;
	v28 =	vld [tilespmem:s25+$0x10A0]  }
0x12d: {  	v30 =	vld [tilespmem:s25+$0x10B0];
	v29 =	vbroadcast v2, $0x9;
	[tilespmem:s25+$0x1040] =	vst v3;
	v3 =	vmul.f32 v22, v16  }
0x12e: {  	v31 =	vmul.f32 v23, v16;
	[tilespmem:s25+$0x1050] =	vst v27;
	v32 =	vld [tilespmem:s25+$0x10C0]  }
0x12f: {  	v33 =	vld [tilespmem:s25+$0x10D0];
	[tilespmem:s25+$0x1060] =	vst v3;
	v3 =	vmul.f32 v25, v29  }
0x130: {  	[tilespmem:s25+$0x1070] =	vst v31;
	v35 =	vld [tilespmem:s25+$0x10E0];
	v34 =	vmul.f32 v26, v29  }
0x131: {  	v36 =	vld [tilespmem:s25+$0x10F0];
	[tilespmem:s25+$0x1080] =	vst v3;
	v3 =	vmul.f32 v28, v29  }
0x132: {  	v37 =	vmul.f32 v30, v29;
	v38 =	vld [tilespmem:s25+$0x1100];
	[tilespmem:s25+$0x1090] =	vst v34  }
0x133: {  	v39 =	vld [tilespmem:s25+$0x1110];
	[tilespmem:s25+$0x10A0] =	vst v3;
	v3 =	vmul.f32 v32, v29  }
0x134: {  	v40 =	vmul.f32 v33, v29;
	[tilespmem:s25+$0x10B0] =	vst v37;
	v41 =	vld [tilespmem:s25+$0x1120]  }
0x135: {  	v43 =	vld [tilespmem:s25+$0x1130];
	v42 =	vbroadcast v2, $0xA;
	[tilespmem:s25+$0x10C0] =	vst v3;
	v3 =	vmul.f32 v35, v29  }
0x136: {  	v44 =	vmul.f32 v36, v29;
	[tilespmem:s25+$0x10D0] =	vst v40;
	v45 =	vld [tilespmem:s25+$0x1140]  }
0x137: {  	v46 =	vld [tilespmem:s25+$0x1150];
	[tilespmem:s25+$0x10E0] =	vst v3;
	v3 =	vmul.f32 v38, v42  }
0x138: {  	[tilespmem:s25+$0x10F0] =	vst v44;
	v48 =	vld [tilespmem:s25+$0x1160];
	v47 =	vmul.f32 v39, v42  }
0x139: {  	v49 =	vld [tilespmem:s25+$0x1170];
	[tilespmem:s25+$0x1100] =	vst v3;
	v3 =	vmul.f32 v41, v42  }
0x13a: {  	v50 =	vmul.f32 v43, v42;
	v51 =	vld [tilespmem:s25+$0x1180];
	[tilespmem:s25+$0x1110] =	vst v47  }
0x13b: {  	v52 =	vld [tilespmem:s25+$0x1190];
	[tilespmem:s25+$0x1120] =	vst v3;
	v3 =	vmul.f32 v45, v42  }
0x13c: {  	v53 =	vmul.f32 v46, v42;
	[tilespmem:s25+$0x1130] =	vst v50;
	v54 =	vld [tilespmem:s25+$0x11A0]  }
0x13d: {  	v56 =	vld [tilespmem:s25+$0x11B0];
	v55 =	vbroadcast v2, $0xB;
	[tilespmem:s25+$0x1140] =	vst v3;
	v3 =	vmul.f32 v48, v42  }
0x13e: {  	v57 =	vmul.f32 v49, v42;
	[tilespmem:s25+$0x1150] =	vst v53;
	v58 =	vld [tilespmem:s25+$0x11C0]  }
0x13f: {  	v59 =	vld [tilespmem:s25+$0x11D0];
	[tilespmem:s25+$0x1160] =	vst v3;
	v3 =	vmul.f32 v51, v55  }
0x140: {  	[tilespmem:s25+$0x1170] =	vst v57;
	v61 =	vld [tilespmem:s25+$0x11E0];
	v60 =	vmul.f32 v52, v55  }
0x141: {  	v62 =	vld [tilespmem:s25+$0x11F0];
	[tilespmem:s25+$0x1180] =	vst v3;
	v3 =	vmul.f32 v54, v55  }
0x142: {  	v63 =	vmul.f32 v56, v55;
	v12 =	vld [tilespmem:s25+$0x1200];
	[tilespmem:s25+$0x1190] =	vst v60  }
0x143: {  	v13 =	vld [tilespmem:s25+$0x1210];
	[tilespmem:s25+$0x11A0] =	vst v3;
	v3 =	vmul.f32 v58, v55  }
0x144: {  	v14 =	vmul.f32 v59, v55;
	[tilespmem:s25+$0x11B0] =	vst v63;
	v15 =	vld [tilespmem:s25+$0x1220]  }
0x145: {  	v17 =	vld [tilespmem:s25+$0x1230];
	v16 =	vbroadcast v2, $0xC;
	[tilespmem:s25+$0x11C0] =	vst v3;
	v3 =	vmul.f32 v61, v55  }
0x146: {  	v18 =	vmul.f32 v62, v55;
	[tilespmem:s25+$0x11D0] =	vst v14;
	v19 =	vld [tilespmem:s25+$0x1240]  }
0x147: {  	v20 =	vld [tilespmem:s25+$0x1250];
	[tilespmem:s25+$0x11E0] =	vst v3;
	v3 =	vmul.f32 v12, v16  }
0x148: {  	[tilespmem:s25+$0x11F0] =	vst v18;
	v22 =	vld [tilespmem:s25+$0x1260];
	v21 =	vmul.f32 v13, v16  }
0x149: {  	v23 =	vld [tilespmem:s25+$0x1270];
	[tilespmem:s25+$0x1200] =	vst v3;
	v3 =	vmul.f32 v15, v16  }
0x14a: {  	v24 =	vmul.f32 v17, v16;
	v25 =	vld [tilespmem:s25+$0x1280];
	[tilespmem:s25+$0x1210] =	vst v21  }
0x14b: {  	v26 =	vld [tilespmem:s25+$0x1290];
	[tilespmem:s25+$0x1220] =	vst v3;
	v3 =	vmul.f32 v19, v16  }
0x14c: {  	v27 =	vmul.f32 v20, v16;
	[tilespmem:s25+$0x1230] =	vst v24;
	v28 =	vld [tilespmem:s25+$0x12A0]  }
0x14d: {  	v30 =	vld [tilespmem:s25+$0x12B0];
	v29 =	vbroadcast v2, $0xD;
	[tilespmem:s25+$0x1240] =	vst v3;
	v3 =	vmul.f32 v22, v16  }
0x14e: {  	v31 =	vmul.f32 v23, v16;
	[tilespmem:s25+$0x1250] =	vst v27;
	v32 =	vld [tilespmem:s25+$0x12C0]  }
0x14f: {  	v33 =	vld [tilespmem:s25+$0x12D0];
	[tilespmem:s25+$0x1260] =	vst v3;
	v3 =	vmul.f32 v25, v29  }
0x150: {  	[tilespmem:s25+$0x1270] =	vst v31;
	v35 =	vld [tilespmem:s25+$0x12E0];
	v34 =	vmul.f32 v26, v29  }
0x151: {  	v36 =	vld [tilespmem:s25+$0x12F0];
	[tilespmem:s25+$0x1280] =	vst v3;
	v3 =	vmul.f32 v28, v29  }
0x152: {  	v37 =	vmul.f32 v30, v29;
	v38 =	vld [tilespmem:s25+$0x1300];
	[tilespmem:s25+$0x1290] =	vst v34  }
0x153: {  	v39 =	vld [tilespmem:s25+$0x1310];
	[tilespmem:s25+$0x12A0] =	vst v3;
	v3 =	vmul.f32 v32, v29  }
0x154: {  	v40 =	vmul.f32 v33, v29;
	[tilespmem:s25+$0x12B0] =	vst v37;
	v41 =	vld [tilespmem:s25+$0x1320]  }
0x155: {  	v43 =	vld [tilespmem:s25+$0x1330];
	v42 =	vbroadcast v2, $0xE;
	[tilespmem:s25+$0x12C0] =	vst v3;
	v3 =	vmul.f32 v35, v29  }
0x156: {  	v44 =	vmul.f32 v36, v29;
	[tilespmem:s25+$0x12D0] =	vst v40;
	v45 =	vld [tilespmem:s25+$0x1340]  }
0x157: {  	v46 =	vld [tilespmem:s25+$0x1350];
	[tilespmem:s25+$0x12E0] =	vst v3;
	v3 =	vmul.f32 v38, v42  }
0x158: {  	[tilespmem:s25+$0x12F0] =	vst v44;
	v48 =	vld [tilespmem:s25+$0x1360];
	v47 =	vmul.f32 v39, v42  }
0x159: {  	v49 =	vld [tilespmem:s25+$0x1370];
	[tilespmem:s25+$0x1300] =	vst v3;
	v3 =	vmul.f32 v41, v42  }
0x15a: {  	v50 =	vmul.f32 v43, v42;
	v51 =	vld [tilespmem:s25+$0x1380];
	[tilespmem:s25+$0x1310] =	vst v47  }
0x15b: {  	v52 =	vld [tilespmem:s25+$0x1390];
	[tilespmem:s25+$0x1320] =	vst v3;
	v3 =	vmul.f32 v45, v42  }
0x15c: {  	v53 =	vmul.f32 v46, v42;
	[tilespmem:s25+$0x1330] =	vst v50;
	v54 =	vld [tilespmem:s25+$0x13A0]  }
0x15d: {  	v2 =	vbroadcast v2, $0xF;
	v58 =	vld [tilespmem:s25+$0x13D0];
	[tilespmem:s25+$0x1340] =	vst v3;
	v3 =	vmul.f32 v48, v42  }
0x15e: {  	v57 =	vld [tilespmem:s25+$0x13C0];
	v56 =	vmul.f32 v49, v42;
	[tilespmem:s25+$0x1350] =	vst v53  }
0x15f: {  	v55 =	vld [tilespmem:s25+$0x13B0];
	[tilespmem:s25+$0x1360] =	vst v3;
	v3 =	vmul.f32 v51, v2  }
0x160: {  	v60 =	vld [tilespmem:s25+$0x13E0];
	v59 =	vmul.f32 v52, v2;
	[tilespmem:s25+$0x1370] =	vst v56  }
0x161: {  	v61 =	vld [tilespmem:s25+$0x13F0];
	[tilespmem:s25+$0x1380] =	vst v3;
	v3 =	vmul.f32 v54, v2  }
0x162: {  	[tilespmem:s25+$0x1390] =	vst v59;
	v63 =	vmul.f32 v58, v2  }
0x163: {  	[tilespmem:s25+$0x13A0] =	vst v3;
	v3 =	vmul.f32 v57, v2  }
0x164: {  	v62 =	vmul.f32 v55, v2;
	[tilespmem:s25+$0x13D0] =	vst v63  }
0x165: {  	[tilespmem:s25+$0x13C0] =	vst v3;
	v3 =	vmul.f32 v60, v2  }
0x166: {  	[tilespmem:s25+$0x13B0] =	vst v62;
	v2 =	vmul.f32 v61, v2  }
0x167: {  	p0 =	slt.u32 s22, $0x4E8;
	[tilespmem:s25+$0x13E0] =	vst v3  }
.Ltmp2:
0x168: {  	s0 =	sadd.s32 $0xC00, s25;
	s24 =	sor.u32 $0x400, s24;
	[tilespmem:s25+$0x13F0] =	vst v2;
	(pc) =	sbr.rel @!p0 .LBB2_10-.Ltmp2, $4  }
0x169: {  	[spmem:s4] =	stream.indirect.scatter.add.f32 [tilespmem:s0], [sflag:$0x3], $0x80, s24, s17, $0xb8;
	[tilespmem:$0x1F480] =	vst v63  }
0x16a: {  	_ =	swait.ge [sflag:s14], $0x800  }
0x16b: {  	[sflag:s14] =	ssyncset.done $0x0  }
0x16c: {  	s25 =	smov.u32 s22;
	[sflag:s14] =	ssyncadd.s32 $0xFFFFF800  }
.LBB2_4:
0x16d: {  	s24 =	sand.u32 $0x3, s25;
	p0 =	sgt.u32 s25, $0x4E3  }
0x16e: {  	p1 =	sne.s32 @!p0 s24, $0x0  }
0x16f: {  	p0 =	por p0, p1  }
.Ltmp3:
0x170: {  	_ = 	snop;
	(pc) =	sbr.rel @!p0 .LBB2_5-.Ltmp3, $2  }
0x171: {  	_ =	sdelay $0x2  }
0x172: {  	s26 =	sshrl.u32 s25, $0x2  }
0x173: {  	p0 =	seq.s32 s25, $0x4E7  }
.Ltmp4:
0x174: {  	_ = 	snop;
	(pc) =	sbr.rel @p0 .LBB2_9-.Ltmp4, $2  }
0x175: {  	_ =	sdelay $0x2  }
0x176: {  	s22 =	simm.s32 $0x4E8  }
.Ltmp5:
0x177: {  	(pc) =	sbr.rel .LBB2_8-.Ltmp5, $2  }
0x178: {  	_ =	sdelay $0x2  }
0x179: {  	s22 =	sadd.s32 $0x1, s25  }
.LBB2_10:
0x17a: {  	[bflag:$0x0] =	sbarrier.arrive $0xFFFF  }
0x17b: {  	[tilespmem:s13], [sflag:$0x3] =	stream.linear.gather [spmem:s9], $0x800, $0x38;
	[tilespmem:$0x1F480] =	vst v63  }
0x17c: {  	_ =	swait.ge [sflag:s14], $0x800  }
0x17d: {  	[sflag:s14] =	ssyncset.done $0x0  }
0x17e: {  	s0 =	sadd.s32 $0x0, s21;
	[sflag:s14] =	ssyncadd.s32 $0xFFFFF800  }
0x17f: {  	[hbm4b:s0+s5] =	stream.linear.scatter [tilespmem:s13], [sflag:$0x3], $0x800, $0x38;
	[tilespmem:$0x1F480] =	vst v63  }
0x180: {  	_ =	swait.ge [sflag:s14], $0x800  }
0x181: {  	s22 =	simm.s32 $0x100;
	s24 =	smov.u32 s9;
	[sflag:s14] =	ssyncset.done $0x0  }
.LBB2_11:
0x182: {  	p0 =	sne.s32 s22, $0x1300;
	[sflag:s14] =	ssyncadd.s32 $0xFFFFF800;
	s24 =	sadd.s32 $0x800, s24  }
0x183: {  	[tilespmem:s13], [sflag:$0x3] =	stream.linear.gather [spmem:s24], $0x800, $0x38;
	[tilespmem:$0x1F480] =	vst v63  }
0x184: {  	s0 =	smov.u32 s22;
	s22 =	sadd.s32 $0x100, s22;
	_ =	swait.ge [sflag:s14], $0x800  }
.Ltmp6:
0x185: {  	[sflag:s14] =	ssyncset.done $0x0;
	(pc) =	sbr.rel @p0 .LBB2_11-.Ltmp6, $4  }
0x186: {  	s0 =	sadd.s32 s0, s21;
	[sflag:s14] =	ssyncadd.s32 $0xFFFFF800  }
0x187: {  	[hbm4b:s0+s5] =	stream.linear.scatter [tilespmem:s13], [sflag:$0x3], $0x800, $0x38;
	[tilespmem:$0x1F480] =	vst v63  }
0x188: {  	_ =	swait.ge [sflag:s14], $0x800  }
0x189: {  	[sflag:s14] =	ssyncset.done $0x0  }
0x18a: {  	s20 =	sadd.s32 $0x1, s20;
	s0 =	rddreg [dreg:$0x8]  }
0x18b: {  	p0 =	sne.s32 s20, s0  }
.Ltmp7:
0x18c: {  	_ = 	snop;
	(pc) =	sbr.rel @p0 .LBB2_1-.Ltmp7, $2  }
0x18d: {  	_ =	sdelay $0x2  }
0x18e: {  	[sflag:s14] =	ssyncadd.s32 $0xFFFFF800  }
0x18f: {  	_ =	sfence.sel $0x180000  }
0x190: {  	[bflag:$0x0] =	sbarrier.arrive $0xFFFF  }
0x191: {  	_ =	strace $0x90000047  }
0x192: {  	s0 =	stileid.u32;
	[bflag:$0x2] =	sbarrier.arrive $0xFFFF  }
0x193: {  	p0 =	sne.s32 s0, $0x0;
	s0 =	rddreg [dreg:$0x5]  }
0x194: {  	s0 =	sadd.s32 @!p0 $0x100000, s0  }
0x195: {  	[sflag:s0] =	ssyncadd.tile.s32 @!p0 $0x1;
	_ =	shalt  }
.Lfunc_end2:
_tile_overlayer_lowered:
.L_overlay_start_2:
0x196: {  	(tag) =	ssettag $0x2  }
0x197: {  	s0 =	rddreg [dreg:$0x0];
	s2 =	stileid.u32  }
0x198: {  	s1 =	rddreg [dreg:$0x1];
	p0 =	sne.s32 s2, $0x0  }
0x199: {  	s3 =	rddreg [dreg:$0x2];
	[bflag:$0x3] =	sbarrier.arrive $0xFFFF;
	s2 =	simm.s32 @!p0 $0x1C03  }
0x19a: {  	[timem:s3], [sflag:s2] =	dma.local @!p0 [hbm:s0], s1  }
0x19b: {  	s0 =	simm.s32 @!p0 $0x3  }
0x19c: {  	_ =	swait.ge @!p0 [sflag:s0], s1  }
0x19d: {  	s1 =	ssub.s32 @!p0 $0x0, s1;
	[sflag:s0] =	ssyncset.done @!p0 $0x0  }
0x19e: {  	[sflag:s0] =	ssyncadd.s32 @!p0 s1  }
0x19f: {  	[bflag:$0x3] =	sbarrier.arrive $0xFFFF  }
0x1a0: {  	_ =	shalt  }

</sc_bundles>
